<compile_context>
chip_gen: v7x
topology: tpu7x:2x2x1
jax: 0.10.2.dev20260603
libtpu: 0.0.44.dev20260713+nightly
codegen_flags: <defaults>
</compile_context>

<pallas_src>
import functools

import jax
import jax.numpy as jnp
from jax import lax
from jax.experimental import pallas as pl
from jax.experimental.pallas import tpu as pltpu
from jax.experimental.pallas import tpu_sc as plsc

_D = 2048
_E = 16
_TOPK = 2
_T = 16384
_BT = 1024

_NW = 32
_TW = _T // _NW
_G = _TW // 16


def _gate_body(h_ref, wt_ref, b_ref, logits_ref):
    h = h_ref[...]
    wt = wt_ref[...]
    logits = jnp.dot(h, wt, preferred_element_type=jnp.float32)
    logits_ref[...] = logits.T + b_ref[...]


def _gate_logits_t(hidden_states, W, b):
    wt = W.T
    b2 = b.reshape(_E, 1)
    return pl.pallas_call(
        _gate_body,
        grid=(_T // _BT,),
        in_specs=[
            pl.BlockSpec((_BT, _D), lambda i: (i, 0)),
            pl.BlockSpec((_D, _E), lambda i: (0, 0)),
            pl.BlockSpec((_E, 1), lambda i: (0, 0)),
        ],
        out_specs=pl.BlockSpec((_E, _BT), lambda i: (0, i)),
        out_shape=jax.ShapeDtypeStruct((_E, _T), jnp.float32),
        compiler_params=pltpu.CompilerParams(
            dimension_semantics=("arbitrary",),
        ),
    )(hidden_states, wt, b2)


def _route_body(lt_hbm, wts_hbm, sel_hbm, mask_hbm,
                lt_v, w_v, s_v, m_v, sem):
    wid = lax.axis_index("s") * 2 + lax.axis_index("c")
    base = wid * _TW
    in_copies = [
        pltpu.async_copy(lt_hbm.at[pl.ds(e * _T + base, _TW)], lt_v.at[e], sem)
        for e in range(_E)
    ]
    for c in in_copies:
        c.wait()

    one = jnp.ones((16,), jnp.int32)
    zero = jnp.zeros((16,), jnp.int32)

    def group(g, carry):
        rows = [lt_v[e, pl.ds(g * 16, 16)] for e in range(_E)]
        v1 = rows[0]
        for e in range(1, _E):
            v1 = jnp.maximum(v1, rows[e])
        i1 = jnp.zeros((16,), jnp.int32)
        for e in range(_E - 1, -1, -1):
            i1 = jnp.where(rows[e] == v1, e, i1)
        neg = jnp.full((16,), -jnp.inf, jnp.float32)
        rows2 = [jnp.where(i1 == e, neg, rows[e]) for e in range(_E)]
        v2 = rows2[0]
        for e in range(1, _E):
            v2 = jnp.maximum(v2, rows2[e])
        i2 = jnp.zeros((16,), jnp.int32)
        for e in range(_E - 1, -1, -1):
            i2 = jnp.where(rows2[e] == v2, e, i2)

        e2 = jnp.exp(v2 - v1)
        den = 1.0 + e2
        w1 = 1.0 / den
        w2 = e2 / den

        w_v[0, pl.ds(g * 16, 16)] = w1
        w_v[1, pl.ds(g * 16, 16)] = w2
        s_v[0, pl.ds(g * 16, 16)] = i1
        s_v[1, pl.ds(g * 16, 16)] = i2
        for e in range(_E):
            m_v[2 * e, pl.ds(g * 16, 16)] = jnp.where(i1 == e, one, zero)
            m_v[2 * e + 1, pl.ds(g * 16, 16)] = jnp.where(i2 == e, one, zero)
        return carry

    lax.fori_loop(0, _G, group, 0)

    out_copies = []
    for k in range(_TOPK):
        out_copies.append(
            pltpu.async_copy(w_v.at[k], wts_hbm.at[pl.ds(k * _T + base, _TW)], sem))
        out_copies.append(
            pltpu.async_copy(s_v.at[k], sel_hbm.at[pl.ds(k * _T + base, _TW)], sem))
    for r in range(_E * _TOPK):
        out_copies.append(
            pltpu.async_copy(m_v.at[r], mask_hbm.at[pl.ds(r * _T + base, _TW)], sem))
    for c in out_copies:
        c.wait()


_route = functools.partial(
    pl.kernel,
    mesh=plsc.VectorSubcoreMesh(core_axis_name="c", subcore_axis_name="s"),
    out_type=[
        jax.ShapeDtypeStruct((_TOPK * _T,), jnp.float32),
        jax.ShapeDtypeStruct((_TOPK * _T,), jnp.int32),
        jax.ShapeDtypeStruct((_E * _TOPK * _T,), jnp.int32),
    ],
    scratch_types=[
        pltpu.VMEM((_E, _TW), jnp.float32),
        pltpu.VMEM((_TOPK, _TW), jnp.float32),
        pltpu.VMEM((_TOPK, _TW), jnp.int32),
        pltpu.VMEM((_E * _TOPK, _TW), jnp.int32),
        pltpu.SemaphoreType.DMA,
    ],
)(_route_body)


def kernel(hidden_states, W, b):
    lt = _gate_logits_t(hidden_states, W, b)
    wts_f, sel_f, mask_f = _route(lt.reshape(_E * _T))
    return (lt.T,
            wts_f.reshape(_TOPK, _T).T,
            sel_f.reshape(_TOPK, _T).T,
            mask_f.reshape(_E, _TOPK, _T))

# --- scband reference (transcript-rebuilt; emitter-appended) ---
"""Pipeline reference for scband-moerouter-52836687675415 (READ-ONLY COPY).

The authoritative reference and input builder live on the scoring server;
editing this copy changes nothing except your own understanding.
"""

import jax, jax.numpy as jnp
import numpy as np

D = 2048
E = 16
TOPK = 2
T = 16384  # 4 x 4096 tokens

def setup_inputs(seed: int = 0) -> dict:
    key = jax.random.key(seed)
    k1, k2, k3 = jax.random.split(key, 3)
    hidden_states = jax.random.normal(k1, (T, D), dtype=jnp.float32)
    # gate = nn.Linear(d, expert_num): weight [E, D], bias [E]
    W = jax.random.normal(k2, (E, D), dtype=jnp.float32) * (1.0 / np.sqrt(D))
    b = jax.random.normal(k3, (E,), dtype=jnp.float32) * 0.01
    return {"hidden_states": hidden_states, "W": W, "b": b}

def reference(hidden_states, W, b):
    # router_logits = self.gate(hidden_states)
    router_logits = hidden_states @ W.T + b
    # routing_probs = softmax(router_logits, dim=-1)
    routing_probs = jax.nn.softmax(router_logits, axis=-1)
    # top-k over experts
    router_weights, selected_experts = jax.lax.top_k(routing_probs, TOPK)
    # renormalize selected weights
    router_weights = router_weights / jnp.sum(router_weights, axis=-1, keepdims=True)
    # expert_mask = one_hot(selected_experts, E).permute(2, 1, 0)
    expert_mask = jax.nn.one_hot(selected_experts, E, dtype=jnp.int32)  # [T, TOPK, E]
    expert_mask = jnp.transpose(expert_mask, (2, 1, 0))  # [E, TOPK, T]
    return (router_logits, router_weights, selected_experts, expert_mask)

if __name__ == "__main__":
    import jax
    _d = setup_inputs()
    print(jax.jit(kernel)(*tuple(_d.values())))

</pallas_src>

<mosaic_0001>
#map = affine_map<(d0, d1) -> (0)>
module attributes {stable_mosaic.version = 14 : i64} {
  func.func @_route_body(%arg0: i32, %arg1: i32, %arg2: memref<262144xf32, #tpu.memory_space<hbm>>, %arg3: memref<32768xf32, #tpu.memory_space<hbm>>, %arg4: memref<32768xi32, #tpu.memory_space<hbm>>, %arg5: memref<524288xi32, #tpu.memory_space<hbm>>, %arg6: memref<16x512xf32, #tpu.memory_space<vmem>>, %arg7: memref<2x512xf32, #tpu.memory_space<vmem>>, %arg8: memref<2x512xi32, #tpu.memory_space<vmem>>, %arg9: memref<32x512xi32, #tpu.memory_space<vmem>>, %arg10: memref<!tpu.dma_semaphore, #tpu.memory_space<semaphore_mem>>) attributes {dimension_semantics = [#tpu.dimension_semantics<core_parallel>, #tpu.dimension_semantics<subcore_parallel>], iteration_bounds = array<i64: 2, 16>, scalar_prefetch = 0 : i64, scratch_operands = 5 : i64, tpu.core_type = #tpu.core_type<sc_vector_subcore>, window_params = [{transform_indices = #map}, {transform_indices = #map}, {transform_indices = #map}, {transform_indices = #map}]} {
    %mul3A = arith.constant 2 : i32
    %mul3A_0 = arith.muli %arg1, %mul3A : i32
    %add3A = arith.addi %mul3A_0, %arg0 : i32
    %mul3A_1 = arith.constant 512 : i32
    %mul3A_2 = arith.muli %add3A, %mul3A_1 : i32
    %add3A_3 = arith.constant 0 : i32
    %add3A_4 = arith.addi %add3A_3, %mul3A_2 : i32
    %dma_start3A = arith.constant 0 : i32
    %dma_start3A_5 = arith.constant 0 : i32
    %dma_start3A_6 = tpu.memref_slice %arg6[%dma_start3A, %dma_start3A_5] : memref<16x512xf32, #tpu.memory_space<vmem>> -> memref<1x512xf32, #tpu.memory_space<vmem>>
    %dma_start3A_7 = tpu.memref_squeeze %dma_start3A_6 : memref<1x512xf32, #tpu.memory_space<vmem>> -> memref<512xf32, #tpu.memory_space<vmem>>
    %dma_start3A_8 = tpu.memref_slice %arg2[%add3A_4] : memref<262144xf32, #tpu.memory_space<hbm>> -> memref<512xf32, #tpu.memory_space<hbm>>
    %dma_start3A_9 = arith.constant 0 : i32
    %dma_start3A_10 = tpu.memref_slice %arg6[%dma_start3A, %dma_start3A_9] : memref<16x512xf32, #tpu.memory_space<vmem>> -> memref<1x512xf32, #tpu.memory_space<vmem>>
    %dma_start3A_11 = tpu.memref_squeeze %dma_start3A_10 : memref<1x512xf32, #tpu.memory_space<vmem>> -> memref<512xf32, #tpu.memory_space<vmem>>
    %dma_start3A_12 = tpu.memref_slice %arg2[%add3A_4] : memref<262144xf32, #tpu.memory_space<hbm>> -> memref<512xf32, #tpu.memory_space<hbm>>
    tpu.enqueue_dma source(%dma_start3A_12 : memref<512xf32, #tpu.memory_space<hbm>>) target(%dma_start3A_11 : memref<512xf32, #tpu.memory_space<vmem>>) target_semaphore(%arg10 : memref<!tpu.dma_semaphore, #tpu.memory_space<semaphore_mem>>)
    %add3A_13 = arith.constant 16384 : i32
    %add3A_14 = arith.addi %add3A_13, %mul3A_2 : i32
    %dma_start3A_15 = arith.constant 1 : i32
    %dma_start3A_16 = arith.constant 0 : i32
    %dma_start3A_17 = tpu.memref_slice %arg6[%dma_start3A_15, %dma_start3A_16] : memref<16x512xf32, #tpu.memory_space<vmem>> -> memref<1x512xf32, #tpu.memory_space<vmem>>
    %dma_start3A_18 = tpu.memref_squeeze %dma_start3A_17 : memref<1x512xf32, #tpu.memory_space<vmem>> -> memref<512xf32, #tpu.memory_space<vmem>>
    %dma_start3A_19 = tpu.memref_slice %arg2[%add3A_14] : memref<262144xf32, #tpu.memory_space<hbm>> -> memref<512xf32, #tpu.memory_space<hbm>>
    %dma_start3A_20 = arith.constant 0 : i32
    %dma_start3A_21 = tpu.memref_slice %arg6[%dma_start3A_15, %dma_start3A_20] : memref<16x512xf32, #tpu.memory_space<vmem>> -> memref<1x512xf32, #tpu.memory_space<vmem>>
    %dma_start3A_22 = tpu.memref_squeeze %dma_start3A_21 : memref<1x512xf32, #tpu.memory_space<vmem>> -> memref<512xf32, #tpu.memory_space<vmem>>
    %dma_start3A_23 = tpu.memref_slice %arg2[%add3A_14] : memref<262144xf32, #tpu.memory_space<hbm>> -> memref<512xf32, #tpu.memory_space<hbm>>
    tpu.enqueue_dma source(%dma_start3A_23 : memref<512xf32, #tpu.memory_space<hbm>>) target(%dma_start3A_22 : memref<512xf32, #tpu.memory_space<vmem>>) target_semaphore(%arg10 : memref<!tpu.dma_semaphore, #tpu.memory_space<semaphore_mem>>)
    %add3A_24 = arith.constant 32768 : i32
    %add3A_25 = arith.addi %add3A_24, %mul3A_2 : i32
    %dma_start3A_26 = arith.constant 2 : i32
    %dma_start3A_27 = arith.constant 0 : i32
    %dma_start3A_28 = tpu.memref_slice %arg6[%dma_start3A_26, %dma_start3A_27] : memref<16x512xf32, #tpu.memory_space<vmem>> -> memref<1x512xf32, #tpu.memory_space<vmem>>
    %dma_start3A_29 = tpu.memref_squeeze %dma_start3A_28 : memref<1x512xf32, #tpu.memory_space<vmem>> -> memref<512xf32, #tpu.memory_space<vmem>>
    %dma_start3A_30 = tpu.memref_slice %arg2[%add3A_25] : memref<262144xf32, #tpu.memory_space<hbm>> -> memref<512xf32, #tpu.memory_space<hbm>>
    %dma_start3A_31 = arith.constant 0 : i32
    %dma_start3A_32 = tpu.memref_slice %arg6[%dma_start3A_26, %dma_start3A_31] : memref<16x512xf32, #tpu.memory_space<vmem>> -> memref<1x512xf32, #tpu.memory_space<vmem>>
    %dma_start3A_33 = tpu.memref_squeeze %dma_start3A_32 : memref<1x512xf32, #tpu.memory_space<vmem>> -> memref<512xf32, #tpu.memory_space<vmem>>
    %dma_start3A_34 = tpu.memref_slice %arg2[%add3A_25] : memref<262144xf32, #tpu.memory_space<hbm>> -> memref<512xf32, #tpu.memory_space<hbm>>
    tpu.enqueue_dma source(%dma_start3A_34 : memref<512xf32, #tpu.memory_space<hbm>>) target(%dma_start3A_33 : memref<512xf32, #tpu.memory_space<vmem>>) target_semaphore(%arg10 : memref<!tpu.dma_semaphore, #tpu.memory_space<semaphore_mem>>)
    %add3A_35 = arith.constant 49152 : i32
    %add3A_36 = arith.addi %add3A_35, %mul3A_2 : i32
    %dma_start3A_37 = arith.constant 3 : i32
    %dma_start3A_38 = arith.constant 0 : i32
    %dma_start3A_39 = tpu.memref_slice %arg6[%dma_start3A_37, %dma_start3A_38] : memref<16x512xf32, #tpu.memory_space<vmem>> -> memref<1x512xf32, #tpu.memory_space<vmem>>
    %dma_start3A_40 = tpu.memref_squeeze %dma_start3A_39 : memref<1x512xf32, #tpu.memory_space<vmem>> -> memref<512xf32, #tpu.memory_space<vmem>>
    %dma_start3A_41 = tpu.memref_slice %arg2[%add3A_36] : memref<262144xf32, #tpu.memory_space<hbm>> -> memref<512xf32, #tpu.memory_space<hbm>>
    %dma_start3A_42 = arith.constant 0 : i32
    %dma_start3A_43 = tpu.memref_slice %arg6[%dma_start3A_37, %dma_start3A_42] : memref<16x512xf32, #tpu.memory_space<vmem>> -> memref<1x512xf32, #tpu.memory_space<vmem>>
    %dma_start3A_44 = tpu.memref_squeeze %dma_start3A_43 : memref<1x512xf32, #tpu.memory_space<vmem>> -> memref<512xf32, #tpu.memory_space<vmem>>
    %dma_start3A_45 = tpu.memref_slice %arg2[%add3A_36] : memref<262144xf32, #tpu.memory_space<hbm>> -> memref<512xf32, #tpu.memory_space<hbm>>
    tpu.enqueue_dma source(%dma_start3A_45 : memref<512xf32, #tpu.memory_space<hbm>>) target(%dma_start3A_44 : memref<512xf32, #tpu.memory_space<vmem>>) target_semaphore(%arg10 : memref<!tpu.dma_semaphore, #tpu.memory_space<semaphore_mem>>)
    %add3A_46 = arith.constant 65536 : i32
    %add3A_47 = arith.addi %add3A_46, %mul3A_2 : i32
    %dma_start3A_48 = arith.constant 4 : i32
    %dma_start3A_49 = arith.constant 0 : i32
    %dma_start3A_50 = tpu.memref_slice %arg6[%dma_start3A_48, %dma_start3A_49] : memref<16x512xf32, #tpu.memory_space<vmem>> -> memref<1x512xf32, #tpu.memory_space<vmem>>
    %dma_start3A_51 = tpu.memref_squeeze %dma_start3A_50 : memref<1x512xf32, #tpu.memory_space<vmem>> -> memref<512xf32, #tpu.memory_space<vmem>>
    %dma_start3A_52 = tpu.memref_slice %arg2[%add3A_47] : memref<262144xf32, #tpu.memory_space<hbm>> -> memref<512xf32, #tpu.memory_space<hbm>>
    %dma_start3A_53 = arith.constant 0 : i32
    %dma_start3A_54 = tpu.memref_slice %arg6[%dma_start3A_48, %dma_start3A_53] : memref<16x512xf32, #tpu.memory_space<vmem>> -> memref<1x512xf32, #tpu.memory_space<vmem>>
    %dma_start3A_55 = tpu.memref_squeeze %dma_start3A_54 : memref<1x512xf32, #tpu.memory_space<vmem>> -> memref<512xf32, #tpu.memory_space<vmem>>
    %dma_start3A_56 = tpu.memref_slice %arg2[%add3A_47] : memref<262144xf32, #tpu.memory_space<hbm>> -> memref<512xf32, #tpu.memory_space<hbm>>
    tpu.enqueue_dma source(%dma_start3A_56 : memref<512xf32, #tpu.memory_space<hbm>>) target(%dma_start3A_55 : memref<512xf32, #tpu.memory_space<vmem>>) target_semaphore(%arg10 : memref<!tpu.dma_semaphore, #tpu.memory_space<semaphore_mem>>)
    %add3A_57 = arith.constant 81920 : i32
    %add3A_58 = arith.addi %add3A_57, %mul3A_2 : i32
    %dma_start3A_59 = arith.constant 5 : i32
    %dma_start3A_60 = arith.constant 0 : i32
    %dma_start3A_61 = tpu.memref_slice %arg6[%dma_start3A_59, %dma_start3A_60] : memref<16x512xf32, #tpu.memory_space<vmem>> -> memref<1x512xf32, #tpu.memory_space<vmem>>
    %dma_start3A_62 = tpu.memref_squeeze %dma_start3A_61 : memref<1x512xf32, #tpu.memory_space<vmem>> -> memref<512xf32, #tpu.memory_space<vmem>>
    %dma_start3A_63 = tpu.memref_slice %arg2[%add3A_58] : memref<262144xf32, #tpu.memory_space<hbm>> -> memref<512xf32, #tpu.memory_space<hbm>>
    %dma_start3A_64 = arith.constant 0 : i32
    %dma_start3A_65 = tpu.memref_slice %arg6[%dma_start3A_59, %dma_start3A_64] : memref<16x512xf32, #tpu.memory_space<vmem>> -> memref<1x512xf32, #tpu.memory_space<vmem>>
    %dma_start3A_66 = tpu.memref_squeeze %dma_start3A_65 : memref<1x512xf32, #tpu.memory_space<vmem>> -> memref<512xf32, #tpu.memory_space<vmem>>
    %dma_start3A_67 = tpu.memref_slice %arg2[%add3A_58] : memref<262144xf32, #tpu.memory_space<hbm>> -> memref<512xf32, #tpu.memory_space<hbm>>
    tpu.enqueue_dma source(%dma_start3A_67 : memref<512xf32, #tpu.memory_space<hbm>>) target(%dma_start3A_66 : memref<512xf32, #tpu.memory_space<vmem>>) target_semaphore(%arg10 : memref<!tpu.dma_semaphore, #tpu.memory_space<semaphore_mem>>)
    %add3A_68 = arith.constant 98304 : i32
    %add3A_69 = arith.addi %add3A_68, %mul3A_2 : i32
    %dma_start3A_70 = arith.constant 6 : i32
    %dma_start3A_71 = arith.constant 0 : i32
    %dma_start3A_72 = tpu.memref_slice %arg6[%dma_start3A_70, %dma_start3A_71] : memref<16x512xf32, #tpu.memory_space<vmem>> -> memref<1x512xf32, #tpu.memory_space<vmem>>
    %dma_start3A_73 = tpu.memref_squeeze %dma_start3A_72 : memref<1x512xf32, #tpu.memory_space<vmem>> -> memref<512xf32, #tpu.memory_space<vmem>>
    %dma_start3A_74 = tpu.memref_slice %arg2[%add3A_69] : memref<262144xf32, #tpu.memory_space<hbm>> -> memref<512xf32, #tpu.memory_space<hbm>>
    %dma_start3A_75 = arith.constant 0 : i32
    %dma_start3A_76 = tpu.memref_slice %arg6[%dma_start3A_70, %dma_start3A_75] : memref<16x512xf32, #tpu.memory_space<vmem>> -> memref<1x512xf32, #tpu.memory_space<vmem>>
    %dma_start3A_77 = tpu.memref_squeeze %dma_start3A_76 : memref<1x512xf32, #tpu.memory_space<vmem>> -> memref<512xf32, #tpu.memory_space<vmem>>
    %dma_start3A_78 = tpu.memref_slice %arg2[%add3A_69] : memref<262144xf32, #tpu.memory_space<hbm>> -> memref<512xf32, #tpu.memory_space<hbm>>
    tpu.enqueue_dma source(%dma_start3A_78 : memref<512xf32, #tpu.memory_space<hbm>>) target(%dma_start3A_77 : memref<512xf32, #tpu.memory_space<vmem>>) target_semaphore(%arg10 : memref<!tpu.dma_semaphore, #tpu.memory_space<semaphore_mem>>)
    %add3A_79 = arith.constant 114688 : i32
    %add3A_80 = arith.addi %add3A_79, %mul3A_2 : i32
    %dma_start3A_81 = arith.constant 7 : i32
    %dma_start3A_82 = arith.constant 0 : i32
    %dma_start3A_83 = tpu.memref_slice %arg6[%dma_start3A_81, %dma_start3A_82] : memref<16x512xf32, #tpu.memory_space<vmem>> -> memref<1x512xf32, #tpu.memory_space<vmem>>
    %dma_start3A_84 = tpu.memref_squeeze %dma_start3A_83 : memref<1x512xf32, #tpu.memory_space<vmem>> -> memref<512xf32, #tpu.memory_space<vmem>>
    %dma_start3A_85 = tpu.memref_slice %arg2[%add3A_80] : memref<262144xf32, #tpu.memory_space<hbm>> -> memref<512xf32, #tpu.memory_space<hbm>>
    %dma_start3A_86 = arith.constant 0 : i32
    %dma_start3A_87 = tpu.memref_slice %arg6[%dma_start3A_81, %dma_start3A_86] : memref<16x512xf32, #tpu.memory_space<vmem>> -> memref<1x512xf32, #tpu.memory_space<vmem>>
    %dma_start3A_88 = tpu.memref_squeeze %dma_start3A_87 : memref<1x512xf32, #tpu.memory_space<vmem>> -> memref<512xf32, #tpu.memory_space<vmem>>
    %dma_start3A_89 = tpu.memref_slice %arg2[%add3A_80] : memref<262144xf32, #tpu.memory_space<hbm>> -> memref<512xf32, #tpu.memory_space<hbm>>
    tpu.enqueue_dma source(%dma_start3A_89 : memref<512xf32, #tpu.memory_space<hbm>>) target(%dma_start3A_88 : memref<512xf32, #tpu.memory_space<vmem>>) target_semaphore(%arg10 : memref<!tpu.dma_semaphore, #tpu.memory_space<semaphore_mem>>)
    %add3A_90 = arith.constant 131072 : i32
    %add3A_91 = arith.addi %add3A_90, %mul3A_2 : i32
    %dma_start3A_92 = arith.constant 8 : i32
    %dma_start3A_93 = arith.constant 0 : i32
    %dma_start3A_94 = tpu.memref_slice %arg6[%dma_start3A_92, %dma_start3A_93] : memref<16x512xf32, #tpu.memory_space<vmem>> -> memref<1x512xf32, #tpu.memory_space<vmem>>
    %dma_start3A_95 = tpu.memref_squeeze %dma_start3A_94 : memref<1x512xf32, #tpu.memory_space<vmem>> -> memref<512xf32, #tpu.memory_space<vmem>>
    %dma_start3A_96 = tpu.memref_slice %arg2[%add3A_91] : memref<262144xf32, #tpu.memory_space<hbm>> -> memref<512xf32, #tpu.memory_space<hbm>>
    %dma_start3A_97 = arith.constant 0 : i32
    %dma_start3A_98 = tpu.memref_slice %arg6[%dma_start3A_92, %dma_start3A_97] : memref<16x512xf32, #tpu.memory_space<vmem>> -> memref<1x512xf32, #tpu.memory_space<vmem>>
    %dma_start3A_99 = tpu.memref_squeeze %dma_start3A_98 : memref<1x512xf32, #tpu.memory_space<vmem>> -> memref<512xf32, #tpu.memory_space<vmem>>
    %dma_start3A_100 = tpu.memref_slice %arg2[%add3A_91] : memref<262144xf32, #tpu.memory_space<hbm>> -> memref<512xf32, #tpu.memory_space<hbm>>
    tpu.enqueue_dma source(%dma_start3A_100 : memref<512xf32, #tpu.memory_space<hbm>>) target(%dma_start3A_99 : memref<512xf32, #tpu.memory_space<vmem>>) target_semaphore(%arg10 : memref<!tpu.dma_semaphore, #tpu.memory_space<semaphore_mem>>)
    %add3A_101 = arith.constant 147456 : i32
    %add3A_102 = arith.addi %add3A_101, %mul3A_2 : i32
    %dma_start3A_103 = arith.constant 9 : i32
    %dma_start3A_104 = arith.constant 0 : i32
    %dma_start3A_105 = tpu.memref_slice %arg6[%dma_start3A_103, %dma_start3A_104] : memref<16x512xf32, #tpu.memory_space<vmem>> -> memref<1x512xf32, #tpu.memory_space<vmem>>
    %dma_start3A_106 = tpu.memref_squeeze %dma_start3A_105 : memref<1x512xf32, #tpu.memory_space<vmem>> -> memref<512xf32, #tpu.memory_space<vmem>>
    %dma_start3A_107 = tpu.memref_slice %arg2[%add3A_102] : memref<262144xf32, #tpu.memory_space<hbm>> -> memref<512xf32, #tpu.memory_space<hbm>>
    %dma_start3A_108 = arith.constant 0 : i32
    %dma_start3A_109 = tpu.memref_slice %arg6[%dma_start3A_103, %dma_start3A_108] : memref<16x512xf32, #tpu.memory_space<vmem>> -> memref<1x512xf32, #tpu.memory_space<vmem>>
    %dma_start3A_110 = tpu.memref_squeeze %dma_start3A_109 : memref<1x512xf32, #tpu.memory_space<vmem>> -> memref<512xf32, #tpu.memory_space<vmem>>
    %dma_start3A_111 = tpu.memref_slice %arg2[%add3A_102] : memref<262144xf32, #tpu.memory_space<hbm>> -> memref<512xf32, #tpu.memory_space<hbm>>
    tpu.enqueue_dma source(%dma_start3A_111 : memref<512xf32, #tpu.memory_space<hbm>>) target(%dma_start3A_110 : memref<512xf32, #tpu.memory_space<vmem>>) target_semaphore(%arg10 : memref<!tpu.dma_semaphore, #tpu.memory_space<semaphore_mem>>)
    %add3A_112 = arith.constant 163840 : i32
    %add3A_113 = arith.addi %add3A_112, %mul3A_2 : i32
    %dma_start3A_114 = arith.constant 10 : i32
    %dma_start3A_115 = arith.constant 0 : i32
    %dma_start3A_116 = tpu.memref_slice %arg6[%dma_start3A_114, %dma_start3A_115] : memref<16x512xf32, #tpu.memory_space<vmem>> -> memref<1x512xf32, #tpu.memory_space<vmem>>
    %dma_start3A_117 = tpu.memref_squeeze %dma_start3A_116 : memref<1x512xf32, #tpu.memory_space<vmem>> -> memref<512xf32, #tpu.memory_space<vmem>>
    %dma_start3A_118 = tpu.memref_slice %arg2[%add3A_113] : memref<262144xf32, #tpu.memory_space<hbm>> -> memref<512xf32, #tpu.memory_space<hbm>>
    %dma_start3A_119 = arith.constant 0 : i32
    %dma_start3A_120 = tpu.memref_slice %arg6[%dma_start3A_114, %dma_start3A_119] : memref<16x512xf32, #tpu.memory_space<vmem>> -> memref<1x512xf32, #tpu.memory_space<vmem>>
    %dma_start3A_121 = tpu.memref_squeeze %dma_start3A_120 : memref<1x512xf32, #tpu.memory_space<vmem>> -> memref<512xf32, #tpu.memory_space<vmem>>
    %dma_start3A_122 = tpu.memref_slice %arg2[%add3A_113] : memref<262144xf32, #tpu.memory_space<hbm>> -> memref<512xf32, #tpu.memory_space<hbm>>
    tpu.enqueue_dma source(%dma_start3A_122 : memref<512xf32, #tpu.memory_space<hbm>>) target(%dma_start3A_121 : memref<512xf32, #tpu.memory_space<vmem>>) target_semaphore(%arg10 : memref<!tpu.dma_semaphore, #tpu.memory_space<semaphore_mem>>)
    %add3A_123 = arith.constant 180224 : i32
    %add3A_124 = arith.addi %add3A_123, %mul3A_2 : i32
    %dma_start3A_125 = arith.constant 11 : i32
    %dma_start3A_126 = arith.constant 0 : i32
    %dma_start3A_127 = tpu.memref_slice %arg6[%dma_start3A_125, %dma_start3A_126] : memref<16x512xf32, #tpu.memory_space<vmem>> -> memref<1x512xf32, #tpu.memory_space<vmem>>
    %dma_start3A_128 = tpu.memref_squeeze %dma_start3A_127 : memref<1x512xf32, #tpu.memory_space<vmem>> -> memref<512xf32, #tpu.memory_space<vmem>>
    %dma_start3A_129 = tpu.memref_slice %arg2[%add3A_124] : memref<262144xf32, #tpu.memory_space<hbm>> -> memref<512xf32, #tpu.memory_space<hbm>>
    %dma_start3A_130 = arith.constant 0 : i32
    %dma_start3A_131 = tpu.memref_slice %arg6[%dma_start3A_125, %dma_start3A_130] : memref<16x512xf32, #tpu.memory_space<vmem>> -> memref<1x512xf32, #tpu.memory_space<vmem>>
    %dma_start3A_132 = tpu.memref_squeeze %dma_start3A_131 : memref<1x512xf32, #tpu.memory_space<vmem>> -> memref<512xf32, #tpu.memory_space<vmem>>
    %dma_start3A_133 = tpu.memref_slice %arg2[%add3A_124] : memref<262144xf32, #tpu.memory_space<hbm>> -> memref<512xf32, #tpu.memory_space<hbm>>
    tpu.enqueue_dma source(%dma_start3A_133 : memref<512xf32, #tpu.memory_space<hbm>>) target(%dma_start3A_132 : memref<512xf32, #tpu.memory_space<vmem>>) target_semaphore(%arg10 : memref<!tpu.dma_semaphore, #tpu.memory_space<semaphore_mem>>)
    %add3A_134 = arith.constant 196608 : i32
    %add3A_135 = arith.addi %add3A_134, %mul3A_2 : i32
    %dma_start3A_136 = arith.constant 12 : i32
    %dma_start3A_137 = arith.constant 0 : i32
    %dma_start3A_138 = tpu.memref_slice %arg6[%dma_start3A_136, %dma_start3A_137] : memref<16x512xf32, #tpu.memory_space<vmem>> -> memref<1x512xf32, #tpu.memory_space<vmem>>
    %dma_start3A_139 = tpu.memref_squeeze %dma_start3A_138 : memref<1x512xf32, #tpu.memory_space<vmem>> -> memref<512xf32, #tpu.memory_space<vmem>>
    %dma_start3A_140 = tpu.memref_slice %arg2[%add3A_135] : memref<262144xf32, #tpu.memory_space<hbm>> -> memref<512xf32, #tpu.memory_space<hbm>>
    %dma_start3A_141 = arith.constant 0 : i32
    %dma_start3A_142 = tpu.memref_slice %arg6[%dma_start3A_136, %dma_start3A_141] : memref<16x512xf32, #tpu.memory_space<vmem>> -> memref<1x512xf32, #tpu.memory_space<vmem>>
    %dma_start3A_143 = tpu.memref_squeeze %dma_start3A_142 : memref<1x512xf32, #tpu.memory_space<vmem>> -> memref<512xf32, #tpu.memory_space<vmem>>
    %dma_start3A_144 = tpu.memref_slice %arg2[%add3A_135] : memref<262144xf32, #tpu.memory_space<hbm>> -> memref<512xf32, #tpu.memory_space<hbm>>
    tpu.enqueue_dma source(%dma_start3A_144 : memref<512xf32, #tpu.memory_space<hbm>>) target(%dma_start3A_143 : memref<512xf32, #tpu.memory_space<vmem>>) target_semaphore(%arg10 : memref<!tpu.dma_semaphore, #tpu.memory_space<semaphore_mem>>)
    %add3A_145 = arith.constant 212992 : i32
    %add3A_146 = arith.addi %add3A_145, %mul3A_2 : i32
    %dma_start3A_147 = arith.constant 13 : i32
    %dma_start3A_148 = arith.constant 0 : i32
    %dma_start3A_149 = tpu.memref_slice %arg6[%dma_start3A_147, %dma_start3A_148] : memref<16x512xf32, #tpu.memory_space<vmem>> -> memref<1x512xf32, #tpu.memory_space<vmem>>
    %dma_start3A_150 = tpu.memref_squeeze %dma_start3A_149 : memref<1x512xf32, #tpu.memory_space<vmem>> -> memref<512xf32, #tpu.memory_space<vmem>>
    %dma_start3A_151 = tpu.memref_slice %arg2[%add3A_146] : memref<262144xf32, #tpu.memory_space<hbm>> -> memref<512xf32, #tpu.memory_space<hbm>>
    %dma_start3A_152 = arith.constant 0 : i32
    %dma_start3A_153 = tpu.memref_slice %arg6[%dma_start3A_147, %dma_start3A_152] : memref<16x512xf32, #tpu.memory_space<vmem>> -> memref<1x512xf32, #tpu.memory_space<vmem>>
    %dma_start3A_154 = tpu.memref_squeeze %dma_start3A_153 : memref<1x512xf32, #tpu.memory_space<vmem>> -> memref<512xf32, #tpu.memory_space<vmem>>
    %dma_start3A_155 = tpu.memref_slice %arg2[%add3A_146] : memref<262144xf32, #tpu.memory_space<hbm>> -> memref<512xf32, #tpu.memory_space<hbm>>
    tpu.enqueue_dma source(%dma_start3A_155 : memref<512xf32, #tpu.memory_space<hbm>>) target(%dma_start3A_154 : memref<512xf32, #tpu.memory_space<vmem>>) target_semaphore(%arg10 : memref<!tpu.dma_semaphore, #tpu.memory_space<semaphore_mem>>)
    %add3A_156 = arith.constant 229376 : i32
    %add3A_157 = arith.addi %add3A_156, %mul3A_2 : i32
    %dma_start3A_158 = arith.constant 14 : i32
    %dma_start3A_159 = arith.constant 0 : i32
    %dma_start3A_160 = tpu.memref_slice %arg6[%dma_start3A_158, %dma_start3A_159] : memref<16x512xf32, #tpu.memory_space<vmem>> -> memref<1x512xf32, #tpu.memory_space<vmem>>
    %dma_start3A_161 = tpu.memref_squeeze %dma_start3A_160 : memref<1x512xf32, #tpu.memory_space<vmem>> -> memref<512xf32, #tpu.memory_space<vmem>>
    %dma_start3A_162 = tpu.memref_slice %arg2[%add3A_157] : memref<262144xf32, #tpu.memory_space<hbm>> -> memref<512xf32, #tpu.memory_space<hbm>>
    %dma_start3A_163 = arith.constant 0 : i32
    %dma_start3A_164 = tpu.memref_slice %arg6[%dma_start3A_158, %dma_start3A_163] : memref<16x512xf32, #tpu.memory_space<vmem>> -> memref<1x512xf32, #tpu.memory_space<vmem>>
    %dma_start3A_165 = tpu.memref_squeeze %dma_start3A_164 : memref<1x512xf32, #tpu.memory_space<vmem>> -> memref<512xf32, #tpu.memory_space<vmem>>
    %dma_start3A_166 = tpu.memref_slice %arg2[%add3A_157] : memref<262144xf32, #tpu.memory_space<hbm>> -> memref<512xf32, #tpu.memory_space<hbm>>
    tpu.enqueue_dma source(%dma_start3A_166 : memref<512xf32, #tpu.memory_space<hbm>>) target(%dma_start3A_165 : memref<512xf32, #tpu.memory_space<vmem>>) target_semaphore(%arg10 : memref<!tpu.dma_semaphore, #tpu.memory_space<semaphore_mem>>)
    %add3A_167 = arith.constant 245760 : i32
    %add3A_168 = arith.addi %add3A_167, %mul3A_2 : i32
    %dma_start3A_169 = arith.constant 15 : i32
    %dma_start3A_170 = arith.constant 0 : i32
    %dma_start3A_171 = tpu.memref_slice %arg6[%dma_start3A_169, %dma_start3A_170] : memref<16x512xf32, #tpu.memory_space<vmem>> -> memref<1x512xf32, #tpu.memory_space<vmem>>
    %dma_start3A_172 = tpu.memref_squeeze %dma_start3A_171 : memref<1x512xf32, #tpu.memory_space<vmem>> -> memref<512xf32, #tpu.memory_space<vmem>>
    %dma_start3A_173 = tpu.memref_slice %arg2[%add3A_168] : memref<262144xf32, #tpu.memory_space<hbm>> -> memref<512xf32, #tpu.memory_space<hbm>>
    %dma_start3A_174 = arith.constant 0 : i32
    %dma_start3A_175 = tpu.memref_slice %arg6[%dma_start3A_169, %dma_start3A_174] : memref<16x512xf32, #tpu.memory_space<vmem>> -> memref<1x512xf32, #tpu.memory_space<vmem>>
    %dma_start3A_176 = tpu.memref_squeeze %dma_start3A_175 : memref<1x512xf32, #tpu.memory_space<vmem>> -> memref<512xf32, #tpu.memory_space<vmem>>
    %dma_start3A_177 = tpu.memref_slice %arg2[%add3A_168] : memref<262144xf32, #tpu.memory_space<hbm>> -> memref<512xf32, #tpu.memory_space<hbm>>
    tpu.enqueue_dma source(%dma_start3A_177 : memref<512xf32, #tpu.memory_space<hbm>>) target(%dma_start3A_176 : memref<512xf32, #tpu.memory_space<vmem>>) target_semaphore(%arg10 : memref<!tpu.dma_semaphore, #tpu.memory_space<semaphore_mem>>)
    %dma_wait3A = arith.constant 0 : i32
    %dma_wait3A_178 = arith.constant 0 : i32
    %dma_wait3A_179 = tpu.memref_slice %arg6[%dma_wait3A, %dma_wait3A_178] : memref<16x512xf32, #tpu.memory_space<vmem>> -> memref<1x512xf32, #tpu.memory_space<vmem>>
    %dma_wait3A_180 = tpu.memref_squeeze %dma_wait3A_179 : memref<1x512xf32, #tpu.memory_space<vmem>> -> memref<512xf32, #tpu.memory_space<vmem>>
    %dma_wait3A_181 = tpu.memref_slice %arg2[%add3A_4] : memref<262144xf32, #tpu.memory_space<hbm>> -> memref<512xf32, #tpu.memory_space<hbm>>
    %dma_wait3A_182 = arith.constant 0 : i32
    %dma_wait3A_183 = tpu.memref_slice %arg6[%dma_wait3A, %dma_wait3A_182] : memref<16x512xf32, #tpu.memory_space<vmem>> -> memref<1x512xf32, #tpu.memory_space<vmem>>
    %dma_wait3A_184 = tpu.memref_squeeze %dma_wait3A_183 : memref<1x512xf32, #tpu.memory_space<vmem>> -> memref<512xf32, #tpu.memory_space<vmem>>
    %dma_wait3A_185 = tpu.memref_slice %arg2[%add3A_4] : memref<262144xf32, #tpu.memory_space<hbm>> -> memref<512xf32, #tpu.memory_space<hbm>>
    tpu.wait_dma2 semaphore(%arg10 : memref<!tpu.dma_semaphore, #tpu.memory_space<semaphore_mem>>) src(%dma_wait3A_185 : memref<512xf32, #tpu.memory_space<hbm>>) dst(%dma_wait3A_184 : memref<512xf32, #tpu.memory_space<vmem>>)
    %dma_wait3A_186 = arith.constant 1 : i32
    %dma_wait3A_187 = arith.constant 0 : i32
    %dma_wait3A_188 = tpu.memref_slice %arg6[%dma_wait3A_186, %dma_wait3A_187] : memref<16x512xf32, #tpu.memory_space<vmem>> -> memref<1x512xf32, #tpu.memory_space<vmem>>
    %dma_wait3A_189 = tpu.memref_squeeze %dma_wait3A_188 : memref<1x512xf32, #tpu.memory_space<vmem>> -> memref<512xf32, #tpu.memory_space<vmem>>
    %dma_wait3A_190 = tpu.memref_slice %arg2[%add3A_14] : memref<262144xf32, #tpu.memory_space<hbm>> -> memref<512xf32, #tpu.memory_space<hbm>>
    %dma_wait3A_191 = arith.constant 0 : i32
    %dma_wait3A_192 = tpu.memref_slice %arg6[%dma_wait3A_186, %dma_wait3A_191] : memref<16x512xf32, #tpu.memory_space<vmem>> -> memref<1x512xf32, #tpu.memory_space<vmem>>
    %dma_wait3A_193 = tpu.memref_squeeze %dma_wait3A_192 : memref<1x512xf32, #tpu.memory_space<vmem>> -> memref<512xf32, #tpu.memory_space<vmem>>
    %dma_wait3A_194 = tpu.memref_slice %arg2[%add3A_14] : memref<262144xf32, #tpu.memory_space<hbm>> -> memref<512xf32, #tpu.memory_space<hbm>>
    tpu.wait_dma2 semaphore(%arg10 : memref<!tpu.dma_semaphore, #tpu.memory_space<semaphore_mem>>) src(%dma_wait3A_194 : memref<512xf32, #tpu.memory_space<hbm>>) dst(%dma_wait3A_193 : memref<512xf32, #tpu.memory_space<vmem>>)
    %dma_wait3A_195 = arith.constant 2 : i32
    %dma_wait3A_196 = arith.constant 0 : i32
    %dma_wait3A_197 = tpu.memref_slice %arg6[%dma_wait3A_195, %dma_wait3A_196] : memref<16x512xf32, #tpu.memory_space<vmem>> -> memref<1x512xf32, #tpu.memory_space<vmem>>
    %dma_wait3A_198 = tpu.memref_squeeze %dma_wait3A_197 : memref<1x512xf32, #tpu.memory_space<vmem>> -> memref<512xf32, #tpu.memory_space<vmem>>
    %dma_wait3A_199 = tpu.memref_slice %arg2[%add3A_25] : memref<262144xf32, #tpu.memory_space<hbm>> -> memref<512xf32, #tpu.memory_space<hbm>>
    %dma_wait3A_200 = arith.constant 0 : i32
    %dma_wait3A_201 = tpu.memref_slice %arg6[%dma_wait3A_195, %dma_wait3A_200] : memref<16x512xf32, #tpu.memory_space<vmem>> -> memref<1x512xf32, #tpu.memory_space<vmem>>
    %dma_wait3A_202 = tpu.memref_squeeze %dma_wait3A_201 : memref<1x512xf32, #tpu.memory_space<vmem>> -> memref<512xf32, #tpu.memory_space<vmem>>
    %dma_wait3A_203 = tpu.memref_slice %arg2[%add3A_25] : memref<262144xf32, #tpu.memory_space<hbm>> -> memref<512xf32, #tpu.memory_space<hbm>>
    tpu.wait_dma2 semaphore(%arg10 : memref<!tpu.dma_semaphore, #tpu.memory_space<semaphore_mem>>) src(%dma_wait3A_203 : memref<512xf32, #tpu.memory_space<hbm>>) dst(%dma_wait3A_202 : memref<512xf32, #tpu.memory_space<vmem>>)
    %dma_wait3A_204 = arith.constant 3 : i32
    %dma_wait3A_205 = arith.constant 0 : i32
    %dma_wait3A_206 = tpu.memref_slice %arg6[%dma_wait3A_204, %dma_wait3A_205] : memref<16x512xf32, #tpu.memory_space<vmem>> -> memref<1x512xf32, #tpu.memory_space<vmem>>
    %dma_wait3A_207 = tpu.memref_squeeze %dma_wait3A_206 : memref<1x512xf32, #tpu.memory_space<vmem>> -> memref<512xf32, #tpu.memory_space<vmem>>
    %dma_wait3A_208 = tpu.memref_slice %arg2[%add3A_36] : memref<262144xf32, #tpu.memory_space<hbm>> -> memref<512xf32, #tpu.memory_space<hbm>>
    %dma_wait3A_209 = arith.constant 0 : i32
    %dma_wait3A_210 = tpu.memref_slice %arg6[%dma_wait3A_204, %dma_wait3A_209] : memref<16x512xf32, #tpu.memory_space<vmem>> -> memref<1x512xf32, #tpu.memory_space<vmem>>
    %dma_wait3A_211 = tpu.memref_squeeze %dma_wait3A_210 : memref<1x512xf32, #tpu.memory_space<vmem>> -> memref<512xf32, #tpu.memory_space<vmem>>
    %dma_wait3A_212 = tpu.memref_slice %arg2[%add3A_36] : memref<262144xf32, #tpu.memory_space<hbm>> -> memref<512xf32, #tpu.memory_space<hbm>>
    tpu.wait_dma2 semaphore(%arg10 : memref<!tpu.dma_semaphore, #tpu.memory_space<semaphore_mem>>) src(%dma_wait3A_212 : memref<512xf32, #tpu.memory_space<hbm>>) dst(%dma_wait3A_211 : memref<512xf32, #tpu.memory_space<vmem>>)
    %dma_wait3A_213 = arith.constant 4 : i32
    %dma_wait3A_214 = arith.constant 0 : i32
    %dma_wait3A_215 = tpu.memref_slice %arg6[%dma_wait3A_213, %dma_wait3A_214] : memref<16x512xf32, #tpu.memory_space<vmem>> -> memref<1x512xf32, #tpu.memory_space<vmem>>
    %dma_wait3A_216 = tpu.memref_squeeze %dma_wait3A_215 : memref<1x512xf32, #tpu.memory_space<vmem>> -> memref<512xf32, #tpu.memory_space<vmem>>
    %dma_wait3A_217 = tpu.memref_slice %arg2[%add3A_47] : memref<262144xf32, #tpu.memory_space<hbm>> -> memref<512xf32, #tpu.memory_space<hbm>>
    %dma_wait3A_218 = arith.constant 0 : i32
    %dma_wait3A_219 = tpu.memref_slice %arg6[%dma_wait3A_213, %dma_wait3A_218] : memref<16x512xf32, #tpu.memory_space<vmem>> -> memref<1x512xf32, #tpu.memory_space<vmem>>
    %dma_wait3A_220 = tpu.memref_squeeze %dma_wait3A_219 : memref<1x512xf32, #tpu.memory_space<vmem>> -> memref<512xf32, #tpu.memory_space<vmem>>
    %dma_wait3A_221 = tpu.memref_slice %arg2[%add3A_47] : memref<262144xf32, #tpu.memory_space<hbm>> -> memref<512xf32, #tpu.memory_space<hbm>>
    tpu.wait_dma2 semaphore(%arg10 : memref<!tpu.dma_semaphore, #tpu.memory_space<semaphore_mem>>) src(%dma_wait3A_221 : memref<512xf32, #tpu.memory_space<hbm>>) dst(%dma_wait3A_220 : memref<512xf32, #tpu.memory_space<vmem>>)
    %dma_wait3A_222 = arith.constant 5 : i32
    %dma_wait3A_223 = arith.constant 0 : i32
    %dma_wait3A_224 = tpu.memref_slice %arg6[%dma_wait3A_222, %dma_wait3A_223] : memref<16x512xf32, #tpu.memory_space<vmem>> -> memref<1x512xf32, #tpu.memory_space<vmem>>
    %dma_wait3A_225 = tpu.memref_squeeze %dma_wait3A_224 : memref<1x512xf32, #tpu.memory_space<vmem>> -> memref<512xf32, #tpu.memory_space<vmem>>
    %dma_wait3A_226 = tpu.memref_slice %arg2[%add3A_58] : memref<262144xf32, #tpu.memory_space<hbm>> -> memref<512xf32, #tpu.memory_space<hbm>>
    %dma_wait3A_227 = arith.constant 0 : i32
    %dma_wait3A_228 = tpu.memref_slice %arg6[%dma_wait3A_222, %dma_wait3A_227] : memref<16x512xf32, #tpu.memory_space<vmem>> -> memref<1x512xf32, #tpu.memory_space<vmem>>
    %dma_wait3A_229 = tpu.memref_squeeze %dma_wait3A_228 : memref<1x512xf32, #tpu.memory_space<vmem>> -> memref<512xf32, #tpu.memory_space<vmem>>
    %dma_wait3A_230 = tpu.memref_slice %arg2[%add3A_58] : memref<262144xf32, #tpu.memory_space<hbm>> -> memref<512xf32, #tpu.memory_space<hbm>>
    tpu.wait_dma2 semaphore(%arg10 : memref<!tpu.dma_semaphore, #tpu.memory_space<semaphore_mem>>) src(%dma_wait3A_230 : memref<512xf32, #tpu.memory_space<hbm>>) dst(%dma_wait3A_229 : memref<512xf32, #tpu.memory_space<vmem>>)
    %dma_wait3A_231 = arith.constant 6 : i32
    %dma_wait3A_232 = arith.constant 0 : i32
    %dma_wait3A_233 = tpu.memref_slice %arg6[%dma_wait3A_231, %dma_wait3A_232] : memref<16x512xf32, #tpu.memory_space<vmem>> -> memref<1x512xf32, #tpu.memory_space<vmem>>
    %dma_wait3A_234 = tpu.memref_squeeze %dma_wait3A_233 : memref<1x512xf32, #tpu.memory_space<vmem>> -> memref<512xf32, #tpu.memory_space<vmem>>
    %dma_wait3A_235 = tpu.memref_slice %arg2[%add3A_69] : memref<262144xf32, #tpu.memory_space<hbm>> -> memref<512xf32, #tpu.memory_space<hbm>>
    %dma_wait3A_236 = arith.constant 0 : i32
    %dma_wait3A_237 = tpu.memref_slice %arg6[%dma_wait3A_231, %dma_wait3A_236] : memref<16x512xf32, #tpu.memory_space<vmem>> -> memref<1x512xf32, #tpu.memory_space<vmem>>
    %dma_wait3A_238 = tpu.memref_squeeze %dma_wait3A_237 : memref<1x512xf32, #tpu.memory_space<vmem>> -> memref<512xf32, #tpu.memory_space<vmem>>
    %dma_wait3A_239 = tpu.memref_slice %arg2[%add3A_69] : memref<262144xf32, #tpu.memory_space<hbm>> -> memref<512xf32, #tpu.memory_space<hbm>>
    tpu.wait_dma2 semaphore(%arg10 : memref<!tpu.dma_semaphore, #tpu.memory_space<semaphore_mem>>) src(%dma_wait3A_239 : memref<512xf32, #tpu.memory_space<hbm>>) dst(%dma_wait3A_238 : memref<512xf32, #tpu.memory_space<vmem>>)
    %dma_wait3A_240 = arith.constant 7 : i32
    %dma_wait3A_241 = arith.constant 0 : i32
    %dma_wait3A_242 = tpu.memref_slice %arg6[%dma_wait3A_240, %dma_wait3A_241] : memref<16x512xf32, #tpu.memory_space<vmem>> -> memref<1x512xf32, #tpu.memory_space<vmem>>
    %dma_wait3A_243 = tpu.memref_squeeze %dma_wait3A_242 : memref<1x512xf32, #tpu.memory_space<vmem>> -> memref<512xf32, #tpu.memory_space<vmem>>
    %dma_wait3A_244 = tpu.memref_slice %arg2[%add3A_80] : memref<262144xf32, #tpu.memory_space<hbm>> -> memref<512xf32, #tpu.memory_space<hbm>>
    %dma_wait3A_245 = arith.constant 0 : i32
    %dma_wait3A_246 = tpu.memref_slice %arg6[%dma_wait3A_240, %dma_wait3A_245] : memref<16x512xf32, #tpu.memory_space<vmem>> -> memref<1x512xf32, #tpu.memory_space<vmem>>
    %dma_wait3A_247 = tpu.memref_squeeze %dma_wait3A_246 : memref<1x512xf32, #tpu.memory_space<vmem>> -> memref<512xf32, #tpu.memory_space<vmem>>
    %dma_wait3A_248 = tpu.memref_slice %arg2[%add3A_80] : memref<262144xf32, #tpu.memory_space<hbm>> -> memref<512xf32, #tpu.memory_space<hbm>>
    tpu.wait_dma2 semaphore(%arg10 : memref<!tpu.dma_semaphore, #tpu.memory_space<semaphore_mem>>) src(%dma_wait3A_248 : memref<512xf32, #tpu.memory_space<hbm>>) dst(%dma_wait3A_247 : memref<512xf32, #tpu.memory_space<vmem>>)
    %dma_wait3A_249 = arith.constant 8 : i32
    %dma_wait3A_250 = arith.constant 0 : i32
    %dma_wait3A_251 = tpu.memref_slice %arg6[%dma_wait3A_249, %dma_wait3A_250] : memref<16x512xf32, #tpu.memory_space<vmem>> -> memref<1x512xf32, #tpu.memory_space<vmem>>
    %dma_wait3A_252 = tpu.memref_squeeze %dma_wait3A_251 : memref<1x512xf32, #tpu.memory_space<vmem>> -> memref<512xf32, #tpu.memory_space<vmem>>
    %dma_wait3A_253 = tpu.memref_slice %arg2[%add3A_91] : memref<262144xf32, #tpu.memory_space<hbm>> -> memref<512xf32, #tpu.memory_space<hbm>>
    %dma_wait3A_254 = arith.constant 0 : i32
    %dma_wait3A_255 = tpu.memref_slice %arg6[%dma_wait3A_249, %dma_wait3A_254] : memref<16x512xf32, #tpu.memory_space<vmem>> -> memref<1x512xf32, #tpu.memory_space<vmem>>
    %dma_wait3A_256 = tpu.memref_squeeze %dma_wait3A_255 : memref<1x512xf32, #tpu.memory_space<vmem>> -> memref<512xf32, #tpu.memory_space<vmem>>
    %dma_wait3A_257 = tpu.memref_slice %arg2[%add3A_91] : memref<262144xf32, #tpu.memory_space<hbm>> -> memref<512xf32, #tpu.memory_space<hbm>>
    tpu.wait_dma2 semaphore(%arg10 : memref<!tpu.dma_semaphore, #tpu.memory_space<semaphore_mem>>) src(%dma_wait3A_257 : memref<512xf32, #tpu.memory_space<hbm>>) dst(%dma_wait3A_256 : memref<512xf32, #tpu.memory_space<vmem>>)
    %dma_wait3A_258 = arith.constant 9 : i32
    %dma_wait3A_259 = arith.constant 0 : i32
    %dma_wait3A_260 = tpu.memref_slice %arg6[%dma_wait3A_258, %dma_wait3A_259] : memref<16x512xf32, #tpu.memory_space<vmem>> -> memref<1x512xf32, #tpu.memory_space<vmem>>
    %dma_wait3A_261 = tpu.memref_squeeze %dma_wait3A_260 : memref<1x512xf32, #tpu.memory_space<vmem>> -> memref<512xf32, #tpu.memory_space<vmem>>
    %dma_wait3A_262 = tpu.memref_slice %arg2[%add3A_102] : memref<262144xf32, #tpu.memory_space<hbm>> -> memref<512xf32, #tpu.memory_space<hbm>>
    %dma_wait3A_263 = arith.constant 0 : i32
    %dma_wait3A_264 = tpu.memref_slice %arg6[%dma_wait3A_258, %dma_wait3A_263] : memref<16x512xf32, #tpu.memory_space<vmem>> -> memref<1x512xf32, #tpu.memory_space<vmem>>
    %dma_wait3A_265 = tpu.memref_squeeze %dma_wait3A_264 : memref<1x512xf32, #tpu.memory_space<vmem>> -> memref<512xf32, #tpu.memory_space<vmem>>
    %dma_wait3A_266 = tpu.memref_slice %arg2[%add3A_102] : memref<262144xf32, #tpu.memory_space<hbm>> -> memref<512xf32, #tpu.memory_space<hbm>>
    tpu.wait_dma2 semaphore(%arg10 : memref<!tpu.dma_semaphore, #tpu.memory_space<semaphore_mem>>) src(%dma_wait3A_266 : memref<512xf32, #tpu.memory_space<hbm>>) dst(%dma_wait3A_265 : memref<512xf32, #tpu.memory_space<vmem>>)
    %dma_wait3A_267 = arith.constant 10 : i32
    %dma_wait3A_268 = arith.constant 0 : i32
    %dma_wait3A_269 = tpu.memref_slice %arg6[%dma_wait3A_267, %dma_wait3A_268] : memref<16x512xf32, #tpu.memory_space<vmem>> -> memref<1x512xf32, #tpu.memory_space<vmem>>
    %dma_wait3A_270 = tpu.memref_squeeze %dma_wait3A_269 : memref<1x512xf32, #tpu.memory_space<vmem>> -> memref<512xf32, #tpu.memory_space<vmem>>
    %dma_wait3A_271 = tpu.memref_slice %arg2[%add3A_113] : memref<262144xf32, #tpu.memory_space<hbm>> -> memref<512xf32, #tpu.memory_space<hbm>>
    %dma_wait3A_272 = arith.constant 0 : i32
    %dma_wait3A_273 = tpu.memref_slice %arg6[%dma_wait3A_267, %dma_wait3A_272] : memref<16x512xf32, #tpu.memory_space<vmem>> -> memref<1x512xf32, #tpu.memory_space<vmem>>
    %dma_wait3A_274 = tpu.memref_squeeze %dma_wait3A_273 : memref<1x512xf32, #tpu.memory_space<vmem>> -> memref<512xf32, #tpu.memory_space<vmem>>
    %dma_wait3A_275 = tpu.memref_slice %arg2[%add3A_113] : memref<262144xf32, #tpu.memory_space<hbm>> -> memref<512xf32, #tpu.memory_space<hbm>>
    tpu.wait_dma2 semaphore(%arg10 : memref<!tpu.dma_semaphore, #tpu.memory_space<semaphore_mem>>) src(%dma_wait3A_275 : memref<512xf32, #tpu.memory_space<hbm>>) dst(%dma_wait3A_274 : memref<512xf32, #tpu.memory_space<vmem>>)
    %dma_wait3A_276 = arith.constant 11 : i32
    %dma_wait3A_277 = arith.constant 0 : i32
    %dma_wait3A_278 = tpu.memref_slice %arg6[%dma_wait3A_276, %dma_wait3A_277] : memref<16x512xf32, #tpu.memory_space<vmem>> -> memref<1x512xf32, #tpu.memory_space<vmem>>
    %dma_wait3A_279 = tpu.memref_squeeze %dma_wait3A_278 : memref<1x512xf32, #tpu.memory_space<vmem>> -> memref<512xf32, #tpu.memory_space<vmem>>
    %dma_wait3A_280 = tpu.memref_slice %arg2[%add3A_124] : memref<262144xf32, #tpu.memory_space<hbm>> -> memref<512xf32, #tpu.memory_space<hbm>>
    %dma_wait3A_281 = arith.constant 0 : i32
    %dma_wait3A_282 = tpu.memref_slice %arg6[%dma_wait3A_276, %dma_wait3A_281] : memref<16x512xf32, #tpu.memory_space<vmem>> -> memref<1x512xf32, #tpu.memory_space<vmem>>
    %dma_wait3A_283 = tpu.memref_squeeze %dma_wait3A_282 : memref<1x512xf32, #tpu.memory_space<vmem>> -> memref<512xf32, #tpu.memory_space<vmem>>
    %dma_wait3A_284 = tpu.memref_slice %arg2[%add3A_124] : memref<262144xf32, #tpu.memory_space<hbm>> -> memref<512xf32, #tpu.memory_space<hbm>>
    tpu.wait_dma2 semaphore(%arg10 : memref<!tpu.dma_semaphore, #tpu.memory_space<semaphore_mem>>) src(%dma_wait3A_284 : memref<512xf32, #tpu.memory_space<hbm>>) dst(%dma_wait3A_283 : memref<512xf32, #tpu.memory_space<vmem>>)
    %dma_wait3A_285 = arith.constant 12 : i32
    %dma_wait3A_286 = arith.constant 0 : i32
    %dma_wait3A_287 = tpu.memref_slice %arg6[%dma_wait3A_285, %dma_wait3A_286] : memref<16x512xf32, #tpu.memory_space<vmem>> -> memref<1x512xf32, #tpu.memory_space<vmem>>
    %dma_wait3A_288 = tpu.memref_squeeze %dma_wait3A_287 : memref<1x512xf32, #tpu.memory_space<vmem>> -> memref<512xf32, #tpu.memory_space<vmem>>
    %dma_wait3A_289 = tpu.memref_slice %arg2[%add3A_135] : memref<262144xf32, #tpu.memory_space<hbm>> -> memref<512xf32, #tpu.memory_space<hbm>>
    %dma_wait3A_290 = arith.constant 0 : i32
    %dma_wait3A_291 = tpu.memref_slice %arg6[%dma_wait3A_285, %dma_wait3A_290] : memref<16x512xf32, #tpu.memory_space<vmem>> -> memref<1x512xf32, #tpu.memory_space<vmem>>
    %dma_wait3A_292 = tpu.memref_squeeze %dma_wait3A_291 : memref<1x512xf32, #tpu.memory_space<vmem>> -> memref<512xf32, #tpu.memory_space<vmem>>
    %dma_wait3A_293 = tpu.memref_slice %arg2[%add3A_135] : memref<262144xf32, #tpu.memory_space<hbm>> -> memref<512xf32, #tpu.memory_space<hbm>>
    tpu.wait_dma2 semaphore(%arg10 : memref<!tpu.dma_semaphore, #tpu.memory_space<semaphore_mem>>) src(%dma_wait3A_293 : memref<512xf32, #tpu.memory_space<hbm>>) dst(%dma_wait3A_292 : memref<512xf32, #tpu.memory_space<vmem>>)
    %dma_wait3A_294 = arith.constant 13 : i32
    %dma_wait3A_295 = arith.constant 0 : i32
    %dma_wait3A_296 = tpu.memref_slice %arg6[%dma_wait3A_294, %dma_wait3A_295] : memref<16x512xf32, #tpu.memory_space<vmem>> -> memref<1x512xf32, #tpu.memory_space<vmem>>
    %dma_wait3A_297 = tpu.memref_squeeze %dma_wait3A_296 : memref<1x512xf32, #tpu.memory_space<vmem>> -> memref<512xf32, #tpu.memory_space<vmem>>
    %dma_wait3A_298 = tpu.memref_slice %arg2[%add3A_146] : memref<262144xf32, #tpu.memory_space<hbm>> -> memref<512xf32, #tpu.memory_space<hbm>>
    %dma_wait3A_299 = arith.constant 0 : i32
    %dma_wait3A_300 = tpu.memref_slice %arg6[%dma_wait3A_294, %dma_wait3A_299] : memref<16x512xf32, #tpu.memory_space<vmem>> -> memref<1x512xf32, #tpu.memory_space<vmem>>
    %dma_wait3A_301 = tpu.memref_squeeze %dma_wait3A_300 : memref<1x512xf32, #tpu.memory_space<vmem>> -> memref<512xf32, #tpu.memory_space<vmem>>
    %dma_wait3A_302 = tpu.memref_slice %arg2[%add3A_146] : memref<262144xf32, #tpu.memory_space<hbm>> -> memref<512xf32, #tpu.memory_space<hbm>>
    tpu.wait_dma2 semaphore(%arg10 : memref<!tpu.dma_semaphore, #tpu.memory_space<semaphore_mem>>) src(%dma_wait3A_302 : memref<512xf32, #tpu.memory_space<hbm>>) dst(%dma_wait3A_301 : memref<512xf32, #tpu.memory_space<vmem>>)
    %dma_wait3A_303 = arith.constant 14 : i32
    %dma_wait3A_304 = arith.constant 0 : i32
    %dma_wait3A_305 = tpu.memref_slice %arg6[%dma_wait3A_303, %dma_wait3A_304] : memref<16x512xf32, #tpu.memory_space<vmem>> -> memref<1x512xf32, #tpu.memory_space<vmem>>
    %dma_wait3A_306 = tpu.memref_squeeze %dma_wait3A_305 : memref<1x512xf32, #tpu.memory_space<vmem>> -> memref<512xf32, #tpu.memory_space<vmem>>
    %dma_wait3A_307 = tpu.memref_slice %arg2[%add3A_157] : memref<262144xf32, #tpu.memory_space<hbm>> -> memref<512xf32, #tpu.memory_space<hbm>>
    %dma_wait3A_308 = arith.constant 0 : i32
    %dma_wait3A_309 = tpu.memref_slice %arg6[%dma_wait3A_303, %dma_wait3A_308] : memref<16x512xf32, #tpu.memory_space<vmem>> -> memref<1x512xf32, #tpu.memory_space<vmem>>
    %dma_wait3A_310 = tpu.memref_squeeze %dma_wait3A_309 : memref<1x512xf32, #tpu.memory_space<vmem>> -> memref<512xf32, #tpu.memory_space<vmem>>
    %dma_wait3A_311 = tpu.memref_slice %arg2[%add3A_157] : memref<262144xf32, #tpu.memory_space<hbm>> -> memref<512xf32, #tpu.memory_space<hbm>>
    tpu.wait_dma2 semaphore(%arg10 : memref<!tpu.dma_semaphore, #tpu.memory_space<semaphore_mem>>) src(%dma_wait3A_311 : memref<512xf32, #tpu.memory_space<hbm>>) dst(%dma_wait3A_310 : memref<512xf32, #tpu.memory_space<vmem>>)
    %dma_wait3A_312 = arith.constant 15 : i32
    %dma_wait3A_313 = arith.constant 0 : i32
    %dma_wait3A_314 = tpu.memref_slice %arg6[%dma_wait3A_312, %dma_wait3A_313] : memref<16x512xf32, #tpu.memory_space<vmem>> -> memref<1x512xf32, #tpu.memory_space<vmem>>
    %dma_wait3A_315 = tpu.memref_squeeze %dma_wait3A_314 : memref<1x512xf32, #tpu.memory_space<vmem>> -> memref<512xf32, #tpu.memory_space<vmem>>
    %dma_wait3A_316 = tpu.memref_slice %arg2[%add3A_168] : memref<262144xf32, #tpu.memory_space<hbm>> -> memref<512xf32, #tpu.memory_space<hbm>>
    %dma_wait3A_317 = arith.constant 0 : i32
    %dma_wait3A_318 = tpu.memref_slice %arg6[%dma_wait3A_312, %dma_wait3A_317] : memref<16x512xf32, #tpu.memory_space<vmem>> -> memref<1x512xf32, #tpu.memory_space<vmem>>
    %dma_wait3A_319 = tpu.memref_squeeze %dma_wait3A_318 : memref<1x512xf32, #tpu.memory_space<vmem>> -> memref<512xf32, #tpu.memory_space<vmem>>
    %dma_wait3A_320 = tpu.memref_slice %arg2[%add3A_168] : memref<262144xf32, #tpu.memory_space<hbm>> -> memref<512xf32, #tpu.memory_space<hbm>>
    tpu.wait_dma2 semaphore(%arg10 : memref<!tpu.dma_semaphore, #tpu.memory_space<semaphore_mem>>) src(%dma_wait3A_320 : memref<512xf32, #tpu.memory_space<hbm>>) dst(%dma_wait3A_319 : memref<512xf32, #tpu.memory_space<vmem>>)
    %broadcast_in_dim3A = arith.constant 1 : i32
    %broadcast_in_dim3A_321 = vector.broadcast %broadcast_in_dim3A : i32 to vector<16xi32>
    %broadcast_in_dim3A_322 = arith.constant 0 : i32
    %broadcast_in_dim3A_323 = vector.broadcast %broadcast_in_dim3A_322 : i32 to vector<16xi32>
    %scan3A = arith.constant 0 : i32
    %scan3A_324 = arith.constant 0 : i32
    %scan3A_325 = arith.constant 32 : i32
    %scan3A_326 = arith.addi %scan3A_324, %scan3A_325 : i32
    %scan3A_327 = arith.constant 1 : i32
    scf.for %scan3A_1049 = %scan3A_324 to %scan3A_326 step %scan3A_327  : i32 {
      %mul3A_1050 = arith.constant 16 : i32
      %mul3A_1051 = arith.muli %scan3A_1049, %mul3A_1050 : i32
      %get3A = arith.constant 0 : i32
      %get3A_1052 = arith.index_cast %get3A : i32 to index
      %get3A_1053 = arith.index_cast %mul3A_1051 : i32 to index
      %get3A_1054 = tpu.vector_load %arg6[%get3A_1052, %get3A_1053] {strides = array<i32>} : memref<16x512xf32, #tpu.memory_space<vmem>>, vector<1x16xf32>,
      %get3A_1055 = vector.shape_cast %get3A_1054 : vector<1x16xf32> to vector<16xf32>
      %mul3A_1056 = arith.constant 16 : i32
      %mul3A_1057 = arith.muli %scan3A_1049, %mul3A_1056 : i32
      %get3A_1058 = arith.constant 1 : i32
      %get3A_1059 = arith.index_cast %get3A_1058 : i32 to index
      %get3A_1060 = arith.index_cast %mul3A_1057 : i32 to index
      %get3A_1061 = tpu.vector_load %arg6[%get3A_1059, %get3A_1060] {strides = array<i32>} : memref<16x512xf32, #tpu.memory_space<vmem>>, vector<1x16xf32>,
      %get3A_1062 = vector.shape_cast %get3A_1061 : vector<1x16xf32> to vector<16xf32>
      %mul3A_1063 = arith.constant 16 : i32
      %mul3A_1064 = arith.muli %scan3A_1049, %mul3A_1063 : i32
      %get3A_1065 = arith.constant 2 : i32
      %get3A_1066 = arith.index_cast %get3A_1065 : i32 to index
      %get3A_1067 = arith.index_cast %mul3A_1064 : i32 to index
      %get3A_1068 = tpu.vector_load %arg6[%get3A_1066, %get3A_1067] {strides = array<i32>} : memref<16x512xf32, #tpu.memory_space<vmem>>, vector<1x16xf32>,
      %get3A_1069 = vector.shape_cast %get3A_1068 : vector<1x16xf32> to vector<16xf32>
      %mul3A_1070 = arith.constant 16 : i32
      %mul3A_1071 = arith.muli %scan3A_1049, %mul3A_1070 : i32
      %get3A_1072 = arith.constant 3 : i32
      %get3A_1073 = arith.index_cast %get3A_1072 : i32 to index
      %get3A_1074 = arith.index_cast %mul3A_1071 : i32 to index
      %get3A_1075 = tpu.vector_load %arg6[%get3A_1073, %get3A_1074] {strides = array<i32>} : memref<16x512xf32, #tpu.memory_space<vmem>>, vector<1x16xf32>,
      %get3A_1076 = vector.shape_cast %get3A_1075 : vector<1x16xf32> to vector<16xf32>
      %mul3A_1077 = arith.constant 16 : i32
      %mul3A_1078 = arith.muli %scan3A_1049, %mul3A_1077 : i32
      %get3A_1079 = arith.constant 4 : i32
      %get3A_1080 = arith.index_cast %get3A_1079 : i32 to index
      %get3A_1081 = arith.index_cast %mul3A_1078 : i32 to index
      %get3A_1082 = tpu.vector_load %arg6[%get3A_1080, %get3A_1081] {strides = array<i32>} : memref<16x512xf32, #tpu.memory_space<vmem>>, vector<1x16xf32>,
      %get3A_1083 = vector.shape_cast %get3A_1082 : vector<1x16xf32> to vector<16xf32>
      %mul3A_1084 = arith.constant 16 : i32
      %mul3A_1085 = arith.muli %scan3A_1049, %mul3A_1084 : i32
      %get3A_1086 = arith.constant 5 : i32
      %get3A_1087 = arith.index_cast %get3A_1086 : i32 to index
      %get3A_1088 = arith.index_cast %mul3A_1085 : i32 to index
      %get3A_1089 = tpu.vector_load %arg6[%get3A_1087, %get3A_1088] {strides = array<i32>} : memref<16x512xf32, #tpu.memory_space<vmem>>, vector<1x16xf32>,
      %get3A_1090 = vector.shape_cast %get3A_1089 : vector<1x16xf32> to vector<16xf32>
      %mul3A_1091 = arith.constant 16 : i32
      %mul3A_1092 = arith.muli %scan3A_1049, %mul3A_1091 : i32
      %get3A_1093 = arith.constant 6 : i32
      %get3A_1094 = arith.index_cast %get3A_1093 : i32 to index
      %get3A_1095 = arith.index_cast %mul3A_1092 : i32 to index
      %get3A_1096 = tpu.vector_load %arg6[%get3A_1094, %get3A_1095] {strides = array<i32>} : memref<16x512xf32, #tpu.memory_space<vmem>>, vector<1x16xf32>,
      %get3A_1097 = vector.shape_cast %get3A_1096 : vector<1x16xf32> to vector<16xf32>
      %mul3A_1098 = arith.constant 16 : i32
      %mul3A_1099 = arith.muli %scan3A_1049, %mul3A_1098 : i32
      %get3A_1100 = arith.constant 7 : i32
      %get3A_1101 = arith.index_cast %get3A_1100 : i32 to index
      %get3A_1102 = arith.index_cast %mul3A_1099 : i32 to index
      %get3A_1103 = tpu.vector_load %arg6[%get3A_1101, %get3A_1102] {strides = array<i32>} : memref<16x512xf32, #tpu.memory_space<vmem>>, vector<1x16xf32>,
      %get3A_1104 = vector.shape_cast %get3A_1103 : vector<1x16xf32> to vector<16xf32>
      %mul3A_1105 = arith.constant 16 : i32
      %mul3A_1106 = arith.muli %scan3A_1049, %mul3A_1105 : i32
      %get3A_1107 = arith.constant 8 : i32
      %get3A_1108 = arith.index_cast %get3A_1107 : i32 to index
      %get3A_1109 = arith.index_cast %mul3A_1106 : i32 to index
      %get3A_1110 = tpu.vector_load %arg6[%get3A_1108, %get3A_1109] {strides = array<i32>} : memref<16x512xf32, #tpu.memory_space<vmem>>, vector<1x16xf32>,
      %get3A_1111 = vector.shape_cast %get3A_1110 : vector<1x16xf32> to vector<16xf32>
      %mul3A_1112 = arith.constant 16 : i32
      %mul3A_1113 = arith.muli %scan3A_1049, %mul3A_1112 : i32
      %get3A_1114 = arith.constant 9 : i32
      %get3A_1115 = arith.index_cast %get3A_1114 : i32 to index
      %get3A_1116 = arith.index_cast %mul3A_1113 : i32 to index
      %get3A_1117 = tpu.vector_load %arg6[%get3A_1115, %get3A_1116] {strides = array<i32>} : memref<16x512xf32, #tpu.memory_space<vmem>>, vector<1x16xf32>,
      %get3A_1118 = vector.shape_cast %get3A_1117 : vector<1x16xf32> to vector<16xf32>
      %mul3A_1119 = arith.constant 16 : i32
      %mul3A_1120 = arith.muli %scan3A_1049, %mul3A_1119 : i32
      %get3A_1121 = arith.constant 10 : i32
      %get3A_1122 = arith.index_cast %get3A_1121 : i32 to index
      %get3A_1123 = arith.index_cast %mul3A_1120 : i32 to index
      %get3A_1124 = tpu.vector_load %arg6[%get3A_1122, %get3A_1123] {strides = array<i32>} : memref<16x512xf32, #tpu.memory_space<vmem>>, vector<1x16xf32>,
      %get3A_1125 = vector.shape_cast %get3A_1124 : vector<1x16xf32> to vector<16xf32>
      %mul3A_1126 = arith.constant 16 : i32
      %mul3A_1127 = arith.muli %scan3A_1049, %mul3A_1126 : i32
      %get3A_1128 = arith.constant 11 : i32
      %get3A_1129 = arith.index_cast %get3A_1128 : i32 to index
      %get3A_1130 = arith.index_cast %mul3A_1127 : i32 to index
      %get3A_1131 = tpu.vector_load %arg6[%get3A_1129, %get3A_1130] {strides = array<i32>} : memref<16x512xf32, #tpu.memory_space<vmem>>, vector<1x16xf32>,
      %get3A_1132 = vector.shape_cast %get3A_1131 : vector<1x16xf32> to vector<16xf32>
      %mul3A_1133 = arith.constant 16 : i32
      %mul3A_1134 = arith.muli %scan3A_1049, %mul3A_1133 : i32
      %get3A_1135 = arith.constant 12 : i32
      %get3A_1136 = arith.index_cast %get3A_1135 : i32 to index
      %get3A_1137 = arith.index_cast %mul3A_1134 : i32 to index
      %get3A_1138 = tpu.vector_load %arg6[%get3A_1136, %get3A_1137] {strides = array<i32>} : memref<16x512xf32, #tpu.memory_space<vmem>>, vector<1x16xf32>,
      %get3A_1139 = vector.shape_cast %get3A_1138 : vector<1x16xf32> to vector<16xf32>
      %mul3A_1140 = arith.constant 16 : i32
      %mul3A_1141 = arith.muli %scan3A_1049, %mul3A_1140 : i32
      %get3A_1142 = arith.constant 13 : i32
      %get3A_1143 = arith.index_cast %get3A_1142 : i32 to index
      %get3A_1144 = arith.index_cast %mul3A_1141 : i32 to index
      %get3A_1145 = tpu.vector_load %arg6[%get3A_1143, %get3A_1144] {strides = array<i32>} : memref<16x512xf32, #tpu.memory_space<vmem>>, vector<1x16xf32>,
      %get3A_1146 = vector.shape_cast %get3A_1145 : vector<1x16xf32> to vector<16xf32>
      %mul3A_1147 = arith.constant 16 : i32
      %mul3A_1148 = arith.muli %scan3A_1049, %mul3A_1147 : i32
      %get3A_1149 = arith.constant 14 : i32
      %get3A_1150 = arith.index_cast %get3A_1149 : i32 to index
      %get3A_1151 = arith.index_cast %mul3A_1148 : i32 to index
      %get3A_1152 = tpu.vector_load %arg6[%get3A_1150, %get3A_1151] {strides = array<i32>} : memref<16x512xf32, #tpu.memory_space<vmem>>, vector<1x16xf32>,
      %get3A_1153 = vector.shape_cast %get3A_1152 : vector<1x16xf32> to vector<16xf32>
      %mul3A_1154 = arith.constant 16 : i32
      %mul3A_1155 = arith.muli %scan3A_1049, %mul3A_1154 : i32
      %get3A_1156 = arith.constant 15 : i32
      %get3A_1157 = arith.index_cast %get3A_1156 : i32 to index
      %get3A_1158 = arith.index_cast %mul3A_1155 : i32 to index
      %get3A_1159 = tpu.vector_load %arg6[%get3A_1157, %get3A_1158] {strides = array<i32>} : memref<16x512xf32, #tpu.memory_space<vmem>>, vector<1x16xf32>,
      %get3A_1160 = vector.shape_cast %get3A_1159 : vector<1x16xf32> to vector<16xf32>
      %max3A = arith.maximumf %get3A_1055, %get3A_1062 : vector<16xf32>
      %max3A_1161 = arith.maximumf %max3A, %get3A_1069 : vector<16xf32>
      %max3A_1162 = arith.maximumf %max3A_1161, %get3A_1076 : vector<16xf32>
      %max3A_1163 = arith.maximumf %max3A_1162, %get3A_1083 : vector<16xf32>
      %max3A_1164 = arith.maximumf %max3A_1163, %get3A_1090 : vector<16xf32>
      %max3A_1165 = arith.maximumf %max3A_1164, %get3A_1097 : vector<16xf32>
      %max3A_1166 = arith.maximumf %max3A_1165, %get3A_1104 : vector<16xf32>
      %max3A_1167 = arith.maximumf %max3A_1166, %get3A_1111 : vector<16xf32>
      %max3A_1168 = arith.maximumf %max3A_1167, %get3A_1118 : vector<16xf32>
      %max3A_1169 = arith.maximumf %max3A_1168, %get3A_1125 : vector<16xf32>
      %max3A_1170 = arith.maximumf %max3A_1169, %get3A_1132 : vector<16xf32>
      %max3A_1171 = arith.maximumf %max3A_1170, %get3A_1139 : vector<16xf32>
      %max3A_1172 = arith.maximumf %max3A_1171, %get3A_1146 : vector<16xf32>
      %max3A_1173 = arith.maximumf %max3A_1172, %get3A_1153 : vector<16xf32>
      %max3A_1174 = arith.maximumf %max3A_1173, %get3A_1160 : vector<16xf32>
      %broadcast_in_dim3A_1175 = arith.constant 0 : i32
      %broadcast_in_dim3A_1176 = vector.broadcast %broadcast_in_dim3A_1175 : i32 to vector<16xi32>
      %eq3A = arith.cmpf oeq, %get3A_1160, %max3A_1174 : vector<16xf32>
      %jit3A = arith.constant 15 : i32
      %broadcast_in_dim3A_1177 = vector.broadcast %jit3A : i32 to vector<16xi32>
      %select_n3A = arith.select %eq3A, %broadcast_in_dim3A_1177, %broadcast_in_dim3A_1176 : vector<16xi1>, vector<16xi32>
      %eq3A_1178 = arith.cmpf oeq, %get3A_1153, %max3A_1174 : vector<16xf32>
      %jit3A_1179 = arith.constant 14 : i32
      %broadcast_in_dim3A_1180 = vector.broadcast %jit3A_1179 : i32 to vector<16xi32>
      %select_n3A_1181 = arith.select %eq3A_1178, %broadcast_in_dim3A_1180, %select_n3A : vector<16xi1>, vector<16xi32>
      %eq3A_1182 = arith.cmpf oeq, %get3A_1146, %max3A_1174 : vector<16xf32>
      %jit3A_1183 = arith.constant 13 : i32
      %broadcast_in_dim3A_1184 = vector.broadcast %jit3A_1183 : i32 to vector<16xi32>
      %select_n3A_1185 = arith.select %eq3A_1182, %broadcast_in_dim3A_1184, %select_n3A_1181 : vector<16xi1>, vector<16xi32>
      %eq3A_1186 = arith.cmpf oeq, %get3A_1139, %max3A_1174 : vector<16xf32>
      %jit3A_1187 = arith.constant 12 : i32
      %broadcast_in_dim3A_1188 = vector.broadcast %jit3A_1187 : i32 to vector<16xi32>
      %select_n3A_1189 = arith.select %eq3A_1186, %broadcast_in_dim3A_1188, %select_n3A_1185 : vector<16xi1>, vector<16xi32>
      %eq3A_1190 = arith.cmpf oeq, %get3A_1132, %max3A_1174 : vector<16xf32>
      %jit3A_1191 = arith.constant 11 : i32
      %broadcast_in_dim3A_1192 = vector.broadcast %jit3A_1191 : i32 to vector<16xi32>
      %select_n3A_1193 = arith.select %eq3A_1190, %broadcast_in_dim3A_1192, %select_n3A_1189 : vector<16xi1>, vector<16xi32>
      %eq3A_1194 = arith.cmpf oeq, %get3A_1125, %max3A_1174 : vector<16xf32>
      %jit3A_1195 = arith.constant 10 : i32
      %broadcast_in_dim3A_1196 = vector.broadcast %jit3A_1195 : i32 to vector<16xi32>
      %select_n3A_1197 = arith.select %eq3A_1194, %broadcast_in_dim3A_1196, %select_n3A_1193 : vector<16xi1>, vector<16xi32>
      %eq3A_1198 = arith.cmpf oeq, %get3A_1118, %max3A_1174 : vector<16xf32>
      %jit3A_1199 = arith.constant 9 : i32
      %broadcast_in_dim3A_1200 = vector.broadcast %jit3A_1199 : i32 to vector<16xi32>
      %select_n3A_1201 = arith.select %eq3A_1198, %broadcast_in_dim3A_1200, %select_n3A_1197 : vector<16xi1>, vector<16xi32>
      %eq3A_1202 = arith.cmpf oeq, %get3A_1111, %max3A_1174 : vector<16xf32>
      %jit3A_1203 = arith.constant 8 : i32
      %broadcast_in_dim3A_1204 = vector.broadcast %jit3A_1203 : i32 to vector<16xi32>
      %select_n3A_1205 = arith.select %eq3A_1202, %broadcast_in_dim3A_1204, %select_n3A_1201 : vector<16xi1>, vector<16xi32>
      %eq3A_1206 = arith.cmpf oeq, %get3A_1104, %max3A_1174 : vector<16xf32>
      %jit3A_1207 = arith.constant 7 : i32
      %broadcast_in_dim3A_1208 = vector.broadcast %jit3A_1207 : i32 to vector<16xi32>
      %select_n3A_1209 = arith.select %eq3A_1206, %broadcast_in_dim3A_1208, %select_n3A_1205 : vector<16xi1>, vector<16xi32>
      %eq3A_1210 = arith.cmpf oeq, %get3A_1097, %max3A_1174 : vector<16xf32>
      %jit3A_1211 = arith.constant 6 : i32
      %broadcast_in_dim3A_1212 = vector.broadcast %jit3A_1211 : i32 to vector<16xi32>
      %select_n3A_1213 = arith.select %eq3A_1210, %broadcast_in_dim3A_1212, %select_n3A_1209 : vector<16xi1>, vector<16xi32>
      %eq3A_1214 = arith.cmpf oeq, %get3A_1090, %max3A_1174 : vector<16xf32>
      %jit3A_1215 = arith.constant 5 : i32
      %broadcast_in_dim3A_1216 = vector.broadcast %jit3A_1215 : i32 to vector<16xi32>
      %select_n3A_1217 = arith.select %eq3A_1214, %broadcast_in_dim3A_1216, %select_n3A_1213 : vector<16xi1>, vector<16xi32>
      %eq3A_1218 = arith.cmpf oeq, %get3A_1083, %max3A_1174 : vector<16xf32>
      %jit3A_1219 = arith.constant 4 : i32
      %broadcast_in_dim3A_1220 = vector.broadcast %jit3A_1219 : i32 to vector<16xi32>
      %select_n3A_1221 = arith.select %eq3A_1218, %broadcast_in_dim3A_1220, %select_n3A_1217 : vector<16xi1>, vector<16xi32>
      %eq3A_1222 = arith.cmpf oeq, %get3A_1076, %max3A_1174 : vector<16xf32>
      %jit3A_1223 = arith.constant 3 : i32
      %broadcast_in_dim3A_1224 = vector.broadcast %jit3A_1223 : i32 to vector<16xi32>
      %select_n3A_1225 = arith.select %eq3A_1222, %broadcast_in_dim3A_1224, %select_n3A_1221 : vector<16xi1>, vector<16xi32>
      %eq3A_1226 = arith.cmpf oeq, %get3A_1069, %max3A_1174 : vector<16xf32>
      %jit3A_1227 = arith.constant 2 : i32
      %broadcast_in_dim3A_1228 = vector.broadcast %jit3A_1227 : i32 to vector<16xi32>
      %select_n3A_1229 = arith.select %eq3A_1226, %broadcast_in_dim3A_1228, %select_n3A_1225 : vector<16xi1>, vector<16xi32>
      %eq3A_1230 = arith.cmpf oeq, %get3A_1062, %max3A_1174 : vector<16xf32>
      %jit3A_1231 = arith.constant 1 : i32
      %broadcast_in_dim3A_1232 = vector.broadcast %jit3A_1231 : i32 to vector<16xi32>
      %select_n3A_1233 = arith.select %eq3A_1230, %broadcast_in_dim3A_1232, %select_n3A_1229 : vector<16xi1>, vector<16xi32>
      %eq3A_1234 = arith.cmpf oeq, %get3A_1055, %max3A_1174 : vector<16xf32>
      %jit3A_1235 = arith.constant 0 : i32
      %broadcast_in_dim3A_1236 = vector.broadcast %jit3A_1235 : i32 to vector<16xi32>
      %select_n3A_1237 = arith.select %eq3A_1234, %broadcast_in_dim3A_1236, %select_n3A_1233 : vector<16xi1>, vector<16xi32>
      %broadcast_in_dim3A_1238 = arith.constant 0xFF800000 : f32
      %broadcast_in_dim3A_1239 = vector.broadcast %broadcast_in_dim3A_1238 : f32 to vector<16xf32>
      %eq3A_1240 = arith.constant 0 : i32
      %eq3A_1241 = vector.broadcast %eq3A_1240 : i32 to vector<16xi32>
      %eq3A_1242 = arith.cmpi eq, %select_n3A_1237, %eq3A_1241 : vector<16xi32>
      %select_n3A_1243 = arith.select %eq3A_1242, %broadcast_in_dim3A_1239, %get3A_1055 : vector<16xi1>, vector<16xf32>
      %eq3A_1244 = arith.constant 1 : i32
      %eq3A_1245 = vector.broadcast %eq3A_1244 : i32 to vector<16xi32>
      %eq3A_1246 = arith.cmpi eq, %select_n3A_1237, %eq3A_1245 : vector<16xi32>
      %select_n3A_1247 = arith.select %eq3A_1246, %broadcast_in_dim3A_1239, %get3A_1062 : vector<16xi1>, vector<16xf32>
      %eq3A_1248 = arith.constant 2 : i32
      %eq3A_1249 = vector.broadcast %eq3A_1248 : i32 to vector<16xi32>
      %eq3A_1250 = arith.cmpi eq, %select_n3A_1237, %eq3A_1249 : vector<16xi32>
      %select_n3A_1251 = arith.select %eq3A_1250, %broadcast_in_dim3A_1239, %get3A_1069 : vector<16xi1>, vector<16xf32>
      %eq3A_1252 = arith.constant 3 : i32
      %eq3A_1253 = vector.broadcast %eq3A_1252 : i32 to vector<16xi32>
      %eq3A_1254 = arith.cmpi eq, %select_n3A_1237, %eq3A_1253 : vector<16xi32>
      %select_n3A_1255 = arith.select %eq3A_1254, %broadcast_in_dim3A_1239, %get3A_1076 : vector<16xi1>, vector<16xf32>
      %eq3A_1256 = arith.constant 4 : i32
      %eq3A_1257 = vector.broadcast %eq3A_1256 : i32 to vector<16xi32>
      %eq3A_1258 = arith.cmpi eq, %select_n3A_1237, %eq3A_1257 : vector<16xi32>
      %select_n3A_1259 = arith.select %eq3A_1258, %broadcast_in_dim3A_1239, %get3A_1083 : vector<16xi1>, vector<16xf32>
      %eq3A_1260 = arith.constant 5 : i32
      %eq3A_1261 = vector.broadcast %eq3A_1260 : i32 to vector<16xi32>
      %eq3A_1262 = arith.cmpi eq, %select_n3A_1237, %eq3A_1261 : vector<16xi32>
      %select_n3A_1263 = arith.select %eq3A_1262, %broadcast_in_dim3A_1239, %get3A_1090 : vector<16xi1>, vector<16xf32>
      %eq3A_1264 = arith.constant 6 : i32
      %eq3A_1265 = vector.broadcast %eq3A_1264 : i32 to vector<16xi32>
      %eq3A_1266 = arith.cmpi eq, %select_n3A_1237, %eq3A_1265 : vector<16xi32>
      %select_n3A_1267 = arith.select %eq3A_1266, %broadcast_in_dim3A_1239, %get3A_1097 : vector<16xi1>, vector<16xf32>
      %eq3A_1268 = arith.constant 7 : i32
      %eq3A_1269 = vector.broadcast %eq3A_1268 : i32 to vector<16xi32>
      %eq3A_1270 = arith.cmpi eq, %select_n3A_1237, %eq3A_1269 : vector<16xi32>
      %select_n3A_1271 = arith.select %eq3A_1270, %broadcast_in_dim3A_1239, %get3A_1104 : vector<16xi1>, vector<16xf32>
      %eq3A_1272 = arith.constant 8 : i32
      %eq3A_1273 = vector.broadcast %eq3A_1272 : i32 to vector<16xi32>
      %eq3A_1274 = arith.cmpi eq, %select_n3A_1237, %eq3A_1273 : vector<16xi32>
      %select_n3A_1275 = arith.select %eq3A_1274, %broadcast_in_dim3A_1239, %get3A_1111 : vector<16xi1>, vector<16xf32>
      %eq3A_1276 = arith.constant 9 : i32
      %eq3A_1277 = vector.broadcast %eq3A_1276 : i32 to vector<16xi32>
      %eq3A_1278 = arith.cmpi eq, %select_n3A_1237, %eq3A_1277 : vector<16xi32>
      %select_n3A_1279 = arith.select %eq3A_1278, %broadcast_in_dim3A_1239, %get3A_1118 : vector<16xi1>, vector<16xf32>
      %eq3A_1280 = arith.constant 10 : i32
      %eq3A_1281 = vector.broadcast %eq3A_1280 : i32 to vector<16xi32>
      %eq3A_1282 = arith.cmpi eq, %select_n3A_1237, %eq3A_1281 : vector<16xi32>
      %select_n3A_1283 = arith.select %eq3A_1282, %broadcast_in_dim3A_1239, %get3A_1125 : vector<16xi1>, vector<16xf32>
      %eq3A_1284 = arith.constant 11 : i32
      %eq3A_1285 = vector.broadcast %eq3A_1284 : i32 to vector<16xi32>
      %eq3A_1286 = arith.cmpi eq, %select_n3A_1237, %eq3A_1285 : vector<16xi32>
      %select_n3A_1287 = arith.select %eq3A_1286, %broadcast_in_dim3A_1239, %get3A_1132 : vector<16xi1>, vector<16xf32>
      %eq3A_1288 = arith.constant 12 : i32
      %eq3A_1289 = vector.broadcast %eq3A_1288 : i32 to vector<16xi32>
      %eq3A_1290 = arith.cmpi eq, %select_n3A_1237, %eq3A_1289 : vector<16xi32>
      %select_n3A_1291 = arith.select %eq3A_1290, %broadcast_in_dim3A_1239, %get3A_1139 : vector<16xi1>, vector<16xf32>
      %eq3A_1292 = arith.constant 13 : i32
      %eq3A_1293 = vector.broadcast %eq3A_1292 : i32 to vector<16xi32>
      %eq3A_1294 = arith.cmpi eq, %select_n3A_1237, %eq3A_1293 : vector<16xi32>
      %select_n3A_1295 = arith.select %eq3A_1294, %broadcast_in_dim3A_1239, %get3A_1146 : vector<16xi1>, vector<16xf32>
      %eq3A_1296 = arith.constant 14 : i32
      %eq3A_1297 = vector.broadcast %eq3A_1296 : i32 to vector<16xi32>
      %eq3A_1298 = arith.cmpi eq, %select_n3A_1237, %eq3A_1297 : vector<16xi32>
      %select_n3A_1299 = arith.select %eq3A_1298, %broadcast_in_dim3A_1239, %get3A_1153 : vector<16xi1>, vector<16xf32>
      %eq3A_1300 = arith.constant 15 : i32
      %eq3A_1301 = vector.broadcast %eq3A_1300 : i32 to vector<16xi32>
      %eq3A_1302 = arith.cmpi eq, %select_n3A_1237, %eq3A_1301 : vector<16xi32>
      %select_n3A_1303 = arith.select %eq3A_1302, %broadcast_in_dim3A_1239, %get3A_1160 : vector<16xi1>, vector<16xf32>
      %max3A_1304 = arith.maximumf %select_n3A_1243, %select_n3A_1247 : vector<16xf32>
      %max3A_1305 = arith.maximumf %max3A_1304, %select_n3A_1251 : vector<16xf32>
      %max3A_1306 = arith.maximumf %max3A_1305, %select_n3A_1255 : vector<16xf32>
      %max3A_1307 = arith.maximumf %max3A_1306, %select_n3A_1259 : vector<16xf32>
      %max3A_1308 = arith.maximumf %max3A_1307, %select_n3A_1263 : vector<16xf32>
      %max3A_1309 = arith.maximumf %max3A_1308, %select_n3A_1267 : vector<16xf32>
      %max3A_1310 = arith.maximumf %max3A_1309, %select_n3A_1271 : vector<16xf32>
      %max3A_1311 = arith.maximumf %max3A_1310, %select_n3A_1275 : vector<16xf32>
      %max3A_1312 = arith.maximumf %max3A_1311, %select_n3A_1279 : vector<16xf32>
      %max3A_1313 = arith.maximumf %max3A_1312, %select_n3A_1283 : vector<16xf32>
      %max3A_1314 = arith.maximumf %max3A_1313, %select_n3A_1287 : vector<16xf32>
      %max3A_1315 = arith.maximumf %max3A_1314, %select_n3A_1291 : vector<16xf32>
      %max3A_1316 = arith.maximumf %max3A_1315, %select_n3A_1295 : vector<16xf32>
      %max3A_1317 = arith.maximumf %max3A_1316, %select_n3A_1299 : vector<16xf32>
      %max3A_1318 = arith.maximumf %max3A_1317, %select_n3A_1303 : vector<16xf32>
      %broadcast_in_dim3A_1319 = arith.constant 0 : i32
      %broadcast_in_dim3A_1320 = vector.broadcast %broadcast_in_dim3A_1319 : i32 to vector<16xi32>
      %eq3A_1321 = arith.cmpf oeq, %select_n3A_1303, %max3A_1318 : vector<16xf32>
      %jit3A_1322 = arith.constant 15 : i32
      %broadcast_in_dim3A_1323 = vector.broadcast %jit3A_1322 : i32 to vector<16xi32>
      %select_n3A_1324 = arith.select %eq3A_1321, %broadcast_in_dim3A_1323, %broadcast_in_dim3A_1320 : vector<16xi1>, vector<16xi32>
      %eq3A_1325 = arith.cmpf oeq, %select_n3A_1299, %max3A_1318 : vector<16xf32>
      %jit3A_1326 = arith.constant 14 : i32
      %broadcast_in_dim3A_1327 = vector.broadcast %jit3A_1326 : i32 to vector<16xi32>
      %select_n3A_1328 = arith.select %eq3A_1325, %broadcast_in_dim3A_1327, %select_n3A_1324 : vector<16xi1>, vector<16xi32>
      %eq3A_1329 = arith.cmpf oeq, %select_n3A_1295, %max3A_1318 : vector<16xf32>
      %jit3A_1330 = arith.constant 13 : i32
      %broadcast_in_dim3A_1331 = vector.broadcast %jit3A_1330 : i32 to vector<16xi32>
      %select_n3A_1332 = arith.select %eq3A_1329, %broadcast_in_dim3A_1331, %select_n3A_1328 : vector<16xi1>, vector<16xi32>
      %eq3A_1333 = arith.cmpf oeq, %select_n3A_1291, %max3A_1318 : vector<16xf32>
      %jit3A_1334 = arith.constant 12 : i32
      %broadcast_in_dim3A_1335 = vector.broadcast %jit3A_1334 : i32 to vector<16xi32>
      %select_n3A_1336 = arith.select %eq3A_1333, %broadcast_in_dim3A_1335, %select_n3A_1332 : vector<16xi1>, vector<16xi32>
      %eq3A_1337 = arith.cmpf oeq, %select_n3A_1287, %max3A_1318 : vector<16xf32>
      %jit3A_1338 = arith.constant 11 : i32
      %broadcast_in_dim3A_1339 = vector.broadcast %jit3A_1338 : i32 to vector<16xi32>
      %select_n3A_1340 = arith.select %eq3A_1337, %broadcast_in_dim3A_1339, %select_n3A_1336 : vector<16xi1>, vector<16xi32>
      %eq3A_1341 = arith.cmpf oeq, %select_n3A_1283, %max3A_1318 : vector<16xf32>
      %jit3A_1342 = arith.constant 10 : i32
      %broadcast_in_dim3A_1343 = vector.broadcast %jit3A_1342 : i32 to vector<16xi32>
      %select_n3A_1344 = arith.select %eq3A_1341, %broadcast_in_dim3A_1343, %select_n3A_1340 : vector<16xi1>, vector<16xi32>
      %eq3A_1345 = arith.cmpf oeq, %select_n3A_1279, %max3A_1318 : vector<16xf32>
      %jit3A_1346 = arith.constant 9 : i32
      %broadcast_in_dim3A_1347 = vector.broadcast %jit3A_1346 : i32 to vector<16xi32>
      %select_n3A_1348 = arith.select %eq3A_1345, %broadcast_in_dim3A_1347, %select_n3A_1344 : vector<16xi1>, vector<16xi32>
      %eq3A_1349 = arith.cmpf oeq, %select_n3A_1275, %max3A_1318 : vector<16xf32>
      %jit3A_1350 = arith.constant 8 : i32
      %broadcast_in_dim3A_1351 = vector.broadcast %jit3A_1350 : i32 to vector<16xi32>
      %select_n3A_1352 = arith.select %eq3A_1349, %broadcast_in_dim3A_1351, %select_n3A_1348 : vector<16xi1>, vector<16xi32>
      %eq3A_1353 = arith.cmpf oeq, %select_n3A_1271, %max3A_1318 : vector<16xf32>
      %jit3A_1354 = arith.constant 7 : i32
      %broadcast_in_dim3A_1355 = vector.broadcast %jit3A_1354 : i32 to vector<16xi32>
      %select_n3A_1356 = arith.select %eq3A_1353, %broadcast_in_dim3A_1355, %select_n3A_1352 : vector<16xi1>, vector<16xi32>
      %eq3A_1357 = arith.cmpf oeq, %select_n3A_1267, %max3A_1318 : vector<16xf32>
      %jit3A_1358 = arith.constant 6 : i32
      %broadcast_in_dim3A_1359 = vector.broadcast %jit3A_1358 : i32 to vector<16xi32>
      %select_n3A_1360 = arith.select %eq3A_1357, %broadcast_in_dim3A_1359, %select_n3A_1356 : vector<16xi1>, vector<16xi32>
      %eq3A_1361 = arith.cmpf oeq, %select_n3A_1263, %max3A_1318 : vector<16xf32>
      %jit3A_1362 = arith.constant 5 : i32
      %broadcast_in_dim3A_1363 = vector.broadcast %jit3A_1362 : i32 to vector<16xi32>
      %select_n3A_1364 = arith.select %eq3A_1361, %broadcast_in_dim3A_1363, %select_n3A_1360 : vector<16xi1>, vector<16xi32>
      %eq3A_1365 = arith.cmpf oeq, %select_n3A_1259, %max3A_1318 : vector<16xf32>
      %jit3A_1366 = arith.constant 4 : i32
      %broadcast_in_dim3A_1367 = vector.broadcast %jit3A_1366 : i32 to vector<16xi32>
      %select_n3A_1368 = arith.select %eq3A_1365, %broadcast_in_dim3A_1367, %select_n3A_1364 : vector<16xi1>, vector<16xi32>
      %eq3A_1369 = arith.cmpf oeq, %select_n3A_1255, %max3A_1318 : vector<16xf32>
      %jit3A_1370 = arith.constant 3 : i32
      %broadcast_in_dim3A_1371 = vector.broadcast %jit3A_1370 : i32 to vector<16xi32>
      %select_n3A_1372 = arith.select %eq3A_1369, %broadcast_in_dim3A_1371, %select_n3A_1368 : vector<16xi1>, vector<16xi32>
      %eq3A_1373 = arith.cmpf oeq, %select_n3A_1251, %max3A_1318 : vector<16xf32>
      %jit3A_1374 = arith.constant 2 : i32
      %broadcast_in_dim3A_1375 = vector.broadcast %jit3A_1374 : i32 to vector<16xi32>
      %select_n3A_1376 = arith.select %eq3A_1373, %broadcast_in_dim3A_1375, %select_n3A_1372 : vector<16xi1>, vector<16xi32>
      %eq3A_1377 = arith.cmpf oeq, %select_n3A_1247, %max3A_1318 : vector<16xf32>
      %jit3A_1378 = arith.constant 1 : i32
      %broadcast_in_dim3A_1379 = vector.broadcast %jit3A_1378 : i32 to vector<16xi32>
      %select_n3A_1380 = arith.select %eq3A_1377, %broadcast_in_dim3A_1379, %select_n3A_1376 : vector<16xi1>, vector<16xi32>
      %eq3A_1381 = arith.cmpf oeq, %select_n3A_1243, %max3A_1318 : vector<16xf32>
      %jit3A_1382 = arith.constant 0 : i32
      %broadcast_in_dim3A_1383 = vector.broadcast %jit3A_1382 : i32 to vector<16xi32>
      %select_n3A_1384 = arith.select %eq3A_1381, %broadcast_in_dim3A_1383, %select_n3A_1380 : vector<16xi1>, vector<16xi32>
      %sub3A = arith.subf %max3A_1318, %max3A_1174 : vector<16xf32>
      %exp3A = math.exp %sub3A : vector<16xf32>
      %add3A_1385 = arith.constant 1.000000e+00 : f32
      %add3A_1386 = vector.broadcast %add3A_1385 : f32 to vector<16xf32>
      %add3A_1387 = arith.addf %add3A_1386, %exp3A : vector<16xf32>
      %div3A = arith.constant 1.000000e+00 : f32
      %div3A_1388 = vector.broadcast %div3A : f32 to vector<16xf32>
      %div3A_1389 = arith.divf %div3A_1388, %add3A_1387 : vector<16xf32>
      %div3A_1390 = arith.divf %exp3A, %add3A_1387 : vector<16xf32>
      %mul3A_1391 = arith.constant 16 : i32
      %mul3A_1392 = arith.muli %scan3A_1049, %mul3A_1391 : i32
      %swap3A = arith.constant 0 : i32
      %swap3A_1393 = arith.index_cast %swap3A : i32 to index
      %swap3A_1394 = arith.index_cast %mul3A_1392 : i32 to index
      %swap3A_1395 = tpu.vector_load %arg7[%swap3A_1393, %swap3A_1394] {strides = array<i32>} : memref<2x512xf32, #tpu.memory_space<vmem>>, vector<1x16xf32>,
      %swap3A_1396 = vector.shape_cast %swap3A_1395 : vector<1x16xf32> to vector<16xf32>
      %swap3A_1397 = vector.shape_cast %div3A_1389 : vector<16xf32> to vector<1x16xf32>
      tpu.vector_store %arg7[%swap3A_1393, %swap3A_1394], %swap3A_1397 {strides = array<i32>} : memref<2x512xf32, #tpu.memory_space<vmem>>, vector<1x16xf32>,
      %mul3A_1398 = arith.constant 16 : i32
      %mul3A_1399 = arith.muli %scan3A_1049, %mul3A_1398 : i32
      %swap3A_1400 = arith.constant 1 : i32
      %swap3A_1401 = arith.index_cast %swap3A_1400 : i32 to index
      %swap3A_1402 = arith.index_cast %mul3A_1399 : i32 to index
      %swap3A_1403 = tpu.vector_load %arg7[%swap3A_1401, %swap3A_1402] {strides = array<i32>} : memref<2x512xf32, #tpu.memory_space<vmem>>, vector<1x16xf32>,
      %swap3A_1404 = vector.shape_cast %swap3A_1403 : vector<1x16xf32> to vector<16xf32>
      %swap3A_1405 = vector.shape_cast %div3A_1390 : vector<16xf32> to vector<1x16xf32>
      tpu.vector_store %arg7[%swap3A_1401, %swap3A_1402], %swap3A_1405 {strides = array<i32>} : memref<2x512xf32, #tpu.memory_space<vmem>>, vector<1x16xf32>,
      %mul3A_1406 = arith.constant 16 : i32
      %mul3A_1407 = arith.muli %scan3A_1049, %mul3A_1406 : i32
      %swap3A_1408 = arith.constant 0 : i32
      %swap3A_1409 = arith.index_cast %swap3A_1408 : i32 to index
      %swap3A_1410 = arith.index_cast %mul3A_1407 : i32 to index
      %swap3A_1411 = tpu.vector_load %arg8[%swap3A_1409, %swap3A_1410] {strides = array<i32>} : memref<2x512xi32, #tpu.memory_space<vmem>>, vector<1x16xi32>,
      %swap3A_1412 = vector.shape_cast %swap3A_1411 : vector<1x16xi32> to vector<16xi32>
      %swap3A_1413 = vector.shape_cast %select_n3A_1237 : vector<16xi32> to vector<1x16xi32>
      tpu.vector_store %arg8[%swap3A_1409, %swap3A_1410], %swap3A_1413 {strides = array<i32>} : memref<2x512xi32, #tpu.memory_space<vmem>>, vector<1x16xi32>,
      %mul3A_1414 = arith.constant 16 : i32
      %mul3A_1415 = arith.muli %scan3A_1049, %mul3A_1414 : i32
      %swap3A_1416 = arith.constant 1 : i32
      %swap3A_1417 = arith.index_cast %swap3A_1416 : i32 to index
      %swap3A_1418 = arith.index_cast %mul3A_1415 : i32 to index
      %swap3A_1419 = tpu.vector_load %arg8[%swap3A_1417, %swap3A_1418] {strides = array<i32>} : memref<2x512xi32, #tpu.memory_space<vmem>>, vector<1x16xi32>,
      %swap3A_1420 = vector.shape_cast %swap3A_1419 : vector<1x16xi32> to vector<16xi32>
      %swap3A_1421 = vector.shape_cast %select_n3A_1384 : vector<16xi32> to vector<1x16xi32>
      tpu.vector_store %arg8[%swap3A_1417, %swap3A_1418], %swap3A_1421 {strides = array<i32>} : memref<2x512xi32, #tpu.memory_space<vmem>>, vector<1x16xi32>,
      %eq3A_1422 = arith.constant 0 : i32
      %eq3A_1423 = vector.broadcast %eq3A_1422 : i32 to vector<16xi32>
      %eq3A_1424 = arith.cmpi eq, %select_n3A_1237, %eq3A_1423 : vector<16xi32>
      %select_n3A_1425 = arith.select %eq3A_1424, %broadcast_in_dim3A_321, %broadcast_in_dim3A_323 : vector<16xi1>, vector<16xi32>
      %mul3A_1426 = arith.constant 16 : i32
      %mul3A_1427 = arith.muli %scan3A_1049, %mul3A_1426 : i32
      %swap3A_1428 = arith.constant 0 : i32
      %swap3A_1429 = arith.index_cast %swap3A_1428 : i32 to index
      %swap3A_1430 = arith.index_cast %mul3A_1427 : i32 to index
      %swap3A_1431 = tpu.vector_load %arg9[%swap3A_1429, %swap3A_1430] {strides = array<i32>} : memref<32x512xi32, #tpu.memory_space<vmem>>, vector<1x16xi32>,
      %swap3A_1432 = vector.shape_cast %swap3A_1431 : vector<1x16xi32> to vector<16xi32>
      %swap3A_1433 = vector.shape_cast %select_n3A_1425 : vector<16xi32> to vector<1x16xi32>
      tpu.vector_store %arg9[%swap3A_1429, %swap3A_1430], %swap3A_1433 {strides = array<i32>} : memref<32x512xi32, #tpu.memory_space<vmem>>, vector<1x16xi32>,
      %eq3A_1434 = arith.constant 0 : i32
      %eq3A_1435 = vector.broadcast %eq3A_1434 : i32 to vector<16xi32>
      %eq3A_1436 = arith.cmpi eq, %select_n3A_1384, %eq3A_1435 : vector<16xi32>
      %select_n3A_1437 = arith.select %eq3A_1436, %broadcast_in_dim3A_321, %broadcast_in_dim3A_323 : vector<16xi1>, vector<16xi32>
      %mul3A_1438 = arith.constant 16 : i32
      %mul3A_1439 = arith.muli %scan3A_1049, %mul3A_1438 : i32
      %swap3A_1440 = arith.constant 1 : i32
      %swap3A_1441 = arith.index_cast %swap3A_1440 : i32 to index
      %swap3A_1442 = arith.index_cast %mul3A_1439 : i32 to index
      %swap3A_1443 = tpu.vector_load %arg9[%swap3A_1441, %swap3A_1442] {strides = array<i32>} : memref<32x512xi32, #tpu.memory_space<vmem>>, vector<1x16xi32>,
      %swap3A_1444 = vector.shape_cast %swap3A_1443 : vector<1x16xi32> to vector<16xi32>
      %swap3A_1445 = vector.shape_cast %select_n3A_1437 : vector<16xi32> to vector<1x16xi32>
      tpu.vector_store %arg9[%swap3A_1441, %swap3A_1442], %swap3A_1445 {strides = array<i32>} : memref<32x512xi32, #tpu.memory_space<vmem>>, vector<1x16xi32>,
      %eq3A_1446 = arith.constant 1 : i32
      %eq3A_1447 = vector.broadcast %eq3A_1446 : i32 to vector<16xi32>
      %eq3A_1448 = arith.cmpi eq, %select_n3A_1237, %eq3A_1447 : vector<16xi32>
      %select_n3A_1449 = arith.select %eq3A_1448, %broadcast_in_dim3A_321, %broadcast_in_dim3A_323 : vector<16xi1>, vector<16xi32>
      %mul3A_1450 = arith.constant 16 : i32
      %mul3A_1451 = arith.muli %scan3A_1049, %mul3A_1450 : i32
      %swap3A_1452 = arith.constant 2 : i32
      %swap3A_1453 = arith.index_cast %swap3A_1452 : i32 to index
      %swap3A_1454 = arith.index_cast %mul3A_1451 : i32 to index
      %swap3A_1455 = tpu.vector_load %arg9[%swap3A_1453, %swap3A_1454] {strides = array<i32>} : memref<32x512xi32, #tpu.memory_space<vmem>>, vector<1x16xi32>,
      %swap3A_1456 = vector.shape_cast %swap3A_1455 : vector<1x16xi32> to vector<16xi32>
      %swap3A_1457 = vector.shape_cast %select_n3A_1449 : vector<16xi32> to vector<1x16xi32>
      tpu.vector_store %arg9[%swap3A_1453, %swap3A_1454], %swap3A_1457 {strides = array<i32>} : memref<32x512xi32, #tpu.memory_space<vmem>>, vector<1x16xi32>,
      %eq3A_1458 = arith.constant 1 : i32
      %eq3A_1459 = vector.broadcast %eq3A_1458 : i32 to vector<16xi32>
      %eq3A_1460 = arith.cmpi eq, %select_n3A_1384, %eq3A_1459 : vector<16xi32>
      %select_n3A_1461 = arith.select %eq3A_1460, %broadcast_in_dim3A_321, %broadcast_in_dim3A_323 : vector<16xi1>, vector<16xi32>
      %mul3A_1462 = arith.constant 16 : i32
      %mul3A_1463 = arith.muli %scan3A_1049, %mul3A_1462 : i32
      %swap3A_1464 = arith.constant 3 : i32
      %swap3A_1465 = arith.index_cast %swap3A_1464 : i32 to index
      %swap3A_1466 = arith.index_cast %mul3A_1463 : i32 to index
      %swap3A_1467 = tpu.vector_load %arg9[%swap3A_1465, %swap3A_1466] {strides = array<i32>} : memref<32x512xi32, #tpu.memory_space<vmem>>, vector<1x16xi32>,
      %swap3A_1468 = vector.shape_cast %swap3A_1467 : vector<1x16xi32> to vector<16xi32>
      %swap3A_1469 = vector.shape_cast %select_n3A_1461 : vector<16xi32> to vector<1x16xi32>
      tpu.vector_store %arg9[%swap3A_1465, %swap3A_1466], %swap3A_1469 {strides = array<i32>} : memref<32x512xi32, #tpu.memory_space<vmem>>, vector<1x16xi32>,
      %eq3A_1470 = arith.constant 2 : i32
      %eq3A_1471 = vector.broadcast %eq3A_1470 : i32 to vector<16xi32>
      %eq3A_1472 = arith.cmpi eq, %select_n3A_1237, %eq3A_1471 : vector<16xi32>
      %select_n3A_1473 = arith.select %eq3A_1472, %broadcast_in_dim3A_321, %broadcast_in_dim3A_323 : vector<16xi1>, vector<16xi32>
      %mul3A_1474 = arith.constant 16 : i32
      %mul3A_1475 = arith.muli %scan3A_1049, %mul3A_1474 : i32
      %swap3A_1476 = arith.constant 4 : i32
      %swap3A_1477 = arith.index_cast %swap3A_1476 : i32 to index
      %swap3A_1478 = arith.index_cast %mul3A_1475 : i32 to index
      %swap3A_1479 = tpu.vector_load %arg9[%swap3A_1477, %swap3A_1478] {strides = array<i32>} : memref<32x512xi32, #tpu.memory_space<vmem>>, vector<1x16xi32>,
      %swap3A_1480 = vector.shape_cast %swap3A_1479 : vector<1x16xi32> to vector<16xi32>
      %swap3A_1481 = vector.shape_cast %select_n3A_1473 : vector<16xi32> to vector<1x16xi32>
      tpu.vector_store %arg9[%swap3A_1477, %swap3A_1478], %swap3A_1481 {strides = array<i32>} : memref<32x512xi32, #tpu.memory_space<vmem>>, vector<1x16xi32>,
      %eq3A_1482 = arith.constant 2 : i32
      %eq3A_1483 = vector.broadcast %eq3A_1482 : i32 to vector<16xi32>
      %eq3A_1484 = arith.cmpi eq, %select_n3A_1384, %eq3A_1483 : vector<16xi32>
      %select_n3A_1485 = arith.select %eq3A_1484, %broadcast_in_dim3A_321, %broadcast_in_dim3A_323 : vector<16xi1>, vector<16xi32>
      %mul3A_1486 = arith.constant 16 : i32
      %mul3A_1487 = arith.muli %scan3A_1049, %mul3A_1486 : i32
      %swap3A_1488 = arith.constant 5 : i32
      %swap3A_1489 = arith.index_cast %swap3A_1488 : i32 to index
      %swap3A_1490 = arith.index_cast %mul3A_1487 : i32 to index
      %swap3A_1491 = tpu.vector_load %arg9[%swap3A_1489, %swap3A_1490] {strides = array<i32>} : memref<32x512xi32, #tpu.memory_space<vmem>>, vector<1x16xi32>,
      %swap3A_1492 = vector.shape_cast %swap3A_1491 : vector<1x16xi32> to vector<16xi32>
      %swap3A_1493 = vector.shape_cast %select_n3A_1485 : vector<16xi32> to vector<1x16xi32>
      tpu.vector_store %arg9[%swap3A_1489, %swap3A_1490], %swap3A_1493 {strides = array<i32>} : memref<32x512xi32, #tpu.memory_space<vmem>>, vector<1x16xi32>,
      %eq3A_1494 = arith.constant 3 : i32
      %eq3A_1495 = vector.broadcast %eq3A_1494 : i32 to vector<16xi32>
      %eq3A_1496 = arith.cmpi eq, %select_n3A_1237, %eq3A_1495 : vector<16xi32>
      %select_n3A_1497 = arith.select %eq3A_1496, %broadcast_in_dim3A_321, %broadcast_in_dim3A_323 : vector<16xi1>, vector<16xi32>
      %mul3A_1498 = arith.constant 16 : i32
      %mul3A_1499 = arith.muli %scan3A_1049, %mul3A_1498 : i32
      %swap3A_1500 = arith.constant 6 : i32
      %swap3A_1501 = arith.index_cast %swap3A_1500 : i32 to index
      %swap3A_1502 = arith.index_cast %mul3A_1499 : i32 to index
      %swap3A_1503 = tpu.vector_load %arg9[%swap3A_1501, %swap3A_1502] {strides = array<i32>} : memref<32x512xi32, #tpu.memory_space<vmem>>, vector<1x16xi32>,
      %swap3A_1504 = vector.shape_cast %swap3A_1503 : vector<1x16xi32> to vector<16xi32>
      %swap3A_1505 = vector.shape_cast %select_n3A_1497 : vector<16xi32> to vector<1x16xi32>
      tpu.vector_store %arg9[%swap3A_1501, %swap3A_1502], %swap3A_1505 {strides = array<i32>} : memref<32x512xi32, #tpu.memory_space<vmem>>, vector<1x16xi32>,
      %eq3A_1506 = arith.constant 3 : i32
      %eq3A_1507 = vector.broadcast %eq3A_1506 : i32 to vector<16xi32>
      %eq3A_1508 = arith.cmpi eq, %select_n3A_1384, %eq3A_1507 : vector<16xi32>
      %select_n3A_1509 = arith.select %eq3A_1508, %broadcast_in_dim3A_321, %broadcast_in_dim3A_323 : vector<16xi1>, vector<16xi32>
      %mul3A_1510 = arith.constant 16 : i32
      %mul3A_1511 = arith.muli %scan3A_1049, %mul3A_1510 : i32
      %swap3A_1512 = arith.constant 7 : i32
      %swap3A_1513 = arith.index_cast %swap3A_1512 : i32 to index
      %swap3A_1514 = arith.index_cast %mul3A_1511 : i32 to index
      %swap3A_1515 = tpu.vector_load %arg9[%swap3A_1513, %swap3A_1514] {strides = array<i32>} : memref<32x512xi32, #tpu.memory_space<vmem>>, vector<1x16xi32>,
      %swap3A_1516 = vector.shape_cast %swap3A_1515 : vector<1x16xi32> to vector<16xi32>
      %swap3A_1517 = vector.shape_cast %select_n3A_1509 : vector<16xi32> to vector<1x16xi32>
      tpu.vector_store %arg9[%swap3A_1513, %swap3A_1514], %swap3A_1517 {strides = array<i32>} : memref<32x512xi32, #tpu.memory_space<vmem>>, vector<1x16xi32>,
      %eq3A_1518 = arith.constant 4 : i32
      %eq3A_1519 = vector.broadcast %eq3A_1518 : i32 to vector<16xi32>
      %eq3A_1520 = arith.cmpi eq, %select_n3A_1237, %eq3A_1519 : vector<16xi32>
      %select_n3A_1521 = arith.select %eq3A_1520, %broadcast_in_dim3A_321, %broadcast_in_dim3A_323 : vector<16xi1>, vector<16xi32>
      %mul3A_1522 = arith.constant 16 : i32
      %mul3A_1523 = arith.muli %scan3A_1049, %mul3A_1522 : i32
      %swap3A_1524 = arith.constant 8 : i32
      %swap3A_1525 = arith.index_cast %swap3A_1524 : i32 to index
      %swap3A_1526 = arith.index_cast %mul3A_1523 : i32 to index
      %swap3A_1527 = tpu.vector_load %arg9[%swap3A_1525, %swap3A_1526] {strides = array<i32>} : memref<32x512xi32, #tpu.memory_space<vmem>>, vector<1x16xi32>,
      %swap3A_1528 = vector.shape_cast %swap3A_1527 : vector<1x16xi32> to vector<16xi32>
      %swap3A_1529 = vector.shape_cast %select_n3A_1521 : vector<16xi32> to vector<1x16xi32>
      tpu.vector_store %arg9[%swap3A_1525, %swap3A_1526], %swap3A_1529 {strides = array<i32>} : memref<32x512xi32, #tpu.memory_space<vmem>>, vector<1x16xi32>,
      %eq3A_1530 = arith.constant 4 : i32
      %eq3A_1531 = vector.broadcast %eq3A_1530 : i32 to vector<16xi32>
      %eq3A_1532 = arith.cmpi eq, %select_n3A_1384, %eq3A_1531 : vector<16xi32>
      %select_n3A_1533 = arith.select %eq3A_1532, %broadcast_in_dim3A_321, %broadcast_in_dim3A_323 : vector<16xi1>, vector<16xi32>
      %mul3A_1534 = arith.constant 16 : i32
      %mul3A_1535 = arith.muli %scan3A_1049, %mul3A_1534 : i32
      %swap3A_1536 = arith.constant 9 : i32
      %swap3A_1537 = arith.index_cast %swap3A_1536 : i32 to index
      %swap3A_1538 = arith.index_cast %mul3A_1535 : i32 to index
      %swap3A_1539 = tpu.vector_load %arg9[%swap3A_1537, %swap3A_1538] {strides = array<i32>} : memref<32x512xi32, #tpu.memory_space<vmem>>, vector<1x16xi32>,
      %swap3A_1540 = vector.shape_cast %swap3A_1539 : vector<1x16xi32> to vector<16xi32>
      %swap3A_1541 = vector.shape_cast %select_n3A_1533 : vector<16xi32> to vector<1x16xi32>
      tpu.vector_store %arg9[%swap3A_1537, %swap3A_1538], %swap3A_1541 {strides = array<i32>} : memref<32x512xi32, #tpu.memory_space<vmem>>, vector<1x16xi32>,
      %eq3A_1542 = arith.constant 5 : i32
      %eq3A_1543 = vector.broadcast %eq3A_1542 : i32 to vector<16xi32>
      %eq3A_1544 = arith.cmpi eq, %select_n3A_1237, %eq3A_1543 : vector<16xi32>
      %select_n3A_1545 = arith.select %eq3A_1544, %broadcast_in_dim3A_321, %broadcast_in_dim3A_323 : vector<16xi1>, vector<16xi32>
      %mul3A_1546 = arith.constant 16 : i32
      %mul3A_1547 = arith.muli %scan3A_1049, %mul3A_1546 : i32
      %swap3A_1548 = arith.constant 10 : i32
      %swap3A_1549 = arith.index_cast %swap3A_1548 : i32 to index
      %swap3A_1550 = arith.index_cast %mul3A_1547 : i32 to index
      %swap3A_1551 = tpu.vector_load %arg9[%swap3A_1549, %swap3A_1550] {strides = array<i32>} : memref<32x512xi32, #tpu.memory_space<vmem>>, vector<1x16xi32>,
      %swap3A_1552 = vector.shape_cast %swap3A_1551 : vector<1x16xi32> to vector<16xi32>
      %swap3A_1553 = vector.shape_cast %select_n3A_1545 : vector<16xi32> to vector<1x16xi32>
      tpu.vector_store %arg9[%swap3A_1549, %swap3A_1550], %swap3A_1553 {strides = array<i32>} : memref<32x512xi32, #tpu.memory_space<vmem>>, vector<1x16xi32>,
      %eq3A_1554 = arith.constant 5 : i32
      %eq3A_1555 = vector.broadcast %eq3A_1554 : i32 to vector<16xi32>
      %eq3A_1556 = arith.cmpi eq, %select_n3A_1384, %eq3A_1555 : vector<16xi32>
      %select_n3A_1557 = arith.select %eq3A_1556, %broadcast_in_dim3A_321, %broadcast_in_dim3A_323 : vector<16xi1>, vector<16xi32>
      %mul3A_1558 = arith.constant 16 : i32
      %mul3A_1559 = arith.muli %scan3A_1049, %mul3A_1558 : i32
      %swap3A_1560 = arith.constant 11 : i32
      %swap3A_1561 = arith.index_cast %swap3A_1560 : i32 to index
      %swap3A_1562 = arith.index_cast %mul3A_1559 : i32 to index
      %swap3A_1563 = tpu.vector_load %arg9[%swap3A_1561, %swap3A_1562] {strides = array<i32>} : memref<32x512xi32, #tpu.memory_space<vmem>>, vector<1x16xi32>,
      %swap3A_1564 = vector.shape_cast %swap3A_1563 : vector<1x16xi32> to vector<16xi32>
      %swap3A_1565 = vector.shape_cast %select_n3A_1557 : vector<16xi32> to vector<1x16xi32>
      tpu.vector_store %arg9[%swap3A_1561, %swap3A_1562], %swap3A_1565 {strides = array<i32>} : memref<32x512xi32, #tpu.memory_space<vmem>>, vector<1x16xi32>,
      %eq3A_1566 = arith.constant 6 : i32
      %eq3A_1567 = vector.broadcast %eq3A_1566 : i32 to vector<16xi32>
      %eq3A_1568 = arith.cmpi eq, %select_n3A_1237, %eq3A_1567 : vector<16xi32>
      %select_n3A_1569 = arith.select %eq3A_1568, %broadcast_in_dim3A_321, %broadcast_in_dim3A_323 : vector<16xi1>, vector<16xi32>
      %mul3A_1570 = arith.constant 16 : i32
      %mul3A_1571 = arith.muli %scan3A_1049, %mul3A_1570 : i32
      %swap3A_1572 = arith.constant 12 : i32
      %swap3A_1573 = arith.index_cast %swap3A_1572 : i32 to index
      %swap3A_1574 = arith.index_cast %mul3A_1571 : i32 to index
      %swap3A_1575 = tpu.vector_load %arg9[%swap3A_1573, %swap3A_1574] {strides = array<i32>} : memref<32x512xi32, #tpu.memory_space<vmem>>, vector<1x16xi32>,
      %swap3A_1576 = vector.shape_cast %swap3A_1575 : vector<1x16xi32> to vector<16xi32>
      %swap3A_1577 = vector.shape_cast %select_n3A_1569 : vector<16xi32> to vector<1x16xi32>
      tpu.vector_store %arg9[%swap3A_1573, %swap3A_1574], %swap3A_1577 {strides = array<i32>} : memref<32x512xi32, #tpu.memory_space<vmem>>, vector<1x16xi32>,
      %eq3A_1578 = arith.constant 6 : i32
      %eq3A_1579 = vector.broadcast %eq3A_1578 : i32 to vector<16xi32>
      %eq3A_1580 = arith.cmpi eq, %select_n3A_1384, %eq3A_1579 : vector<16xi32>
      %select_n3A_1581 = arith.select %eq3A_1580, %broadcast_in_dim3A_321, %broadcast_in_dim3A_323 : vector<16xi1>, vector<16xi32>
      %mul3A_1582 = arith.constant 16 : i32
      %mul3A_1583 = arith.muli %scan3A_1049, %mul3A_1582 : i32
      %swap3A_1584 = arith.constant 13 : i32
      %swap3A_1585 = arith.index_cast %swap3A_1584 : i32 to index
      %swap3A_1586 = arith.index_cast %mul3A_1583 : i32 to index
      %swap3A_1587 = tpu.vector_load %arg9[%swap3A_1585, %swap3A_1586] {strides = array<i32>} : memref<32x512xi32, #tpu.memory_space<vmem>>, vector<1x16xi32>,
      %swap3A_1588 = vector.shape_cast %swap3A_1587 : vector<1x16xi32> to vector<16xi32>
      %swap3A_1589 = vector.shape_cast %select_n3A_1581 : vector<16xi32> to vector<1x16xi32>
      tpu.vector_store %arg9[%swap3A_1585, %swap3A_1586], %swap3A_1589 {strides = array<i32>} : memref<32x512xi32, #tpu.memory_space<vmem>>, vector<1x16xi32>,
      %eq3A_1590 = arith.constant 7 : i32
      %eq3A_1591 = vector.broadcast %eq3A_1590 : i32 to vector<16xi32>
      %eq3A_1592 = arith.cmpi eq, %select_n3A_1237, %eq3A_1591 : vector<16xi32>
      %select_n3A_1593 = arith.select %eq3A_1592, %broadcast_in_dim3A_321, %broadcast_in_dim3A_323 : vector<16xi1>, vector<16xi32>
      %mul3A_1594 = arith.constant 16 : i32
      %mul3A_1595 = arith.muli %scan3A_1049, %mul3A_1594 : i32
      %swap3A_1596 = arith.constant 14 : i32
      %swap3A_1597 = arith.index_cast %swap3A_1596 : i32 to index
      %swap3A_1598 = arith.index_cast %mul3A_1595 : i32 to index
      %swap3A_1599 = tpu.vector_load %arg9[%swap3A_1597, %swap3A_1598] {strides = array<i32>} : memref<32x512xi32, #tpu.memory_space<vmem>>, vector<1x16xi32>,
      %swap3A_1600 = vector.shape_cast %swap3A_1599 : vector<1x16xi32> to vector<16xi32>
      %swap3A_1601 = vector.shape_cast %select_n3A_1593 : vector<16xi32> to vector<1x16xi32>
      tpu.vector_store %arg9[%swap3A_1597, %swap3A_1598], %swap3A_1601 {strides = array<i32>} : memref<32x512xi32, #tpu.memory_space<vmem>>, vector<1x16xi32>,
      %eq3A_1602 = arith.constant 7 : i32
      %eq3A_1603 = vector.broadcast %eq3A_1602 : i32 to vector<16xi32>
      %eq3A_1604 = arith.cmpi eq, %select_n3A_1384, %eq3A_1603 : vector<16xi32>
      %select_n3A_1605 = arith.select %eq3A_1604, %broadcast_in_dim3A_321, %broadcast_in_dim3A_323 : vector<16xi1>, vector<16xi32>
      %mul3A_1606 = arith.constant 16 : i32
      %mul3A_1607 = arith.muli %scan3A_1049, %mul3A_1606 : i32
      %swap3A_1608 = arith.constant 15 : i32
      %swap3A_1609 = arith.index_cast %swap3A_1608 : i32 to index
      %swap3A_1610 = arith.index_cast %mul3A_1607 : i32 to index
      %swap3A_1611 = tpu.vector_load %arg9[%swap3A_1609, %swap3A_1610] {strides = array<i32>} : memref<32x512xi32, #tpu.memory_space<vmem>>, vector<1x16xi32>,
      %swap3A_1612 = vector.shape_cast %swap3A_1611 : vector<1x16xi32> to vector<16xi32>
      %swap3A_1613 = vector.shape_cast %select_n3A_1605 : vector<16xi32> to vector<1x16xi32>
      tpu.vector_store %arg9[%swap3A_1609, %swap3A_1610], %swap3A_1613 {strides = array<i32>} : memref<32x512xi32, #tpu.memory_space<vmem>>, vector<1x16xi32>,
      %eq3A_1614 = arith.constant 8 : i32
      %eq3A_1615 = vector.broadcast %eq3A_1614 : i32 to vector<16xi32>
      %eq3A_1616 = arith.cmpi eq, %select_n3A_1237, %eq3A_1615 : vector<16xi32>
      %select_n3A_1617 = arith.select %eq3A_1616, %broadcast_in_dim3A_321, %broadcast_in_dim3A_323 : vector<16xi1>, vector<16xi32>
      %mul3A_1618 = arith.constant 16 : i32
      %mul3A_1619 = arith.muli %scan3A_1049, %mul3A_1618 : i32
      %swap3A_1620 = arith.constant 16 : i32
      %swap3A_1621 = arith.index_cast %swap3A_1620 : i32 to index
      %swap3A_1622 = arith.index_cast %mul3A_1619 : i32 to index
      %swap3A_1623 = tpu.vector_load %arg9[%swap3A_1621, %swap3A_1622] {strides = array<i32>} : memref<32x512xi32, #tpu.memory_space<vmem>>, vector<1x16xi32>,
      %swap3A_1624 = vector.shape_cast %swap3A_1623 : vector<1x16xi32> to vector<16xi32>
      %swap3A_1625 = vector.shape_cast %select_n3A_1617 : vector<16xi32> to vector<1x16xi32>
      tpu.vector_store %arg9[%swap3A_1621, %swap3A_1622], %swap3A_1625 {strides = array<i32>} : memref<32x512xi32, #tpu.memory_space<vmem>>, vector<1x16xi32>,
      %eq3A_1626 = arith.constant 8 : i32
      %eq3A_1627 = vector.broadcast %eq3A_1626 : i32 to vector<16xi32>
      %eq3A_1628 = arith.cmpi eq, %select_n3A_1384, %eq3A_1627 : vector<16xi32>
      %select_n3A_1629 = arith.select %eq3A_1628, %broadcast_in_dim3A_321, %broadcast_in_dim3A_323 : vector<16xi1>, vector<16xi32>
      %mul3A_1630 = arith.constant 16 : i32
      %mul3A_1631 = arith.muli %scan3A_1049, %mul3A_1630 : i32
      %swap3A_1632 = arith.constant 17 : i32
      %swap3A_1633 = arith.index_cast %swap3A_1632 : i32 to index
      %swap3A_1634 = arith.index_cast %mul3A_1631 : i32 to index
      %swap3A_1635 = tpu.vector_load %arg9[%swap3A_1633, %swap3A_1634] {strides = array<i32>} : memref<32x512xi32, #tpu.memory_space<vmem>>, vector<1x16xi32>,
      %swap3A_1636 = vector.shape_cast %swap3A_1635 : vector<1x16xi32> to vector<16xi32>
      %swap3A_1637 = vector.shape_cast %select_n3A_1629 : vector<16xi32> to vector<1x16xi32>
      tpu.vector_store %arg9[%swap3A_1633, %swap3A_1634], %swap3A_1637 {strides = array<i32>} : memref<32x512xi32, #tpu.memory_space<vmem>>, vector<1x16xi32>,
      %eq3A_1638 = arith.constant 9 : i32
      %eq3A_1639 = vector.broadcast %eq3A_1638 : i32 to vector<16xi32>
      %eq3A_1640 = arith.cmpi eq, %select_n3A_1237, %eq3A_1639 : vector<16xi32>
      %select_n3A_1641 = arith.select %eq3A_1640, %broadcast_in_dim3A_321, %broadcast_in_dim3A_323 : vector<16xi1>, vector<16xi32>
      %mul3A_1642 = arith.constant 16 : i32
      %mul3A_1643 = arith.muli %scan3A_1049, %mul3A_1642 : i32
      %swap3A_1644 = arith.constant 18 : i32
      %swap3A_1645 = arith.index_cast %swap3A_1644 : i32 to index
      %swap3A_1646 = arith.index_cast %mul3A_1643 : i32 to index
      %swap3A_1647 = tpu.vector_load %arg9[%swap3A_1645, %swap3A_1646] {strides = array<i32>} : memref<32x512xi32, #tpu.memory_space<vmem>>, vector<1x16xi32>,
      %swap3A_1648 = vector.shape_cast %swap3A_1647 : vector<1x16xi32> to vector<16xi32>
      %swap3A_1649 = vector.shape_cast %select_n3A_1641 : vector<16xi32> to vector<1x16xi32>
      tpu.vector_store %arg9[%swap3A_1645, %swap3A_1646], %swap3A_1649 {strides = array<i32>} : memref<32x512xi32, #tpu.memory_space<vmem>>, vector<1x16xi32>,
      %eq3A_1650 = arith.constant 9 : i32
      %eq3A_1651 = vector.broadcast %eq3A_1650 : i32 to vector<16xi32>
      %eq3A_1652 = arith.cmpi eq, %select_n3A_1384, %eq3A_1651 : vector<16xi32>
      %select_n3A_1653 = arith.select %eq3A_1652, %broadcast_in_dim3A_321, %broadcast_in_dim3A_323 : vector<16xi1>, vector<16xi32>
      %mul3A_1654 = arith.constant 16 : i32
      %mul3A_1655 = arith.muli %scan3A_1049, %mul3A_1654 : i32
      %swap3A_1656 = arith.constant 19 : i32
      %swap3A_1657 = arith.index_cast %swap3A_1656 : i32 to index
      %swap3A_1658 = arith.index_cast %mul3A_1655 : i32 to index
      %swap3A_1659 = tpu.vector_load %arg9[%swap3A_1657, %swap3A_1658] {strides = array<i32>} : memref<32x512xi32, #tpu.memory_space<vmem>>, vector<1x16xi32>,
      %swap3A_1660 = vector.shape_cast %swap3A_1659 : vector<1x16xi32> to vector<16xi32>
      %swap3A_1661 = vector.shape_cast %select_n3A_1653 : vector<16xi32> to vector<1x16xi32>
      tpu.vector_store %arg9[%swap3A_1657, %swap3A_1658], %swap3A_1661 {strides = array<i32>} : memref<32x512xi32, #tpu.memory_space<vmem>>, vector<1x16xi32>,
      %eq3A_1662 = arith.constant 10 : i32
      %eq3A_1663 = vector.broadcast %eq3A_1662 : i32 to vector<16xi32>
      %eq3A_1664 = arith.cmpi eq, %select_n3A_1237, %eq3A_1663 : vector<16xi32>
      %select_n3A_1665 = arith.select %eq3A_1664, %broadcast_in_dim3A_321, %broadcast_in_dim3A_323 : vector<16xi1>, vector<16xi32>
      %mul3A_1666 = arith.constant 16 : i32
      %mul3A_1667 = arith.muli %scan3A_1049, %mul3A_1666 : i32
      %swap3A_1668 = arith.constant 20 : i32
      %swap3A_1669 = arith.index_cast %swap3A_1668 : i32 to index
      %swap3A_1670 = arith.index_cast %mul3A_1667 : i32 to index
      %swap3A_1671 = tpu.vector_load %arg9[%swap3A_1669, %swap3A_1670] {strides = array<i32>} : memref<32x512xi32, #tpu.memory_space<vmem>>, vector<1x16xi32>,
      %swap3A_1672 = vector.shape_cast %swap3A_1671 : vector<1x16xi32> to vector<16xi32>
      %swap3A_1673 = vector.shape_cast %select_n3A_1665 : vector<16xi32> to vector<1x16xi32>
      tpu.vector_store %arg9[%swap3A_1669, %swap3A_1670], %swap3A_1673 {strides = array<i32>} : memref<32x512xi32, #tpu.memory_space<vmem>>, vector<1x16xi32>,
      %eq3A_1674 = arith.constant 10 : i32
      %eq3A_1675 = vector.broadcast %eq3A_1674 : i32 to vector<16xi32>
      %eq3A_1676 = arith.cmpi eq, %select_n3A_1384, %eq3A_1675 : vector<16xi32>
      %select_n3A_1677 = arith.select %eq3A_1676, %broadcast_in_dim3A_321, %broadcast_in_dim3A_323 : vector<16xi1>, vector<16xi32>
      %mul3A_1678 = arith.constant 16 : i32
      %mul3A_1679 = arith.muli %scan3A_1049, %mul3A_1678 : i32
      %swap3A_1680 = arith.constant 21 : i32
      %swap3A_1681 = arith.index_cast %swap3A_1680 : i32 to index
      %swap3A_1682 = arith.index_cast %mul3A_1679 : i32 to index
      %swap3A_1683 = tpu.vector_load %arg9[%swap3A_1681, %swap3A_1682] {strides = array<i32>} : memref<32x512xi32, #tpu.memory_space<vmem>>, vector<1x16xi32>,
      %swap3A_1684 = vector.shape_cast %swap3A_1683 : vector<1x16xi32> to vector<16xi32>
      %swap3A_1685 = vector.shape_cast %select_n3A_1677 : vector<16xi32> to vector<1x16xi32>
      tpu.vector_store %arg9[%swap3A_1681, %swap3A_1682], %swap3A_1685 {strides = array<i32>} : memref<32x512xi32, #tpu.memory_space<vmem>>, vector<1x16xi32>,
      %eq3A_1686 = arith.constant 11 : i32
      %eq3A_1687 = vector.broadcast %eq3A_1686 : i32 to vector<16xi32>
      %eq3A_1688 = arith.cmpi eq, %select_n3A_1237, %eq3A_1687 : vector<16xi32>
      %select_n3A_1689 = arith.select %eq3A_1688, %broadcast_in_dim3A_321, %broadcast_in_dim3A_323 : vector<16xi1>, vector<16xi32>
      %mul3A_1690 = arith.constant 16 : i32
      %mul3A_1691 = arith.muli %scan3A_1049, %mul3A_1690 : i32
      %swap3A_1692 = arith.constant 22 : i32
      %swap3A_1693 = arith.index_cast %swap3A_1692 : i32 to index
      %swap3A_1694 = arith.index_cast %mul3A_1691 : i32 to index
      %swap3A_1695 = tpu.vector_load %arg9[%swap3A_1693, %swap3A_1694] {strides = array<i32>} : memref<32x512xi32, #tpu.memory_space<vmem>>, vector<1x16xi32>,
      %swap3A_1696 = vector.shape_cast %swap3A_1695 : vector<1x16xi32> to vector<16xi32>
      %swap3A_1697 = vector.shape_cast %select_n3A_1689 : vector<16xi32> to vector<1x16xi32>
      tpu.vector_store %arg9[%swap3A_1693, %swap3A_1694], %swap3A_1697 {strides = array<i32>} : memref<32x512xi32, #tpu.memory_space<vmem>>, vector<1x16xi32>,
      %eq3A_1698 = arith.constant 11 : i32
      %eq3A_1699 = vector.broadcast %eq3A_1698 : i32 to vector<16xi32>
      %eq3A_1700 = arith.cmpi eq, %select_n3A_1384, %eq3A_1699 : vector<16xi32>
      %select_n3A_1701 = arith.select %eq3A_1700, %broadcast_in_dim3A_321, %broadcast_in_dim3A_323 : vector<16xi1>, vector<16xi32>
      %mul3A_1702 = arith.constant 16 : i32
      %mul3A_1703 = arith.muli %scan3A_1049, %mul3A_1702 : i32
      %swap3A_1704 = arith.constant 23 : i32
      %swap3A_1705 = arith.index_cast %swap3A_1704 : i32 to index
      %swap3A_1706 = arith.index_cast %mul3A_1703 : i32 to index
      %swap3A_1707 = tpu.vector_load %arg9[%swap3A_1705, %swap3A_1706] {strides = array<i32>} : memref<32x512xi32, #tpu.memory_space<vmem>>, vector<1x16xi32>,
      %swap3A_1708 = vector.shape_cast %swap3A_1707 : vector<1x16xi32> to vector<16xi32>
      %swap3A_1709 = vector.shape_cast %select_n3A_1701 : vector<16xi32> to vector<1x16xi32>
      tpu.vector_store %arg9[%swap3A_1705, %swap3A_1706], %swap3A_1709 {strides = array<i32>} : memref<32x512xi32, #tpu.memory_space<vmem>>, vector<1x16xi32>,
      %eq3A_1710 = arith.constant 12 : i32
      %eq3A_1711 = vector.broadcast %eq3A_1710 : i32 to vector<16xi32>
      %eq3A_1712 = arith.cmpi eq, %select_n3A_1237, %eq3A_1711 : vector<16xi32>
      %select_n3A_1713 = arith.select %eq3A_1712, %broadcast_in_dim3A_321, %broadcast_in_dim3A_323 : vector<16xi1>, vector<16xi32>
      %mul3A_1714 = arith.constant 16 : i32
      %mul3A_1715 = arith.muli %scan3A_1049, %mul3A_1714 : i32
      %swap3A_1716 = arith.constant 24 : i32
      %swap3A_1717 = arith.index_cast %swap3A_1716 : i32 to index
      %swap3A_1718 = arith.index_cast %mul3A_1715 : i32 to index
      %swap3A_1719 = tpu.vector_load %arg9[%swap3A_1717, %swap3A_1718] {strides = array<i32>} : memref<32x512xi32, #tpu.memory_space<vmem>>, vector<1x16xi32>,
      %swap3A_1720 = vector.shape_cast %swap3A_1719 : vector<1x16xi32> to vector<16xi32>
      %swap3A_1721 = vector.shape_cast %select_n3A_1713 : vector<16xi32> to vector<1x16xi32>
      tpu.vector_store %arg9[%swap3A_1717, %swap3A_1718], %swap3A_1721 {strides = array<i32>} : memref<32x512xi32, #tpu.memory_space<vmem>>, vector<1x16xi32>,
      %eq3A_1722 = arith.constant 12 : i32
      %eq3A_1723 = vector.broadcast %eq3A_1722 : i32 to vector<16xi32>
      %eq3A_1724 = arith.cmpi eq, %select_n3A_1384, %eq3A_1723 : vector<16xi32>
      %select_n3A_1725 = arith.select %eq3A_1724, %broadcast_in_dim3A_321, %broadcast_in_dim3A_323 : vector<16xi1>, vector<16xi32>
      %mul3A_1726 = arith.constant 16 : i32
      %mul3A_1727 = arith.muli %scan3A_1049, %mul3A_1726 : i32
      %swap3A_1728 = arith.constant 25 : i32
      %swap3A_1729 = arith.index_cast %swap3A_1728 : i32 to index
      %swap3A_1730 = arith.index_cast %mul3A_1727 : i32 to index
      %swap3A_1731 = tpu.vector_load %arg9[%swap3A_1729, %swap3A_1730] {strides = array<i32>} : memref<32x512xi32, #tpu.memory_space<vmem>>, vector<1x16xi32>,
      %swap3A_1732 = vector.shape_cast %swap3A_1731 : vector<1x16xi32> to vector<16xi32>
      %swap3A_1733 = vector.shape_cast %select_n3A_1725 : vector<16xi32> to vector<1x16xi32>
      tpu.vector_store %arg9[%swap3A_1729, %swap3A_1730], %swap3A_1733 {strides = array<i32>} : memref<32x512xi32, #tpu.memory_space<vmem>>, vector<1x16xi32>,
      %eq3A_1734 = arith.constant 13 : i32
      %eq3A_1735 = vector.broadcast %eq3A_1734 : i32 to vector<16xi32>
      %eq3A_1736 = arith.cmpi eq, %select_n3A_1237, %eq3A_1735 : vector<16xi32>
      %select_n3A_1737 = arith.select %eq3A_1736, %broadcast_in_dim3A_321, %broadcast_in_dim3A_323 : vector<16xi1>, vector<16xi32>
      %mul3A_1738 = arith.constant 16 : i32
      %mul3A_1739 = arith.muli %scan3A_1049, %mul3A_1738 : i32
      %swap3A_1740 = arith.constant 26 : i32
      %swap3A_1741 = arith.index_cast %swap3A_1740 : i32 to index
      %swap3A_1742 = arith.index_cast %mul3A_1739 : i32 to index
      %swap3A_1743 = tpu.vector_load %arg9[%swap3A_1741, %swap3A_1742] {strides = array<i32>} : memref<32x512xi32, #tpu.memory_space<vmem>>, vector<1x16xi32>,
      %swap3A_1744 = vector.shape_cast %swap3A_1743 : vector<1x16xi32> to vector<16xi32>
      %swap3A_1745 = vector.shape_cast %select_n3A_1737 : vector<16xi32> to vector<1x16xi32>
      tpu.vector_store %arg9[%swap3A_1741, %swap3A_1742], %swap3A_1745 {strides = array<i32>} : memref<32x512xi32, #tpu.memory_space<vmem>>, vector<1x16xi32>,
      %eq3A_1746 = arith.constant 13 : i32
      %eq3A_1747 = vector.broadcast %eq3A_1746 : i32 to vector<16xi32>
      %eq3A_1748 = arith.cmpi eq, %select_n3A_1384, %eq3A_1747 : vector<16xi32>
      %select_n3A_1749 = arith.select %eq3A_1748, %broadcast_in_dim3A_321, %broadcast_in_dim3A_323 : vector<16xi1>, vector<16xi32>
      %mul3A_1750 = arith.constant 16 : i32
      %mul3A_1751 = arith.muli %scan3A_1049, %mul3A_1750 : i32
      %swap3A_1752 = arith.constant 27 : i32
      %swap3A_1753 = arith.index_cast %swap3A_1752 : i32 to index
      %swap3A_1754 = arith.index_cast %mul3A_1751 : i32 to index
      %swap3A_1755 = tpu.vector_load %arg9[%swap3A_1753, %swap3A_1754] {strides = array<i32>} : memref<32x512xi32, #tpu.memory_space<vmem>>, vector<1x16xi32>,
      %swap3A_1756 = vector.shape_cast %swap3A_1755 : vector<1x16xi32> to vector<16xi32>
      %swap3A_1757 = vector.shape_cast %select_n3A_1749 : vector<16xi32> to vector<1x16xi32>
      tpu.vector_store %arg9[%swap3A_1753, %swap3A_1754], %swap3A_1757 {strides = array<i32>} : memref<32x512xi32, #tpu.memory_space<vmem>>, vector<1x16xi32>,
      %eq3A_1758 = arith.constant 14 : i32
      %eq3A_1759 = vector.broadcast %eq3A_1758 : i32 to vector<16xi32>
      %eq3A_1760 = arith.cmpi eq, %select_n3A_1237, %eq3A_1759 : vector<16xi32>
      %select_n3A_1761 = arith.select %eq3A_1760, %broadcast_in_dim3A_321, %broadcast_in_dim3A_323 : vector<16xi1>, vector<16xi32>
      %mul3A_1762 = arith.constant 16 : i32
      %mul3A_1763 = arith.muli %scan3A_1049, %mul3A_1762 : i32
      %swap3A_1764 = arith.constant 28 : i32
      %swap3A_1765 = arith.index_cast %swap3A_1764 : i32 to index
      %swap3A_1766 = arith.index_cast %mul3A_1763 : i32 to index
      %swap3A_1767 = tpu.vector_load %arg9[%swap3A_1765, %swap3A_1766] {strides = array<i32>} : memref<32x512xi32, #tpu.memory_space<vmem>>, vector<1x16xi32>,
      %swap3A_1768 = vector.shape_cast %swap3A_1767 : vector<1x16xi32> to vector<16xi32>
      %swap3A_1769 = vector.shape_cast %select_n3A_1761 : vector<16xi32> to vector<1x16xi32>
      tpu.vector_store %arg9[%swap3A_1765, %swap3A_1766], %swap3A_1769 {strides = array<i32>} : memref<32x512xi32, #tpu.memory_space<vmem>>, vector<1x16xi32>,
      %eq3A_1770 = arith.constant 14 : i32
      %eq3A_1771 = vector.broadcast %eq3A_1770 : i32 to vector<16xi32>
      %eq3A_1772 = arith.cmpi eq, %select_n3A_1384, %eq3A_1771 : vector<16xi32>
      %select_n3A_1773 = arith.select %eq3A_1772, %broadcast_in_dim3A_321, %broadcast_in_dim3A_323 : vector<16xi1>, vector<16xi32>
      %mul3A_1774 = arith.constant 16 : i32
      %mul3A_1775 = arith.muli %scan3A_1049, %mul3A_1774 : i32
      %swap3A_1776 = arith.constant 29 : i32
      %swap3A_1777 = arith.index_cast %swap3A_1776 : i32 to index
      %swap3A_1778 = arith.index_cast %mul3A_1775 : i32 to index
      %swap3A_1779 = tpu.vector_load %arg9[%swap3A_1777, %swap3A_1778] {strides = array<i32>} : memref<32x512xi32, #tpu.memory_space<vmem>>, vector<1x16xi32>,
      %swap3A_1780 = vector.shape_cast %swap3A_1779 : vector<1x16xi32> to vector<16xi32>
      %swap3A_1781 = vector.shape_cast %select_n3A_1773 : vector<16xi32> to vector<1x16xi32>
      tpu.vector_store %arg9[%swap3A_1777, %swap3A_1778], %swap3A_1781 {strides = array<i32>} : memref<32x512xi32, #tpu.memory_space<vmem>>, vector<1x16xi32>,
      %eq3A_1782 = arith.constant 15 : i32
      %eq3A_1783 = vector.broadcast %eq3A_1782 : i32 to vector<16xi32>
      %eq3A_1784 = arith.cmpi eq, %select_n3A_1237, %eq3A_1783 : vector<16xi32>
      %select_n3A_1785 = arith.select %eq3A_1784, %broadcast_in_dim3A_321, %broadcast_in_dim3A_323 : vector<16xi1>, vector<16xi32>
      %mul3A_1786 = arith.constant 16 : i32
      %mul3A_1787 = arith.muli %scan3A_1049, %mul3A_1786 : i32
      %swap3A_1788 = arith.constant 30 : i32
      %swap3A_1789 = arith.index_cast %swap3A_1788 : i32 to index
      %swap3A_1790 = arith.index_cast %mul3A_1787 : i32 to index
      %swap3A_1791 = tpu.vector_load %arg9[%swap3A_1789, %swap3A_1790] {strides = array<i32>} : memref<32x512xi32, #tpu.memory_space<vmem>>, vector<1x16xi32>,
      %swap3A_1792 = vector.shape_cast %swap3A_1791 : vector<1x16xi32> to vector<16xi32>
      %swap3A_1793 = vector.shape_cast %select_n3A_1785 : vector<16xi32> to vector<1x16xi32>
      tpu.vector_store %arg9[%swap3A_1789, %swap3A_1790], %swap3A_1793 {strides = array<i32>} : memref<32x512xi32, #tpu.memory_space<vmem>>, vector<1x16xi32>,
      %eq3A_1794 = arith.constant 15 : i32
      %eq3A_1795 = vector.broadcast %eq3A_1794 : i32 to vector<16xi32>
      %eq3A_1796 = arith.cmpi eq, %select_n3A_1384, %eq3A_1795 : vector<16xi32>
      %select_n3A_1797 = arith.select %eq3A_1796, %broadcast_in_dim3A_321, %broadcast_in_dim3A_323 : vector<16xi1>, vector<16xi32>
      %mul3A_1798 = arith.constant 16 : i32
      %mul3A_1799 = arith.muli %scan3A_1049, %mul3A_1798 : i32
      %swap3A_1800 = arith.constant 31 : i32
      %swap3A_1801 = arith.index_cast %swap3A_1800 : i32 to index
      %swap3A_1802 = arith.index_cast %mul3A_1799 : i32 to index
      %swap3A_1803 = tpu.vector_load %arg9[%swap3A_1801, %swap3A_1802] {strides = array<i32>} : memref<32x512xi32, #tpu.memory_space<vmem>>, vector<1x16xi32>,
      %swap3A_1804 = vector.shape_cast %swap3A_1803 : vector<1x16xi32> to vector<16xi32>
      %swap3A_1805 = vector.shape_cast %select_n3A_1797 : vector<16xi32> to vector<1x16xi32>
      tpu.vector_store %arg9[%swap3A_1801, %swap3A_1802], %swap3A_1805 {strides = array<i32>} : memref<32x512xi32, #tpu.memory_space<vmem>>, vector<1x16xi32>,
    }
    %scan3A_328 = arith.constant 32 : i32
    %add3A_329 = arith.constant 0 : i32
    %add3A_330 = arith.addi %add3A_329, %mul3A_2 : i32
    %dma_start3A_331 = arith.constant 0 : i32
    %dma_start3A_332 = arith.constant 0 : i32
    %dma_start3A_333 = tpu.memref_slice %arg7[%dma_start3A_331, %dma_start3A_332] : memref<2x512xf32, #tpu.memory_space<vmem>> -> memref<1x512xf32, #tpu.memory_space<vmem>>
    %dma_start3A_334 = tpu.memref_squeeze %dma_start3A_333 : memref<1x512xf32, #tpu.memory_space<vmem>> -> memref<512xf32, #tpu.memory_space<vmem>>
    %dma_start3A_335 = tpu.memref_slice %arg3[%add3A_330] : memref<32768xf32, #tpu.memory_space<hbm>> -> memref<512xf32, #tpu.memory_space<hbm>>
    %dma_start3A_336 = tpu.memref_slice %arg3[%add3A_330] : memref<32768xf32, #tpu.memory_space<hbm>> -> memref<512xf32, #tpu.memory_space<hbm>>
    %dma_start3A_337 = arith.constant 0 : i32
    %dma_start3A_338 = tpu.memref_slice %arg7[%dma_start3A_331, %dma_start3A_337] : memref<2x512xf32, #tpu.memory_space<vmem>> -> memref<1x512xf32, #tpu.memory_space<vmem>>
    %dma_start3A_339 = tpu.memref_squeeze %dma_start3A_338 : memref<1x512xf32, #tpu.memory_space<vmem>> -> memref<512xf32, #tpu.memory_space<vmem>>
    tpu.enqueue_dma source(%dma_start3A_339 : memref<512xf32, #tpu.memory_space<vmem>>) target(%dma_start3A_336 : memref<512xf32, #tpu.memory_space<hbm>>) target_semaphore(%arg10 : memref<!tpu.dma_semaphore, #tpu.memory_space<semaphore_mem>>)
    %add3A_340 = arith.constant 0 : i32
    %add3A_341 = arith.addi %add3A_340, %mul3A_2 : i32
    %dma_start3A_342 = arith.constant 0 : i32
    %dma_start3A_343 = arith.constant 0 : i32
    %dma_start3A_344 = tpu.memref_slice %arg8[%dma_start3A_342, %dma_start3A_343] : memref<2x512xi32, #tpu.memory_space<vmem>> -> memref<1x512xi32, #tpu.memory_space<vmem>>
    %dma_start3A_345 = tpu.memref_squeeze %dma_start3A_344 : memref<1x512xi32, #tpu.memory_space<vmem>> -> memref<512xi32, #tpu.memory_space<vmem>>
    %dma_start3A_346 = tpu.memref_slice %arg4[%add3A_341] : memref<32768xi32, #tpu.memory_space<hbm>> -> memref<512xi32, #tpu.memory_space<hbm>>
    %dma_start3A_347 = tpu.memref_slice %arg4[%add3A_341] : memref<32768xi32, #tpu.memory_space<hbm>> -> memref<512xi32, #tpu.memory_space<hbm>>
    %dma_start3A_348 = arith.constant 0 : i32
    %dma_start3A_349 = tpu.memref_slice %arg8[%dma_start3A_342, %dma_start3A_348] : memref<2x512xi32, #tpu.memory_space<vmem>> -> memref<1x512xi32, #tpu.memory_space<vmem>>
    %dma_start3A_350 = tpu.memref_squeeze %dma_start3A_349 : memref<1x512xi32, #tpu.memory_space<vmem>> -> memref<512xi32, #tpu.memory_space<vmem>>
    tpu.enqueue_dma source(%dma_start3A_350 : memref<512xi32, #tpu.memory_space<vmem>>) target(%dma_start3A_347 : memref<512xi32, #tpu.memory_space<hbm>>) target_semaphore(%arg10 : memref<!tpu.dma_semaphore, #tpu.memory_space<semaphore_mem>>)
    %add3A_351 = arith.constant 16384 : i32
    %add3A_352 = arith.addi %add3A_351, %mul3A_2 : i32
    %dma_start3A_353 = arith.constant 1 : i32
    %dma_start3A_354 = arith.constant 0 : i32
    %dma_start3A_355 = tpu.memref_slice %arg7[%dma_start3A_353, %dma_start3A_354] : memref<2x512xf32, #tpu.memory_space<vmem>> -> memref<1x512xf32, #tpu.memory_space<vmem>>
    %dma_start3A_356 = tpu.memref_squeeze %dma_start3A_355 : memref<1x512xf32, #tpu.memory_space<vmem>> -> memref<512xf32, #tpu.memory_space<vmem>>
    %dma_start3A_357 = tpu.memref_slice %arg3[%add3A_352] : memref<32768xf32, #tpu.memory_space<hbm>> -> memref<512xf32, #tpu.memory_space<hbm>>
    %dma_start3A_358 = tpu.memref_slice %arg3[%add3A_352] : memref<32768xf32, #tpu.memory_space<hbm>> -> memref<512xf32, #tpu.memory_space<hbm>>
    %dma_start3A_359 = arith.constant 0 : i32
    %dma_start3A_360 = tpu.memref_slice %arg7[%dma_start3A_353, %dma_start3A_359] : memref<2x512xf32, #tpu.memory_space<vmem>> -> memref<1x512xf32, #tpu.memory_space<vmem>>
    %dma_start3A_361 = tpu.memref_squeeze %dma_start3A_360 : memref<1x512xf32, #tpu.memory_space<vmem>> -> memref<512xf32, #tpu.memory_space<vmem>>
    tpu.enqueue_dma source(%dma_start3A_361 : memref<512xf32, #tpu.memory_space<vmem>>) target(%dma_start3A_358 : memref<512xf32, #tpu.memory_space<hbm>>) target_semaphore(%arg10 : memref<!tpu.dma_semaphore, #tpu.memory_space<semaphore_mem>>)
    %add3A_362 = arith.constant 16384 : i32
    %add3A_363 = arith.addi %add3A_362, %mul3A_2 : i32
    %dma_start3A_364 = arith.constant 1 : i32
    %dma_start3A_365 = arith.constant 0 : i32
    %dma_start3A_366 = tpu.memref_slice %arg8[%dma_start3A_364, %dma_start3A_365] : memref<2x512xi32, #tpu.memory_space<vmem>> -> memref<1x512xi32, #tpu.memory_space<vmem>>
    %dma_start3A_367 = tpu.memref_squeeze %dma_start3A_366 : memref<1x512xi32, #tpu.memory_space<vmem>> -> memref<512xi32, #tpu.memory_space<vmem>>
    %dma_start3A_368 = tpu.memref_slice %arg4[%add3A_363] : memref<32768xi32, #tpu.memory_space<hbm>> -> memref<512xi32, #tpu.memory_space<hbm>>
    %dma_start3A_369 = tpu.memref_slice %arg4[%add3A_363] : memref<32768xi32, #tpu.memory_space<hbm>> -> memref<512xi32, #tpu.memory_space<hbm>>
    %dma_start3A_370 = arith.constant 0 : i32
    %dma_start3A_371 = tpu.memref_slice %arg8[%dma_start3A_364, %dma_start3A_370] : memref<2x512xi32, #tpu.memory_space<vmem>> -> memref<1x512xi32, #tpu.memory_space<vmem>>
    %dma_start3A_372 = tpu.memref_squeeze %dma_start3A_371 : memref<1x512xi32, #tpu.memory_space<vmem>> -> memref<512xi32, #tpu.memory_space<vmem>>
    tpu.enqueue_dma source(%dma_start3A_372 : memref<512xi32, #tpu.memory_space<vmem>>) target(%dma_start3A_369 : memref<512xi32, #tpu.memory_space<hbm>>) target_semaphore(%arg10 : memref<!tpu.dma_semaphore, #tpu.memory_space<semaphore_mem>>)
    %add3A_373 = arith.constant 0 : i32
    %add3A_374 = arith.addi %add3A_373, %mul3A_2 : i32
    %dma_start3A_375 = arith.constant 0 : i32
    %dma_start3A_376 = arith.constant 0 : i32
    %dma_start3A_377 = tpu.memref_slice %arg9[%dma_start3A_375, %dma_start3A_376] : memref<32x512xi32, #tpu.memory_space<vmem>> -> memref<1x512xi32, #tpu.memory_space<vmem>>
    %dma_start3A_378 = tpu.memref_squeeze %dma_start3A_377 : memref<1x512xi32, #tpu.memory_space<vmem>> -> memref<512xi32, #tpu.memory_space<vmem>>
    %dma_start3A_379 = tpu.memref_slice %arg5[%add3A_374] : memref<524288xi32, #tpu.memory_space<hbm>> -> memref<512xi32, #tpu.memory_space<hbm>>
    %dma_start3A_380 = tpu.memref_slice %arg5[%add3A_374] : memref<524288xi32, #tpu.memory_space<hbm>> -> memref<512xi32, #tpu.memory_space<hbm>>
    %dma_start3A_381 = arith.constant 0 : i32
    %dma_start3A_382 = tpu.memref_slice %arg9[%dma_start3A_375, %dma_start3A_381] : memref<32x512xi32, #tpu.memory_space<vmem>> -> memref<1x512xi32, #tpu.memory_space<vmem>>
    %dma_start3A_383 = tpu.memref_squeeze %dma_start3A_382 : memref<1x512xi32, #tpu.memory_space<vmem>> -> memref<512xi32, #tpu.memory_space<vmem>>
    tpu.enqueue_dma source(%dma_start3A_383 : memref<512xi32, #tpu.memory_space<vmem>>) target(%dma_start3A_380 : memref<512xi32, #tpu.memory_space<hbm>>) target_semaphore(%arg10 : memref<!tpu.dma_semaphore, #tpu.memory_space<semaphore_mem>>)
    %add3A_384 = arith.constant 16384 : i32
    %add3A_385 = arith.addi %add3A_384, %mul3A_2 : i32
    %dma_start3A_386 = arith.constant 1 : i32
    %dma_start3A_387 = arith.constant 0 : i32
    %dma_start3A_388 = tpu.memref_slice %arg9[%dma_start3A_386, %dma_start3A_387] : memref<32x512xi32, #tpu.memory_space<vmem>> -> memref<1x512xi32, #tpu.memory_space<vmem>>
    %dma_start3A_389 = tpu.memref_squeeze %dma_start3A_388 : memref<1x512xi32, #tpu.memory_space<vmem>> -> memref<512xi32, #tpu.memory_space<vmem>>
    %dma_start3A_390 = tpu.memref_slice %arg5[%add3A_385] : memref<524288xi32, #tpu.memory_space<hbm>> -> memref<512xi32, #tpu.memory_space<hbm>>
    %dma_start3A_391 = tpu.memref_slice %arg5[%add3A_385] : memref<524288xi32, #tpu.memory_space<hbm>> -> memref<512xi32, #tpu.memory_space<hbm>>
    %dma_start3A_392 = arith.constant 0 : i32
    %dma_start3A_393 = tpu.memref_slice %arg9[%dma_start3A_386, %dma_start3A_392] : memref<32x512xi32, #tpu.memory_space<vmem>> -> memref<1x512xi32, #tpu.memory_space<vmem>>
    %dma_start3A_394 = tpu.memref_squeeze %dma_start3A_393 : memref<1x512xi32, #tpu.memory_space<vmem>> -> memref<512xi32, #tpu.memory_space<vmem>>
    tpu.enqueue_dma source(%dma_start3A_394 : memref<512xi32, #tpu.memory_space<vmem>>) target(%dma_start3A_391 : memref<512xi32, #tpu.memory_space<hbm>>) target_semaphore(%arg10 : memref<!tpu.dma_semaphore, #tpu.memory_space<semaphore_mem>>)
    %add3A_395 = arith.constant 32768 : i32
    %add3A_396 = arith.addi %add3A_395, %mul3A_2 : i32
    %dma_start3A_397 = arith.constant 2 : i32
    %dma_start3A_398 = arith.constant 0 : i32
    %dma_start3A_399 = tpu.memref_slice %arg9[%dma_start3A_397, %dma_start3A_398] : memref<32x512xi32, #tpu.memory_space<vmem>> -> memref<1x512xi32, #tpu.memory_space<vmem>>
    %dma_start3A_400 = tpu.memref_squeeze %dma_start3A_399 : memref<1x512xi32, #tpu.memory_space<vmem>> -> memref<512xi32, #tpu.memory_space<vmem>>
    %dma_start3A_401 = tpu.memref_slice %arg5[%add3A_396] : memref<524288xi32, #tpu.memory_space<hbm>> -> memref<512xi32, #tpu.memory_space<hbm>>
    %dma_start3A_402 = tpu.memref_slice %arg5[%add3A_396] : memref<524288xi32, #tpu.memory_space<hbm>> -> memref<512xi32, #tpu.memory_space<hbm>>
    %dma_start3A_403 = arith.constant 0 : i32
    %dma_start3A_404 = tpu.memref_slice %arg9[%dma_start3A_397, %dma_start3A_403] : memref<32x512xi32, #tpu.memory_space<vmem>> -> memref<1x512xi32, #tpu.memory_space<vmem>>
    %dma_start3A_405 = tpu.memref_squeeze %dma_start3A_404 : memref<1x512xi32, #tpu.memory_space<vmem>> -> memref<512xi32, #tpu.memory_space<vmem>>
    tpu.enqueue_dma source(%dma_start3A_405 : memref<512xi32, #tpu.memory_space<vmem>>) target(%dma_start3A_402 : memref<512xi32, #tpu.memory_space<hbm>>) target_semaphore(%arg10 : memref<!tpu.dma_semaphore, #tpu.memory_space<semaphore_mem>>)
    %add3A_406 = arith.constant 49152 : i32
    %add3A_407 = arith.addi %add3A_406, %mul3A_2 : i32
    %dma_start3A_408 = arith.constant 3 : i32
    %dma_start3A_409 = arith.constant 0 : i32
    %dma_start3A_410 = tpu.memref_slice %arg9[%dma_start3A_408, %dma_start3A_409] : memref<32x512xi32, #tpu.memory_space<vmem>> -> memref<1x512xi32, #tpu.memory_space<vmem>>
    %dma_start3A_411 = tpu.memref_squeeze %dma_start3A_410 : memref<1x512xi32, #tpu.memory_space<vmem>> -> memref<512xi32, #tpu.memory_space<vmem>>
    %dma_start3A_412 = tpu.memref_slice %arg5[%add3A_407] : memref<524288xi32, #tpu.memory_space<hbm>> -> memref<512xi32, #tpu.memory_space<hbm>>
    %dma_start3A_413 = tpu.memref_slice %arg5[%add3A_407] : memref<524288xi32, #tpu.memory_space<hbm>> -> memref<512xi32, #tpu.memory_space<hbm>>
    %dma_start3A_414 = arith.constant 0 : i32
    %dma_start3A_415 = tpu.memref_slice %arg9[%dma_start3A_408, %dma_start3A_414] : memref<32x512xi32, #tpu.memory_space<vmem>> -> memref<1x512xi32, #tpu.memory_space<vmem>>
    %dma_start3A_416 = tpu.memref_squeeze %dma_start3A_415 : memref<1x512xi32, #tpu.memory_space<vmem>> -> memref<512xi32, #tpu.memory_space<vmem>>
    tpu.enqueue_dma source(%dma_start3A_416 : memref<512xi32, #tpu.memory_space<vmem>>) target(%dma_start3A_413 : memref<512xi32, #tpu.memory_space<hbm>>) target_semaphore(%arg10 : memref<!tpu.dma_semaphore, #tpu.memory_space<semaphore_mem>>)
    %add3A_417 = arith.constant 65536 : i32
    %add3A_418 = arith.addi %add3A_417, %mul3A_2 : i32
    %dma_start3A_419 = arith.constant 4 : i32
    %dma_start3A_420 = arith.constant 0 : i32
    %dma_start3A_421 = tpu.memref_slice %arg9[%dma_start3A_419, %dma_start3A_420] : memref<32x512xi32, #tpu.memory_space<vmem>> -> memref<1x512xi32, #tpu.memory_space<vmem>>
    %dma_start3A_422 = tpu.memref_squeeze %dma_start3A_421 : memref<1x512xi32, #tpu.memory_space<vmem>> -> memref<512xi32, #tpu.memory_space<vmem>>
    %dma_start3A_423 = tpu.memref_slice %arg5[%add3A_418] : memref<524288xi32, #tpu.memory_space<hbm>> -> memref<512xi32, #tpu.memory_space<hbm>>
    %dma_start3A_424 = tpu.memref_slice %arg5[%add3A_418] : memref<524288xi32, #tpu.memory_space<hbm>> -> memref<512xi32, #tpu.memory_space<hbm>>
    %dma_start3A_425 = arith.constant 0 : i32
    %dma_start3A_426 = tpu.memref_slice %arg9[%dma_start3A_419, %dma_start3A_425] : memref<32x512xi32, #tpu.memory_space<vmem>> -> memref<1x512xi32, #tpu.memory_space<vmem>>
    %dma_start3A_427 = tpu.memref_squeeze %dma_start3A_426 : memref<1x512xi32, #tpu.memory_space<vmem>> -> memref<512xi32, #tpu.memory_space<vmem>>
    tpu.enqueue_dma source(%dma_start3A_427 : memref<512xi32, #tpu.memory_space<vmem>>) target(%dma_start3A_424 : memref<512xi32, #tpu.memory_space<hbm>>) target_semaphore(%arg10 : memref<!tpu.dma_semaphore, #tpu.memory_space<semaphore_mem>>)
    %add3A_428 = arith.constant 81920 : i32
    %add3A_429 = arith.addi %add3A_428, %mul3A_2 : i32
    %dma_start3A_430 = arith.constant 5 : i32
    %dma_start3A_431 = arith.constant 0 : i32
    %dma_start3A_432 = tpu.memref_slice %arg9[%dma_start3A_430, %dma_start3A_431] : memref<32x512xi32, #tpu.memory_space<vmem>> -> memref<1x512xi32, #tpu.memory_space<vmem>>
    %dma_start3A_433 = tpu.memref_squeeze %dma_start3A_432 : memref<1x512xi32, #tpu.memory_space<vmem>> -> memref<512xi32, #tpu.memory_space<vmem>>
    %dma_start3A_434 = tpu.memref_slice %arg5[%add3A_429] : memref<524288xi32, #tpu.memory_space<hbm>> -> memref<512xi32, #tpu.memory_space<hbm>>
    %dma_start3A_435 = tpu.memref_slice %arg5[%add3A_429] : memref<524288xi32, #tpu.memory_space<hbm>> -> memref<512xi32, #tpu.memory_space<hbm>>
    %dma_start3A_436 = arith.constant 0 : i32
    %dma_start3A_437 = tpu.memref_slice %arg9[%dma_start3A_430, %dma_start3A_436] : memref<32x512xi32, #tpu.memory_space<vmem>> -> memref<1x512xi32, #tpu.memory_space<vmem>>
    %dma_start3A_438 = tpu.memref_squeeze %dma_start3A_437 : memref<1x512xi32, #tpu.memory_space<vmem>> -> memref<512xi32, #tpu.memory_space<vmem>>
    tpu.enqueue_dma source(%dma_start3A_438 : memref<512xi32, #tpu.memory_space<vmem>>) target(%dma_start3A_435 : memref<512xi32, #tpu.memory_space<hbm>>) target_semaphore(%arg10 : memref<!tpu.dma_semaphore, #tpu.memory_space<semaphore_mem>>)
    %add3A_439 = arith.constant 98304 : i32
    %add3A_440 = arith.addi %add3A_439, %mul3A_2 : i32
    %dma_start3A_441 = arith.constant 6 : i32
    %dma_start3A_442 = arith.constant 0 : i32
    %dma_start3A_443 = tpu.memref_slice %arg9[%dma_start3A_441, %dma_start3A_442] : memref<32x512xi32, #tpu.memory_space<vmem>> -> memref<1x512xi32, #tpu.memory_space<vmem>>
    %dma_start3A_444 = tpu.memref_squeeze %dma_start3A_443 : memref<1x512xi32, #tpu.memory_space<vmem>> -> memref<512xi32, #tpu.memory_space<vmem>>
    %dma_start3A_445 = tpu.memref_slice %arg5[%add3A_440] : memref<524288xi32, #tpu.memory_space<hbm>> -> memref<512xi32, #tpu.memory_space<hbm>>
    %dma_start3A_446 = tpu.memref_slice %arg5[%add3A_440] : memref<524288xi32, #tpu.memory_space<hbm>> -> memref<512xi32, #tpu.memory_space<hbm>>
    %dma_start3A_447 = arith.constant 0 : i32
    %dma_start3A_448 = tpu.memref_slice %arg9[%dma_start3A_441, %dma_start3A_447] : memref<32x512xi32, #tpu.memory_space<vmem>> -> memref<1x512xi32, #tpu.memory_space<vmem>>
    %dma_start3A_449 = tpu.memref_squeeze %dma_start3A_448 : memref<1x512xi32, #tpu.memory_space<vmem>> -> memref<512xi32, #tpu.memory_space<vmem>>
    tpu.enqueue_dma source(%dma_start3A_449 : memref<512xi32, #tpu.memory_space<vmem>>) target(%dma_start3A_446 : memref<512xi32, #tpu.memory_space<hbm>>) target_semaphore(%arg10 : memref<!tpu.dma_semaphore, #tpu.memory_space<semaphore_mem>>)
    %add3A_450 = arith.constant 114688 : i32
    %add3A_451 = arith.addi %add3A_450, %mul3A_2 : i32
    %dma_start3A_452 = arith.constant 7 : i32
    %dma_start3A_453 = arith.constant 0 : i32
    %dma_start3A_454 = tpu.memref_slice %arg9[%dma_start3A_452, %dma_start3A_453] : memref<32x512xi32, #tpu.memory_space<vmem>> -> memref<1x512xi32, #tpu.memory_space<vmem>>
    %dma_start3A_455 = tpu.memref_squeeze %dma_start3A_454 : memref<1x512xi32, #tpu.memory_space<vmem>> -> memref<512xi32, #tpu.memory_space<vmem>>
    %dma_start3A_456 = tpu.memref_slice %arg5[%add3A_451] : memref<524288xi32, #tpu.memory_space<hbm>> -> memref<512xi32, #tpu.memory_space<hbm>>
    %dma_start3A_457 = tpu.memref_slice %arg5[%add3A_451] : memref<524288xi32, #tpu.memory_space<hbm>> -> memref<512xi32, #tpu.memory_space<hbm>>
    %dma_start3A_458 = arith.constant 0 : i32
    %dma_start3A_459 = tpu.memref_slice %arg9[%dma_start3A_452, %dma_start3A_458] : memref<32x512xi32, #tpu.memory_space<vmem>> -> memref<1x512xi32, #tpu.memory_space<vmem>>
    %dma_start3A_460 = tpu.memref_squeeze %dma_start3A_459 : memref<1x512xi32, #tpu.memory_space<vmem>> -> memref<512xi32, #tpu.memory_space<vmem>>
    tpu.enqueue_dma source(%dma_start3A_460 : memref<512xi32, #tpu.memory_space<vmem>>) target(%dma_start3A_457 : memref<512xi32, #tpu.memory_space<hbm>>) target_semaphore(%arg10 : memref<!tpu.dma_semaphore, #tpu.memory_space<semaphore_mem>>)
    %add3A_461 = arith.constant 131072 : i32
    %add3A_462 = arith.addi %add3A_461, %mul3A_2 : i32
    %dma_start3A_463 = arith.constant 8 : i32
    %dma_start3A_464 = arith.constant 0 : i32
    %dma_start3A_465 = tpu.memref_slice %arg9[%dma_start3A_463, %dma_start3A_464] : memref<32x512xi32, #tpu.memory_space<vmem>> -> memref<1x512xi32, #tpu.memory_space<vmem>>
    %dma_start3A_466 = tpu.memref_squeeze %dma_start3A_465 : memref<1x512xi32, #tpu.memory_space<vmem>> -> memref<512xi32, #tpu.memory_space<vmem>>
    %dma_start3A_467 = tpu.memref_slice %arg5[%add3A_462] : memref<524288xi32, #tpu.memory_space<hbm>> -> memref<512xi32, #tpu.memory_space<hbm>>
    %dma_start3A_468 = tpu.memref_slice %arg5[%add3A_462] : memref<524288xi32, #tpu.memory_space<hbm>> -> memref<512xi32, #tpu.memory_space<hbm>>
    %dma_start3A_469 = arith.constant 0 : i32
    %dma_start3A_470 = tpu.memref_slice %arg9[%dma_start3A_463, %dma_start3A_469] : memref<32x512xi32, #tpu.memory_space<vmem>> -> memref<1x512xi32, #tpu.memory_space<vmem>>
    %dma_start3A_471 = tpu.memref_squeeze %dma_start3A_470 : memref<1x512xi32, #tpu.memory_space<vmem>> -> memref<512xi32, #tpu.memory_space<vmem>>
    tpu.enqueue_dma source(%dma_start3A_471 : memref<512xi32, #tpu.memory_space<vmem>>) target(%dma_start3A_468 : memref<512xi32, #tpu.memory_space<hbm>>) target_semaphore(%arg10 : memref<!tpu.dma_semaphore, #tpu.memory_space<semaphore_mem>>)
    %add3A_472 = arith.constant 147456 : i32
    %add3A_473 = arith.addi %add3A_472, %mul3A_2 : i32
    %dma_start3A_474 = arith.constant 9 : i32
    %dma_start3A_475 = arith.constant 0 : i32
    %dma_start3A_476 = tpu.memref_slice %arg9[%dma_start3A_474, %dma_start3A_475] : memref<32x512xi32, #tpu.memory_space<vmem>> -> memref<1x512xi32, #tpu.memory_space<vmem>>
    %dma_start3A_477 = tpu.memref_squeeze %dma_start3A_476 : memref<1x512xi32, #tpu.memory_space<vmem>> -> memref<512xi32, #tpu.memory_space<vmem>>
    %dma_start3A_478 = tpu.memref_slice %arg5[%add3A_473] : memref<524288xi32, #tpu.memory_space<hbm>> -> memref<512xi32, #tpu.memory_space<hbm>>
    %dma_start3A_479 = tpu.memref_slice %arg5[%add3A_473] : memref<524288xi32, #tpu.memory_space<hbm>> -> memref<512xi32, #tpu.memory_space<hbm>>
    %dma_start3A_480 = arith.constant 0 : i32
    %dma_start3A_481 = tpu.memref_slice %arg9[%dma_start3A_474, %dma_start3A_480] : memref<32x512xi32, #tpu.memory_space<vmem>> -> memref<1x512xi32, #tpu.memory_space<vmem>>
    %dma_start3A_482 = tpu.memref_squeeze %dma_start3A_481 : memref<1x512xi32, #tpu.memory_space<vmem>> -> memref<512xi32, #tpu.memory_space<vmem>>
    tpu.enqueue_dma source(%dma_start3A_482 : memref<512xi32, #tpu.memory_space<vmem>>) target(%dma_start3A_479 : memref<512xi32, #tpu.memory_space<hbm>>) target_semaphore(%arg10 : memref<!tpu.dma_semaphore, #tpu.memory_space<semaphore_mem>>)
    %add3A_483 = arith.constant 163840 : i32
    %add3A_484 = arith.addi %add3A_483, %mul3A_2 : i32
    %dma_start3A_485 = arith.constant 10 : i32
    %dma_start3A_486 = arith.constant 0 : i32
    %dma_start3A_487 = tpu.memref_slice %arg9[%dma_start3A_485, %dma_start3A_486] : memref<32x512xi32, #tpu.memory_space<vmem>> -> memref<1x512xi32, #tpu.memory_space<vmem>>
    %dma_start3A_488 = tpu.memref_squeeze %dma_start3A_487 : memref<1x512xi32, #tpu.memory_space<vmem>> -> memref<512xi32, #tpu.memory_space<vmem>>
    %dma_start3A_489 = tpu.memref_slice %arg5[%add3A_484] : memref<524288xi32, #tpu.memory_space<hbm>> -> memref<512xi32, #tpu.memory_space<hbm>>
    %dma_start3A_490 = tpu.memref_slice %arg5[%add3A_484] : memref<524288xi32, #tpu.memory_space<hbm>> -> memref<512xi32, #tpu.memory_space<hbm>>
    %dma_start3A_491 = arith.constant 0 : i32
    %dma_start3A_492 = tpu.memref_slice %arg9[%dma_start3A_485, %dma_start3A_491] : memref<32x512xi32, #tpu.memory_space<vmem>> -> memref<1x512xi32, #tpu.memory_space<vmem>>
    %dma_start3A_493 = tpu.memref_squeeze %dma_start3A_492 : memref<1x512xi32, #tpu.memory_space<vmem>> -> memref<512xi32, #tpu.memory_space<vmem>>
    tpu.enqueue_dma source(%dma_start3A_493 : memref<512xi32, #tpu.memory_space<vmem>>) target(%dma_start3A_490 : memref<512xi32, #tpu.memory_space<hbm>>) target_semaphore(%arg10 : memref<!tpu.dma_semaphore, #tpu.memory_space<semaphore_mem>>)
    %add3A_494 = arith.constant 180224 : i32
    %add3A_495 = arith.addi %add3A_494, %mul3A_2 : i32
    %dma_start3A_496 = arith.constant 11 : i32
    %dma_start3A_497 = arith.constant 0 : i32
    %dma_start3A_498 = tpu.memref_slice %arg9[%dma_start3A_496, %dma_start3A_497] : memref<32x512xi32, #tpu.memory_space<vmem>> -> memref<1x512xi32, #tpu.memory_space<vmem>>
    %dma_start3A_499 = tpu.memref_squeeze %dma_start3A_498 : memref<1x512xi32, #tpu.memory_space<vmem>> -> memref<512xi32, #tpu.memory_space<vmem>>
    %dma_start3A_500 = tpu.memref_slice %arg5[%add3A_495] : memref<524288xi32, #tpu.memory_space<hbm>> -> memref<512xi32, #tpu.memory_space<hbm>>
    %dma_start3A_501 = tpu.memref_slice %arg5[%add3A_495] : memref<524288xi32, #tpu.memory_space<hbm>> -> memref<512xi32, #tpu.memory_space<hbm>>
    %dma_start3A_502 = arith.constant 0 : i32
    %dma_start3A_503 = tpu.memref_slice %arg9[%dma_start3A_496, %dma_start3A_502] : memref<32x512xi32, #tpu.memory_space<vmem>> -> memref<1x512xi32, #tpu.memory_space<vmem>>
    %dma_start3A_504 = tpu.memref_squeeze %dma_start3A_503 : memref<1x512xi32, #tpu.memory_space<vmem>> -> memref<512xi32, #tpu.memory_space<vmem>>
    tpu.enqueue_dma source(%dma_start3A_504 : memref<512xi32, #tpu.memory_space<vmem>>) target(%dma_start3A_501 : memref<512xi32, #tpu.memory_space<hbm>>) target_semaphore(%arg10 : memref<!tpu.dma_semaphore, #tpu.memory_space<semaphore_mem>>)
    %add3A_505 = arith.constant 196608 : i32
    %add3A_506 = arith.addi %add3A_505, %mul3A_2 : i32
    %dma_start3A_507 = arith.constant 12 : i32
    %dma_start3A_508 = arith.constant 0 : i32
    %dma_start3A_509 = tpu.memref_slice %arg9[%dma_start3A_507, %dma_start3A_508] : memref<32x512xi32, #tpu.memory_space<vmem>> -> memref<1x512xi32, #tpu.memory_space<vmem>>
    %dma_start3A_510 = tpu.memref_squeeze %dma_start3A_509 : memref<1x512xi32, #tpu.memory_space<vmem>> -> memref<512xi32, #tpu.memory_space<vmem>>
    %dma_start3A_511 = tpu.memref_slice %arg5[%add3A_506] : memref<524288xi32, #tpu.memory_space<hbm>> -> memref<512xi32, #tpu.memory_space<hbm>>
    %dma_start3A_512 = tpu.memref_slice %arg5[%add3A_506] : memref<524288xi32, #tpu.memory_space<hbm>> -> memref<512xi32, #tpu.memory_space<hbm>>
    %dma_start3A_513 = arith.constant 0 : i32
    %dma_start3A_514 = tpu.memref_slice %arg9[%dma_start3A_507, %dma_start3A_513] : memref<32x512xi32, #tpu.memory_space<vmem>> -> memref<1x512xi32, #tpu.memory_space<vmem>>
    %dma_start3A_515 = tpu.memref_squeeze %dma_start3A_514 : memref<1x512xi32, #tpu.memory_space<vmem>> -> memref<512xi32, #tpu.memory_space<vmem>>
    tpu.enqueue_dma source(%dma_start3A_515 : memref<512xi32, #tpu.memory_space<vmem>>) target(%dma_start3A_512 : memref<512xi32, #tpu.memory_space<hbm>>) target_semaphore(%arg10 : memref<!tpu.dma_semaphore, #tpu.memory_space<semaphore_mem>>)
    %add3A_516 = arith.constant 212992 : i32
    %add3A_517 = arith.addi %add3A_516, %mul3A_2 : i32
    %dma_start3A_518 = arith.constant 13 : i32
    %dma_start3A_519 = arith.constant 0 : i32
    %dma_start3A_520 = tpu.memref_slice %arg9[%dma_start3A_518, %dma_start3A_519] : memref<32x512xi32, #tpu.memory_space<vmem>> -> memref<1x512xi32, #tpu.memory_space<vmem>>
    %dma_start3A_521 = tpu.memref_squeeze %dma_start3A_520 : memref<1x512xi32, #tpu.memory_space<vmem>> -> memref<512xi32, #tpu.memory_space<vmem>>
    %dma_start3A_522 = tpu.memref_slice %arg5[%add3A_517] : memref<524288xi32, #tpu.memory_space<hbm>> -> memref<512xi32, #tpu.memory_space<hbm>>
    %dma_start3A_523 = tpu.memref_slice %arg5[%add3A_517] : memref<524288xi32, #tpu.memory_space<hbm>> -> memref<512xi32, #tpu.memory_space<hbm>>
    %dma_start3A_524 = arith.constant 0 : i32
    %dma_start3A_525 = tpu.memref_slice %arg9[%dma_start3A_518, %dma_start3A_524] : memref<32x512xi32, #tpu.memory_space<vmem>> -> memref<1x512xi32, #tpu.memory_space<vmem>>
    %dma_start3A_526 = tpu.memref_squeeze %dma_start3A_525 : memref<1x512xi32, #tpu.memory_space<vmem>> -> memref<512xi32, #tpu.memory_space<vmem>>
    tpu.enqueue_dma source(%dma_start3A_526 : memref<512xi32, #tpu.memory_space<vmem>>) target(%dma_start3A_523 : memref<512xi32, #tpu.memory_space<hbm>>) target_semaphore(%arg10 : memref<!tpu.dma_semaphore, #tpu.memory_space<semaphore_mem>>)
    %add3A_527 = arith.constant 229376 : i32
    %add3A_528 = arith.addi %add3A_527, %mul3A_2 : i32
    %dma_start3A_529 = arith.constant 14 : i32
    %dma_start3A_530 = arith.constant 0 : i32
    %dma_start3A_531 = tpu.memref_slice %arg9[%dma_start3A_529, %dma_start3A_530] : memref<32x512xi32, #tpu.memory_space<vmem>> -> memref<1x512xi32, #tpu.memory_space<vmem>>
    %dma_start3A_532 = tpu.memref_squeeze %dma_start3A_531 : memref<1x512xi32, #tpu.memory_space<vmem>> -> memref<512xi32, #tpu.memory_space<vmem>>
    %dma_start3A_533 = tpu.memref_slice %arg5[%add3A_528] : memref<524288xi32, #tpu.memory_space<hbm>> -> memref<512xi32, #tpu.memory_space<hbm>>
    %dma_start3A_534 = tpu.memref_slice %arg5[%add3A_528] : memref<524288xi32, #tpu.memory_space<hbm>> -> memref<512xi32, #tpu.memory_space<hbm>>
    %dma_start3A_535 = arith.constant 0 : i32
    %dma_start3A_536 = tpu.memref_slice %arg9[%dma_start3A_529, %dma_start3A_535] : memref<32x512xi32, #tpu.memory_space<vmem>> -> memref<1x512xi32, #tpu.memory_space<vmem>>
    %dma_start3A_537 = tpu.memref_squeeze %dma_start3A_536 : memref<1x512xi32, #tpu.memory_space<vmem>> -> memref<512xi32, #tpu.memory_space<vmem>>
    tpu.enqueue_dma source(%dma_start3A_537 : memref<512xi32, #tpu.memory_space<vmem>>) target(%dma_start3A_534 : memref<512xi32, #tpu.memory_space<hbm>>) target_semaphore(%arg10 : memref<!tpu.dma_semaphore, #tpu.memory_space<semaphore_mem>>)
    %add3A_538 = arith.constant 245760 : i32
    %add3A_539 = arith.addi %add3A_538, %mul3A_2 : i32
    %dma_start3A_540 = arith.constant 15 : i32
    %dma_start3A_541 = arith.constant 0 : i32
    %dma_start3A_542 = tpu.memref_slice %arg9[%dma_start3A_540, %dma_start3A_541] : memref<32x512xi32, #tpu.memory_space<vmem>> -> memref<1x512xi32, #tpu.memory_space<vmem>>
    %dma_start3A_543 = tpu.memref_squeeze %dma_start3A_542 : memref<1x512xi32, #tpu.memory_space<vmem>> -> memref<512xi32, #tpu.memory_space<vmem>>
    %dma_start3A_544 = tpu.memref_slice %arg5[%add3A_539] : memref<524288xi32, #tpu.memory_space<hbm>> -> memref<512xi32, #tpu.memory_space<hbm>>
    %dma_start3A_545 = tpu.memref_slice %arg5[%add3A_539] : memref<524288xi32, #tpu.memory_space<hbm>> -> memref<512xi32, #tpu.memory_space<hbm>>
    %dma_start3A_546 = arith.constant 0 : i32
    %dma_start3A_547 = tpu.memref_slice %arg9[%dma_start3A_540, %dma_start3A_546] : memref<32x512xi32, #tpu.memory_space<vmem>> -> memref<1x512xi32, #tpu.memory_space<vmem>>
    %dma_start3A_548 = tpu.memref_squeeze %dma_start3A_547 : memref<1x512xi32, #tpu.memory_space<vmem>> -> memref<512xi32, #tpu.memory_space<vmem>>
    tpu.enqueue_dma source(%dma_start3A_548 : memref<512xi32, #tpu.memory_space<vmem>>) target(%dma_start3A_545 : memref<512xi32, #tpu.memory_space<hbm>>) target_semaphore(%arg10 : memref<!tpu.dma_semaphore, #tpu.memory_space<semaphore_mem>>)
    %add3A_549 = arith.constant 262144 : i32
    %add3A_550 = arith.addi %add3A_549, %mul3A_2 : i32
    %dma_start3A_551 = arith.constant 16 : i32
    %dma_start3A_552 = arith.constant 0 : i32
    %dma_start3A_553 = tpu.memref_slice %arg9[%dma_start3A_551, %dma_start3A_552] : memref<32x512xi32, #tpu.memory_space<vmem>> -> memref<1x512xi32, #tpu.memory_space<vmem>>
    %dma_start3A_554 = tpu.memref_squeeze %dma_start3A_553 : memref<1x512xi32, #tpu.memory_space<vmem>> -> memref<512xi32, #tpu.memory_space<vmem>>
    %dma_start3A_555 = tpu.memref_slice %arg5[%add3A_550] : memref<524288xi32, #tpu.memory_space<hbm>> -> memref<512xi32, #tpu.memory_space<hbm>>
    %dma_start3A_556 = tpu.memref_slice %arg5[%add3A_550] : memref<524288xi32, #tpu.memory_space<hbm>> -> memref<512xi32, #tpu.memory_space<hbm>>
    %dma_start3A_557 = arith.constant 0 : i32
    %dma_start3A_558 = tpu.memref_slice %arg9[%dma_start3A_551, %dma_start3A_557] : memref<32x512xi32, #tpu.memory_space<vmem>> -> memref<1x512xi32, #tpu.memory_space<vmem>>
    %dma_start3A_559 = tpu.memref_squeeze %dma_start3A_558 : memref<1x512xi32, #tpu.memory_space<vmem>> -> memref<512xi32, #tpu.memory_space<vmem>>
    tpu.enqueue_dma source(%dma_start3A_559 : memref<512xi32, #tpu.memory_space<vmem>>) target(%dma_start3A_556 : memref<512xi32, #tpu.memory_space<hbm>>) target_semaphore(%arg10 : memref<!tpu.dma_semaphore, #tpu.memory_space<semaphore_mem>>)
    %add3A_560 = arith.constant 278528 : i32
    %add3A_561 = arith.addi %add3A_560, %mul3A_2 : i32
    %dma_start3A_562 = arith.constant 17 : i32
    %dma_start3A_563 = arith.constant 0 : i32
    %dma_start3A_564 = tpu.memref_slice %arg9[%dma_start3A_562, %dma_start3A_563] : memref<32x512xi32, #tpu.memory_space<vmem>> -> memref<1x512xi32, #tpu.memory_space<vmem>>
    %dma_start3A_565 = tpu.memref_squeeze %dma_start3A_564 : memref<1x512xi32, #tpu.memory_space<vmem>> -> memref<512xi32, #tpu.memory_space<vmem>>
    %dma_start3A_566 = tpu.memref_slice %arg5[%add3A_561] : memref<524288xi32, #tpu.memory_space<hbm>> -> memref<512xi32, #tpu.memory_space<hbm>>
    %dma_start3A_567 = tpu.memref_slice %arg5[%add3A_561] : memref<524288xi32, #tpu.memory_space<hbm>> -> memref<512xi32, #tpu.memory_space<hbm>>
    %dma_start3A_568 = arith.constant 0 : i32
    %dma_start3A_569 = tpu.memref_slice %arg9[%dma_start3A_562, %dma_start3A_568] : memref<32x512xi32, #tpu.memory_space<vmem>> -> memref<1x512xi32, #tpu.memory_space<vmem>>
    %dma_start3A_570 = tpu.memref_squeeze %dma_start3A_569 : memref<1x512xi32, #tpu.memory_space<vmem>> -> memref<512xi32, #tpu.memory_space<vmem>>
    tpu.enqueue_dma source(%dma_start3A_570 : memref<512xi32, #tpu.memory_space<vmem>>) target(%dma_start3A_567 : memref<512xi32, #tpu.memory_space<hbm>>) target_semaphore(%arg10 : memref<!tpu.dma_semaphore, #tpu.memory_space<semaphore_mem>>)
    %add3A_571 = arith.constant 294912 : i32
    %add3A_572 = arith.addi %add3A_571, %mul3A_2 : i32
    %dma_start3A_573 = arith.constant 18 : i32
    %dma_start3A_574 = arith.constant 0 : i32
    %dma_start3A_575 = tpu.memref_slice %arg9[%dma_start3A_573, %dma_start3A_574] : memref<32x512xi32, #tpu.memory_space<vmem>> -> memref<1x512xi32, #tpu.memory_space<vmem>>
    %dma_start3A_576 = tpu.memref_squeeze %dma_start3A_575 : memref<1x512xi32, #tpu.memory_space<vmem>> -> memref<512xi32, #tpu.memory_space<vmem>>
    %dma_start3A_577 = tpu.memref_slice %arg5[%add3A_572] : memref<524288xi32, #tpu.memory_space<hbm>> -> memref<512xi32, #tpu.memory_space<hbm>>
    %dma_start3A_578 = tpu.memref_slice %arg5[%add3A_572] : memref<524288xi32, #tpu.memory_space<hbm>> -> memref<512xi32, #tpu.memory_space<hbm>>
    %dma_start3A_579 = arith.constant 0 : i32
    %dma_start3A_580 = tpu.memref_slice %arg9[%dma_start3A_573, %dma_start3A_579] : memref<32x512xi32, #tpu.memory_space<vmem>> -> memref<1x512xi32, #tpu.memory_space<vmem>>
    %dma_start3A_581 = tpu.memref_squeeze %dma_start3A_580 : memref<1x512xi32, #tpu.memory_space<vmem>> -> memref<512xi32, #tpu.memory_space<vmem>>
    tpu.enqueue_dma source(%dma_start3A_581 : memref<512xi32, #tpu.memory_space<vmem>>) target(%dma_start3A_578 : memref<512xi32, #tpu.memory_space<hbm>>) target_semaphore(%arg10 : memref<!tpu.dma_semaphore, #tpu.memory_space<semaphore_mem>>)
    %add3A_582 = arith.constant 311296 : i32
    %add3A_583 = arith.addi %add3A_582, %mul3A_2 : i32
    %dma_start3A_584 = arith.constant 19 : i32
    %dma_start3A_585 = arith.constant 0 : i32
    %dma_start3A_586 = tpu.memref_slice %arg9[%dma_start3A_584, %dma_start3A_585] : memref<32x512xi32, #tpu.memory_space<vmem>> -> memref<1x512xi32, #tpu.memory_space<vmem>>
    %dma_start3A_587 = tpu.memref_squeeze %dma_start3A_586 : memref<1x512xi32, #tpu.memory_space<vmem>> -> memref<512xi32, #tpu.memory_space<vmem>>
    %dma_start3A_588 = tpu.memref_slice %arg5[%add3A_583] : memref<524288xi32, #tpu.memory_space<hbm>> -> memref<512xi32, #tpu.memory_space<hbm>>
    %dma_start3A_589 = tpu.memref_slice %arg5[%add3A_583] : memref<524288xi32, #tpu.memory_space<hbm>> -> memref<512xi32, #tpu.memory_space<hbm>>
    %dma_start3A_590 = arith.constant 0 : i32
    %dma_start3A_591 = tpu.memref_slice %arg9[%dma_start3A_584, %dma_start3A_590] : memref<32x512xi32, #tpu.memory_space<vmem>> -> memref<1x512xi32, #tpu.memory_space<vmem>>
    %dma_start3A_592 = tpu.memref_squeeze %dma_start3A_591 : memref<1x512xi32, #tpu.memory_space<vmem>> -> memref<512xi32, #tpu.memory_space<vmem>>
    tpu.enqueue_dma source(%dma_start3A_592 : memref<512xi32, #tpu.memory_space<vmem>>) target(%dma_start3A_589 : memref<512xi32, #tpu.memory_space<hbm>>) target_semaphore(%arg10 : memref<!tpu.dma_semaphore, #tpu.memory_space<semaphore_mem>>)
    %add3A_593 = arith.constant 327680 : i32
    %add3A_594 = arith.addi %add3A_593, %mul3A_2 : i32
    %dma_start3A_595 = arith.constant 20 : i32
    %dma_start3A_596 = arith.constant 0 : i32
    %dma_start3A_597 = tpu.memref_slice %arg9[%dma_start3A_595, %dma_start3A_596] : memref<32x512xi32, #tpu.memory_space<vmem>> -> memref<1x512xi32, #tpu.memory_space<vmem>>
    %dma_start3A_598 = tpu.memref_squeeze %dma_start3A_597 : memref<1x512xi32, #tpu.memory_space<vmem>> -> memref<512xi32, #tpu.memory_space<vmem>>
    %dma_start3A_599 = tpu.memref_slice %arg5[%add3A_594] : memref<524288xi32, #tpu.memory_space<hbm>> -> memref<512xi32, #tpu.memory_space<hbm>>
    %dma_start3A_600 = tpu.memref_slice %arg5[%add3A_594] : memref<524288xi32, #tpu.memory_space<hbm>> -> memref<512xi32, #tpu.memory_space<hbm>>
    %dma_start3A_601 = arith.constant 0 : i32
    %dma_start3A_602 = tpu.memref_slice %arg9[%dma_start3A_595, %dma_start3A_601] : memref<32x512xi32, #tpu.memory_space<vmem>> -> memref<1x512xi32, #tpu.memory_space<vmem>>
    %dma_start3A_603 = tpu.memref_squeeze %dma_start3A_602 : memref<1x512xi32, #tpu.memory_space<vmem>> -> memref<512xi32, #tpu.memory_space<vmem>>
    tpu.enqueue_dma source(%dma_start3A_603 : memref<512xi32, #tpu.memory_space<vmem>>) target(%dma_start3A_600 : memref<512xi32, #tpu.memory_space<hbm>>) target_semaphore(%arg10 : memref<!tpu.dma_semaphore, #tpu.memory_space<semaphore_mem>>)
    %add3A_604 = arith.constant 344064 : i32
    %add3A_605 = arith.addi %add3A_604, %mul3A_2 : i32
    %dma_start3A_606 = arith.constant 21 : i32
    %dma_start3A_607 = arith.constant 0 : i32
    %dma_start3A_608 = tpu.memref_slice %arg9[%dma_start3A_606, %dma_start3A_607] : memref<32x512xi32, #tpu.memory_space<vmem>> -> memref<1x512xi32, #tpu.memory_space<vmem>>
    %dma_start3A_609 = tpu.memref_squeeze %dma_start3A_608 : memref<1x512xi32, #tpu.memory_space<vmem>> -> memref<512xi32, #tpu.memory_space<vmem>>
    %dma_start3A_610 = tpu.memref_slice %arg5[%add3A_605] : memref<524288xi32, #tpu.memory_space<hbm>> -> memref<512xi32, #tpu.memory_space<hbm>>
    %dma_start3A_611 = tpu.memref_slice %arg5[%add3A_605] : memref<524288xi32, #tpu.memory_space<hbm>> -> memref<512xi32, #tpu.memory_space<hbm>>
    %dma_start3A_612 = arith.constant 0 : i32
    %dma_start3A_613 = tpu.memref_slice %arg9[%dma_start3A_606, %dma_start3A_612] : memref<32x512xi32, #tpu.memory_space<vmem>> -> memref<1x512xi32, #tpu.memory_space<vmem>>
    %dma_start3A_614 = tpu.memref_squeeze %dma_start3A_613 : memref<1x512xi32, #tpu.memory_space<vmem>> -> memref<512xi32, #tpu.memory_space<vmem>>
    tpu.enqueue_dma source(%dma_start3A_614 : memref<512xi32, #tpu.memory_space<vmem>>) target(%dma_start3A_611 : memref<512xi32, #tpu.memory_space<hbm>>) target_semaphore(%arg10 : memref<!tpu.dma_semaphore, #tpu.memory_space<semaphore_mem>>)
    %add3A_615 = arith.constant 360448 : i32
    %add3A_616 = arith.addi %add3A_615, %mul3A_2 : i32
    %dma_start3A_617 = arith.constant 22 : i32
    %dma_start3A_618 = arith.constant 0 : i32
    %dma_start3A_619 = tpu.memref_slice %arg9[%dma_start3A_617, %dma_start3A_618] : memref<32x512xi32, #tpu.memory_space<vmem>> -> memref<1x512xi32, #tpu.memory_space<vmem>>
    %dma_start3A_620 = tpu.memref_squeeze %dma_start3A_619 : memref<1x512xi32, #tpu.memory_space<vmem>> -> memref<512xi32, #tpu.memory_space<vmem>>
    %dma_start3A_621 = tpu.memref_slice %arg5[%add3A_616] : memref<524288xi32, #tpu.memory_space<hbm>> -> memref<512xi32, #tpu.memory_space<hbm>>
    %dma_start3A_622 = tpu.memref_slice %arg5[%add3A_616] : memref<524288xi32, #tpu.memory_space<hbm>> -> memref<512xi32, #tpu.memory_space<hbm>>
    %dma_start3A_623 = arith.constant 0 : i32
    %dma_start3A_624 = tpu.memref_slice %arg9[%dma_start3A_617, %dma_start3A_623] : memref<32x512xi32, #tpu.memory_space<vmem>> -> memref<1x512xi32, #tpu.memory_space<vmem>>
    %dma_start3A_625 = tpu.memref_squeeze %dma_start3A_624 : memref<1x512xi32, #tpu.memory_space<vmem>> -> memref<512xi32, #tpu.memory_space<vmem>>
    tpu.enqueue_dma source(%dma_start3A_625 : memref<512xi32, #tpu.memory_space<vmem>>) target(%dma_start3A_622 : memref<512xi32, #tpu.memory_space<hbm>>) target_semaphore(%arg10 : memref<!tpu.dma_semaphore, #tpu.memory_space<semaphore_mem>>)
    %add3A_626 = arith.constant 376832 : i32
    %add3A_627 = arith.addi %add3A_626, %mul3A_2 : i32
    %dma_start3A_628 = arith.constant 23 : i32
    %dma_start3A_629 = arith.constant 0 : i32
    %dma_start3A_630 = tpu.memref_slice %arg9[%dma_start3A_628, %dma_start3A_629] : memref<32x512xi32, #tpu.memory_space<vmem>> -> memref<1x512xi32, #tpu.memory_space<vmem>>
    %dma_start3A_631 = tpu.memref_squeeze %dma_start3A_630 : memref<1x512xi32, #tpu.memory_space<vmem>> -> memref<512xi32, #tpu.memory_space<vmem>>
    %dma_start3A_632 = tpu.memref_slice %arg5[%add3A_627] : memref<524288xi32, #tpu.memory_space<hbm>> -> memref<512xi32, #tpu.memory_space<hbm>>
    %dma_start3A_633 = tpu.memref_slice %arg5[%add3A_627] : memref<524288xi32, #tpu.memory_space<hbm>> -> memref<512xi32, #tpu.memory_space<hbm>>
    %dma_start3A_634 = arith.constant 0 : i32
    %dma_start3A_635 = tpu.memref_slice %arg9[%dma_start3A_628, %dma_start3A_634] : memref<32x512xi32, #tpu.memory_space<vmem>> -> memref<1x512xi32, #tpu.memory_space<vmem>>
    %dma_start3A_636 = tpu.memref_squeeze %dma_start3A_635 : memref<1x512xi32, #tpu.memory_space<vmem>> -> memref<512xi32, #tpu.memory_space<vmem>>
    tpu.enqueue_dma source(%dma_start3A_636 : memref<512xi32, #tpu.memory_space<vmem>>) target(%dma_start3A_633 : memref<512xi32, #tpu.memory_space<hbm>>) target_semaphore(%arg10 : memref<!tpu.dma_semaphore, #tpu.memory_space<semaphore_mem>>)
    %add3A_637 = arith.constant 393216 : i32
    %add3A_638 = arith.addi %add3A_637, %mul3A_2 : i32
    %dma_start3A_639 = arith.constant 24 : i32
    %dma_start3A_640 = arith.constant 0 : i32
    %dma_start3A_641 = tpu.memref_slice %arg9[%dma_start3A_639, %dma_start3A_640] : memref<32x512xi32, #tpu.memory_space<vmem>> -> memref<1x512xi32, #tpu.memory_space<vmem>>
    %dma_start3A_642 = tpu.memref_squeeze %dma_start3A_641 : memref<1x512xi32, #tpu.memory_space<vmem>> -> memref<512xi32, #tpu.memory_space<vmem>>
    %dma_start3A_643 = tpu.memref_slice %arg5[%add3A_638] : memref<524288xi32, #tpu.memory_space<hbm>> -> memref<512xi32, #tpu.memory_space<hbm>>
    %dma_start3A_644 = tpu.memref_slice %arg5[%add3A_638] : memref<524288xi32, #tpu.memory_space<hbm>> -> memref<512xi32, #tpu.memory_space<hbm>>
    %dma_start3A_645 = arith.constant 0 : i32
    %dma_start3A_646 = tpu.memref_slice %arg9[%dma_start3A_639, %dma_start3A_645] : memref<32x512xi32, #tpu.memory_space<vmem>> -> memref<1x512xi32, #tpu.memory_space<vmem>>
    %dma_start3A_647 = tpu.memref_squeeze %dma_start3A_646 : memref<1x512xi32, #tpu.memory_space<vmem>> -> memref<512xi32, #tpu.memory_space<vmem>>
    tpu.enqueue_dma source(%dma_start3A_647 : memref<512xi32, #tpu.memory_space<vmem>>) target(%dma_start3A_644 : memref<512xi32, #tpu.memory_space<hbm>>) target_semaphore(%arg10 : memref<!tpu.dma_semaphore, #tpu.memory_space<semaphore_mem>>)
    %add3A_648 = arith.constant 409600 : i32
    %add3A_649 = arith.addi %add3A_648, %mul3A_2 : i32
    %dma_start3A_650 = arith.constant 25 : i32
    %dma_start3A_651 = arith.constant 0 : i32
    %dma_start3A_652 = tpu.memref_slice %arg9[%dma_start3A_650, %dma_start3A_651] : memref<32x512xi32, #tpu.memory_space<vmem>> -> memref<1x512xi32, #tpu.memory_space<vmem>>
    %dma_start3A_653 = tpu.memref_squeeze %dma_start3A_652 : memref<1x512xi32, #tpu.memory_space<vmem>> -> memref<512xi32, #tpu.memory_space<vmem>>
    %dma_start3A_654 = tpu.memref_slice %arg5[%add3A_649] : memref<524288xi32, #tpu.memory_space<hbm>> -> memref<512xi32, #tpu.memory_space<hbm>>
    %dma_start3A_655 = tpu.memref_slice %arg5[%add3A_649] : memref<524288xi32, #tpu.memory_space<hbm>> -> memref<512xi32, #tpu.memory_space<hbm>>
    %dma_start3A_656 = arith.constant 0 : i32
    %dma_start3A_657 = tpu.memref_slice %arg9[%dma_start3A_650, %dma_start3A_656] : memref<32x512xi32, #tpu.memory_space<vmem>> -> memref<1x512xi32, #tpu.memory_space<vmem>>
    %dma_start3A_658 = tpu.memref_squeeze %dma_start3A_657 : memref<1x512xi32, #tpu.memory_space<vmem>> -> memref<512xi32, #tpu.memory_space<vmem>>
    tpu.enqueue_dma source(%dma_start3A_658 : memref<512xi32, #tpu.memory_space<vmem>>) target(%dma_start3A_655 : memref<512xi32, #tpu.memory_space<hbm>>) target_semaphore(%arg10 : memref<!tpu.dma_semaphore, #tpu.memory_space<semaphore_mem>>)
    %add3A_659 = arith.constant 425984 : i32
    %add3A_660 = arith.addi %add3A_659, %mul3A_2 : i32
    %dma_start3A_661 = arith.constant 26 : i32
    %dma_start3A_662 = arith.constant 0 : i32
    %dma_start3A_663 = tpu.memref_slice %arg9[%dma_start3A_661, %dma_start3A_662] : memref<32x512xi32, #tpu.memory_space<vmem>> -> memref<1x512xi32, #tpu.memory_space<vmem>>
    %dma_start3A_664 = tpu.memref_squeeze %dma_start3A_663 : memref<1x512xi32, #tpu.memory_space<vmem>> -> memref<512xi32, #tpu.memory_space<vmem>>
    %dma_start3A_665 = tpu.memref_slice %arg5[%add3A_660] : memref<524288xi32, #tpu.memory_space<hbm>> -> memref<512xi32, #tpu.memory_space<hbm>>
    %dma_start3A_666 = tpu.memref_slice %arg5[%add3A_660] : memref<524288xi32, #tpu.memory_space<hbm>> -> memref<512xi32, #tpu.memory_space<hbm>>
    %dma_start3A_667 = arith.constant 0 : i32
    %dma_start3A_668 = tpu.memref_slice %arg9[%dma_start3A_661, %dma_start3A_667] : memref<32x512xi32, #tpu.memory_space<vmem>> -> memref<1x512xi32, #tpu.memory_space<vmem>>
    %dma_start3A_669 = tpu.memref_squeeze %dma_start3A_668 : memref<1x512xi32, #tpu.memory_space<vmem>> -> memref<512xi32, #tpu.memory_space<vmem>>
    tpu.enqueue_dma source(%dma_start3A_669 : memref<512xi32, #tpu.memory_space<vmem>>) target(%dma_start3A_666 : memref<512xi32, #tpu.memory_space<hbm>>) target_semaphore(%arg10 : memref<!tpu.dma_semaphore, #tpu.memory_space<semaphore_mem>>)
    %add3A_670 = arith.constant 442368 : i32
    %add3A_671 = arith.addi %add3A_670, %mul3A_2 : i32
    %dma_start3A_672 = arith.constant 27 : i32
    %dma_start3A_673 = arith.constant 0 : i32
    %dma_start3A_674 = tpu.memref_slice %arg9[%dma_start3A_672, %dma_start3A_673] : memref<32x512xi32, #tpu.memory_space<vmem>> -> memref<1x512xi32, #tpu.memory_space<vmem>>
    %dma_start3A_675 = tpu.memref_squeeze %dma_start3A_674 : memref<1x512xi32, #tpu.memory_space<vmem>> -> memref<512xi32, #tpu.memory_space<vmem>>
    %dma_start3A_676 = tpu.memref_slice %arg5[%add3A_671] : memref<524288xi32, #tpu.memory_space<hbm>> -> memref<512xi32, #tpu.memory_space<hbm>>
    %dma_start3A_677 = tpu.memref_slice %arg5[%add3A_671] : memref<524288xi32, #tpu.memory_space<hbm>> -> memref<512xi32, #tpu.memory_space<hbm>>
    %dma_start3A_678 = arith.constant 0 : i32
    %dma_start3A_679 = tpu.memref_slice %arg9[%dma_start3A_672, %dma_start3A_678] : memref<32x512xi32, #tpu.memory_space<vmem>> -> memref<1x512xi32, #tpu.memory_space<vmem>>
    %dma_start3A_680 = tpu.memref_squeeze %dma_start3A_679 : memref<1x512xi32, #tpu.memory_space<vmem>> -> memref<512xi32, #tpu.memory_space<vmem>>
    tpu.enqueue_dma source(%dma_start3A_680 : memref<512xi32, #tpu.memory_space<vmem>>) target(%dma_start3A_677 : memref<512xi32, #tpu.memory_space<hbm>>) target_semaphore(%arg10 : memref<!tpu.dma_semaphore, #tpu.memory_space<semaphore_mem>>)
    %add3A_681 = arith.constant 458752 : i32
    %add3A_682 = arith.addi %add3A_681, %mul3A_2 : i32
    %dma_start3A_683 = arith.constant 28 : i32
    %dma_start3A_684 = arith.constant 0 : i32
    %dma_start3A_685 = tpu.memref_slice %arg9[%dma_start3A_683, %dma_start3A_684] : memref<32x512xi32, #tpu.memory_space<vmem>> -> memref<1x512xi32, #tpu.memory_space<vmem>>
    %dma_start3A_686 = tpu.memref_squeeze %dma_start3A_685 : memref<1x512xi32, #tpu.memory_space<vmem>> -> memref<512xi32, #tpu.memory_space<vmem>>
    %dma_start3A_687 = tpu.memref_slice %arg5[%add3A_682] : memref<524288xi32, #tpu.memory_space<hbm>> -> memref<512xi32, #tpu.memory_space<hbm>>
    %dma_start3A_688 = tpu.memref_slice %arg5[%add3A_682] : memref<524288xi32, #tpu.memory_space<hbm>> -> memref<512xi32, #tpu.memory_space<hbm>>
    %dma_start3A_689 = arith.constant 0 : i32
    %dma_start3A_690 = tpu.memref_slice %arg9[%dma_start3A_683, %dma_start3A_689] : memref<32x512xi32, #tpu.memory_space<vmem>> -> memref<1x512xi32, #tpu.memory_space<vmem>>
    %dma_start3A_691 = tpu.memref_squeeze %dma_start3A_690 : memref<1x512xi32, #tpu.memory_space<vmem>> -> memref<512xi32, #tpu.memory_space<vmem>>
    tpu.enqueue_dma source(%dma_start3A_691 : memref<512xi32, #tpu.memory_space<vmem>>) target(%dma_start3A_688 : memref<512xi32, #tpu.memory_space<hbm>>) target_semaphore(%arg10 : memref<!tpu.dma_semaphore, #tpu.memory_space<semaphore_mem>>)
    %add3A_692 = arith.constant 475136 : i32
    %add3A_693 = arith.addi %add3A_692, %mul3A_2 : i32
    %dma_start3A_694 = arith.constant 29 : i32
    %dma_start3A_695 = arith.constant 0 : i32
    %dma_start3A_696 = tpu.memref_slice %arg9[%dma_start3A_694, %dma_start3A_695] : memref<32x512xi32, #tpu.memory_space<vmem>> -> memref<1x512xi32, #tpu.memory_space<vmem>>
    %dma_start3A_697 = tpu.memref_squeeze %dma_start3A_696 : memref<1x512xi32, #tpu.memory_space<vmem>> -> memref<512xi32, #tpu.memory_space<vmem>>
    %dma_start3A_698 = tpu.memref_slice %arg5[%add3A_693] : memref<524288xi32, #tpu.memory_space<hbm>> -> memref<512xi32, #tpu.memory_space<hbm>>
    %dma_start3A_699 = tpu.memref_slice %arg5[%add3A_693] : memref<524288xi32, #tpu.memory_space<hbm>> -> memref<512xi32, #tpu.memory_space<hbm>>
    %dma_start3A_700 = arith.constant 0 : i32
    %dma_start3A_701 = tpu.memref_slice %arg9[%dma_start3A_694, %dma_start3A_700] : memref<32x512xi32, #tpu.memory_space<vmem>> -> memref<1x512xi32, #tpu.memory_space<vmem>>
    %dma_start3A_702 = tpu.memref_squeeze %dma_start3A_701 : memref<1x512xi32, #tpu.memory_space<vmem>> -> memref<512xi32, #tpu.memory_space<vmem>>
    tpu.enqueue_dma source(%dma_start3A_702 : memref<512xi32, #tpu.memory_space<vmem>>) target(%dma_start3A_699 : memref<512xi32, #tpu.memory_space<hbm>>) target_semaphore(%arg10 : memref<!tpu.dma_semaphore, #tpu.memory_space<semaphore_mem>>)
    %add3A_703 = arith.constant 491520 : i32
    %add3A_704 = arith.addi %add3A_703, %mul3A_2 : i32
    %dma_start3A_705 = arith.constant 30 : i32
    %dma_start3A_706 = arith.constant 0 : i32
    %dma_start3A_707 = tpu.memref_slice %arg9[%dma_start3A_705, %dma_start3A_706] : memref<32x512xi32, #tpu.memory_space<vmem>> -> memref<1x512xi32, #tpu.memory_space<vmem>>
    %dma_start3A_708 = tpu.memref_squeeze %dma_start3A_707 : memref<1x512xi32, #tpu.memory_space<vmem>> -> memref<512xi32, #tpu.memory_space<vmem>>
    %dma_start3A_709 = tpu.memref_slice %arg5[%add3A_704] : memref<524288xi32, #tpu.memory_space<hbm>> -> memref<512xi32, #tpu.memory_space<hbm>>
    %dma_start3A_710 = tpu.memref_slice %arg5[%add3A_704] : memref<524288xi32, #tpu.memory_space<hbm>> -> memref<512xi32, #tpu.memory_space<hbm>>
    %dma_start3A_711 = arith.constant 0 : i32
    %dma_start3A_712 = tpu.memref_slice %arg9[%dma_start3A_705, %dma_start3A_711] : memref<32x512xi32, #tpu.memory_space<vmem>> -> memref<1x512xi32, #tpu.memory_space<vmem>>
    %dma_start3A_713 = tpu.memref_squeeze %dma_start3A_712 : memref<1x512xi32, #tpu.memory_space<vmem>> -> memref<512xi32, #tpu.memory_space<vmem>>
    tpu.enqueue_dma source(%dma_start3A_713 : memref<512xi32, #tpu.memory_space<vmem>>) target(%dma_start3A_710 : memref<512xi32, #tpu.memory_space<hbm>>) target_semaphore(%arg10 : memref<!tpu.dma_semaphore, #tpu.memory_space<semaphore_mem>>)
    %add3A_714 = arith.constant 507904 : i32
    %add3A_715 = arith.addi %add3A_714, %mul3A_2 : i32
    %dma_start3A_716 = arith.constant 31 : i32
    %dma_start3A_717 = arith.constant 0 : i32
    %dma_start3A_718 = tpu.memref_slice %arg9[%dma_start3A_716, %dma_start3A_717] : memref<32x512xi32, #tpu.memory_space<vmem>> -> memref<1x512xi32, #tpu.memory_space<vmem>>
    %dma_start3A_719 = tpu.memref_squeeze %dma_start3A_718 : memref<1x512xi32, #tpu.memory_space<vmem>> -> memref<512xi32, #tpu.memory_space<vmem>>
    %dma_start3A_720 = tpu.memref_slice %arg5[%add3A_715] : memref<524288xi32, #tpu.memory_space<hbm>> -> memref<512xi32, #tpu.memory_space<hbm>>
    %dma_start3A_721 = tpu.memref_slice %arg5[%add3A_715] : memref<524288xi32, #tpu.memory_space<hbm>> -> memref<512xi32, #tpu.memory_space<hbm>>
    %dma_start3A_722 = arith.constant 0 : i32
    %dma_start3A_723 = tpu.memref_slice %arg9[%dma_start3A_716, %dma_start3A_722] : memref<32x512xi32, #tpu.memory_space<vmem>> -> memref<1x512xi32, #tpu.memory_space<vmem>>
    %dma_start3A_724 = tpu.memref_squeeze %dma_start3A_723 : memref<1x512xi32, #tpu.memory_space<vmem>> -> memref<512xi32, #tpu.memory_space<vmem>>
    tpu.enqueue_dma source(%dma_start3A_724 : memref<512xi32, #tpu.memory_space<vmem>>) target(%dma_start3A_721 : memref<512xi32, #tpu.memory_space<hbm>>) target_semaphore(%arg10 : memref<!tpu.dma_semaphore, #tpu.memory_space<semaphore_mem>>)
    %dma_wait3A_725 = arith.constant 0 : i32
    %dma_wait3A_726 = arith.constant 0 : i32
    %dma_wait3A_727 = tpu.memref_slice %arg7[%dma_wait3A_725, %dma_wait3A_726] : memref<2x512xf32, #tpu.memory_space<vmem>> -> memref<1x512xf32, #tpu.memory_space<vmem>>
    %dma_wait3A_728 = tpu.memref_squeeze %dma_wait3A_727 : memref<1x512xf32, #tpu.memory_space<vmem>> -> memref<512xf32, #tpu.memory_space<vmem>>
    %dma_wait3A_729 = tpu.memref_slice %arg3[%add3A_330] : memref<32768xf32, #tpu.memory_space<hbm>> -> memref<512xf32, #tpu.memory_space<hbm>>
    %dma_wait3A_730 = tpu.memref_slice %arg3[%add3A_330] : memref<32768xf32, #tpu.memory_space<hbm>> -> memref<512xf32, #tpu.memory_space<hbm>>
    %dma_wait3A_731 = arith.constant 0 : i32
    %dma_wait3A_732 = tpu.memref_slice %arg7[%dma_wait3A_725, %dma_wait3A_731] : memref<2x512xf32, #tpu.memory_space<vmem>> -> memref<1x512xf32, #tpu.memory_space<vmem>>
    %dma_wait3A_733 = tpu.memref_squeeze %dma_wait3A_732 : memref<1x512xf32, #tpu.memory_space<vmem>> -> memref<512xf32, #tpu.memory_space<vmem>>
    tpu.wait_dma2 semaphore(%arg10 : memref<!tpu.dma_semaphore, #tpu.memory_space<semaphore_mem>>) src(%dma_wait3A_733 : memref<512xf32, #tpu.memory_space<vmem>>) dst(%dma_wait3A_730 : memref<512xf32, #tpu.memory_space<hbm>>)
    %dma_wait3A_734 = arith.constant 0 : i32
    %dma_wait3A_735 = arith.constant 0 : i32
    %dma_wait3A_736 = tpu.memref_slice %arg8[%dma_wait3A_734, %dma_wait3A_735] : memref<2x512xi32, #tpu.memory_space<vmem>> -> memref<1x512xi32, #tpu.memory_space<vmem>>
    %dma_wait3A_737 = tpu.memref_squeeze %dma_wait3A_736 : memref<1x512xi32, #tpu.memory_space<vmem>> -> memref<512xi32, #tpu.memory_space<vmem>>
    %dma_wait3A_738 = tpu.memref_slice %arg4[%add3A_341] : memref<32768xi32, #tpu.memory_space<hbm>> -> memref<512xi32, #tpu.memory_space<hbm>>
    %dma_wait3A_739 = tpu.memref_slice %arg4[%add3A_341] : memref<32768xi32, #tpu.memory_space<hbm>> -> memref<512xi32, #tpu.memory_space<hbm>>
    %dma_wait3A_740 = arith.constant 0 : i32
    %dma_wait3A_741 = tpu.memref_slice %arg8[%dma_wait3A_734, %dma_wait3A_740] : memref<2x512xi32, #tpu.memory_space<vmem>> -> memref<1x512xi32, #tpu.memory_space<vmem>>
    %dma_wait3A_742 = tpu.memref_squeeze %dma_wait3A_741 : memref<1x512xi32, #tpu.memory_space<vmem>> -> memref<512xi32, #tpu.memory_space<vmem>>
    tpu.wait_dma2 semaphore(%arg10 : memref<!tpu.dma_semaphore, #tpu.memory_space<semaphore_mem>>) src(%dma_wait3A_742 : memref<512xi32, #tpu.memory_space<vmem>>) dst(%dma_wait3A_739 : memref<512xi32, #tpu.memory_space<hbm>>)
    %dma_wait3A_743 = arith.constant 1 : i32
    %dma_wait3A_744 = arith.constant 0 : i32
    %dma_wait3A_745 = tpu.memref_slice %arg7[%dma_wait3A_743, %dma_wait3A_744] : memref<2x512xf32, #tpu.memory_space<vmem>> -> memref<1x512xf32, #tpu.memory_space<vmem>>
    %dma_wait3A_746 = tpu.memref_squeeze %dma_wait3A_745 : memref<1x512xf32, #tpu.memory_space<vmem>> -> memref<512xf32, #tpu.memory_space<vmem>>
    %dma_wait3A_747 = tpu.memref_slice %arg3[%add3A_352] : memref<32768xf32, #tpu.memory_space<hbm>> -> memref<512xf32, #tpu.memory_space<hbm>>
    %dma_wait3A_748 = tpu.memref_slice %arg3[%add3A_352] : memref<32768xf32, #tpu.memory_space<hbm>> -> memref<512xf32, #tpu.memory_space<hbm>>
    %dma_wait3A_749 = arith.constant 0 : i32
    %dma_wait3A_750 = tpu.memref_slice %arg7[%dma_wait3A_743, %dma_wait3A_749] : memref<2x512xf32, #tpu.memory_space<vmem>> -> memref<1x512xf32, #tpu.memory_space<vmem>>
    %dma_wait3A_751 = tpu.memref_squeeze %dma_wait3A_750 : memref<1x512xf32, #tpu.memory_space<vmem>> -> memref<512xf32, #tpu.memory_space<vmem>>
    tpu.wait_dma2 semaphore(%arg10 : memref<!tpu.dma_semaphore, #tpu.memory_space<semaphore_mem>>) src(%dma_wait3A_751 : memref<512xf32, #tpu.memory_space<vmem>>) dst(%dma_wait3A_748 : memref<512xf32, #tpu.memory_space<hbm>>)
    %dma_wait3A_752 = arith.constant 1 : i32
    %dma_wait3A_753 = arith.constant 0 : i32
    %dma_wait3A_754 = tpu.memref_slice %arg8[%dma_wait3A_752, %dma_wait3A_753] : memref<2x512xi32, #tpu.memory_space<vmem>> -> memref<1x512xi32, #tpu.memory_space<vmem>>
    %dma_wait3A_755 = tpu.memref_squeeze %dma_wait3A_754 : memref<1x512xi32, #tpu.memory_space<vmem>> -> memref<512xi32, #tpu.memory_space<vmem>>
    %dma_wait3A_756 = tpu.memref_slice %arg4[%add3A_363] : memref<32768xi32, #tpu.memory_space<hbm>> -> memref<512xi32, #tpu.memory_space<hbm>>
    %dma_wait3A_757 = tpu.memref_slice %arg4[%add3A_363] : memref<32768xi32, #tpu.memory_space<hbm>> -> memref<512xi32, #tpu.memory_space<hbm>>
    %dma_wait3A_758 = arith.constant 0 : i32
    %dma_wait3A_759 = tpu.memref_slice %arg8[%dma_wait3A_752, %dma_wait3A_758] : memref<2x512xi32, #tpu.memory_space<vmem>> -> memref<1x512xi32, #tpu.memory_space<vmem>>
    %dma_wait3A_760 = tpu.memref_squeeze %dma_wait3A_759 : memref<1x512xi32, #tpu.memory_space<vmem>> -> memref<512xi32, #tpu.memory_space<vmem>>
    tpu.wait_dma2 semaphore(%arg10 : memref<!tpu.dma_semaphore, #tpu.memory_space<semaphore_mem>>) src(%dma_wait3A_760 : memref<512xi32, #tpu.memory_space<vmem>>) dst(%dma_wait3A_757 : memref<512xi32, #tpu.memory_space<hbm>>)
    %dma_wait3A_761 = arith.constant 0 : i32
    %dma_wait3A_762 = arith.constant 0 : i32
    %dma_wait3A_763 = tpu.memref_slice %arg9[%dma_wait3A_761, %dma_wait3A_762] : memref<32x512xi32, #tpu.memory_space<vmem>> -> memref<1x512xi32, #tpu.memory_space<vmem>>
    %dma_wait3A_764 = tpu.memref_squeeze %dma_wait3A_763 : memref<1x512xi32, #tpu.memory_space<vmem>> -> memref<512xi32, #tpu.memory_space<vmem>>
    %dma_wait3A_765 = tpu.memref_slice %arg5[%add3A_374] : memref<524288xi32, #tpu.memory_space<hbm>> -> memref<512xi32, #tpu.memory_space<hbm>>
    %dma_wait3A_766 = tpu.memref_slice %arg5[%add3A_374] : memref<524288xi32, #tpu.memory_space<hbm>> -> memref<512xi32, #tpu.memory_space<hbm>>
    %dma_wait3A_767 = arith.constant 0 : i32
    %dma_wait3A_768 = tpu.memref_slice %arg9[%dma_wait3A_761, %dma_wait3A_767] : memref<32x512xi32, #tpu.memory_space<vmem>> -> memref<1x512xi32, #tpu.memory_space<vmem>>
    %dma_wait3A_769 = tpu.memref_squeeze %dma_wait3A_768 : memref<1x512xi32, #tpu.memory_space<vmem>> -> memref<512xi32, #tpu.memory_space<vmem>>
    tpu.wait_dma2 semaphore(%arg10 : memref<!tpu.dma_semaphore, #tpu.memory_space<semaphore_mem>>) src(%dma_wait3A_769 : memref<512xi32, #tpu.memory_space<vmem>>) dst(%dma_wait3A_766 : memref<512xi32, #tpu.memory_space<hbm>>)
    %dma_wait3A_770 = arith.constant 1 : i32
    %dma_wait3A_771 = arith.constant 0 : i32
    %dma_wait3A_772 = tpu.memref_slice %arg9[%dma_wait3A_770, %dma_wait3A_771] : memref<32x512xi32, #tpu.memory_space<vmem>> -> memref<1x512xi32, #tpu.memory_space<vmem>>
    %dma_wait3A_773 = tpu.memref_squeeze %dma_wait3A_772 : memref<1x512xi32, #tpu.memory_space<vmem>> -> memref<512xi32, #tpu.memory_space<vmem>>
    %dma_wait3A_774 = tpu.memref_slice %arg5[%add3A_385] : memref<524288xi32, #tpu.memory_space<hbm>> -> memref<512xi32, #tpu.memory_space<hbm>>
    %dma_wait3A_775 = tpu.memref_slice %arg5[%add3A_385] : memref<524288xi32, #tpu.memory_space<hbm>> -> memref<512xi32, #tpu.memory_space<hbm>>
    %dma_wait3A_776 = arith.constant 0 : i32
    %dma_wait3A_777 = tpu.memref_slice %arg9[%dma_wait3A_770, %dma_wait3A_776] : memref<32x512xi32, #tpu.memory_space<vmem>> -> memref<1x512xi32, #tpu.memory_space<vmem>>
    %dma_wait3A_778 = tpu.memref_squeeze %dma_wait3A_777 : memref<1x512xi32, #tpu.memory_space<vmem>> -> memref<512xi32, #tpu.memory_space<vmem>>
    tpu.wait_dma2 semaphore(%arg10 : memref<!tpu.dma_semaphore, #tpu.memory_space<semaphore_mem>>) src(%dma_wait3A_778 : memref<512xi32, #tpu.memory_space<vmem>>) dst(%dma_wait3A_775 : memref<512xi32, #tpu.memory_space<hbm>>)
    %dma_wait3A_779 = arith.constant 2 : i32
    %dma_wait3A_780 = arith.constant 0 : i32
    %dma_wait3A_781 = tpu.memref_slice %arg9[%dma_wait3A_779, %dma_wait3A_780] : memref<32x512xi32, #tpu.memory_space<vmem>> -> memref<1x512xi32, #tpu.memory_space<vmem>>
    %dma_wait3A_782 = tpu.memref_squeeze %dma_wait3A_781 : memref<1x512xi32, #tpu.memory_space<vmem>> -> memref<512xi32, #tpu.memory_space<vmem>>
    %dma_wait3A_783 = tpu.memref_slice %arg5[%add3A_396] : memref<524288xi32, #tpu.memory_space<hbm>> -> memref<512xi32, #tpu.memory_space<hbm>>
    %dma_wait3A_784 = tpu.memref_slice %arg5[%add3A_396] : memref<524288xi32, #tpu.memory_space<hbm>> -> memref<512xi32, #tpu.memory_space<hbm>>
    %dma_wait3A_785 = arith.constant 0 : i32
    %dma_wait3A_786 = tpu.memref_slice %arg9[%dma_wait3A_779, %dma_wait3A_785] : memref<32x512xi32, #tpu.memory_space<vmem>> -> memref<1x512xi32, #tpu.memory_space<vmem>>
    %dma_wait3A_787 = tpu.memref_squeeze %dma_wait3A_786 : memref<1x512xi32, #tpu.memory_space<vmem>> -> memref<512xi32, #tpu.memory_space<vmem>>
    tpu.wait_dma2 semaphore(%arg10 : memref<!tpu.dma_semaphore, #tpu.memory_space<semaphore_mem>>) src(%dma_wait3A_787 : memref<512xi32, #tpu.memory_space<vmem>>) dst(%dma_wait3A_784 : memref<512xi32, #tpu.memory_space<hbm>>)
    %dma_wait3A_788 = arith.constant 3 : i32
    %dma_wait3A_789 = arith.constant 0 : i32
    %dma_wait3A_790 = tpu.memref_slice %arg9[%dma_wait3A_788, %dma_wait3A_789] : memref<32x512xi32, #tpu.memory_space<vmem>> -> memref<1x512xi32, #tpu.memory_space<vmem>>
    %dma_wait3A_791 = tpu.memref_squeeze %dma_wait3A_790 : memref<1x512xi32, #tpu.memory_space<vmem>> -> memref<512xi32, #tpu.memory_space<vmem>>
    %dma_wait3A_792 = tpu.memref_slice %arg5[%add3A_407] : memref<524288xi32, #tpu.memory_space<hbm>> -> memref<512xi32, #tpu.memory_space<hbm>>
    %dma_wait3A_793 = tpu.memref_slice %arg5[%add3A_407] : memref<524288xi32, #tpu.memory_space<hbm>> -> memref<512xi32, #tpu.memory_space<hbm>>
    %dma_wait3A_794 = arith.constant 0 : i32
    %dma_wait3A_795 = tpu.memref_slice %arg9[%dma_wait3A_788, %dma_wait3A_794] : memref<32x512xi32, #tpu.memory_space<vmem>> -> memref<1x512xi32, #tpu.memory_space<vmem>>
    %dma_wait3A_796 = tpu.memref_squeeze %dma_wait3A_795 : memref<1x512xi32, #tpu.memory_space<vmem>> -> memref<512xi32, #tpu.memory_space<vmem>>
    tpu.wait_dma2 semaphore(%arg10 : memref<!tpu.dma_semaphore, #tpu.memory_space<semaphore_mem>>) src(%dma_wait3A_796 : memref<512xi32, #tpu.memory_space<vmem>>) dst(%dma_wait3A_793 : memref<512xi32, #tpu.memory_space<hbm>>)
    %dma_wait3A_797 = arith.constant 4 : i32
    %dma_wait3A_798 = arith.constant 0 : i32
    %dma_wait3A_799 = tpu.memref_slice %arg9[%dma_wait3A_797, %dma_wait3A_798] : memref<32x512xi32, #tpu.memory_space<vmem>> -> memref<1x512xi32, #tpu.memory_space<vmem>>
    %dma_wait3A_800 = tpu.memref_squeeze %dma_wait3A_799 : memref<1x512xi32, #tpu.memory_space<vmem>> -> memref<512xi32, #tpu.memory_space<vmem>>
    %dma_wait3A_801 = tpu.memref_slice %arg5[%add3A_418] : memref<524288xi32, #tpu.memory_space<hbm>> -> memref<512xi32, #tpu.memory_space<hbm>>
    %dma_wait3A_802 = tpu.memref_slice %arg5[%add3A_418] : memref<524288xi32, #tpu.memory_space<hbm>> -> memref<512xi32, #tpu.memory_space<hbm>>
    %dma_wait3A_803 = arith.constant 0 : i32
    %dma_wait3A_804 = tpu.memref_slice %arg9[%dma_wait3A_797, %dma_wait3A_803] : memref<32x512xi32, #tpu.memory_space<vmem>> -> memref<1x512xi32, #tpu.memory_space<vmem>>
    %dma_wait3A_805 = tpu.memref_squeeze %dma_wait3A_804 : memref<1x512xi32, #tpu.memory_space<vmem>> -> memref<512xi32, #tpu.memory_space<vmem>>
    tpu.wait_dma2 semaphore(%arg10 : memref<!tpu.dma_semaphore, #tpu.memory_space<semaphore_mem>>) src(%dma_wait3A_805 : memref<512xi32, #tpu.memory_space<vmem>>) dst(%dma_wait3A_802 : memref<512xi32, #tpu.memory_space<hbm>>)
    %dma_wait3A_806 = arith.constant 5 : i32
    %dma_wait3A_807 = arith.constant 0 : i32
    %dma_wait3A_808 = tpu.memref_slice %arg9[%dma_wait3A_806, %dma_wait3A_807] : memref<32x512xi32, #tpu.memory_space<vmem>> -> memref<1x512xi32, #tpu.memory_space<vmem>>
    %dma_wait3A_809 = tpu.memref_squeeze %dma_wait3A_808 : memref<1x512xi32, #tpu.memory_space<vmem>> -> memref<512xi32, #tpu.memory_space<vmem>>
    %dma_wait3A_810 = tpu.memref_slice %arg5[%add3A_429] : memref<524288xi32, #tpu.memory_space<hbm>> -> memref<512xi32, #tpu.memory_space<hbm>>
    %dma_wait3A_811 = tpu.memref_slice %arg5[%add3A_429] : memref<524288xi32, #tpu.memory_space<hbm>> -> memref<512xi32, #tpu.memory_space<hbm>>
    %dma_wait3A_812 = arith.constant 0 : i32
    %dma_wait3A_813 = tpu.memref_slice %arg9[%dma_wait3A_806, %dma_wait3A_812] : memref<32x512xi32, #tpu.memory_space<vmem>> -> memref<1x512xi32, #tpu.memory_space<vmem>>
    %dma_wait3A_814 = tpu.memref_squeeze %dma_wait3A_813 : memref<1x512xi32, #tpu.memory_space<vmem>> -> memref<512xi32, #tpu.memory_space<vmem>>
    tpu.wait_dma2 semaphore(%arg10 : memref<!tpu.dma_semaphore, #tpu.memory_space<semaphore_mem>>) src(%dma_wait3A_814 : memref<512xi32, #tpu.memory_space<vmem>>) dst(%dma_wait3A_811 : memref<512xi32, #tpu.memory_space<hbm>>)
    %dma_wait3A_815 = arith.constant 6 : i32
    %dma_wait3A_816 = arith.constant 0 : i32
    %dma_wait3A_817 = tpu.memref_slice %arg9[%dma_wait3A_815, %dma_wait3A_816] : memref<32x512xi32, #tpu.memory_space<vmem>> -> memref<1x512xi32, #tpu.memory_space<vmem>>
    %dma_wait3A_818 = tpu.memref_squeeze %dma_wait3A_817 : memref<1x512xi32, #tpu.memory_space<vmem>> -> memref<512xi32, #tpu.memory_space<vmem>>
    %dma_wait3A_819 = tpu.memref_slice %arg5[%add3A_440] : memref<524288xi32, #tpu.memory_space<hbm>> -> memref<512xi32, #tpu.memory_space<hbm>>
    %dma_wait3A_820 = tpu.memref_slice %arg5[%add3A_440] : memref<524288xi32, #tpu.memory_space<hbm>> -> memref<512xi32, #tpu.memory_space<hbm>>
    %dma_wait3A_821 = arith.constant 0 : i32
    %dma_wait3A_822 = tpu.memref_slice %arg9[%dma_wait3A_815, %dma_wait3A_821] : memref<32x512xi32, #tpu.memory_space<vmem>> -> memref<1x512xi32, #tpu.memory_space<vmem>>
    %dma_wait3A_823 = tpu.memref_squeeze %dma_wait3A_822 : memref<1x512xi32, #tpu.memory_space<vmem>> -> memref<512xi32, #tpu.memory_space<vmem>>
    tpu.wait_dma2 semaphore(%arg10 : memref<!tpu.dma_semaphore, #tpu.memory_space<semaphore_mem>>) src(%dma_wait3A_823 : memref<512xi32, #tpu.memory_space<vmem>>) dst(%dma_wait3A_820 : memref<512xi32, #tpu.memory_space<hbm>>)
    %dma_wait3A_824 = arith.constant 7 : i32
    %dma_wait3A_825 = arith.constant 0 : i32
    %dma_wait3A_826 = tpu.memref_slice %arg9[%dma_wait3A_824, %dma_wait3A_825] : memref<32x512xi32, #tpu.memory_space<vmem>> -> memref<1x512xi32, #tpu.memory_space<vmem>>
    %dma_wait3A_827 = tpu.memref_squeeze %dma_wait3A_826 : memref<1x512xi32, #tpu.memory_space<vmem>> -> memref<512xi32, #tpu.memory_space<vmem>>
    %dma_wait3A_828 = tpu.memref_slice %arg5[%add3A_451] : memref<524288xi32, #tpu.memory_space<hbm>> -> memref<512xi32, #tpu.memory_space<hbm>>
    %dma_wait3A_829 = tpu.memref_slice %arg5[%add3A_451] : memref<524288xi32, #tpu.memory_space<hbm>> -> memref<512xi32, #tpu.memory_space<hbm>>
    %dma_wait3A_830 = arith.constant 0 : i32
    %dma_wait3A_831 = tpu.memref_slice %arg9[%dma_wait3A_824, %dma_wait3A_830] : memref<32x512xi32, #tpu.memory_space<vmem>> -> memref<1x512xi32, #tpu.memory_space<vmem>>
    %dma_wait3A_832 = tpu.memref_squeeze %dma_wait3A_831 : memref<1x512xi32, #tpu.memory_space<vmem>> -> memref<512xi32, #tpu.memory_space<vmem>>
    tpu.wait_dma2 semaphore(%arg10 : memref<!tpu.dma_semaphore, #tpu.memory_space<semaphore_mem>>) src(%dma_wait3A_832 : memref<512xi32, #tpu.memory_space<vmem>>) dst(%dma_wait3A_829 : memref<512xi32, #tpu.memory_space<hbm>>)
    %dma_wait3A_833 = arith.constant 8 : i32
    %dma_wait3A_834 = arith.constant 0 : i32
    %dma_wait3A_835 = tpu.memref_slice %arg9[%dma_wait3A_833, %dma_wait3A_834] : memref<32x512xi32, #tpu.memory_space<vmem>> -> memref<1x512xi32, #tpu.memory_space<vmem>>
    %dma_wait3A_836 = tpu.memref_squeeze %dma_wait3A_835 : memref<1x512xi32, #tpu.memory_space<vmem>> -> memref<512xi32, #tpu.memory_space<vmem>>
    %dma_wait3A_837 = tpu.memref_slice %arg5[%add3A_462] : memref<524288xi32, #tpu.memory_space<hbm>> -> memref<512xi32, #tpu.memory_space<hbm>>
    %dma_wait3A_838 = tpu.memref_slice %arg5[%add3A_462] : memref<524288xi32, #tpu.memory_space<hbm>> -> memref<512xi32, #tpu.memory_space<hbm>>
    %dma_wait3A_839 = arith.constant 0 : i32
    %dma_wait3A_840 = tpu.memref_slice %arg9[%dma_wait3A_833, %dma_wait3A_839] : memref<32x512xi32, #tpu.memory_space<vmem>> -> memref<1x512xi32, #tpu.memory_space<vmem>>
    %dma_wait3A_841 = tpu.memref_squeeze %dma_wait3A_840 : memref<1x512xi32, #tpu.memory_space<vmem>> -> memref<512xi32, #tpu.memory_space<vmem>>
    tpu.wait_dma2 semaphore(%arg10 : memref<!tpu.dma_semaphore, #tpu.memory_space<semaphore_mem>>) src(%dma_wait3A_841 : memref<512xi32, #tpu.memory_space<vmem>>) dst(%dma_wait3A_838 : memref<512xi32, #tpu.memory_space<hbm>>)
    %dma_wait3A_842 = arith.constant 9 : i32
    %dma_wait3A_843 = arith.constant 0 : i32
    %dma_wait3A_844 = tpu.memref_slice %arg9[%dma_wait3A_842, %dma_wait3A_843] : memref<32x512xi32, #tpu.memory_space<vmem>> -> memref<1x512xi32, #tpu.memory_space<vmem>>
    %dma_wait3A_845 = tpu.memref_squeeze %dma_wait3A_844 : memref<1x512xi32, #tpu.memory_space<vmem>> -> memref<512xi32, #tpu.memory_space<vmem>>
    %dma_wait3A_846 = tpu.memref_slice %arg5[%add3A_473] : memref<524288xi32, #tpu.memory_space<hbm>> -> memref<512xi32, #tpu.memory_space<hbm>>
    %dma_wait3A_847 = tpu.memref_slice %arg5[%add3A_473] : memref<524288xi32, #tpu.memory_space<hbm>> -> memref<512xi32, #tpu.memory_space<hbm>>
    %dma_wait3A_848 = arith.constant 0 : i32
    %dma_wait3A_849 = tpu.memref_slice %arg9[%dma_wait3A_842, %dma_wait3A_848] : memref<32x512xi32, #tpu.memory_space<vmem>> -> memref<1x512xi32, #tpu.memory_space<vmem>>
    %dma_wait3A_850 = tpu.memref_squeeze %dma_wait3A_849 : memref<1x512xi32, #tpu.memory_space<vmem>> -> memref<512xi32, #tpu.memory_space<vmem>>
    tpu.wait_dma2 semaphore(%arg10 : memref<!tpu.dma_semaphore, #tpu.memory_space<semaphore_mem>>) src(%dma_wait3A_850 : memref<512xi32, #tpu.memory_space<vmem>>) dst(%dma_wait3A_847 : memref<512xi32, #tpu.memory_space<hbm>>)
    %dma_wait3A_851 = arith.constant 10 : i32
    %dma_wait3A_852 = arith.constant 0 : i32
    %dma_wait3A_853 = tpu.memref_slice %arg9[%dma_wait3A_851, %dma_wait3A_852] : memref<32x512xi32, #tpu.memory_space<vmem>> -> memref<1x512xi32, #tpu.memory_space<vmem>>
    %dma_wait3A_854 = tpu.memref_squeeze %dma_wait3A_853 : memref<1x512xi32, #tpu.memory_space<vmem>> -> memref<512xi32, #tpu.memory_space<vmem>>
    %dma_wait3A_855 = tpu.memref_slice %arg5[%add3A_484] : memref<524288xi32, #tpu.memory_space<hbm>> -> memref<512xi32, #tpu.memory_space<hbm>>
    %dma_wait3A_856 = tpu.memref_slice %arg5[%add3A_484] : memref<524288xi32, #tpu.memory_space<hbm>> -> memref<512xi32, #tpu.memory_space<hbm>>
    %dma_wait3A_857 = arith.constant 0 : i32
    %dma_wait3A_858 = tpu.memref_slice %arg9[%dma_wait3A_851, %dma_wait3A_857] : memref<32x512xi32, #tpu.memory_space<vmem>> -> memref<1x512xi32, #tpu.memory_space<vmem>>
    %dma_wait3A_859 = tpu.memref_squeeze %dma_wait3A_858 : memref<1x512xi32, #tpu.memory_space<vmem>> -> memref<512xi32, #tpu.memory_space<vmem>>
    tpu.wait_dma2 semaphore(%arg10 : memref<!tpu.dma_semaphore, #tpu.memory_space<semaphore_mem>>) src(%dma_wait3A_859 : memref<512xi32, #tpu.memory_space<vmem>>) dst(%dma_wait3A_856 : memref<512xi32, #tpu.memory_space<hbm>>)
    %dma_wait3A_860 = arith.constant 11 : i32
    %dma_wait3A_861 = arith.constant 0 : i32
    %dma_wait3A_862 = tpu.memref_slice %arg9[%dma_wait3A_860, %dma_wait3A_861] : memref<32x512xi32, #tpu.memory_space<vmem>> -> memref<1x512xi32, #tpu.memory_space<vmem>>
    %dma_wait3A_863 = tpu.memref_squeeze %dma_wait3A_862 : memref<1x512xi32, #tpu.memory_space<vmem>> -> memref<512xi32, #tpu.memory_space<vmem>>
    %dma_wait3A_864 = tpu.memref_slice %arg5[%add3A_495] : memref<524288xi32, #tpu.memory_space<hbm>> -> memref<512xi32, #tpu.memory_space<hbm>>
    %dma_wait3A_865 = tpu.memref_slice %arg5[%add3A_495] : memref<524288xi32, #tpu.memory_space<hbm>> -> memref<512xi32, #tpu.memory_space<hbm>>
    %dma_wait3A_866 = arith.constant 0 : i32
    %dma_wait3A_867 = tpu.memref_slice %arg9[%dma_wait3A_860, %dma_wait3A_866] : memref<32x512xi32, #tpu.memory_space<vmem>> -> memref<1x512xi32, #tpu.memory_space<vmem>>
    %dma_wait3A_868 = tpu.memref_squeeze %dma_wait3A_867 : memref<1x512xi32, #tpu.memory_space<vmem>> -> memref<512xi32, #tpu.memory_space<vmem>>
    tpu.wait_dma2 semaphore(%arg10 : memref<!tpu.dma_semaphore, #tpu.memory_space<semaphore_mem>>) src(%dma_wait3A_868 : memref<512xi32, #tpu.memory_space<vmem>>) dst(%dma_wait3A_865 : memref<512xi32, #tpu.memory_space<hbm>>)
    %dma_wait3A_869 = arith.constant 12 : i32
    %dma_wait3A_870 = arith.constant 0 : i32
    %dma_wait3A_871 = tpu.memref_slice %arg9[%dma_wait3A_869, %dma_wait3A_870] : memref<32x512xi32, #tpu.memory_space<vmem>> -> memref<1x512xi32, #tpu.memory_space<vmem>>
    %dma_wait3A_872 = tpu.memref_squeeze %dma_wait3A_871 : memref<1x512xi32, #tpu.memory_space<vmem>> -> memref<512xi32, #tpu.memory_space<vmem>>
    %dma_wait3A_873 = tpu.memref_slice %arg5[%add3A_506] : memref<524288xi32, #tpu.memory_space<hbm>> -> memref<512xi32, #tpu.memory_space<hbm>>
    %dma_wait3A_874 = tpu.memref_slice %arg5[%add3A_506] : memref<524288xi32, #tpu.memory_space<hbm>> -> memref<512xi32, #tpu.memory_space<hbm>>
    %dma_wait3A_875 = arith.constant 0 : i32
    %dma_wait3A_876 = tpu.memref_slice %arg9[%dma_wait3A_869, %dma_wait3A_875] : memref<32x512xi32, #tpu.memory_space<vmem>> -> memref<1x512xi32, #tpu.memory_space<vmem>>
    %dma_wait3A_877 = tpu.memref_squeeze %dma_wait3A_876 : memref<1x512xi32, #tpu.memory_space<vmem>> -> memref<512xi32, #tpu.memory_space<vmem>>
    tpu.wait_dma2 semaphore(%arg10 : memref<!tpu.dma_semaphore, #tpu.memory_space<semaphore_mem>>) src(%dma_wait3A_877 : memref<512xi32, #tpu.memory_space<vmem>>) dst(%dma_wait3A_874 : memref<512xi32, #tpu.memory_space<hbm>>)
    %dma_wait3A_878 = arith.constant 13 : i32
    %dma_wait3A_879 = arith.constant 0 : i32
    %dma_wait3A_880 = tpu.memref_slice %arg9[%dma_wait3A_878, %dma_wait3A_879] : memref<32x512xi32, #tpu.memory_space<vmem>> -> memref<1x512xi32, #tpu.memory_space<vmem>>
    %dma_wait3A_881 = tpu.memref_squeeze %dma_wait3A_880 : memref<1x512xi32, #tpu.memory_space<vmem>> -> memref<512xi32, #tpu.memory_space<vmem>>
    %dma_wait3A_882 = tpu.memref_slice %arg5[%add3A_517] : memref<524288xi32, #tpu.memory_space<hbm>> -> memref<512xi32, #tpu.memory_space<hbm>>
    %dma_wait3A_883 = tpu.memref_slice %arg5[%add3A_517] : memref<524288xi32, #tpu.memory_space<hbm>> -> memref<512xi32, #tpu.memory_space<hbm>>
    %dma_wait3A_884 = arith.constant 0 : i32
    %dma_wait3A_885 = tpu.memref_slice %arg9[%dma_wait3A_878, %dma_wait3A_884] : memref<32x512xi32, #tpu.memory_space<vmem>> -> memref<1x512xi32, #tpu.memory_space<vmem>>
    %dma_wait3A_886 = tpu.memref_squeeze %dma_wait3A_885 : memref<1x512xi32, #tpu.memory_space<vmem>> -> memref<512xi32, #tpu.memory_space<vmem>>
    tpu.wait_dma2 semaphore(%arg10 : memref<!tpu.dma_semaphore, #tpu.memory_space<semaphore_mem>>) src(%dma_wait3A_886 : memref<512xi32, #tpu.memory_space<vmem>>) dst(%dma_wait3A_883 : memref<512xi32, #tpu.memory_space<hbm>>)
    %dma_wait3A_887 = arith.constant 14 : i32
    %dma_wait3A_888 = arith.constant 0 : i32
    %dma_wait3A_889 = tpu.memref_slice %arg9[%dma_wait3A_887, %dma_wait3A_888] : memref<32x512xi32, #tpu.memory_space<vmem>> -> memref<1x512xi32, #tpu.memory_space<vmem>>
    %dma_wait3A_890 = tpu.memref_squeeze %dma_wait3A_889 : memref<1x512xi32, #tpu.memory_space<vmem>> -> memref<512xi32, #tpu.memory_space<vmem>>
    %dma_wait3A_891 = tpu.memref_slice %arg5[%add3A_528] : memref<524288xi32, #tpu.memory_space<hbm>> -> memref<512xi32, #tpu.memory_space<hbm>>
    %dma_wait3A_892 = tpu.memref_slice %arg5[%add3A_528] : memref<524288xi32, #tpu.memory_space<hbm>> -> memref<512xi32, #tpu.memory_space<hbm>>
    %dma_wait3A_893 = arith.constant 0 : i32
    %dma_wait3A_894 = tpu.memref_slice %arg9[%dma_wait3A_887, %dma_wait3A_893] : memref<32x512xi32, #tpu.memory_space<vmem>> -> memref<1x512xi32, #tpu.memory_space<vmem>>
    %dma_wait3A_895 = tpu.memref_squeeze %dma_wait3A_894 : memref<1x512xi32, #tpu.memory_space<vmem>> -> memref<512xi32, #tpu.memory_space<vmem>>
    tpu.wait_dma2 semaphore(%arg10 : memref<!tpu.dma_semaphore, #tpu.memory_space<semaphore_mem>>) src(%dma_wait3A_895 : memref<512xi32, #tpu.memory_space<vmem>>) dst(%dma_wait3A_892 : memref<512xi32, #tpu.memory_space<hbm>>)
    %dma_wait3A_896 = arith.constant 15 : i32
    %dma_wait3A_897 = arith.constant 0 : i32
    %dma_wait3A_898 = tpu.memref_slice %arg9[%dma_wait3A_896, %dma_wait3A_897] : memref<32x512xi32, #tpu.memory_space<vmem>> -> memref<1x512xi32, #tpu.memory_space<vmem>>
    %dma_wait3A_899 = tpu.memref_squeeze %dma_wait3A_898 : memref<1x512xi32, #tpu.memory_space<vmem>> -> memref<512xi32, #tpu.memory_space<vmem>>
    %dma_wait3A_900 = tpu.memref_slice %arg5[%add3A_539] : memref<524288xi32, #tpu.memory_space<hbm>> -> memref<512xi32, #tpu.memory_space<hbm>>
    %dma_wait3A_901 = tpu.memref_slice %arg5[%add3A_539] : memref<524288xi32, #tpu.memory_space<hbm>> -> memref<512xi32, #tpu.memory_space<hbm>>
    %dma_wait3A_902 = arith.constant 0 : i32
    %dma_wait3A_903 = tpu.memref_slice %arg9[%dma_wait3A_896, %dma_wait3A_902] : memref<32x512xi32, #tpu.memory_space<vmem>> -> memref<1x512xi32, #tpu.memory_space<vmem>>
    %dma_wait3A_904 = tpu.memref_squeeze %dma_wait3A_903 : memref<1x512xi32, #tpu.memory_space<vmem>> -> memref<512xi32, #tpu.memory_space<vmem>>
    tpu.wait_dma2 semaphore(%arg10 : memref<!tpu.dma_semaphore, #tpu.memory_space<semaphore_mem>>) src(%dma_wait3A_904 : memref<512xi32, #tpu.memory_space<vmem>>) dst(%dma_wait3A_901 : memref<512xi32, #tpu.memory_space<hbm>>)
    %dma_wait3A_905 = arith.constant 16 : i32
    %dma_wait3A_906 = arith.constant 0 : i32
    %dma_wait3A_907 = tpu.memref_slice %arg9[%dma_wait3A_905, %dma_wait3A_906] : memref<32x512xi32, #tpu.memory_space<vmem>> -> memref<1x512xi32, #tpu.memory_space<vmem>>
    %dma_wait3A_908 = tpu.memref_squeeze %dma_wait3A_907 : memref<1x512xi32, #tpu.memory_space<vmem>> -> memref<512xi32, #tpu.memory_space<vmem>>
    %dma_wait3A_909 = tpu.memref_slice %arg5[%add3A_550] : memref<524288xi32, #tpu.memory_space<hbm>> -> memref<512xi32, #tpu.memory_space<hbm>>
    %dma_wait3A_910 = tpu.memref_slice %arg5[%add3A_550] : memref<524288xi32, #tpu.memory_space<hbm>> -> memref<512xi32, #tpu.memory_space<hbm>>
    %dma_wait3A_911 = arith.constant 0 : i32
    %dma_wait3A_912 = tpu.memref_slice %arg9[%dma_wait3A_905, %dma_wait3A_911] : memref<32x512xi32, #tpu.memory_space<vmem>> -> memref<1x512xi32, #tpu.memory_space<vmem>>
    %dma_wait3A_913 = tpu.memref_squeeze %dma_wait3A_912 : memref<1x512xi32, #tpu.memory_space<vmem>> -> memref<512xi32, #tpu.memory_space<vmem>>
    tpu.wait_dma2 semaphore(%arg10 : memref<!tpu.dma_semaphore, #tpu.memory_space<semaphore_mem>>) src(%dma_wait3A_913 : memref<512xi32, #tpu.memory_space<vmem>>) dst(%dma_wait3A_910 : memref<512xi32, #tpu.memory_space<hbm>>)
    %dma_wait3A_914 = arith.constant 17 : i32
    %dma_wait3A_915 = arith.constant 0 : i32
    %dma_wait3A_916 = tpu.memref_slice %arg9[%dma_wait3A_914, %dma_wait3A_915] : memref<32x512xi32, #tpu.memory_space<vmem>> -> memref<1x512xi32, #tpu.memory_space<vmem>>
    %dma_wait3A_917 = tpu.memref_squeeze %dma_wait3A_916 : memref<1x512xi32, #tpu.memory_space<vmem>> -> memref<512xi32, #tpu.memory_space<vmem>>
    %dma_wait3A_918 = tpu.memref_slice %arg5[%add3A_561] : memref<524288xi32, #tpu.memory_space<hbm>> -> memref<512xi32, #tpu.memory_space<hbm>>
    %dma_wait3A_919 = tpu.memref_slice %arg5[%add3A_561] : memref<524288xi32, #tpu.memory_space<hbm>> -> memref<512xi32, #tpu.memory_space<hbm>>
    %dma_wait3A_920 = arith.constant 0 : i32
    %dma_wait3A_921 = tpu.memref_slice %arg9[%dma_wait3A_914, %dma_wait3A_920] : memref<32x512xi32, #tpu.memory_space<vmem>> -> memref<1x512xi32, #tpu.memory_space<vmem>>
    %dma_wait3A_922 = tpu.memref_squeeze %dma_wait3A_921 : memref<1x512xi32, #tpu.memory_space<vmem>> -> memref<512xi32, #tpu.memory_space<vmem>>
    tpu.wait_dma2 semaphore(%arg10 : memref<!tpu.dma_semaphore, #tpu.memory_space<semaphore_mem>>) src(%dma_wait3A_922 : memref<512xi32, #tpu.memory_space<vmem>>) dst(%dma_wait3A_919 : memref<512xi32, #tpu.memory_space<hbm>>)
    %dma_wait3A_923 = arith.constant 18 : i32
    %dma_wait3A_924 = arith.constant 0 : i32
    %dma_wait3A_925 = tpu.memref_slice %arg9[%dma_wait3A_923, %dma_wait3A_924] : memref<32x512xi32, #tpu.memory_space<vmem>> -> memref<1x512xi32, #tpu.memory_space<vmem>>
    %dma_wait3A_926 = tpu.memref_squeeze %dma_wait3A_925 : memref<1x512xi32, #tpu.memory_space<vmem>> -> memref<512xi32, #tpu.memory_space<vmem>>
    %dma_wait3A_927 = tpu.memref_slice %arg5[%add3A_572] : memref<524288xi32, #tpu.memory_space<hbm>> -> memref<512xi32, #tpu.memory_space<hbm>>
    %dma_wait3A_928 = tpu.memref_slice %arg5[%add3A_572] : memref<524288xi32, #tpu.memory_space<hbm>> -> memref<512xi32, #tpu.memory_space<hbm>>
    %dma_wait3A_929 = arith.constant 0 : i32
    %dma_wait3A_930 = tpu.memref_slice %arg9[%dma_wait3A_923, %dma_wait3A_929] : memref<32x512xi32, #tpu.memory_space<vmem>> -> memref<1x512xi32, #tpu.memory_space<vmem>>
    %dma_wait3A_931 = tpu.memref_squeeze %dma_wait3A_930 : memref<1x512xi32, #tpu.memory_space<vmem>> -> memref<512xi32, #tpu.memory_space<vmem>>
    tpu.wait_dma2 semaphore(%arg10 : memref<!tpu.dma_semaphore, #tpu.memory_space<semaphore_mem>>) src(%dma_wait3A_931 : memref<512xi32, #tpu.memory_space<vmem>>) dst(%dma_wait3A_928 : memref<512xi32, #tpu.memory_space<hbm>>)
    %dma_wait3A_932 = arith.constant 19 : i32
    %dma_wait3A_933 = arith.constant 0 : i32
    %dma_wait3A_934 = tpu.memref_slice %arg9[%dma_wait3A_932, %dma_wait3A_933] : memref<32x512xi32, #tpu.memory_space<vmem>> -> memref<1x512xi32, #tpu.memory_space<vmem>>
    %dma_wait3A_935 = tpu.memref_squeeze %dma_wait3A_934 : memref<1x512xi32, #tpu.memory_space<vmem>> -> memref<512xi32, #tpu.memory_space<vmem>>
    %dma_wait3A_936 = tpu.memref_slice %arg5[%add3A_583] : memref<524288xi32, #tpu.memory_space<hbm>> -> memref<512xi32, #tpu.memory_space<hbm>>
    %dma_wait3A_937 = tpu.memref_slice %arg5[%add3A_583] : memref<524288xi32, #tpu.memory_space<hbm>> -> memref<512xi32, #tpu.memory_space<hbm>>
    %dma_wait3A_938 = arith.constant 0 : i32
    %dma_wait3A_939 = tpu.memref_slice %arg9[%dma_wait3A_932, %dma_wait3A_938] : memref<32x512xi32, #tpu.memory_space<vmem>> -> memref<1x512xi32, #tpu.memory_space<vmem>>
    %dma_wait3A_940 = tpu.memref_squeeze %dma_wait3A_939 : memref<1x512xi32, #tpu.memory_space<vmem>> -> memref<512xi32, #tpu.memory_space<vmem>>
    tpu.wait_dma2 semaphore(%arg10 : memref<!tpu.dma_semaphore, #tpu.memory_space<semaphore_mem>>) src(%dma_wait3A_940 : memref<512xi32, #tpu.memory_space<vmem>>) dst(%dma_wait3A_937 : memref<512xi32, #tpu.memory_space<hbm>>)
    %dma_wait3A_941 = arith.constant 20 : i32
    %dma_wait3A_942 = arith.constant 0 : i32
    %dma_wait3A_943 = tpu.memref_slice %arg9[%dma_wait3A_941, %dma_wait3A_942] : memref<32x512xi32, #tpu.memory_space<vmem>> -> memref<1x512xi32, #tpu.memory_space<vmem>>
    %dma_wait3A_944 = tpu.memref_squeeze %dma_wait3A_943 : memref<1x512xi32, #tpu.memory_space<vmem>> -> memref<512xi32, #tpu.memory_space<vmem>>
    %dma_wait3A_945 = tpu.memref_slice %arg5[%add3A_594] : memref<524288xi32, #tpu.memory_space<hbm>> -> memref<512xi32, #tpu.memory_space<hbm>>
    %dma_wait3A_946 = tpu.memref_slice %arg5[%add3A_594] : memref<524288xi32, #tpu.memory_space<hbm>> -> memref<512xi32, #tpu.memory_space<hbm>>
    %dma_wait3A_947 = arith.constant 0 : i32
    %dma_wait3A_948 = tpu.memref_slice %arg9[%dma_wait3A_941, %dma_wait3A_947] : memref<32x512xi32, #tpu.memory_space<vmem>> -> memref<1x512xi32, #tpu.memory_space<vmem>>
    %dma_wait3A_949 = tpu.memref_squeeze %dma_wait3A_948 : memref<1x512xi32, #tpu.memory_space<vmem>> -> memref<512xi32, #tpu.memory_space<vmem>>
    tpu.wait_dma2 semaphore(%arg10 : memref<!tpu.dma_semaphore, #tpu.memory_space<semaphore_mem>>) src(%dma_wait3A_949 : memref<512xi32, #tpu.memory_space<vmem>>) dst(%dma_wait3A_946 : memref<512xi32, #tpu.memory_space<hbm>>)
    %dma_wait3A_950 = arith.constant 21 : i32
    %dma_wait3A_951 = arith.constant 0 : i32
    %dma_wait3A_952 = tpu.memref_slice %arg9[%dma_wait3A_950, %dma_wait3A_951] : memref<32x512xi32, #tpu.memory_space<vmem>> -> memref<1x512xi32, #tpu.memory_space<vmem>>
    %dma_wait3A_953 = tpu.memref_squeeze %dma_wait3A_952 : memref<1x512xi32, #tpu.memory_space<vmem>> -> memref<512xi32, #tpu.memory_space<vmem>>
    %dma_wait3A_954 = tpu.memref_slice %arg5[%add3A_605] : memref<524288xi32, #tpu.memory_space<hbm>> -> memref<512xi32, #tpu.memory_space<hbm>>
    %dma_wait3A_955 = tpu.memref_slice %arg5[%add3A_605] : memref<524288xi32, #tpu.memory_space<hbm>> -> memref<512xi32, #tpu.memory_space<hbm>>
    %dma_wait3A_956 = arith.constant 0 : i32
    %dma_wait3A_957 = tpu.memref_slice %arg9[%dma_wait3A_950, %dma_wait3A_956] : memref<32x512xi32, #tpu.memory_space<vmem>> -> memref<1x512xi32, #tpu.memory_space<vmem>>
    %dma_wait3A_958 = tpu.memref_squeeze %dma_wait3A_957 : memref<1x512xi32, #tpu.memory_space<vmem>> -> memref<512xi32, #tpu.memory_space<vmem>>
    tpu.wait_dma2 semaphore(%arg10 : memref<!tpu.dma_semaphore, #tpu.memory_space<semaphore_mem>>) src(%dma_wait3A_958 : memref<512xi32, #tpu.memory_space<vmem>>) dst(%dma_wait3A_955 : memref<512xi32, #tpu.memory_space<hbm>>)
    %dma_wait3A_959 = arith.constant 22 : i32
    %dma_wait3A_960 = arith.constant 0 : i32
    %dma_wait3A_961 = tpu.memref_slice %arg9[%dma_wait3A_959, %dma_wait3A_960] : memref<32x512xi32, #tpu.memory_space<vmem>> -> memref<1x512xi32, #tpu.memory_space<vmem>>
    %dma_wait3A_962 = tpu.memref_squeeze %dma_wait3A_961 : memref<1x512xi32, #tpu.memory_space<vmem>> -> memref<512xi32, #tpu.memory_space<vmem>>
    %dma_wait3A_963 = tpu.memref_slice %arg5[%add3A_616] : memref<524288xi32, #tpu.memory_space<hbm>> -> memref<512xi32, #tpu.memory_space<hbm>>
    %dma_wait3A_964 = tpu.memref_slice %arg5[%add3A_616] : memref<524288xi32, #tpu.memory_space<hbm>> -> memref<512xi32, #tpu.memory_space<hbm>>
    %dma_wait3A_965 = arith.constant 0 : i32
    %dma_wait3A_966 = tpu.memref_slice %arg9[%dma_wait3A_959, %dma_wait3A_965] : memref<32x512xi32, #tpu.memory_space<vmem>> -> memref<1x512xi32, #tpu.memory_space<vmem>>
    %dma_wait3A_967 = tpu.memref_squeeze %dma_wait3A_966 : memref<1x512xi32, #tpu.memory_space<vmem>> -> memref<512xi32, #tpu.memory_space<vmem>>
    tpu.wait_dma2 semaphore(%arg10 : memref<!tpu.dma_semaphore, #tpu.memory_space<semaphore_mem>>) src(%dma_wait3A_967 : memref<512xi32, #tpu.memory_space<vmem>>) dst(%dma_wait3A_964 : memref<512xi32, #tpu.memory_space<hbm>>)
    %dma_wait3A_968 = arith.constant 23 : i32
    %dma_wait3A_969 = arith.constant 0 : i32
    %dma_wait3A_970 = tpu.memref_slice %arg9[%dma_wait3A_968, %dma_wait3A_969] : memref<32x512xi32, #tpu.memory_space<vmem>> -> memref<1x512xi32, #tpu.memory_space<vmem>>
    %dma_wait3A_971 = tpu.memref_squeeze %dma_wait3A_970 : memref<1x512xi32, #tpu.memory_space<vmem>> -> memref<512xi32, #tpu.memory_space<vmem>>
    %dma_wait3A_972 = tpu.memref_slice %arg5[%add3A_627] : memref<524288xi32, #tpu.memory_space<hbm>> -> memref<512xi32, #tpu.memory_space<hbm>>
    %dma_wait3A_973 = tpu.memref_slice %arg5[%add3A_627] : memref<524288xi32, #tpu.memory_space<hbm>> -> memref<512xi32, #tpu.memory_space<hbm>>
    %dma_wait3A_974 = arith.constant 0 : i32
    %dma_wait3A_975 = tpu.memref_slice %arg9[%dma_wait3A_968, %dma_wait3A_974] : memref<32x512xi32, #tpu.memory_space<vmem>> -> memref<1x512xi32, #tpu.memory_space<vmem>>
    %dma_wait3A_976 = tpu.memref_squeeze %dma_wait3A_975 : memref<1x512xi32, #tpu.memory_space<vmem>> -> memref<512xi32, #tpu.memory_space<vmem>>
    tpu.wait_dma2 semaphore(%arg10 : memref<!tpu.dma_semaphore, #tpu.memory_space<semaphore_mem>>) src(%dma_wait3A_976 : memref<512xi32, #tpu.memory_space<vmem>>) dst(%dma_wait3A_973 : memref<512xi32, #tpu.memory_space<hbm>>)
    %dma_wait3A_977 = arith.constant 24 : i32
    %dma_wait3A_978 = arith.constant 0 : i32
    %dma_wait3A_979 = tpu.memref_slice %arg9[%dma_wait3A_977, %dma_wait3A_978] : memref<32x512xi32, #tpu.memory_space<vmem>> -> memref<1x512xi32, #tpu.memory_space<vmem>>
    %dma_wait3A_980 = tpu.memref_squeeze %dma_wait3A_979 : memref<1x512xi32, #tpu.memory_space<vmem>> -> memref<512xi32, #tpu.memory_space<vmem>>
    %dma_wait3A_981 = tpu.memref_slice %arg5[%add3A_638] : memref<524288xi32, #tpu.memory_space<hbm>> -> memref<512xi32, #tpu.memory_space<hbm>>
    %dma_wait3A_982 = tpu.memref_slice %arg5[%add3A_638] : memref<524288xi32, #tpu.memory_space<hbm>> -> memref<512xi32, #tpu.memory_space<hbm>>
    %dma_wait3A_983 = arith.constant 0 : i32
    %dma_wait3A_984 = tpu.memref_slice %arg9[%dma_wait3A_977, %dma_wait3A_983] : memref<32x512xi32, #tpu.memory_space<vmem>> -> memref<1x512xi32, #tpu.memory_space<vmem>>
    %dma_wait3A_985 = tpu.memref_squeeze %dma_wait3A_984 : memref<1x512xi32, #tpu.memory_space<vmem>> -> memref<512xi32, #tpu.memory_space<vmem>>
    tpu.wait_dma2 semaphore(%arg10 : memref<!tpu.dma_semaphore, #tpu.memory_space<semaphore_mem>>) src(%dma_wait3A_985 : memref<512xi32, #tpu.memory_space<vmem>>) dst(%dma_wait3A_982 : memref<512xi32, #tpu.memory_space<hbm>>)
    %dma_wait3A_986 = arith.constant 25 : i32
    %dma_wait3A_987 = arith.constant 0 : i32
    %dma_wait3A_988 = tpu.memref_slice %arg9[%dma_wait3A_986, %dma_wait3A_987] : memref<32x512xi32, #tpu.memory_space<vmem>> -> memref<1x512xi32, #tpu.memory_space<vmem>>
    %dma_wait3A_989 = tpu.memref_squeeze %dma_wait3A_988 : memref<1x512xi32, #tpu.memory_space<vmem>> -> memref<512xi32, #tpu.memory_space<vmem>>
    %dma_wait3A_990 = tpu.memref_slice %arg5[%add3A_649] : memref<524288xi32, #tpu.memory_space<hbm>> -> memref<512xi32, #tpu.memory_space<hbm>>
    %dma_wait3A_991 = tpu.memref_slice %arg5[%add3A_649] : memref<524288xi32, #tpu.memory_space<hbm>> -> memref<512xi32, #tpu.memory_space<hbm>>
    %dma_wait3A_992 = arith.constant 0 : i32
    %dma_wait3A_993 = tpu.memref_slice %arg9[%dma_wait3A_986, %dma_wait3A_992] : memref<32x512xi32, #tpu.memory_space<vmem>> -> memref<1x512xi32, #tpu.memory_space<vmem>>
    %dma_wait3A_994 = tpu.memref_squeeze %dma_wait3A_993 : memref<1x512xi32, #tpu.memory_space<vmem>> -> memref<512xi32, #tpu.memory_space<vmem>>
    tpu.wait_dma2 semaphore(%arg10 : memref<!tpu.dma_semaphore, #tpu.memory_space<semaphore_mem>>) src(%dma_wait3A_994 : memref<512xi32, #tpu.memory_space<vmem>>) dst(%dma_wait3A_991 : memref<512xi32, #tpu.memory_space<hbm>>)
    %dma_wait3A_995 = arith.constant 26 : i32
    %dma_wait3A_996 = arith.constant 0 : i32
    %dma_wait3A_997 = tpu.memref_slice %arg9[%dma_wait3A_995, %dma_wait3A_996] : memref<32x512xi32, #tpu.memory_space<vmem>> -> memref<1x512xi32, #tpu.memory_space<vmem>>
    %dma_wait3A_998 = tpu.memref_squeeze %dma_wait3A_997 : memref<1x512xi32, #tpu.memory_space<vmem>> -> memref<512xi32, #tpu.memory_space<vmem>>
    %dma_wait3A_999 = tpu.memref_slice %arg5[%add3A_660] : memref<524288xi32, #tpu.memory_space<hbm>> -> memref<512xi32, #tpu.memory_space<hbm>>
    %dma_wait3A_1000 = tpu.memref_slice %arg5[%add3A_660] : memref<524288xi32, #tpu.memory_space<hbm>> -> memref<512xi32, #tpu.memory_space<hbm>>
    %dma_wait3A_1001 = arith.constant 0 : i32
    %dma_wait3A_1002 = tpu.memref_slice %arg9[%dma_wait3A_995, %dma_wait3A_1001] : memref<32x512xi32, #tpu.memory_space<vmem>> -> memref<1x512xi32, #tpu.memory_space<vmem>>
    %dma_wait3A_1003 = tpu.memref_squeeze %dma_wait3A_1002 : memref<1x512xi32, #tpu.memory_space<vmem>> -> memref<512xi32, #tpu.memory_space<vmem>>
    tpu.wait_dma2 semaphore(%arg10 : memref<!tpu.dma_semaphore, #tpu.memory_space<semaphore_mem>>) src(%dma_wait3A_1003 : memref<512xi32, #tpu.memory_space<vmem>>) dst(%dma_wait3A_1000 : memref<512xi32, #tpu.memory_space<hbm>>)
    %dma_wait3A_1004 = arith.constant 27 : i32
    %dma_wait3A_1005 = arith.constant 0 : i32
    %dma_wait3A_1006 = tpu.memref_slice %arg9[%dma_wait3A_1004, %dma_wait3A_1005] : memref<32x512xi32, #tpu.memory_space<vmem>> -> memref<1x512xi32, #tpu.memory_space<vmem>>
    %dma_wait3A_1007 = tpu.memref_squeeze %dma_wait3A_1006 : memref<1x512xi32, #tpu.memory_space<vmem>> -> memref<512xi32, #tpu.memory_space<vmem>>
    %dma_wait3A_1008 = tpu.memref_slice %arg5[%add3A_671] : memref<524288xi32, #tpu.memory_space<hbm>> -> memref<512xi32, #tpu.memory_space<hbm>>
    %dma_wait3A_1009 = tpu.memref_slice %arg5[%add3A_671] : memref<524288xi32, #tpu.memory_space<hbm>> -> memref<512xi32, #tpu.memory_space<hbm>>
    %dma_wait3A_1010 = arith.constant 0 : i32
    %dma_wait3A_1011 = tpu.memref_slice %arg9[%dma_wait3A_1004, %dma_wait3A_1010] : memref<32x512xi32, #tpu.memory_space<vmem>> -> memref<1x512xi32, #tpu.memory_space<vmem>>
    %dma_wait3A_1012 = tpu.memref_squeeze %dma_wait3A_1011 : memref<1x512xi32, #tpu.memory_space<vmem>> -> memref<512xi32, #tpu.memory_space<vmem>>
    tpu.wait_dma2 semaphore(%arg10 : memref<!tpu.dma_semaphore, #tpu.memory_space<semaphore_mem>>) src(%dma_wait3A_1012 : memref<512xi32, #tpu.memory_space<vmem>>) dst(%dma_wait3A_1009 : memref<512xi32, #tpu.memory_space<hbm>>)
    %dma_wait3A_1013 = arith.constant 28 : i32
    %dma_wait3A_1014 = arith.constant 0 : i32
    %dma_wait3A_1015 = tpu.memref_slice %arg9[%dma_wait3A_1013, %dma_wait3A_1014] : memref<32x512xi32, #tpu.memory_space<vmem>> -> memref<1x512xi32, #tpu.memory_space<vmem>>
    %dma_wait3A_1016 = tpu.memref_squeeze %dma_wait3A_1015 : memref<1x512xi32, #tpu.memory_space<vmem>> -> memref<512xi32, #tpu.memory_space<vmem>>
    %dma_wait3A_1017 = tpu.memref_slice %arg5[%add3A_682] : memref<524288xi32, #tpu.memory_space<hbm>> -> memref<512xi32, #tpu.memory_space<hbm>>
    %dma_wait3A_1018 = tpu.memref_slice %arg5[%add3A_682] : memref<524288xi32, #tpu.memory_space<hbm>> -> memref<512xi32, #tpu.memory_space<hbm>>
    %dma_wait3A_1019 = arith.constant 0 : i32
    %dma_wait3A_1020 = tpu.memref_slice %arg9[%dma_wait3A_1013, %dma_wait3A_1019] : memref<32x512xi32, #tpu.memory_space<vmem>> -> memref<1x512xi32, #tpu.memory_space<vmem>>
    %dma_wait3A_1021 = tpu.memref_squeeze %dma_wait3A_1020 : memref<1x512xi32, #tpu.memory_space<vmem>> -> memref<512xi32, #tpu.memory_space<vmem>>
    tpu.wait_dma2 semaphore(%arg10 : memref<!tpu.dma_semaphore, #tpu.memory_space<semaphore_mem>>) src(%dma_wait3A_1021 : memref<512xi32, #tpu.memory_space<vmem>>) dst(%dma_wait3A_1018 : memref<512xi32, #tpu.memory_space<hbm>>)
    %dma_wait3A_1022 = arith.constant 29 : i32
    %dma_wait3A_1023 = arith.constant 0 : i32
    %dma_wait3A_1024 = tpu.memref_slice %arg9[%dma_wait3A_1022, %dma_wait3A_1023] : memref<32x512xi32, #tpu.memory_space<vmem>> -> memref<1x512xi32, #tpu.memory_space<vmem>>
    %dma_wait3A_1025 = tpu.memref_squeeze %dma_wait3A_1024 : memref<1x512xi32, #tpu.memory_space<vmem>> -> memref<512xi32, #tpu.memory_space<vmem>>
    %dma_wait3A_1026 = tpu.memref_slice %arg5[%add3A_693] : memref<524288xi32, #tpu.memory_space<hbm>> -> memref<512xi32, #tpu.memory_space<hbm>>
    %dma_wait3A_1027 = tpu.memref_slice %arg5[%add3A_693] : memref<524288xi32, #tpu.memory_space<hbm>> -> memref<512xi32, #tpu.memory_space<hbm>>
    %dma_wait3A_1028 = arith.constant 0 : i32
    %dma_wait3A_1029 = tpu.memref_slice %arg9[%dma_wait3A_1022, %dma_wait3A_1028] : memref<32x512xi32, #tpu.memory_space<vmem>> -> memref<1x512xi32, #tpu.memory_space<vmem>>
    %dma_wait3A_1030 = tpu.memref_squeeze %dma_wait3A_1029 : memref<1x512xi32, #tpu.memory_space<vmem>> -> memref<512xi32, #tpu.memory_space<vmem>>
    tpu.wait_dma2 semaphore(%arg10 : memref<!tpu.dma_semaphore, #tpu.memory_space<semaphore_mem>>) src(%dma_wait3A_1030 : memref<512xi32, #tpu.memory_space<vmem>>) dst(%dma_wait3A_1027 : memref<512xi32, #tpu.memory_space<hbm>>)
    %dma_wait3A_1031 = arith.constant 30 : i32
    %dma_wait3A_1032 = arith.constant 0 : i32
    %dma_wait3A_1033 = tpu.memref_slice %arg9[%dma_wait3A_1031, %dma_wait3A_1032] : memref<32x512xi32, #tpu.memory_space<vmem>> -> memref<1x512xi32, #tpu.memory_space<vmem>>
    %dma_wait3A_1034 = tpu.memref_squeeze %dma_wait3A_1033 : memref<1x512xi32, #tpu.memory_space<vmem>> -> memref<512xi32, #tpu.memory_space<vmem>>
    %dma_wait3A_1035 = tpu.memref_slice %arg5[%add3A_704] : memref<524288xi32, #tpu.memory_space<hbm>> -> memref<512xi32, #tpu.memory_space<hbm>>
    %dma_wait3A_1036 = tpu.memref_slice %arg5[%add3A_704] : memref<524288xi32, #tpu.memory_space<hbm>> -> memref<512xi32, #tpu.memory_space<hbm>>
    %dma_wait3A_1037 = arith.constant 0 : i32
    %dma_wait3A_1038 = tpu.memref_slice %arg9[%dma_wait3A_1031, %dma_wait3A_1037] : memref<32x512xi32, #tpu.memory_space<vmem>> -> memref<1x512xi32, #tpu.memory_space<vmem>>
    %dma_wait3A_1039 = tpu.memref_squeeze %dma_wait3A_1038 : memref<1x512xi32, #tpu.memory_space<vmem>> -> memref<512xi32, #tpu.memory_space<vmem>>
    tpu.wait_dma2 semaphore(%arg10 : memref<!tpu.dma_semaphore, #tpu.memory_space<semaphore_mem>>) src(%dma_wait3A_1039 : memref<512xi32, #tpu.memory_space<vmem>>) dst(%dma_wait3A_1036 : memref<512xi32, #tpu.memory_space<hbm>>)
    %dma_wait3A_1040 = arith.constant 31 : i32
    %dma_wait3A_1041 = arith.constant 0 : i32
    %dma_wait3A_1042 = tpu.memref_slice %arg9[%dma_wait3A_1040, %dma_wait3A_1041] : memref<32x512xi32, #tpu.memory_space<vmem>> -> memref<1x512xi32, #tpu.memory_space<vmem>>
    %dma_wait3A_1043 = tpu.memref_squeeze %dma_wait3A_1042 : memref<1x512xi32, #tpu.memory_space<vmem>> -> memref<512xi32, #tpu.memory_space<vmem>>
    %dma_wait3A_1044 = tpu.memref_slice %arg5[%add3A_715] : memref<524288xi32, #tpu.memory_space<hbm>> -> memref<512xi32, #tpu.memory_space<hbm>>
    %dma_wait3A_1045 = tpu.memref_slice %arg5[%add3A_715] : memref<524288xi32, #tpu.memory_space<hbm>> -> memref<512xi32, #tpu.memory_space<hbm>>
    %dma_wait3A_1046 = arith.constant 0 : i32
    %dma_wait3A_1047 = tpu.memref_slice %arg9[%dma_wait3A_1040, %dma_wait3A_1046] : memref<32x512xi32, #tpu.memory_space<vmem>> -> memref<1x512xi32, #tpu.memory_space<vmem>>
    %dma_wait3A_1048 = tpu.memref_squeeze %dma_wait3A_1047 : memref<1x512xi32, #tpu.memory_space<vmem>> -> memref<512xi32, #tpu.memory_space<vmem>>
    tpu.wait_dma2 semaphore(%arg10 : memref<!tpu.dma_semaphore, #tpu.memory_space<semaphore_mem>>) src(%dma_wait3A_1048 : memref<512xi32, #tpu.memory_space<vmem>>) dst(%dma_wait3A_1045 : memref<512xi32, #tpu.memory_space<hbm>>)
    return
  }
}

module attributes {stable_mosaic.version = 14 : i64} {
  func.func @_gate_body(%arg0: i32, %arg1: memref<1024x2048xf32, #tpu.memory_space<vmem>>, %arg2: memref<2048x16xf32, #tpu.memory_space<vmem>>, %arg3: memref<16x1xf32, #tpu.memory_space<vmem>>, %arg4: memref<16x1024xf32, #tpu.memory_space<vmem>>) attributes {dimension_semantics = [#tpu.dimension_semantics<arbitrary>], iteration_bounds = array<i64: 16>, scalar_prefetch = 0 : i64, scratch_operands = 0 : i64, tpu.core_type = #tpu.core_type<tc>, window_params = [{transform_indices = @transform_0, window_bounds = array<i64: 1024, 2048>}, {pipeline_mode = #tpu.pipeline_mode<synchronous>, transform_indices = @transform_1, window_bounds = array<i64: 2048, 16>}, {pipeline_mode = #tpu.pipeline_mode<synchronous>, transform_indices = @transform_2, window_bounds = array<i64: 16, 1>}, {transform_indices = @transform_3, window_bounds = array<i64: 16, 1024>}]} {
    %get3A = arith.constant 0 : index
    %get3A_0 = arith.constant 0 : index
    %get3A_1 = vector.load %arg1[%get3A, %get3A_0] : memref<1024x2048xf32, #tpu.memory_space<vmem>>, vector<1024x2048xf32>
    %get3A_2 = arith.constant 0 : index
    %get3A_3 = arith.constant 0 : index
    %get3A_4 = vector.load %arg2[%get3A_2, %get3A_3] : memref<2048x16xf32, #tpu.memory_space<vmem>>, vector<2048x16xf32>
    %dot_general3A = arith.constant dense<0.000000e+00> : vector<1024x16xf32>
    %dot_general3A_5 = tpu.matmul %get3A_1, %get3A_4, %dot_general3A {dimension_numbers = #tpu.dot_dimension_numbers<[1], [0], [0], [1], [0, 0, 1, 1], [], []>, transpose_lhs_hint = false} : vector<1024x2048xf32>, vector<2048x16xf32>, vector<1024x16xf32> -> vector<1024x16xf32>
    %transpose3A = tpu.transpose %dot_general3A_5, [1, 0] : vector<1024x16xf32> -> vector<16x1024xf32>
    %get3A_6 = arith.constant 0 : index
    %get3A_7 = arith.constant 0 : index
    %get3A_8 = vector.load %arg3[%get3A_6, %get3A_7] : memref<16x1xf32, #tpu.memory_space<vmem>>, vector<16x1xf32>
    %add3A = vector.broadcast %get3A_8 : vector<16x1xf32> to vector<16x1024xf32>
    %add3A_9 = arith.addf %transpose3A, %add3A : vector<16x1024xf32>
    %swap3A = arith.constant 0 : index
    %swap3A_10 = arith.constant 0 : index
    %swap3A_11 = vector.load %arg4[%swap3A, %swap3A_10] : memref<16x1024xf32, #tpu.memory_space<vmem>>, vector<16x1024xf32>
    tpu.vector_store %arg4[%swap3A, %swap3A_10], %add3A_9 {strides = array<i32>} : memref<16x1024xf32, #tpu.memory_space<vmem>>, vector<16x1024xf32>,
    return
  }
  func.func @transform_0(%arg0: i32) -> (i32, i32) {
    %c0_i32 = arith.constant 0 : i32
    %c0_i32_0 = arith.constant 0 : i32
    return %arg0, %c0_i32 : i32, i32
  }
  func.func @transform_1(%arg0: i32) -> (i32, i32) {
    %c0_i32 = arith.constant 0 : i32
    %c0_i32_0 = arith.constant 0 : i32
    %c0_i32_1 = arith.constant 0 : i32
    return %c0_i32, %c0_i32_0 : i32, i32
  }
  func.func @transform_2(%arg0: i32) -> (i32, i32) {
    %c0_i32 = arith.constant 0 : i32
    %c0_i32_0 = arith.constant 0 : i32
    %c0_i32_1 = arith.constant 0 : i32
    return %c0_i32, %c0_i32_0 : i32, i32
  }
  func.func @transform_3(%arg0: i32) -> (i32, i32) {
    %c0_i32 = arith.constant 0 : i32
    %c0_i32_0 = arith.constant 0 : i32
    return %c0_i32, %arg0 : i32, i32
  }
}

</mosaic_0001>

<sc_bundles>
// kernel: kernel.4.cloned.1.call-start
scs
__scs_entry_jumppad:
0x0: {  	(pc) =	sbr.rel $0x88, $3  }
0x1: {  	(tag) =	ssettag $0x0;
	lr =	simm.s32 $0x1  }
0x2: {  	[smem:$0x3F9E] =	sst lr;
	_ =	strace $0xD0000000  }
0x3: {  	_ = 	snop  }
0x4: {  	_ = 	snop  }
0x5: {  	_ = 	snop  }
0x6: {  	_ = 	snop  }
0x7: {  	_ = 	snop  }
__scs_overlays_trampoline_lowered:
0x8: {  	[smem:$0x3FAD] =	sst s0  }
0x9: {  	[smem:$0x3FAE] =	sst s1  }
0xa: {  	[smem:$0x3FAF] =	sst s2  }
0xb: {  	[smem:$0x3FB0] =	sst s3  }
0xc: {  	[smem:$0x3FB1] =	sst s4  }
0xd: {  	[smem:$0x3FB2] =	sst s5  }
0xe: {  	[smem:$0x3FB3] =	sst s6  }
0xf: {  	[smem:$0x3FB4] =	sst s7  }
0x10: {  	[smem:$0x3FB5] =	sst s8  }
0x11: {  	[smem:$0x3FB6] =	sst s9;
	s0 =	simm.s32 @!p0 $0x0  }
0x12: {  	s1 =	sld [smem:$0x3F9C];
	s0 =	simm.s32 @p0 $0x1  }
0x13: {  	[smem:$0x3FB7] =	sst s0;
	s0 =	simm.s32 @!p1 $0x0  }
0x14: {  	s2 =	sld [smem:$0x3F9B];
	s0 =	simm.s32 @p1 $0x1  }
0x15: {  	[smem:$0x3FB8] =	sst s0;
	s0 =	simm.s32 @!p2 $0x0  }
0x16: {  	s3 =	sld [smem:$0x3FDB];
	s0 =	simm.s32 @p2 $0x1  }
0x17: {  	s4 =	simm.s32 $0x1BF5;
	[smem:$0x3FBA] =	sst s0  }
0x18: {  	s0 =	sld [smem:$0x3F9D];
	_ =	swait.ge [sflag:s4], $0x0  }
0x19: {  	s7 =	sld [smem:$0x3F9E]  }
0x1a: {  	s8 =	sadd.s32 $0xFFFFE003, lr  }
0x1b: {  	s9 =	sadd.s32 $0xFFFFFEF7, lr;
	s5 =	simm.s32 $0xFFFFFFFF;
	p2 =	slt.u32 s8, $0xFFFFF086  }
0x1c: {  	p1 =	slt.u32 s9, $0xF7A;
	s5 =	simm.s32 @!p2 $0x0  }
0x1d: {  	s5 =	simm.s32 @p1 $0x1;
	p0 =	seq.s32 s7, s2  }
0x1e: {  	s7 =	smul.u32 @!p0 $0xF7A, s2;
	p2 =	seq.s32 @!p0 s5, $0x0  }
0x1f: {  	s9 =	smul.u32 $0xF7A, s1;
	s8 =	simm.s32 @!p0 $0x1BF5;
	p2 =	por !p2, p0  }
0x20: {  	[sflag:s8] =	ssyncset.s32 @!p0 $0xFFFFF086;
	s6 =	sadd.s32 @!p0 s3, s7;
	s7 =	simm.s32 @!p0 $0x108  }
0x21: {  	s3 =	sadd.s32 s3, s9;
	s6 =	sadd.s32 @!p0 $0x88, s6;
	s7 =	simm.s32 @p2 $0x1082  }
0x22: {  	[simem:s7], [sflag:s8] =	dma.local @!p0 [hbm:s6], $0xF7A  }
0x23: {  	s9 =	sor.u32 $0xD0000000, s2;
	s6 =	simm.s32 $0x108;
	_ =	swait.ge @!p0 [sflag:s8], $0x0  }
0x24: {  	s3 =	sadd.s32 $0x88, s3;
	s6 =	simm.s32 @!p1 $0x1082;
	[sflag:s4] =	ssyncset.s32 $0xFFFFF086  }
0x25: {  	[simem:s6], [sflag:s4] =	dma.local [hbm:s3], $0xF7A  }
0x26: {  	[smem:$0x3F9E] =	sst s1;
	(tag) =	ssettag s2;
	_ =	strace s9  }
0x27: {  	s1 =	sld [smem:$0x3FAE]  }
0x28: {  	s2 =	sld [smem:$0x3FAF]  }
0x29: {  	s4 =	sld [smem:$0x3FB1]  }
0x2a: {  	p0 =	seq.s32 s5, $0x0;
	s5 =	sld [smem:$0x3FB2]  }
0x2b: {  	s6 =	sld [smem:$0x3FB3]  }
0x2c: {  	s7 =	sld [smem:$0x3FB4]  }
0x2d: {  	s3 =	simm.s32 $0x108;
	s8 =	sld [smem:$0x3FB5]  }
0x2e: {  	s3 =	simm.s32 @!p0 $0x1082;
	s9 =	sld [smem:$0x3FB6]  }
0x2f: {  	lr =	sadd.s32 s0, s3;
	s0 =	sld [smem:$0x3FAD]  }
0x30: {  	s3 =	sld [smem:$0x3FB0]  }
0x31: {  	[smem:$0x3FB9] =	sst s10  }
0x32: {  	s10 =	sld [smem:$0x3FB7];
	_ =	sdelay $0x3  }
0x33: {  	p0 =	seq.s32 s10, $0x1;
	s10 =	sld [smem:$0x3FB9];
	_ =	sdelay $0x3  }
0x34: {  	[smem:$0x3FB9] =	sst s10  }
0x35: {  	s10 =	sld [smem:$0x3FB8];
	_ =	sdelay $0x3  }
0x36: {  	p1 =	seq.s32 s10, $0x1;
	s10 =	sld [smem:$0x3FB9];
	_ =	sdelay $0x3  }
0x37: {  	[smem:$0x3FB9] =	sst s10  }
0x38: {  	s10 =	sld [smem:$0x3FBA]  }
0x39: {  	_ = 	snop;
	(pc) =	sbr.ind lr, $3  }
0x3a: {  	_ = 	snop  }
0x3b: {  	_ = 	snop  }
0x3c: {  	p2 =	seq.s32 s10, $0x1;
	s10 =	sld [smem:$0x3FB9]  }
0x3d: {  	_ =	shalt  }
0x3e: {  	_ =	shalt  }
0x3f: {  	_ =	shalt  }
0x40: {  	_ =	shalt  }
0x41: {  	_ =	shalt  }
0x42: {  	_ =	shalt  }
0x43: {  	_ =	shalt  }
0x44: {  	_ =	shalt  }
0x45: {  	_ =	shalt  }
0x46: {  	_ =	shalt  }
0x47: {  	_ =	shalt  }
0x48: {  	_ =	shalt  }
0x49: {  	_ =	shalt  }
0x4a: {  	_ =	shalt  }
0x4b: {  	_ =	shalt  }
0x4c: {  	_ =	shalt  }
0x4d: {  	_ =	shalt  }
0x4e: {  	_ =	shalt  }
0x4f: {  	_ =	shalt  }
0x50: {  	_ =	shalt  }
0x51: {  	_ =	shalt  }
0x52: {  	_ =	shalt  }
0x53: {  	_ =	shalt  }
0x54: {  	_ =	shalt  }
0x55: {  	_ =	shalt  }
0x56: {  	_ =	shalt  }
0x57: {  	_ =	shalt  }
0x58: {  	_ =	shalt  }
0x59: {  	_ =	shalt  }
0x5a: {  	_ =	shalt  }
0x5b: {  	_ =	shalt  }
0x5c: {  	_ =	shalt  }
0x5d: {  	_ =	shalt  }
0x5e: {  	_ =	shalt  }
0x5f: {  	_ =	shalt  }
0x60: {  	_ =	shalt  }
0x61: {  	_ =	shalt  }
0x62: {  	_ =	shalt  }
0x63: {  	_ =	shalt  }
0x64: {  	_ =	shalt  }
0x65: {  	_ =	shalt  }
0x66: {  	_ =	shalt  }
0x67: {  	_ =	shalt  }
0x68: {  	_ =	shalt  }
0x69: {  	_ =	shalt  }
0x6a: {  	_ =	shalt  }
0x6b: {  	_ =	shalt  }
0x6c: {  	_ =	shalt  }
0x6d: {  	_ =	shalt  }
0x6e: {  	_ =	shalt  }
0x6f: {  	_ =	shalt  }
0x70: {  	_ =	shalt  }
0x71: {  	_ =	shalt  }
0x72: {  	_ =	shalt  }
0x73: {  	_ =	shalt  }
0x74: {  	_ =	shalt  }
0x75: {  	_ =	shalt  }
0x76: {  	_ =	shalt  }
0x77: {  	_ =	shalt  }
0x78: {  	_ =	shalt  }
0x79: {  	_ =	shalt  }
0x7a: {  	_ =	shalt  }
0x7b: {  	_ =	shalt  }
0x7c: {  	_ =	shalt  }
0x7d: {  	_ =	shalt  }
0x7e: {  	_ =	shalt  }
0x7f: {  	_ =	shalt  }
0x80: {  	_ =	shalt  }
0x81: {  	_ =	shalt  }
0x82: {  	_ =	shalt  }
0x83: {  	_ =	shalt  }
0x84: {  	_ =	shalt  }
0x85: {  	_ =	shalt  }
0x86: {  	_ =	shalt  }
0x87: {  	_ =	shalt  }
.Lfunc_end0:
.L_simem_size_0:
called_computation_lowered:
.L_overlay_start_0:
0x88: {  	s2 =	sld [smem:$0x3FD9]  }
0x89: {  	s3 =	sld [smem:$0x3FFE];
	_ =	sdelay $0x1  }
0x8a: {  	s1 =	srdreg.scid  }
0x8b: {  	s0 =	sand.u32 $0x1, s1  }
0x8c: {  	s14 =	sshll.u32 s0, $0xA;
	s2 =	sadd.s32 s3, s2  }
0x8d: {  	s2 =	sadd.s32 s2, s14  }
0x8e: {  	[smem:$0x3FC5] =	sst s2  }
0x8f: {  	_ = 	snop  }
0x90: {  	s2 =	sld [smem:$0x3FD0];
	_ =	sdelay $0x2  }
0x91: {  	s15 =	simm.s32 $0xA;
	s4 =	simm.s32 $0x10  }
0x92: {  	[smem:s4], [sflag:s15] =	dma.local [hbm:s2], $0x1  }
0x93: {  	_ =	swait.eq [sflag:s15], $0x1  }
0x94: {  	[sflag:s15] =	ssyncset.done $0x0  }
0x95: {  	s16 =	sld [smem:$0x12];
	[sflag:s15] =	ssyncadd.s32 $0xFFFFFFFF  }
0x96: {  	s17 =	sld [smem:$0x13];
	(tm) =	ssettm $0x1  }
0x97: {  	s18 =	sld [smem:$0x3FFB];
	_ =	sdelay $0x3  }
0x98: {  	_ =	strace s18  }
0x99: {  	s4 =	sld [smem:$0x3FFC];
	_ =	sdelay $0x3  }
0x9a: {  	_ =	strace s4  }
0x9b: {  	s4 =	sld [smem:$0x3FFD];
	_ =	sdelay $0x3  }
0x9c: {  	_ =	strace s4  }
0x9d: {  	_ =	strace $0x8FFFFFFF  }
0x9e: {  	s19 =	sld [smem:$0x3FDB];
	_ =	sdelay $0x1  }
0x9f: {  	s5 =	simm.s32 $_scs_section_size  }
0xa0: {  	s6 =	simm.s32 $_size__tile_overlayer_lowered;
	s7 =	simm.s32 $_tile_overlayer_lowered  }
0xa1: {  	s22 =	simm.s32 $0x1BFF;
	s21 =	sshll.u32 s7, $0x1;
	s4 =	sadd.s32 s5, s19  }
0xa2: {  	s8 =	simm.s32 $0x0;
	s20 =	sshll.u32 s6, $0x1;
	s6 =	sadd.s32 s21, s4  }
0xa3: {  	[timem:s8], [sflag:s22] =	dma.local [hbm:s6], s20  }
0xa4: {  	_ =	swait.ge [sflag:s22], s20  }
0xa5: {  	s5 =	ssub.s32 $0x0, s20;
	[sflag:s22] =	ssyncset.done $0x0  }
0xa6: {  	[sflag:s22] =	ssyncadd.s32 s5;
	_ =	sdelay $0x1  }
0xa7: {  	s23 =	simm.s32 $0x1B8B  }
0xa8: {  	_ =	swait.ge [sflag:s23], $0x1  }
0xa9: {  	[sflag:s23] =	ssyncset.done $0x0  }
0xaa: {  	s25 =	simm.s32 $0x1B8E;
	s24 =	sld [smem:$0x3FFE];
	[sflag:s23] =	ssyncadd.s32 $0xFFFFFFFF  }
0xab: {  	s26 =	simm.s32 $execute0_lowered;
	[smem:$0x3FD2] =	sst s25  }
0xac: {  	s6 =	sshll.u32 s26, $0x1;
	_ =	strace $0x80000046;
	[dreg:$0x1] =	wrdreg $0xFFFFFFFF  }
0xad: {  	s28 =	simm.s32 $_size_execute0_lowered;
	s4 =	sadd.s32 s4, s6;
	[dreg:$0x0] =	wrdreg $0x0  }
0xae: {  	s6 =	sshll.u32 s28, $0x1;
	[dreg:$0x2] =	wrdreg s4  }
0xaf: {  	[dreg:$0x3] =	wrdreg s6  }
0xb0: {  	[dreg:$0x4] =	wrdreg $0xC0  }
0xb1: {  	_ =	task [dreg:s8], $0x5FFFF  }
0xb2: {  	[dreg:$0x1] =	wrdreg $0xFFFFFFFF  }
0xb3: {  	[dreg:$0x0] =	wrdreg $0x60  }
0xb4: {  	[dreg:$0x2] =	wrdreg s17  }
0xb5: {  	[dreg:$0x3] =	wrdreg s16  }
0xb6: {  	[dreg:$0x4] =	wrdreg s24  }
0xb7: {  	[dreg:$0x5] =	wrdreg $0x9  }
0xb8: {  	_ =	task.clear_ibuf [dreg:s8], $0x6FFFF;
	_ =	strace $0x90000046  }
0xb9: {  	s29 =	simm.s32 $0x9;
	_ =	strace $0x80000048  }
0xba: {  	_ =	swait.ge [sflag:s29], $0x1  }
0xbb: {  	[sflag:s29] =	ssyncadd.s32 $0xFFFFFFFF  }
0xbc: {  	_ =	strace $0x90000048  }
0xbd: {  	_ =	sfence  }
0xbe: {  	s30 =	sld [smem:$0x0];
	_ =	sdelay $0x2  }
0xbf: {  	s31 =	sshll.u32 s1, $0xD;
	s1 =	sshrl.u32 s1, $0x2  }
0xc0: {  	s3 =	sand.u32 $0x4000, s31;
	s1 =	sadd.s32 s1, s30  }
0xc1: {  	s0 =	sor.u32 s3, s0;
	s1 =	sshll.u32 s1, $0x11  }
0xc2: {  	s0 =	sor.u32 s1, s0  }
0xc3: {  	s0 =	sadd.s32 $0x8F2B, s0  }
0xc4: {  	[sflag:s0] =	ssyncadd.remote.s32 $0x1  }
0xc5: {  	_ =	sfence.sel $0xFFFF  }
0xc6: {  	[dreg:$0x0] =	wrdreg $0xFFFFFFFF;
	(pc) =	sbr.abs _section_cstart, $3  }
0xc7: {  	[dreg:$0x1] =	wrdreg $0xFFFFFFFF  }
0xc8: {  	_ =	task.clear_ibuf [dreg:s8], $0x2FFFF;
	_ =	strace $0x9FFFFFFF  }
0xc9: {  	(tm) =	ssettm $0x7FFFFFFF  }
tec
execute0_lowered:
.L_overlay_start_1:
0x0: {  	(tag) =	ssettag $0x1  }
0x1: {  	s1 =	rddreg [dreg:$0x0]  }
0x2: {  	s22 =	rddreg [dreg:$0x1]  }
0x3: {  	s3 =	rddreg [dreg:$0x2];
	s4 =	srdreg.scid  }
0x4: {  	s0 =	simm.s32 $0x0;
	s8 =	stileid.u32;
	s4 =	sand.u32 $0x1, s4  }
0x5: {  	[smem:$0x7FF] =	sst s0;
	s24 =	sadd.s32 $0x800, s3;
	s6 =	ssub.s32 $0x2, s4  }
0x6: {  	s8 =	sshll.u32 s8, $0x7;
	s4 =	sshll.u32 s4, $0x6;
	s7 =	sshrl.u32 s6, $0x1  }
0x7: {  	s3 =	sadd.s32 $0x1800, s3;
	s4 =	sor.u32 s4, s8;
	s23 =	ssub.s32 s6, s7  }
0x8: {  	s7 =	sor.u32 $0x1000, s4;
	s8 =	sor.u32 $0x1800, s4;
	s10 =	sor.u32 $0x2000, s4  }
0x9: {  	s11 =	sor.u32 $0x2800, s4;
	s12 =	sor.u32 $0x3000, s4;
	s15 =	sor.u32 $0x4800, s4  }
0xa: {  	s13 =	sor.u32 $0x3800, s4;
	s17 =	sor.u32 $0x5800, s4;
	s16 =	sadd.s32 s1, s15  }
0xb: {  	s14 =	sor.u32 $0x4000, s4;
	s21 =	sadd.s32 s1, s17;
	[dreg:$0xd] =	wrdreg s16  }
0xc: {  	s28 =	sadd.s32 s1, s7;
	s7 =	sadd.s32 s3, s7;
	[dreg:$0xf] =	wrdreg s21  }
0xd: {  	s29 =	sadd.s32 s1, s8;
	s8 =	sadd.s32 s3, s8;
	[dreg:$0x19] =	wrdreg s7  }
0xe: {  	s30 =	sadd.s32 s1, s10;
	s10 =	sadd.s32 s3, s10;
	[dreg:$0x1a] =	wrdreg s8  }
0xf: {  	s31 =	sadd.s32 s1, s11;
	s11 =	sadd.s32 s3, s11;
	[dreg:$0x1b] =	wrdreg s10  }
0x10: {  	s2 =	sadd.s32 s1, s12;
	s12 =	sadd.s32 s3, s12;
	[dreg:$0x1c] =	wrdreg s11  }
0x11: {  	s9 =	sadd.s32 s1, s13;
	s13 =	sadd.s32 s3, s13;
	[dreg:$0x1d] =	wrdreg s12  }
0x12: {  	s5 =	sadd.s32 s1, s14;
	s14 =	sadd.s32 s3, s14;
	[dreg:$0x1e] =	wrdreg s13  }
0x13: {  	s15 =	sadd.s32 s3, s15;
	[dreg:$0x1f] =	wrdreg s14  }
0x14: {  	s17 =	sadd.s32 s3, s17;
	s16 =	sor.u32 $0x5000, s4;
	[smem:$0x7C3] =	sst s15  }
0x15: {  	[smem:$0x7C5] =	sst s17;
	s18 =	sadd.s32 s1, s16  }
0x16: {  	s16 =	sadd.s32 s3, s16;
	[dreg:$0xe] =	wrdreg s18;
	s18 =	sor.u32 $0x6000, s4  }
0x17: {  	s25 =	sadd.s32 s1, s4;
	[smem:$0x7C4] =	sst s16;
	s19 =	sadd.s32 s1, s18  }
0x18: {  	s18 =	sadd.s32 s3, s18;
	[dreg:$0x10] =	wrdreg s19;
	s19 =	sor.u32 $0x6800, s4  }
0x19: {  	s20 =	sor.u32 $0x7000, s4;
	[smem:$0x7C6] =	sst s18;
	s21 =	sadd.s32 s1, s19  }
0x1a: {  	s6 =	sor.u32 $0x800, s4;
	[dreg:$0x11] =	wrdreg s21;
	s21 =	sadd.s32 s1, s20  }
0x1b: {  	s19 =	sadd.s32 s3, s19;
	[dreg:$0x12] =	wrdreg s21;
	s21 =	sor.u32 $0x7800, s4  }
0x1c: {  	s26 =	sadd.s32 s1, s6;
	[smem:$0x7C7] =	sst s19;
	s1 =	sadd.s32 s1, s21  }
0x1d: {  	[dreg:$0x13] =	wrdreg s1;
	s1 =	smov.u32 s22;
	s22 =	sadd.s32 s22, s4  }
0x1e: {  	[dreg:$0x14] =	wrdreg s22;
	s1 =	sadd.s32 s1, s6  }
0x1f: {  	[dreg:$0x15] =	wrdreg s1;
	s1 =	sadd.s32 s24, s4  }
0x20: {  	[dreg:$0x16] =	wrdreg s1;
	s1 =	sadd.s32 s24, s6  }
0x21: {  	s6 =	sadd.s32 s3, s6;
	[dreg:$0x17] =	wrdreg s1  }
0x22: {  	s24 =	sadd.s32 s3, s20;
	[dreg:$0x18] =	wrdreg s6  }
0x23: {  	s22 =	sadd.s32 s3, s4;
	s3 =	sadd.s32 s3, s21;
	[smem:$0x7C8] =	sst s24  }
0x24: {  	[smem:$0x7C9] =	sst s3;
	s1 =	smax.u32 s23, $0x1  }
0x25: {  	s4 =	sadd.s32 $0x8000, s22;
	_ =	strace $0x80000047;
	[smem:$0x7CA] =	sst s1  }
0x26: {  	s6 =	sadd.s32 $0x8800, s22;
	[smem:$0x7CB] =	sst s4  }
0x27: {  	s7 =	sadd.s32 $0x9000, s22;
	[smem:$0x7CC] =	sst s6  }
0x28: {  	s8 =	sadd.s32 $0x10, s25;
	[smem:$0x7CD] =	sst s7  }
0x29: {  	s10 =	sadd.s32 $0x20, s25;
	[smem:$0x7CE] =	sst s8  }
0x2a: {  	[smem:$0x7CF] =	sst s10  }
0x2b: {  	[dreg:$0x4] =	wrdreg s25  }
0x2c: {  	[dreg:$0x5] =	wrdreg s26  }
0x2d: {  	[dreg:$0x6] =	wrdreg s28  }
0x2e: {  	[dreg:$0x7] =	wrdreg s29  }
0x2f: {  	[dreg:$0x8] =	wrdreg s30  }
0x30: {  	[dreg:$0x9] =	wrdreg s31  }
0x31: {  	[dreg:$0xa] =	wrdreg s2  }
0x32: {  	[dreg:$0xb] =	wrdreg s9  }
0x33: {  	s3 =	sadd.s32 $0x30, s5;
	[dreg:$0xc] =	wrdreg s5  }
0x34: {  	s1 =	sadd.s32 $0x30, s25;
	[smem:$0x7E8] =	sst s3  }
0x35: {  	s4 =	sadd.s32 $0x10, s26;
	[smem:$0x7D0] =	sst s1  }
0x36: {  	s6 =	sadd.s32 $0x20, s26;
	[smem:$0x7D1] =	sst s4  }
0x37: {  	s7 =	sadd.s32 $0x30, s26;
	[smem:$0x7D2] =	sst s6  }
0x38: {  	s8 =	sadd.s32 $0x10, s28;
	[smem:$0x7D3] =	sst s7  }
0x39: {  	s10 =	sadd.s32 $0x20, s28;
	[smem:$0x7D4] =	sst s8  }
0x3a: {  	s25 =	sadd.s32 $0x30, s28;
	[smem:$0x7D5] =	sst s10  }
0x3b: {  	s26 =	sadd.s32 $0x10, s29;
	[smem:$0x7D6] =	sst s25  }
0x3c: {  	s28 =	sadd.s32 $0x20, s29;
	[smem:$0x7D7] =	sst s26  }
0x3d: {  	s29 =	sadd.s32 $0x30, s29;
	[smem:$0x7D8] =	sst s28  }
0x3e: {  	[smem:$0x7D9] =	sst s29;
	s1 =	sadd.s32 $0x10, s30  }
0x3f: {  	s4 =	sadd.s32 $0x20, s30;
	[smem:$0x7DA] =	sst s1  }
0x40: {  	s6 =	sadd.s32 $0x30, s30;
	[smem:$0x7DB] =	sst s4  }
0x41: {  	s7 =	sadd.s32 $0x10, s31;
	[smem:$0x7DC] =	sst s6  }
0x42: {  	s8 =	sadd.s32 $0x20, s31;
	[smem:$0x7DD] =	sst s7  }
0x43: {  	s10 =	sadd.s32 $0x30, s31;
	[smem:$0x7DE] =	sst s8  }
0x44: {  	s25 =	sadd.s32 $0x10, s2;
	[smem:$0x7DF] =	sst s10  }
0x45: {  	s26 =	sadd.s32 $0x20, s2;
	[smem:$0x7E0] =	sst s25  }
0x46: {  	s2 =	sadd.s32 $0x30, s2;
	[smem:$0x7E1] =	sst s26  }
0x47: {  	s28 =	sadd.s32 $0x10, s9;
	[smem:$0x7E2] =	sst s2  }
0x48: {  	s29 =	sadd.s32 $0x20, s9;
	[smem:$0x7E3] =	sst s28  }
0x49: {  	s30 =	sadd.s32 $0x30, s9;
	[smem:$0x7E4] =	sst s29  }
0x4a: {  	s31 =	sadd.s32 $0x10, s5;
	[smem:$0x7E5] =	sst s30  }
0x4b: {  	[smem:$0x7E6] =	sst s31  }
0x4c: {  	s4 =	rddreg [dreg:$0xd]  }
0x4d: {  	s8 =	rddreg [dreg:$0xe]  }
0x4e: {  	s26 =	rddreg [dreg:$0xf]  }
0x4f: {  	s1 =	sadd.s32 $0x20, s5;
	s31 =	rddreg [dreg:$0x10]  }
0x50: {  	[smem:$0x7E7] =	sst s1;
	s5 =	sadd.s32 $0x10, s4  }
0x51: {  	s6 =	sadd.s32 $0x20, s4;
	[smem:$0x7E9] =	sst s5  }
0x52: {  	s7 =	sadd.s32 $0x30, s4;
	[smem:$0x7EA] =	sst s6  }
0x53: {  	s9 =	sadd.s32 $0x10, s8;
	[smem:$0x7EB] =	sst s7  }
0x54: {  	s10 =	sadd.s32 $0x20, s8;
	[smem:$0x7EC] =	sst s9  }
0x55: {  	s25 =	sadd.s32 $0x30, s8;
	[smem:$0x7ED] =	sst s10  }
0x56: {  	s28 =	sadd.s32 $0x10, s26;
	[smem:$0x7EE] =	sst s25  }
0x57: {  	s29 =	sadd.s32 $0x20, s26;
	[smem:$0x7EF] =	sst s28  }
0x58: {  	s30 =	sadd.s32 $0x30, s26;
	[smem:$0x7F0] =	sst s29  }
0x59: {  	s1 =	sadd.s32 $0x10, s31;
	[smem:$0x7F1] =	sst s30  }
0x5a: {  	s4 =	sadd.s32 $0x20, s31;
	[smem:$0x7F2] =	sst s1  }
0x5b: {  	[smem:$0x7F3] =	sst s4  }
0x5c: {  	s11 =	sadd.s32 $0x9800, s22;
	s6 =	rddreg [dreg:$0x11]  }
0x5d: {  	s12 =	sadd.s32 $0xA000, s22;
	s13 =	sadd.s32 $0xA800, s22;
	s10 =	rddreg [dreg:$0x12]  }
0x5e: {  	s14 =	sadd.s32 $0xB000, s22;
	s5 =	sadd.s32 $0x30, s31;
	s29 =	rddreg [dreg:$0x13]  }
0x5f: {  	s15 =	sadd.s32 $0xB800, s22;
	[smem:$0x7F4] =	sst s5;
	s7 =	sadd.s32 $0x10, s6  }
0x60: {  	s16 =	sadd.s32 $0xC000, s22;
	s8 =	sadd.s32 $0x20, s6;
	[smem:$0x7F5] =	sst s7  }
0x61: {  	s17 =	sadd.s32 $0xC800, s22;
	s9 =	sadd.s32 $0x30, s6;
	[smem:$0x7F6] =	sst s8  }
0x62: {  	s18 =	sadd.s32 $0xD000, s22;
	s25 =	sadd.s32 $0x10, s10;
	[smem:$0x7F7] =	sst s9  }
0x63: {  	s19 =	sadd.s32 $0xD800, s22;
	s26 =	sadd.s32 $0x20, s10;
	[smem:$0x7F8] =	sst s25  }
0x64: {  	s20 =	sadd.s32 $0xE000, s22;
	s28 =	sadd.s32 $0x30, s10;
	[smem:$0x7F9] =	sst s26  }
0x65: {  	s21 =	sadd.s32 $0xE800, s22;
	s30 =	sadd.s32 $0x10, s29;
	[smem:$0x7FA] =	sst s28  }
0x66: {  	s23 =	sadd.s32 $0xF000, s22;
	s31 =	sadd.s32 $0x20, s29;
	[smem:$0x7FB] =	sst s30  }
0x67: {  	s24 =	sadd.s32 $0xF800, s22;
	s1 =	sadd.s32 $0x30, s29;
	[smem:$0x7FC] =	sst s31  }
0x68: {  	v0 =	vimm.s32 $0x0;
	[smem:$0x7FD] =	sst s1;
	s25 =	simm.s32 $0x1;
	s26 =	simm.s32 $0x0  }
.LBB2_1:
0x69: {  	s1 =	rddreg [dreg:$0x4]  }
0x6a: {  	s8 =	sld [smem:$0x7CE]  }
0x6b: {  	[tilespmem:s0], [sflag:$0x1] =	stream.linear.gather [hbm4b:s1+s0], $0x80, $0x38;
	[tilespmem:$0x6800] =	vst v63  }
0x6c: {  	s2 =	simm.s32 $0x400;
	s9 =	sld [smem:$0x7CF]  }
0x6d: {  	[tilespmem:s2], [sflag:$0x1] =	stream.linear.gather [hbm4b:s8+s0], $0x80, $0x38;
	[tilespmem:$0x6800] =	vst v63  }
0x6e: {  	s10 =	simm.s32 $0x800;
	s3 =	sld [smem:$0x7D0]  }
0x6f: {  	[tilespmem:s10], [sflag:$0x1] =	stream.linear.gather [hbm4b:s9+s0], $0x80, $0x38;
	[tilespmem:$0x6800] =	vst v63  }
0x70: {  	s4 =	simm.s32 $0xC00;
	s5 =	rddreg [dreg:$0x5]  }
0x71: {  	[tilespmem:s4], [sflag:$0x1] =	stream.linear.gather [hbm4b:s3+s0], $0x80, $0x38;
	[tilespmem:$0x6800] =	vst v63  }
0x72: {  	s6 =	simm.s32 $0x80;
	s7 =	sld [smem:$0x7D1]  }
0x73: {  	[tilespmem:s6], [sflag:$0x1] =	stream.linear.gather [hbm4b:s5+s0], $0x80, $0x38;
	[tilespmem:$0x6800] =	vst v63  }
0x74: {  	s8 =	simm.s32 $0x480;
	s9 =	sld [smem:$0x7D2]  }
0x75: {  	[tilespmem:s8], [sflag:$0x1] =	stream.linear.gather [hbm4b:s7+s0], $0x80, $0x38;
	[tilespmem:$0x6800] =	vst v63  }
0x76: {  	s10 =	simm.s32 $0x880;
	s3 =	sld [smem:$0x7D3]  }
0x77: {  	[tilespmem:s10], [sflag:$0x1] =	stream.linear.gather [hbm4b:s9+s0], $0x80, $0x38;
	[tilespmem:$0x6800] =	vst v63  }
0x78: {  	s4 =	simm.s32 $0xC80;
	s5 =	rddreg [dreg:$0x6]  }
0x79: {  	[tilespmem:s4], [sflag:$0x1] =	stream.linear.gather [hbm4b:s3+s0], $0x80, $0x38;
	[tilespmem:$0x6800] =	vst v63  }
0x7a: {  	s6 =	simm.s32 $0x100;
	s7 =	sld [smem:$0x7D4]  }
0x7b: {  	[tilespmem:s6], [sflag:$0x1] =	stream.linear.gather [hbm4b:s5+s0], $0x80, $0x38;
	[tilespmem:$0x6800] =	vst v63  }
0x7c: {  	s8 =	simm.s32 $0x500;
	s9 =	sld [smem:$0x7D5]  }
0x7d: {  	[tilespmem:s8], [sflag:$0x1] =	stream.linear.gather [hbm4b:s7+s0], $0x80, $0x38;
	[tilespmem:$0x6800] =	vst v63  }
0x7e: {  	s10 =	simm.s32 $0x900;
	s3 =	sld [smem:$0x7D6]  }
0x7f: {  	[tilespmem:s10], [sflag:$0x1] =	stream.linear.gather [hbm4b:s9+s0], $0x80, $0x38;
	[tilespmem:$0x6800] =	vst v63  }
0x80: {  	s4 =	simm.s32 $0xD00;
	s5 =	rddreg [dreg:$0x7]  }
0x81: {  	[tilespmem:s4], [sflag:$0x1] =	stream.linear.gather [hbm4b:s3+s0], $0x80, $0x38;
	[tilespmem:$0x6800] =	vst v63  }
0x82: {  	s6 =	simm.s32 $0x180;
	s7 =	sld [smem:$0x7D7]  }
0x83: {  	[tilespmem:s6], [sflag:$0x1] =	stream.linear.gather [hbm4b:s5+s0], $0x80, $0x38;
	[tilespmem:$0x6800] =	vst v63  }
0x84: {  	s8 =	simm.s32 $0x580;
	s9 =	sld [smem:$0x7D8]  }
0x85: {  	[tilespmem:s8], [sflag:$0x1] =	stream.linear.gather [hbm4b:s7+s0], $0x80, $0x38;
	[tilespmem:$0x6800] =	vst v63  }
0x86: {  	s10 =	simm.s32 $0x980;
	s3 =	sld [smem:$0x7D9]  }
0x87: {  	[tilespmem:s10], [sflag:$0x1] =	stream.linear.gather [hbm4b:s9+s0], $0x80, $0x38;
	[tilespmem:$0x6800] =	vst v63  }
0x88: {  	s4 =	simm.s32 $0xD80;
	s5 =	rddreg [dreg:$0x8]  }
0x89: {  	[tilespmem:s4], [sflag:$0x1] =	stream.linear.gather [hbm4b:s3+s0], $0x80, $0x38;
	[tilespmem:$0x6800] =	vst v63  }
0x8a: {  	s6 =	simm.s32 $0x200;
	s7 =	sld [smem:$0x7DA]  }
0x8b: {  	[tilespmem:s6], [sflag:$0x1] =	stream.linear.gather [hbm4b:s5+s0], $0x80, $0x38;
	[tilespmem:$0x6800] =	vst v63  }
0x8c: {  	s8 =	simm.s32 $0x600;
	s9 =	sld [smem:$0x7DB]  }
0x8d: {  	[tilespmem:s8], [sflag:$0x1] =	stream.linear.gather [hbm4b:s7+s0], $0x80, $0x38;
	[tilespmem:$0x6800] =	vst v63  }
0x8e: {  	s10 =	simm.s32 $0xA00;
	s3 =	sld [smem:$0x7DC]  }
0x8f: {  	[tilespmem:s10], [sflag:$0x1] =	stream.linear.gather [hbm4b:s9+s0], $0x80, $0x38;
	[tilespmem:$0x6800] =	vst v63  }
0x90: {  	s4 =	simm.s32 $0xE00;
	s5 =	rddreg [dreg:$0x9]  }
0x91: {  	[tilespmem:s4], [sflag:$0x1] =	stream.linear.gather [hbm4b:s3+s0], $0x80, $0x38;
	[tilespmem:$0x6800] =	vst v63  }
0x92: {  	s6 =	simm.s32 $0x280;
	s7 =	sld [smem:$0x7DD]  }
0x93: {  	[tilespmem:s6], [sflag:$0x1] =	stream.linear.gather [hbm4b:s5+s0], $0x80, $0x38;
	[tilespmem:$0x6800] =	vst v63  }
0x94: {  	s8 =	simm.s32 $0x680;
	s9 =	sld [smem:$0x7DE]  }
0x95: {  	[tilespmem:s8], [sflag:$0x1] =	stream.linear.gather [hbm4b:s7+s0], $0x80, $0x38;
	[tilespmem:$0x6800] =	vst v63  }
0x96: {  	s10 =	simm.s32 $0xA80;
	s3 =	sld [smem:$0x7DF]  }
0x97: {  	[tilespmem:s10], [sflag:$0x1] =	stream.linear.gather [hbm4b:s9+s0], $0x80, $0x38;
	[tilespmem:$0x6800] =	vst v63  }
0x98: {  	s4 =	simm.s32 $0xE80;
	s5 =	rddreg [dreg:$0xa]  }
0x99: {  	[tilespmem:s4], [sflag:$0x1] =	stream.linear.gather [hbm4b:s3+s0], $0x80, $0x38;
	[tilespmem:$0x6800] =	vst v63  }
0x9a: {  	s6 =	simm.s32 $0x300;
	s7 =	sld [smem:$0x7E0]  }
0x9b: {  	[tilespmem:s6], [sflag:$0x1] =	stream.linear.gather [hbm4b:s5+s0], $0x80, $0x38;
	[tilespmem:$0x6800] =	vst v63  }
0x9c: {  	s8 =	simm.s32 $0x700;
	s9 =	sld [smem:$0x7E1]  }
0x9d: {  	[tilespmem:s8], [sflag:$0x1] =	stream.linear.gather [hbm4b:s7+s0], $0x80, $0x38;
	[tilespmem:$0x6800] =	vst v63  }
0x9e: {  	s10 =	simm.s32 $0xB00;
	s3 =	sld [smem:$0x7E2]  }
0x9f: {  	[tilespmem:s10], [sflag:$0x1] =	stream.linear.gather [hbm4b:s9+s0], $0x80, $0x38;
	[tilespmem:$0x6800] =	vst v63  }
0xa0: {  	s4 =	simm.s32 $0xF00;
	s5 =	rddreg [dreg:$0xb]  }
0xa1: {  	[tilespmem:s4], [sflag:$0x1] =	stream.linear.gather [hbm4b:s3+s0], $0x80, $0x38;
	[tilespmem:$0x6800] =	vst v63  }
0xa2: {  	s6 =	simm.s32 $0x380;
	s7 =	sld [smem:$0x7E3]  }
0xa3: {  	[tilespmem:s6], [sflag:$0x1] =	stream.linear.gather [hbm4b:s5+s0], $0x80, $0x38;
	[tilespmem:$0x6800] =	vst v63  }
0xa4: {  	s8 =	simm.s32 $0x780;
	s9 =	sld [smem:$0x7E4]  }
0xa5: {  	[tilespmem:s8], [sflag:$0x1] =	stream.linear.gather [hbm4b:s7+s0], $0x80, $0x38;
	[tilespmem:$0x6800] =	vst v63  }
0xa6: {  	s10 =	simm.s32 $0xB80;
	s3 =	sld [smem:$0x7E5]  }
0xa7: {  	[tilespmem:s10], [sflag:$0x1] =	stream.linear.gather [hbm4b:s9+s0], $0x80, $0x38;
	[tilespmem:$0x6800] =	vst v63  }
0xa8: {  	s4 =	simm.s32 $0xF80;
	s5 =	rddreg [dreg:$0xc]  }
0xa9: {  	[tilespmem:s4], [sflag:$0x1] =	stream.linear.gather [hbm4b:s3+s0], $0x80, $0x38;
	[tilespmem:$0x6800] =	vst v63  }
0xaa: {  	s6 =	simm.s32 $0x1000;
	s7 =	sld [smem:$0x7E6]  }
0xab: {  	[tilespmem:s6], [sflag:$0x1] =	stream.linear.gather [hbm4b:s5+s0], $0x80, $0x38;
	[tilespmem:$0x6800] =	vst v63  }
0xac: {  	s8 =	simm.s32 $0x1400;
	s9 =	sld [smem:$0x7E7]  }
0xad: {  	[tilespmem:s8], [sflag:$0x1] =	stream.linear.gather [hbm4b:s7+s0], $0x80, $0x38;
	[tilespmem:$0x6800] =	vst v63  }
0xae: {  	s10 =	simm.s32 $0x1800;
	s3 =	sld [smem:$0x7E8]  }
0xaf: {  	[tilespmem:s10], [sflag:$0x1] =	stream.linear.gather [hbm4b:s9+s0], $0x80, $0x38;
	[tilespmem:$0x6800] =	vst v63  }
0xb0: {  	s4 =	simm.s32 $0x1C00;
	s5 =	rddreg [dreg:$0xd]  }
0xb1: {  	[tilespmem:s4], [sflag:$0x1] =	stream.linear.gather [hbm4b:s3+s0], $0x80, $0x38;
	[tilespmem:$0x6800] =	vst v63  }
0xb2: {  	s6 =	simm.s32 $0x1080;
	s7 =	sld [smem:$0x7E9]  }
0xb3: {  	[tilespmem:s6], [sflag:$0x1] =	stream.linear.gather [hbm4b:s5+s0], $0x80, $0x38;
	[tilespmem:$0x6800] =	vst v63  }
0xb4: {  	s8 =	simm.s32 $0x1480;
	s9 =	sld [smem:$0x7EA]  }
0xb5: {  	[tilespmem:s8], [sflag:$0x1] =	stream.linear.gather [hbm4b:s7+s0], $0x80, $0x38;
	[tilespmem:$0x6800] =	vst v63  }
0xb6: {  	s10 =	simm.s32 $0x1880;
	s3 =	sld [smem:$0x7EB]  }
0xb7: {  	[tilespmem:s10], [sflag:$0x1] =	stream.linear.gather [hbm4b:s9+s0], $0x80, $0x38;
	[tilespmem:$0x6800] =	vst v63  }
0xb8: {  	s4 =	simm.s32 $0x1C80;
	s5 =	rddreg [dreg:$0xe]  }
0xb9: {  	[tilespmem:s4], [sflag:$0x1] =	stream.linear.gather [hbm4b:s3+s0], $0x80, $0x38;
	[tilespmem:$0x6800] =	vst v63  }
0xba: {  	s6 =	simm.s32 $0x1100;
	s7 =	sld [smem:$0x7EC]  }
0xbb: {  	[tilespmem:s6], [sflag:$0x1] =	stream.linear.gather [hbm4b:s5+s0], $0x80, $0x38;
	[tilespmem:$0x6800] =	vst v63  }
0xbc: {  	s8 =	simm.s32 $0x1500;
	s9 =	sld [smem:$0x7ED]  }
0xbd: {  	[tilespmem:s8], [sflag:$0x1] =	stream.linear.gather [hbm4b:s7+s0], $0x80, $0x38;
	[tilespmem:$0x6800] =	vst v63  }
0xbe: {  	s10 =	simm.s32 $0x1900;
	s3 =	sld [smem:$0x7EE]  }
0xbf: {  	[tilespmem:s10], [sflag:$0x1] =	stream.linear.gather [hbm4b:s9+s0], $0x80, $0x38;
	[tilespmem:$0x6800] =	vst v63  }
0xc0: {  	s4 =	simm.s32 $0x1D00;
	s5 =	rddreg [dreg:$0xf]  }
0xc1: {  	[tilespmem:s4], [sflag:$0x1] =	stream.linear.gather [hbm4b:s3+s0], $0x80, $0x38;
	[tilespmem:$0x6800] =	vst v63  }
0xc2: {  	s6 =	simm.s32 $0x1180;
	s7 =	sld [smem:$0x7EF]  }
0xc3: {  	[tilespmem:s6], [sflag:$0x1] =	stream.linear.gather [hbm4b:s5+s0], $0x80, $0x38;
	[tilespmem:$0x6800] =	vst v63  }
0xc4: {  	s8 =	simm.s32 $0x1580;
	s9 =	sld [smem:$0x7F0]  }
0xc5: {  	[tilespmem:s8], [sflag:$0x1] =	stream.linear.gather [hbm4b:s7+s0], $0x80, $0x38;
	[tilespmem:$0x6800] =	vst v63  }
0xc6: {  	s10 =	simm.s32 $0x1980;
	s3 =	sld [smem:$0x7F1]  }
0xc7: {  	[tilespmem:s10], [sflag:$0x1] =	stream.linear.gather [hbm4b:s9+s0], $0x80, $0x38;
	[tilespmem:$0x6800] =	vst v63  }
0xc8: {  	s4 =	simm.s32 $0x1D80;
	s5 =	rddreg [dreg:$0x10]  }
0xc9: {  	[tilespmem:s4], [sflag:$0x1] =	stream.linear.gather [hbm4b:s3+s0], $0x80, $0x38;
	[tilespmem:$0x6800] =	vst v63  }
0xca: {  	s6 =	simm.s32 $0x1200;
	s7 =	sld [smem:$0x7F2]  }
0xcb: {  	[tilespmem:s6], [sflag:$0x1] =	stream.linear.gather [hbm4b:s5+s0], $0x80, $0x38;
	[tilespmem:$0x6800] =	vst v63  }
0xcc: {  	s8 =	simm.s32 $0x1600;
	s9 =	sld [smem:$0x7F3]  }
0xcd: {  	[tilespmem:s8], [sflag:$0x1] =	stream.linear.gather [hbm4b:s7+s0], $0x80, $0x38;
	[tilespmem:$0x6800] =	vst v63  }
0xce: {  	s10 =	simm.s32 $0x1A00;
	s3 =	sld [smem:$0x7F4]  }
0xcf: {  	[tilespmem:s10], [sflag:$0x1] =	stream.linear.gather [hbm4b:s9+s0], $0x80, $0x38;
	[tilespmem:$0x6800] =	vst v63  }
0xd0: {  	s4 =	simm.s32 $0x1E00;
	s5 =	rddreg [dreg:$0x11]  }
0xd1: {  	[tilespmem:s4], [sflag:$0x1] =	stream.linear.gather [hbm4b:s3+s0], $0x80, $0x38;
	[tilespmem:$0x6800] =	vst v63  }
0xd2: {  	s6 =	simm.s32 $0x1280;
	s7 =	sld [smem:$0x7F5]  }
0xd3: {  	[tilespmem:s6], [sflag:$0x1] =	stream.linear.gather [hbm4b:s5+s0], $0x80, $0x38;
	[tilespmem:$0x6800] =	vst v63  }
0xd4: {  	s8 =	simm.s32 $0x1680;
	s9 =	sld [smem:$0x7F6]  }
0xd5: {  	[tilespmem:s8], [sflag:$0x1] =	stream.linear.gather [hbm4b:s7+s0], $0x80, $0x38;
	[tilespmem:$0x6800] =	vst v63  }
0xd6: {  	s10 =	simm.s32 $0x1A80;
	s3 =	sld [smem:$0x7F7]  }
0xd7: {  	[tilespmem:s10], [sflag:$0x1] =	stream.linear.gather [hbm4b:s9+s0], $0x80, $0x38;
	[tilespmem:$0x6800] =	vst v63  }
0xd8: {  	s4 =	simm.s32 $0x1E80;
	s5 =	rddreg [dreg:$0x12]  }
0xd9: {  	[tilespmem:s4], [sflag:$0x1] =	stream.linear.gather [hbm4b:s3+s0], $0x80, $0x38;
	[tilespmem:$0x6800] =	vst v63  }
0xda: {  	s6 =	simm.s32 $0x1300;
	s7 =	sld [smem:$0x7F8]  }
0xdb: {  	[tilespmem:s6], [sflag:$0x1] =	stream.linear.gather [hbm4b:s5+s0], $0x80, $0x38;
	[tilespmem:$0x6800] =	vst v63  }
0xdc: {  	s8 =	simm.s32 $0x1700;
	s9 =	sld [smem:$0x7F9]  }
0xdd: {  	[tilespmem:s8], [sflag:$0x1] =	stream.linear.gather [hbm4b:s7+s0], $0x80, $0x38;
	[tilespmem:$0x6800] =	vst v63  }
0xde: {  	s10 =	simm.s32 $0x1B00;
	s3 =	sld [smem:$0x7FA]  }
0xdf: {  	[tilespmem:s10], [sflag:$0x1] =	stream.linear.gather [hbm4b:s9+s0], $0x80, $0x38;
	[tilespmem:$0x6800] =	vst v63  }
0xe0: {  	s4 =	simm.s32 $0x1F00;
	s5 =	rddreg [dreg:$0x13]  }
0xe1: {  	[tilespmem:s4], [sflag:$0x1] =	stream.linear.gather [hbm4b:s3+s0], $0x80, $0x38;
	[tilespmem:$0x6800] =	vst v63  }
0xe2: {  	s6 =	simm.s32 $0x1380;
	s7 =	sld [smem:$0x7FB]  }
0xe3: {  	[tilespmem:s6], [sflag:$0x1] =	stream.linear.gather [hbm4b:s5+s0], $0x80, $0x38;
	[tilespmem:$0x6800] =	vst v63  }
0xe4: {  	s8 =	simm.s32 $0x1780;
	s9 =	sld [smem:$0x7FC]  }
0xe5: {  	[tilespmem:s8], [sflag:$0x1] =	stream.linear.gather [hbm4b:s7+s0], $0x80, $0x38;
	[tilespmem:$0x6800] =	vst v63  }
0xe6: {  	s10 =	simm.s32 $0x1B80;
	s3 =	sld [smem:$0x7FD]  }
0xe7: {  	[tilespmem:s10], [sflag:$0x1] =	stream.linear.gather [hbm4b:s9+s0], $0x80, $0x38;
	[tilespmem:$0x6800] =	vst v63  }
0xe8: {  	s4 =	simm.s32 $0x1F80  }
0xe9: {  	[tilespmem:s4], [sflag:$0x1] =	stream.linear.gather [hbm4b:s3+s0], $0x80, $0x38;
	[tilespmem:$0x6800] =	vst v63  }
0xea: {  	_ =	swait.ge [sflag:s25], $0x200  }
0xeb: {  	[sflag:s25] =	ssyncset.done $0x0  }
0xec: {  	[sflag:s25] =	ssyncadd.s32 $0xFFFFFE00  }
0xed: {  	_ =	swait.ge [sflag:s25], $0x200  }
0xee: {  	[sflag:s25] =	ssyncset.done $0x0  }
0xef: {  	[sflag:s25] =	ssyncadd.s32 $0xFFFFFE00  }
0xf0: {  	_ =	swait.ge [sflag:s25], $0x200  }
0xf1: {  	[sflag:s25] =	ssyncset.done $0x0  }
0xf2: {  	[sflag:s25] =	ssyncadd.s32 $0xFFFFFE00  }
0xf3: {  	_ =	swait.ge [sflag:s25], $0x200  }
0xf4: {  	[sflag:s25] =	ssyncset.done $0x0  }
0xf5: {  	[sflag:s25] =	ssyncadd.s32 $0xFFFFFE00  }
0xf6: {  	_ =	swait.ge [sflag:s25], $0x200  }
0xf7: {  	[sflag:s25] =	ssyncset.done $0x0  }
0xf8: {  	[sflag:s25] =	ssyncadd.s32 $0xFFFFFE00  }
0xf9: {  	_ =	swait.ge [sflag:s25], $0x200  }
0xfa: {  	[sflag:s25] =	ssyncset.done $0x0  }
0xfb: {  	[sflag:s25] =	ssyncadd.s32 $0xFFFFFE00  }
0xfc: {  	_ =	swait.ge [sflag:s25], $0x200  }
0xfd: {  	[sflag:s25] =	ssyncset.done $0x0  }
0xfe: {  	[sflag:s25] =	ssyncadd.s32 $0xFFFFFE00  }
0xff: {  	_ =	swait.ge [sflag:s25], $0x200  }
0x100: {  	[sflag:s25] =	ssyncset.done $0x0  }
0x101: {  	[sflag:s25] =	ssyncadd.s32 $0xFFFFFE00  }
0x102: {  	_ =	swait.ge [sflag:s25], $0x200  }
0x103: {  	[sflag:s25] =	ssyncset.done $0x0  }
0x104: {  	[sflag:s25] =	ssyncadd.s32 $0xFFFFFE00  }
0x105: {  	_ =	swait.ge [sflag:s25], $0x200  }
0x106: {  	[sflag:s25] =	ssyncset.done $0x0  }
0x107: {  	[sflag:s25] =	ssyncadd.s32 $0xFFFFFE00  }
0x108: {  	_ =	swait.ge [sflag:s25], $0x200  }
0x109: {  	[sflag:s25] =	ssyncset.done $0x0  }
0x10a: {  	[sflag:s25] =	ssyncadd.s32 $0xFFFFFE00  }
0x10b: {  	_ =	swait.ge [sflag:s25], $0x200  }
0x10c: {  	[sflag:s25] =	ssyncset.done $0x0  }
0x10d: {  	[sflag:s25] =	ssyncadd.s32 $0xFFFFFE00  }
0x10e: {  	_ =	swait.ge [sflag:s25], $0x200  }
0x10f: {  	[sflag:s25] =	ssyncset.done $0x0  }
0x110: {  	[sflag:s25] =	ssyncadd.s32 $0xFFFFFE00  }
0x111: {  	_ =	swait.ge [sflag:s25], $0x200  }
0x112: {  	[sflag:s25] =	ssyncset.done $0x0  }
0x113: {  	[sflag:s25] =	ssyncadd.s32 $0xFFFFFE00  }
0x114: {  	_ =	swait.ge [sflag:s25], $0x200  }
0x115: {  	[sflag:s25] =	ssyncset.done $0x0  }
0x116: {  	[sflag:s25] =	ssyncadd.s32 $0xFFFFFE00  }
0x117: {  	_ =	swait.ge [sflag:s25], $0x200  }
0x118: {  	s2 =	sand.u32 $0x70, s0;
	s5 =	simm.s32 $0x0;
	[sflag:s25] =	ssyncset.done $0x0  }
0x119: {  	s28 =	sor.u32 s2, s5;
	[sflag:s25] =	ssyncadd.s32 $0xFFFFFE00  }
0x11a: {  	v1 =	vld [tilespmem:s28+$0x0]  }
0x11b: {  	s3 =	simm.s32 $0x0;
	v2 =	vld [tilespmem:s28+$0x80]  }
0x11c: {  	s1 =	sor.u32 $0x180, s3;
	v3 =	vld [tilespmem:s28+$0x100]  }
0x11d: {  	v4 =	vld [tilespmem:s1+$0x0]  }
0x11e: {  	v5 =	vld [tilespmem:s28+$0x200]  }
0x11f: {  	v6 =	vld [tilespmem:s28+$0x280]  }
0x120: {  	s29 =	sor.u32 $0x380, s3;
	v7 =	vld [tilespmem:s28+$0x300];
	v8 =	vmax.f32 v1, v2  }
0x121: {  	s4 =	sor.u32 $0x1000, s28;
	v9 =	vld [tilespmem:s29+$0x0];
	v8 =	vmax.f32 v8, v3  }
0x122: {  	s5 =	sor.u32 $0x1080, s28;
	v10 =	vld [tilespmem:s4+$0x0];
	v8 =	vmax.f32 v8, v4  }
0x123: {  	s6 =	sor.u32 $0x1100, s28;
	v11 =	vld [tilespmem:s5+$0x0];
	v8 =	vmax.f32 v8, v5  }
0x124: {  	s30 =	sor.u32 $0x1180, s3;
	v12 =	vld [tilespmem:s6+$0x0];
	v8 =	vmax.f32 v8, v6  }
0x125: {  	s7 =	sor.u32 $0x1200, s28;
	v13 =	vld [tilespmem:s30+$0x0];
	v8 =	vmax.f32 v8, v7  }
0x126: {  	s8 =	sor.u32 $0x1280, s28;
	v14 =	vld [tilespmem:s7+$0x0];
	v8 =	vmax.f32 v8, v9  }
0x127: {  	s9 =	sor.u32 $0x1300, s28;
	v15 =	vld [tilespmem:s8+$0x0];
	v8 =	vmax.f32 v8, v10  }
0x128: {  	s31 =	sor.u32 $0x1380, s3;
	v16 =	vld [tilespmem:s9+$0x0];
	v8 =	vmax.f32 v8, v11  }
0x129: {  	v17 =	vld [tilespmem:s31+$0x0];
	v8 =	vmax.f32 v8, v12  }
0x12a: {  	v8 =	vmax.f32 v8, v13  }
0x12b: {  	v8 =	vmax.f32 v8, v14  }
0x12c: {  	v8 =	vmax.f32 v8, v15  }
0x12d: {  	v8 =	vmax.f32 v8, v16  }
0x12e: {  	v8 =	vmax.f32 v8, v17  }
0x12f: {  	vm0 =	veq.f32 v17, v8  }
0x130: {  	vm1 =	veq.f32 v16, v8;
	v18 =	vsel vm0, $0xF, v0  }
0x131: {  	vm0 =	veq.f32 v15, v8;
	v18 =	vsel vm1, $0xE, v18  }
0x132: {  	vm1 =	veq.f32 v14, v8;
	v18 =	vsel vm0, $0xD, v18  }
0x133: {  	vm0 =	veq.f32 v13, v8;
	v18 =	vsel vm1, $0xC, v18  }
0x134: {  	vm1 =	veq.f32 v12, v8;
	v18 =	vsel vm0, $0xB, v18  }
0x135: {  	vm0 =	veq.f32 v11, v8;
	v18 =	vsel vm1, $0xA, v18  }
0x136: {  	vm1 =	veq.f32 v10, v8;
	v18 =	vsel vm0, $0x9, v18  }
0x137: {  	vm0 =	veq.f32 v9, v8;
	v18 =	vsel vm1, $0x8, v18  }
0x138: {  	vm1 =	veq.f32 v7, v8;
	v18 =	vsel vm0, $0x7, v18  }
0x139: {  	vm0 =	veq.f32 v6, v8;
	v18 =	vsel vm1, $0x6, v18  }
0x13a: {  	v20 =	vimm.s32 $0x0;
	vm1 =	veq.f32 v5, v8;
	v18 =	vsel vm0, $0x5, v18  }
0x13b: {  	v48 =	vimm.s32 $0x0;
	vm0 =	veq.f32 v4, v8;
	v18 =	vsel vm1, $0x4, v18  }
0x13c: {  	v49 =	vimm.s32 $0x0;
	vm1 =	veq.f32 v3, v8;
	v18 =	vsel vm0, $0x3, v18  }
0x13d: {  	v50 =	vimm.s32 $0x0;
	vm0 =	veq.f32 v2, v8;
	v18 =	vsel vm1, $0x2, v18  }
0x13e: {  	v51 =	vimm.s32 $0x0;
	vm1 =	veq.f32 v1, v8;
	v18 =	vsel vm0, $0x1, v18  }
0x13f: {  	v52 =	vimm.s32 $0x0;
	v53 =	vimm.s32 $0x0;
	v18 =	vsel vm1, $0x0, v18  }
0x140: {  	vm4 =	veq.s32 v18, $0x0;
	vm3 =	veq.s32 v18, $0x1;
	vm1 =	veq.s32 v18, $0x2  }
0x141: {  	vm0 =	veq.s32 v18, $0x3;
	vm2 =	veq.s32 v18, $0x4;
	vm6 =	veq.s32 v18, $0x5  }
0x142: {  	vm5 =	veq.s32 v18, $0x6;
	vm10 =	veq.s32 v18, $0x9;
	vm11 =	veq.s32 v18, $0xB  }
0x143: {  	v1 =	vsel vm4, $0xFF800000, v1;
	v2 =	vsel vm3, $0xFF800000, v2;
	v3 =	vsel vm1, $0xFF800000, v3  }
0x144: {  	v4 =	vsel vm0, $0xFF800000, v4;
	v20 =	vsel vm2, $0xFFFFFFFF, v20;
	v19 =	vmax.f32 v1, v2  }
0x145: {  	v5 =	vsel vm2, $0xFF800000, v5;
	v6 =	vsel vm6, $0xFF800000, v6;
	v19 =	vmax.f32 v19, v3  }
0x146: {  	vm2 =	veq.s32 v18, $0x7;
	v7 =	vsel vm5, $0xFF800000, v7;
	v19 =	vmax.f32 v19, v4  }
0x147: {  	v11 =	vsel vm10, $0xFF800000, v11;
	[tilespmem:$0x1FF70] =	vst v20;
	v20 =	vsel vm6, $0xFFFFFFFF, v48;
	v19 =	vmax.f32 v19, v5  }
0x148: {  	v9 =	vsel vm2, $0xFF800000, v9;
	[tilespmem:$0x1FF80] =	vst v20;
	v20 =	vsel vm5, $0xFFFFFFFF, v49;
	v19 =	vmax.f32 v19, v6  }
0x149: {  	[tilespmem:$0x1FF90] =	vst v20;
	v20 =	vsel vm2, $0xFFFFFFFF, v50;
	vm2 =	veq.s32 v18, $0x8;
	v19 =	vmax.f32 v19, v7  }
0x14a: {  	v13 =	vsel vm11, $0xFF800000, v13;
	v10 =	vsel vm2, $0xFF800000, v10;
	v19 =	vmax.f32 v19, v9  }
0x14b: {  	[tilespmem:$0x1FFA0] =	vst v20;
	v20 =	vsel vm2, $0xFFFFFFFF, v51;
	vm2 =	veq.s32 v18, $0xA;
	v19 =	vmax.f32 v19, v10  }
0x14c: {  	vm6 =	veq.s32 v18, $0xD;
	v12 =	vsel vm2, $0xFF800000, v12;
	v19 =	vmax.f32 v19, v11  }
0x14d: {  	vm5 =	veq.s32 v18, $0xC;
	v15 =	vsel vm6, $0xFF800000, v15;
	v19 =	vmax.f32 v19, v12  }
0x14e: {  	v14 =	vsel vm5, $0xFF800000, v14;
	[tilespmem:$0x1FFB0] =	vst v20;
	v20 =	vsel vm5, $0xFFFFFFFF, v52;
	v19 =	vmax.f32 v19, v13  }
0x14f: {  	vm5 =	veq.s32 v18, $0xE;
	[tilespmem:$0x1FFC0] =	vst v20;
	v20 =	vsel vm6, $0xFFFFFFFF, v53;
	v19 =	vmax.f32 v19, v14  }
0x150: {  	vm6 =	veq.s32 v18, $0xF;
	v16 =	vsel vm5, $0xFF800000, v16;
	v19 =	vmax.f32 v19, v15  }
0x151: {  	v17 =	vsel vm6, $0xFF800000, v17;
	v19 =	vmax.f32 v19, v16  }
0x152: {  	v19 =	vmax.f32 v19, v17  }
0x153: {  	v8 =	vsub.f32 v19, v8;
	_ =	sdelay $0x1  }
0x154: {  	v8 =	vmul.f32 $1.442695020e+00, v8;
	_ =	sdelay $0x1  }
0x155: {  	(erf) = vpow2.f32 v8;
	_ =	sdelay $0x2  }
0x156: {  	v54 =	vimm.s32 $0x0  }
0x157: {  	[tilespmem:$0x1FFD0] =	vst v20;
	v20 =	vsel vm5, $0xFFFFFFFF, v54;
	vm5 =	veq.f32 v17, v19  }
0x158: {  	v56 =	vsel vm5, $0xF, v0;
	vm5 =	veq.f32 v16, v19  }
0x159: {  	v8 =	vsel vm5, $0xE, v56;
	vm5 =	veq.f32 v15, v19  }
0x15a: {  	v8 =	vsel vm5, $0xD, v8;
	vm5 =	veq.f32 v14, v19  }
0x15b: {  	v8 =	vsel vm5, $0xC, v8;
	vm5 =	veq.f32 v13, v19  }
0x15c: {  	v8 =	vsel vm5, $0xB, v8;
	vm5 =	veq.f32 v12, v19;
	v57 =	vpop (erf)  }
0x15d: {  	v8 =	vsel vm5, $0xA, v8;
	vm5 =	veq.f32 v11, v19;
	v58 =	vadd.f32 $1.000000000e+00, v57  }
0x15e: {  	v8 =	vsel vm5, $0x9, v8;
	vm5 =	veq.f32 v10, v19  }
0x15f: {  	v8 =	vsel vm5, $0x8, v8;
	vm5 =	veq.f32 v9, v19;
	(erf) = vrcp.f32 v58  }
0x160: {  	v8 =	vsel vm5, $0x7, v8;
	vm5 =	veq.f32 v7, v19  }
0x161: {  	v7 =	vsel vm5, $0x6, v8;
	vm5 =	veq.f32 v6, v19  }
0x162: {  	v6 =	vsel vm5, $0x5, v7;
	vm5 =	veq.f32 v5, v19  }
0x163: {  	v5 =	vsel vm5, $0x4, v6;
	vm5 =	veq.f32 v4, v19  }
0x164: {  	s10 =	simm.s32 $0x0;
	v4 =	vsel vm5, $0x3, v5;
	vm5 =	veq.f32 v3, v19  }
0x165: {  	s2 =	sor.u32 s2, s10;
	v3 =	vsel vm5, $0x2, v4  }
0x166: {  	v55 =	vimm.s32 $0x0;
	[tilespmem:s2+$0x2400] =	vst v18;
	vm5 =	veq.f32 v2, v19  }
0x167: {  	[tilespmem:$0x1FFE0] =	vst v20;
	v20 =	vsel vm6, $0xFFFFFFFF, v55;
	v2 =	vsel vm5, $0x1, v3;
	vm5 =	veq.f32 v1, v19  }
0x168: {  	[tilespmem:$0x1FFF0] =	vst v20;
	v1 =	vsel vm5, $0x0, v2;
	v3 =	vpop (erf)  }
0x169: {  	[tilespmem:s2+$0x2480] =	vst v1;
	v59 =	vmul.f32 v3, v57  }
0x16a: {  	[tilespmem:s2+$0x2000] =	vst v3  }
0x16b: {  	v60 =	vsel vm4, $0x1, v0;
	v62 =	vsel vm1, $0x1, v0;
	v3 =	vsel vm3, $0x1, v0;
	[tilespmem:s2+$0x2080] =	vst v59  }
0x16c: {  	v63 =	vsel vm0, $0x1, v0;
	vm5 =	veq.s32 v1, $0x3;
	vm3 =	veq.s32 v1, $0x0;
	[tilespmem:s28+$0x2900] =	vst v3  }
0x16d: {  	vm4 =	veq.s32 v1, $0x1;
	vm9 =	veq.s32 v1, $0x4;
	v3 =	vsel vm3, $0x1, v0;
	[tilespmem:s28+$0x2800] =	vst v60  }
0x16e: {  	vm14 =	veq.s32 v1, $0x5;
	vm13 =	veq.s32 v1, $0x6;
	v61 =	vsel vm4, $0x1, v0;
	[tilespmem:s28+$0x2880] =	vst v3  }
0x16f: {  	vm8 =	veq.s32 v1, $0x7;
	vm6 =	veq.s32 v1, $0xE;
	vm3 =	veq.s32 v1, $0x2;
	[tilespmem:s1+$0x2800] =	vst v61  }
0x170: {  	vm7 =	veq.s32 v1, $0xF;
	vm1 =	veq.s32 v1, $0xA;
	v3 =	vsel vm3, $0x1, v0;
	[tilespmem:s28+$0x2A00] =	vst v62  }
0x171: {  	vm12 =	veq.s32 v1, $0x8;
	vm15 =	veq.s32 v1, $0x9;
	v2 =	vsel vm5, $0x1, v0;
	[tilespmem:s28+$0x2A80] =	vst v3  }
0x172: {  	vm4 =	veq.s32 v1, $0xD;
	vm5 =	veq.s32 v1, $0xC;
	s2 =	simm.s32 $0x0;
	vm3 =	veq.s32 v1, $0xB;
	s1 =	simm.s32 $0x1;
	[tilespmem:s28+$0x2B00] =	vst v63  }
.LBB2_2:
0x173: {  	v1 =	vld [tilespmem:$0x1FF80]  }
0x174: {  	[tilespmem:s29+$0x2800] =	vst v2;
	v2 =	vld [tilespmem:$0x1FF70];
	_ =	sdelay $0x3  }
0x175: {  	vm0 =	vnez.u8 v1  }
0x176: {  	v1 =	vsel vm0, $0x1, v0;
	vm0 =	vnez.u8 v2  }
0x177: {  	v2 =	vsel vm0, $0x1, v0;
	[tilespmem:s28+$0x3900] =	vst v1  }
0x178: {  	v1 =	vsel vm9, $0x1, v0;
	[tilespmem:s28+$0x3800] =	vst v2  }
0x179: {  	[tilespmem:s28+$0x3880] =	vst v1;
	v1 =	vsel vm14, $0x1, v0  }
0x17a: {  	[tilespmem:s30+$0x2800] =	vst v1;
	v1 =	vld [tilespmem:$0x1FF90];
	_ =	sdelay $0x4  }
0x17b: {  	vm0 =	vnez.u8 v1  }
0x17c: {  	v1 =	vsel vm0, $0x1, v0  }
0x17d: {  	[tilespmem:s28+$0x3A00] =	vst v1;
	v1 =	vsel vm13, $0x1, v0  }
0x17e: {  	[tilespmem:s28+$0x3A80] =	vst v1;
	v1 =	vld [tilespmem:$0x1FFA0];
	_ =	sdelay $0x4  }
0x17f: {  	vm0 =	vnez.u8 v1  }
0x180: {  	v1 =	vsel vm0, $0x1, v0  }
0x181: {  	[tilespmem:s28+$0x3B00] =	vst v1;
	v1 =	vsel vm8, $0x1, v0  }
0x182: {  	[tilespmem:s31+$0x2800] =	vst v1;
	v1 =	vld [tilespmem:$0x1FFB0]  }
0x183: {  	v2 =	vld [tilespmem:$0x1FFF0];
	_ =	sdelay $0x3  }
0x184: {  	vm0 =	vnez.u8 v1  }
0x185: {  	v1 =	vsel vm0, $0x1, v0;
	vm0 =	vnez.u8 v2  }
0x186: {  	v2 =	vsel vm0, $0x1, v0  }
0x187: {  	[tilespmem:s28+$0x5B00] =	vst v2;
	v2 =	vld [tilespmem:$0x1FFE0];
	_ =	sdelay $0x4  }
0x188: {  	vm0 =	vnez.u8 v2  }
0x189: {  	v2 =	vsel vm0, $0x1, v0  }
0x18a: {  	[tilespmem:s28+$0x5A00] =	vst v2;
	v2 =	vld [tilespmem:$0x1FFD0];
	_ =	sdelay $0x4  }
0x18b: {  	vm0 =	vnez.u8 v2  }
0x18c: {  	[tilespmem:s28+$0x4800] =	vst v1;
	v2 =	vsel vm0, $0x1, v0  }
0x18d: {  	v1 =	vsel vm7, $0x1, v0;
	[tilespmem:s28+$0x5900] =	vst v2;
	v2 =	vld [tilespmem:$0x1FFC0]  }
0x18e: {  	[tilespmem:s28+$0x5B80] =	vst v1;
	v1 =	vsel vm6, $0x1, v0  }
0x18f: {  	[tilespmem:s28+$0x5A80] =	vst v1;
	v1 =	vsel vm4, $0x1, v0  }
0x190: {  	[tilespmem:s28+$0x5980] =	vst v1;
	v1 =	vsel vm5, $0x1, v0  }
0x191: {  	[tilespmem:s28+$0x5880] =	vst v1;
	v1 =	vsel vm3, $0x1, v0  }
0x192: {  	[tilespmem:s28+$0x4B80] =	vst v1;
	v1 =	vsel vm1, $0x1, v0;
	vm0 =	vnez.u8 v2  }
0x193: {  	s3 =	smov.u32 s1;
	[tilespmem:s28+$0x4A80] =	vst v1;
	v2 =	vsel vm0, $0x1, v0  }
0x194: {  	s2 =	sadd.s32 $0x10, s2;
	s3 =	sshrl.u32 s3, $0x3;
	[tilespmem:s28+$0x5800] =	vst v2;
	v2 =	vsel vm11, $0x1, v0  }
0x195: {  	s4 =	sand.u32 $0x70, s2;
	s29 =	sshll.u32 s3, $0xA;
	[tilespmem:s28+$0x4B00] =	vst v2;
	v2 =	vsel vm2, $0x1, v0  }
0x196: {  	s31 =	sadd.s32 s29, s2;
	s29 =	sor.u32 s4, s29;
	v1 =	vsel vm15, $0x1, v0;
	[tilespmem:s28+$0x4A00] =	vst v2  }
0x197: {  	v4 =	vsel vm10, $0x1, v0;
	v2 =	vld [tilespmem:s29+$0x0];
	[tilespmem:s28+$0x4980] =	vst v1  }
0x198: {  	v3 =	vsel vm12, $0x1, v0;
	v5 =	vld [tilespmem:s29+$0x80];
	[tilespmem:s28+$0x4900] =	vst v4  }
0x199: {  	s5 =	sshll.u32 s3, $0x8;
	s3 =	sor.u32 $0x180, s31;
	v4 =	vld [tilespmem:s29+$0x100];
	[tilespmem:s28+$0x4880] =	vst v3  }
0x19a: {  	s28 =	smov.u32 s29;
	v3 =	vld [tilespmem:s3+$0x0]  }
0x19b: {  	s30 =	sor.u32 $0x1000, s29;
	v6 =	vld [tilespmem:s28+$0x200]  }
0x19c: {  	s6 =	sor.u32 $0x1080, s29;
	s7 =	sor.u32 $0x1100, s29;
	s8 =	sor.u32 $0x1200, s29;
	v7 =	vld [tilespmem:s28+$0x280]  }
0x19d: {  	s9 =	sor.u32 $0x1280, s29;
	s10 =	sor.u32 $0x1300, s29;
	s29 =	sor.u32 $0x380, s31;
	v8 =	vld [tilespmem:s28+$0x300];
	v1 =	vmax.f32 v2, v5  }
0x19e: {  	v9 =	vld [tilespmem:s29+$0x0];
	v1 =	vmax.f32 v1, v4  }
0x19f: {  	v10 =	vld [tilespmem:s30+$0x0];
	v1 =	vmax.f32 v1, v3  }
0x1a0: {  	v11 =	vld [tilespmem:s6+$0x0];
	v1 =	vmax.f32 v1, v6  }
0x1a1: {  	v12 =	vld [tilespmem:s7+$0x0];
	s30 =	sor.u32 $0x1180, s31;
	v1 =	vmax.f32 v1, v7  }
0x1a2: {  	v13 =	vld [tilespmem:s30+$0x0];
	v1 =	vmax.f32 v1, v8  }
0x1a3: {  	v14 =	vld [tilespmem:s8+$0x0];
	v1 =	vmax.f32 v1, v9  }
0x1a4: {  	v15 =	vld [tilespmem:s9+$0x0];
	v1 =	vmax.f32 v1, v10  }
0x1a5: {  	v16 =	vld [tilespmem:s10+$0x0];
	s31 =	sor.u32 $0x1380, s31;
	v1 =	vmax.f32 v1, v11  }
0x1a6: {  	v17 =	vld [tilespmem:s31+$0x0];
	v1 =	vmax.f32 v1, v12  }
0x1a7: {  	v1 =	vmax.f32 v1, v13  }
0x1a8: {  	v1 =	vmax.f32 v1, v14  }
0x1a9: {  	v1 =	vmax.f32 v1, v15  }
0x1aa: {  	v1 =	vmax.f32 v1, v16  }
0x1ab: {  	v18 =	vmax.f32 v1, v17  }
0x1ac: {  	vm0 =	veq.f32 v17, v18  }
0x1ad: {  	vm1 =	veq.f32 v16, v18;
	v1 =	vsel vm0, $0xF, v0  }
0x1ae: {  	vm0 =	veq.f32 v15, v18;
	v1 =	vsel vm1, $0xE, v1  }
0x1af: {  	vm1 =	veq.f32 v14, v18;
	v1 =	vsel vm0, $0xD, v1  }
0x1b0: {  	vm0 =	veq.f32 v13, v18;
	v1 =	vsel vm1, $0xC, v1  }
0x1b1: {  	vm1 =	veq.f32 v12, v18;
	v1 =	vsel vm0, $0xB, v1  }
0x1b2: {  	v19 =	vimm.s32 $0x0;
	vm0 =	veq.f32 v11, v18;
	v1 =	vsel vm1, $0xA, v1  }
0x1b3: {  	v41 =	vimm.s32 $0x0;
	vm1 =	veq.f32 v10, v18;
	v1 =	vsel vm0, $0x9, v1  }
0x1b4: {  	v42 =	vimm.s32 $0x0;
	vm2 =	veq.f32 v9, v18;
	v1 =	vsel vm1, $0x8, v1  }
0x1b5: {  	v43 =	vimm.s32 $0x0;
	vm3 =	veq.f32 v8, v18;
	v1 =	vsel vm2, $0x7, v1  }
0x1b6: {  	v20 =	vimm.s32 $0x0;
	vm4 =	veq.f32 v7, v18;
	v1 =	vsel vm3, $0x6, v1  }
0x1b7: {  	v45 =	vimm.s32 $0x0;
	vm5 =	veq.f32 v6, v18;
	v1 =	vsel vm4, $0x5, v1  }
0x1b8: {  	v46 =	vimm.s32 $0x0;
	vm6 =	veq.f32 v3, v18;
	v1 =	vsel vm5, $0x4, v1  }
0x1b9: {  	v47 =	vimm.s32 $0x0;
	vm7 =	veq.f32 v4, v18;
	v1 =	vsel vm6, $0x3, v1  }
0x1ba: {  	v48 =	vimm.s32 $0x0;
	vm8 =	veq.f32 v5, v18;
	v1 =	vsel vm7, $0x2, v1  }
0x1bb: {  	v49 =	vimm.s32 $0x0;
	vm0 =	veq.f32 v2, v18;
	v1 =	vsel vm8, $0x1, v1  }
0x1bc: {  	v50 =	vimm.s32 $0x0;
	v51 =	vimm.s32 $0x0;
	v1 =	vsel vm0, $0x0, v1  }
0x1bd: {  	v52 =	vimm.s32 $0x0;
	v53 =	vimm.s32 $0x0;
	vm1 =	veq.s32 v1, $0x0  }
0x1be: {  	vm2 =	veq.s32 v1, $0x1;
	vm0 =	veq.s32 v1, $0x2;
	v19 =	vsel vm1, $0xFFFFFFFF, v19  }
0x1bf: {  	v2 =	vsel vm1, $0xFF800000, v2;
	v5 =	vsel vm2, $0xFF800000, v5;
	v4 =	vsel vm0, $0xFF800000, v4  }
0x1c0: {  	vm1 =	veq.s32 v1, $0x3;
	[tilespmem:$0x1FF10] =	vst v19;
	v19 =	vsel vm2, $0xFFFFFFFF, v41;
	v44 =	vmax.f32 v2, v5  }
0x1c1: {  	v3 =	vsel vm1, $0xFF800000, v3;
	vm2 =	veq.s32 v1, $0x5;
	[tilespmem:$0x1FF00] =	vst v19;
	v19 =	vsel vm0, $0xFFFFFFFF, v42  }
0x1c2: {  	vm0 =	veq.s32 v1, $0x4;
	v7 =	vsel vm2, $0xFF800000, v7;
	[tilespmem:$0x1FF30] =	vst v19;
	v19 =	vsel vm1, $0xFFFFFFFF, v43  }
0x1c3: {  	v20 =	vsel vm0, $0xFFFFFFFF, v20;
	v6 =	vsel vm0, $0xFF800000, v6;
	vm1 =	veq.s32 v1, $0x6;
	[tilespmem:$0x1FF60] =	vst v19  }
0x1c4: {  	vm0 =	veq.s32 v1, $0x7;
	v19 =	vmax.f32 v44, v4;
	[tilespmem:$0x1FF70] =	vst v20;
	v20 =	vsel vm2, $0xFFFFFFFF, v45  }
0x1c5: {  	v8 =	vsel vm1, $0xFF800000, v8;
	v9 =	vsel vm0, $0xFF800000, v9;
	v19 =	vmax.f32 v19, v3  }
0x1c6: {  	[tilespmem:$0x1FF80] =	vst v20;
	v20 =	vsel vm1, $0xFFFFFFFF, v46;
	vm1 =	veq.s32 v1, $0x9;
	v19 =	vmax.f32 v19, v6  }
0x1c7: {  	[tilespmem:$0x1FF90] =	vst v20;
	v20 =	vsel vm0, $0xFFFFFFFF, v47;
	vm0 =	veq.s32 v1, $0x8;
	v11 =	vsel vm1, $0xFF800000, v11  }
0x1c8: {  	[tilespmem:$0x1FFA0] =	vst v20;
	v19 =	vmax.f32 v19, v7;
	v20 =	vsel vm1, $0xFFFFFFFF, v48;
	v10 =	vsel vm0, $0xFF800000, v10  }
0x1c9: {  	vm1 =	veq.s32 v1, $0xB;
	[tilespmem:$0x1FF40] =	vst v20;
	v19 =	vmax.f32 v19, v8;
	v20 =	vsel vm0, $0xFFFFFFFF, v49  }
0x1ca: {  	vm0 =	veq.s32 v1, $0xA;
	v13 =	vsel vm1, $0xFF800000, v13;
	v19 =	vmax.f32 v19, v9  }
0x1cb: {  	[tilespmem:$0x1FFB0] =	vst v20;
	v20 =	vsel vm0, $0xFFFFFFFF, v50;
	v12 =	vsel vm0, $0xFF800000, v12;
	v19 =	vmax.f32 v19, v10  }
0x1cc: {  	vm0 =	veq.s32 v1, $0xC;
	[tilespmem:$0x1FF50] =	vst v20;
	v20 =	vsel vm1, $0xFFFFFFFF, v51;
	v19 =	vmax.f32 v19, v11  }
0x1cd: {  	vm1 =	veq.s32 v1, $0xD;
	v14 =	vsel vm0, $0xFF800000, v14;
	v19 =	vmax.f32 v19, v12  }
0x1ce: {  	[tilespmem:$0x1FF20] =	vst v20;
	v20 =	vsel vm0, $0xFFFFFFFF, v52;
	vm0 =	veq.s32 v1, $0xE;
	v19 =	vmax.f32 v19, v13  }
0x1cf: {  	v15 =	vsel vm1, $0xFF800000, v15;
	[tilespmem:$0x1FFC0] =	vst v20;
	v20 =	vsel vm1, $0xFFFFFFFF, v53;
	v19 =	vmax.f32 v19, v14  }
0x1d0: {  	vm1 =	veq.s32 v1, $0xF;
	v16 =	vsel vm0, $0xFF800000, v16;
	v19 =	vmax.f32 v19, v15  }
0x1d1: {  	v17 =	vsel vm1, $0xFF800000, v17;
	v19 =	vmax.f32 v19, v16  }
0x1d2: {  	v54 =	vimm.s32 $0x0;
	v19 =	vmax.f32 v19, v17  }
0x1d3: {  	v55 =	vimm.s32 $0x0;
	[tilespmem:$0x1FFD0] =	vst v20;
	v20 =	vsel vm0, $0xFFFFFFFF, v54;
	v56 =	vsub.f32 v19, v18  }
0x1d4: {  	[tilespmem:$0x1FFE0] =	vst v20;
	v20 =	vsel vm1, $0xFFFFFFFF, v55  }
0x1d5: {  	vm0 =	veq.f32 v17, v19;
	vm1 =	veq.f32 v14, v19;
	v14 =	vmul.f32 $1.442695020e+00, v56  }
0x1d6: {  	v17 =	vsel vm0, $0xF, v0;
	vm0 =	veq.f32 v16, v19  }
0x1d7: {  	v57 =	vsel vm0, $0xE, v17;
	vm0 =	veq.f32 v15, v19;
	(erf) = vpow2.f32 v14  }
0x1d8: {  	vm3 =	veq.f32 v13, v19;
	v13 =	vsel vm0, $0xD, v57  }
0x1d9: {  	v58 =	vsel vm1, $0xC, v13  }
0x1da: {  	vm0 =	veq.f32 v12, v19;
	v59 =	vsel vm3, $0xB, v58  }
0x1db: {  	vm4 =	veq.f32 v11, v19;
	v60 =	vsel vm0, $0xA, v59  }
0x1dc: {  	vm1 =	veq.f32 v10, v19;
	v61 =	vsel vm4, $0x9, v60  }
0x1dd: {  	vm4 =	veq.f32 v3, v19;
	v3 =	vsel vm1, $0x8, v61;
	_ =	sdelay $0x1  }
0x1de: {  	vm3 =	veq.f32 v9, v19  }
0x1df: {  	vm8 =	veq.f32 v2, v19;
	v2 =	vsel vm3, $0x7, v3;
	v3 =	vpop (erf)  }
0x1e0: {  	v62 =	vadd.f32 $1.000000000e+00, v3;
	_ =	sdelay $0x1  }
0x1e1: {  	(erf) = vrcp.f32 v62;
	_ =	sdelay $0x7  }
0x1e2: {  	s4 =	sor.u32 s4, s5;
	vm5 =	veq.f32 v8, v19  }
0x1e3: {  	[tilespmem:s4+$0x2400] =	vst v1;
	vm0 =	veq.f32 v7, v19;
	v2 =	vsel vm5, $0x6, v2;
	v1 =	vpop (erf)  }
0x1e4: {  	vm6 =	veq.f32 v6, v19;
	v2 =	vsel vm0, $0x5, v2;
	v3 =	vmul.f32 v1, v3;
	[tilespmem:s4+$0x2000] =	vst v1;
	v1 =	vld [tilespmem:$0x1FF00]  }
0x1e5: {  	v2 =	vsel vm6, $0x4, v2  }
0x1e6: {  	vm7 =	veq.f32 v4, v19;
	v2 =	vsel vm4, $0x3, v2;
	[tilespmem:s4+$0x2080] =	vst v3;
	v3 =	vld [tilespmem:$0x1FF10]  }
0x1e7: {  	vm1 =	veq.f32 v5, v19;
	v2 =	vsel vm7, $0x2, v2  }
0x1e8: {  	v2 =	vsel vm1, $0x1, v2  }
0x1e9: {  	v63 =	vsel vm8, $0x0, v2;
	vm2 =	vnez.u8 v1  }
0x1ea: {  	vm11 =	veq.s32 v63, $0x0;
	[tilespmem:s4+$0x2480] =	vst v63;
	v1 =	vsel vm2, $0x1, v0  }
0x1eb: {  	vm2 =	vnez.u8 v3;
	[tilespmem:s28+$0x2900] =	vst v1;
	v1 =	vsel vm11, $0x1, v0  }
0x1ec: {  	vm0 =	veq.s32 v63, $0x1;
	v3 =	vsel vm2, $0x1, v0;
	[tilespmem:s28+$0x2880] =	vst v1  }
0x1ed: {  	v1 =	vsel vm0, $0x1, v0;
	[tilespmem:s28+$0x2800] =	vst v3;
	v3 =	vld [tilespmem:$0x1FF20]  }
0x1ee: {  	[tilespmem:s3+$0x2800] =	vst v1;
	v1 =	vld [tilespmem:$0x1FF30];
	_ =	sdelay $0x4  }
0x1ef: {  	vm11 =	vnez.u8 v3;
	v3 =	vld [tilespmem:$0x1FF40];
	vm0 =	vnez.u8 v1  }
0x1f0: {  	vm10 =	veq.s32 v63, $0x2;
	v1 =	vsel vm0, $0x1, v0  }
0x1f1: {  	[tilespmem:s28+$0x2A00] =	vst v1;
	v1 =	vsel vm10, $0x1, v0  }
0x1f2: {  	[tilespmem:s28+$0x2A80] =	vst v1;
	v1 =	vld [tilespmem:$0x1FF60];
	_ =	sdelay $0x1  }
0x1f3: {  	p0 =	sne.s32 s1, $0x1F;
	vm1 =	veq.s32 v63, $0x3;
	vm9 =	veq.s32 v63, $0x4;
	vm10 =	vnez.u8 v3;
	v3 =	vld [tilespmem:$0x1FF50]  }
.Ltmp0:
0x1f4: {  	vm14 =	veq.s32 v63, $0x5;
	vm13 =	veq.s32 v63, $0x6;
	vm8 =	veq.s32 v63, $0x7;
	(pc) =	sbr.rel @p0 .LBB2_2-.Ltmp0, $4  }
0x1f5: {  	vm4 =	veq.s32 v63, $0xD;
	vm6 =	veq.s32 v63, $0xE;
	vm7 =	veq.s32 v63, $0xF  }
0x1f6: {  	vm3 =	veq.s32 v63, $0xB;
	vm5 =	veq.s32 v63, $0xC;
	vm0 =	vnez.u8 v1  }
0x1f7: {  	[tilespmem:$0x1FFF0] =	vst v20;
	vm12 =	veq.s32 v63, $0x8;
	vm15 =	veq.s32 v63, $0x9;
	v1 =	vsel vm0, $0x1, v0  }
0x1f8: {  	s1 =	sadd.s32 $0x1, s1;
	v2 =	vsel vm1, $0x1, v0;
	vm1 =	veq.s32 v63, $0xA;
	vm2 =	vnez.u8 v3;
	[tilespmem:s28+$0x2B00] =	vst v1  }
0x1f9: {  	v1 =	vld [tilespmem:$0x1FF80];
	_ =	sdelay $0x4  }
0x1fa: {  	vm0 =	vnez.u8 v1  }
0x1fb: {  	[tilespmem:s29+$0x2800] =	vst v2;
	v2 =	vld [tilespmem:$0x1FF70];
	v1 =	vsel vm0, $0x1, v0  }
0x1fc: {  	[tilespmem:s28+$0x3900] =	vst v1;
	v1 =	vsel vm9, $0x1, v0  }
0x1fd: {  	[tilespmem:s28+$0x3880] =	vst v1;
	v1 =	vld [tilespmem:$0x1FF90];
	_ =	sdelay $0x2  }
0x1fe: {  	vm0 =	vnez.u8 v2  }
0x1ff: {  	v2 =	vsel vm0, $0x1, v0  }
0x200: {  	[tilespmem:s28+$0x3800] =	vst v2;
	v2 =	vsel vm14, $0x1, v0;
	vm9 =	vnez.u8 v1  }
0x201: {  	[tilespmem:s30+$0x2800] =	vst v2;
	v1 =	vsel vm9, $0x1, v0  }
0x202: {  	[tilespmem:s28+$0x3A00] =	vst v1;
	v1 =	vld [tilespmem:$0x1FFA0];
	_ =	sdelay $0x4  }
0x203: {  	v2 =	vsel vm13, $0x1, v0;
	vm13 =	vnez.u8 v1  }
0x204: {  	v1 =	vsel vm13, $0x1, v0  }
0x205: {  	[tilespmem:s28+$0x3B00] =	vst v1;
	v1 =	vld [tilespmem:$0x1FFB0];
	_ =	sdelay $0x4  }
0x206: {  	[tilespmem:s28+$0x3A80] =	vst v2;
	v2 =	vsel vm8, $0x1, v0;
	vm14 =	vnez.u8 v1  }
0x207: {  	[tilespmem:s31+$0x2800] =	vst v2;
	v1 =	vsel vm14, $0x1, v0  }
0x208: {  	[tilespmem:s28+$0x4800] =	vst v1;
	v1 =	vld [tilespmem:$0x1FFF0];
	_ =	sdelay $0x4  }
0x209: {  	vm8 =	vnez.u8 v1  }
0x20a: {  	v1 =	vsel vm8, $0x1, v0  }
0x20b: {  	[tilespmem:s28+$0x5B00] =	vst v1;
	v1 =	vld [tilespmem:$0x1FFE0];
	_ =	sdelay $0x4  }
0x20c: {  	vm9 =	vnez.u8 v1  }
0x20d: {  	v1 =	vsel vm9, $0x1, v0  }
0x20e: {  	[tilespmem:s28+$0x5A00] =	vst v1;
	v1 =	vld [tilespmem:$0x1FFD0];
	_ =	sdelay $0x3  }
0x20f: {  	v2 =	vsel vm7, $0x1, v0  }
0x210: {  	[tilespmem:s28+$0x5B80] =	vst v2;
	v2 =	vsel vm6, $0x1, v0;
	vm13 =	vnez.u8 v1  }
0x211: {  	[tilespmem:s28+$0x5A80] =	vst v2;
	v1 =	vsel vm13, $0x1, v0  }
0x212: {  	v2 =	vsel vm4, $0x1, v0;
	[tilespmem:s28+$0x5900] =	vst v1;
	v1 =	vld [tilespmem:$0x1FFC0]  }
0x213: {  	[tilespmem:s28+$0x5980] =	vst v2;
	v2 =	vsel vm5, $0x1, v0  }
0x214: {  	[tilespmem:s28+$0x5880] =	vst v2;
	v2 =	vsel vm3, $0x1, v0  }
0x215: {  	[tilespmem:s28+$0x4B80] =	vst v2;
	v2 =	vsel vm1, $0x1, v0  }
0x216: {  	[tilespmem:s28+$0x4A80] =	vst v2;
	v2 =	vsel vm15, $0x1, v0  }
0x217: {  	[tilespmem:s28+$0x4980] =	vst v2;
	v2 =	vsel vm12, $0x1, v0;
	vm14 =	vnez.u8 v1  }
0x218: {  	[tilespmem:s28+$0x4880] =	vst v2;
	v1 =	vsel vm14, $0x1, v0  }
0x219: {  	[tilespmem:s28+$0x5800] =	vst v1;
	v1 =	vsel vm11, $0x1, v0  }
0x21a: {  	[tilespmem:s28+$0x4B00] =	vst v1;
	v1 =	vsel vm2, $0x1, v0  }
0x21b: {  	[tilespmem:s28+$0x4A00] =	vst v1;
	v1 =	vsel vm10, $0x1, v0  }
0x21c: {  	s2 =	rddreg [dreg:$0x14];
	s1 =	simm.s32 $0x2000;
	[tilespmem:s28+$0x4900] =	vst v1  }
0x21d: {  	[hbm4b:s2+s0] =	stream.linear.scatter [tilespmem:s1], [sflag:$0x1], $0x80, $0x38;
	[tilespmem:$0x6800] =	vst v63  }
0x21e: {  	s3 =	simm.s32 $0x2100;
	s4 =	sadd.s32 $0x10, s2  }
0x21f: {  	[hbm4b:s4+s0] =	stream.linear.scatter [tilespmem:s3], [sflag:$0x1], $0x80, $0x38;
	[tilespmem:$0x6800] =	vst v63  }
0x220: {  	s6 =	simm.s32 $0x2200;
	s5 =	sadd.s32 $0x20, s2  }
0x221: {  	[hbm4b:s5+s0] =	stream.linear.scatter [tilespmem:s6], [sflag:$0x1], $0x80, $0x38;
	[tilespmem:$0x6800] =	vst v63  }
0x222: {  	s8 =	simm.s32 $0x2300;
	s7 =	sadd.s32 $0x30, s2  }
0x223: {  	[hbm4b:s7+s0] =	stream.linear.scatter [tilespmem:s8], [sflag:$0x1], $0x80, $0x38;
	[tilespmem:$0x6800] =	vst v63  }
0x224: {  	s9 =	rddreg [dreg:$0x16];
	s10 =	simm.s32 $0x2400  }
0x225: {  	[hbm4b:s9+s0] =	stream.linear.scatter [tilespmem:s10], [sflag:$0x1], $0x80, $0x38;
	[tilespmem:$0x6800] =	vst v63  }
0x226: {  	s29 =	simm.s32 $0x2500;
	s28 =	sadd.s32 $0x10, s9  }
0x227: {  	[hbm4b:s28+s0] =	stream.linear.scatter [tilespmem:s29], [sflag:$0x1], $0x80, $0x38;
	[tilespmem:$0x6800] =	vst v63  }
0x228: {  	s30 =	sadd.s32 $0x20, s9;
	s31 =	simm.s32 $0x2600  }
0x229: {  	[hbm4b:s30+s0] =	stream.linear.scatter [tilespmem:s31], [sflag:$0x1], $0x80, $0x38;
	[tilespmem:$0x6800] =	vst v63  }
0x22a: {  	s4 =	sadd.s32 $0x30, s9;
	s5 =	simm.s32 $0x2700  }
0x22b: {  	[hbm4b:s4+s0] =	stream.linear.scatter [tilespmem:s5], [sflag:$0x1], $0x80, $0x38;
	[tilespmem:$0x6800] =	vst v63  }
0x22c: {  	s6 =	rddreg [dreg:$0x15];
	s7 =	simm.s32 $0x2080  }
0x22d: {  	[hbm4b:s6+s0] =	stream.linear.scatter [tilespmem:s7], [sflag:$0x1], $0x80, $0x38;
	[tilespmem:$0x6800] =	vst v63  }
0x22e: {  	s8 =	sadd.s32 $0x10, s6;
	s9 =	simm.s32 $0x2180  }
0x22f: {  	[hbm4b:s8+s0] =	stream.linear.scatter [tilespmem:s9], [sflag:$0x1], $0x80, $0x38;
	[tilespmem:$0x6800] =	vst v63  }
0x230: {  	s10 =	sadd.s32 $0x20, s6;
	s28 =	simm.s32 $0x2280  }
0x231: {  	[hbm4b:s10+s0] =	stream.linear.scatter [tilespmem:s28], [sflag:$0x1], $0x80, $0x38;
	[tilespmem:$0x6800] =	vst v63  }
0x232: {  	s29 =	sadd.s32 $0x30, s6;
	s30 =	simm.s32 $0x2380  }
0x233: {  	[hbm4b:s29+s0] =	stream.linear.scatter [tilespmem:s30], [sflag:$0x1], $0x80, $0x38;
	[tilespmem:$0x6800] =	vst v63  }
0x234: {  	s3 =	simm.s32 $0x2480;
	s31 =	rddreg [dreg:$0x17]  }
0x235: {  	[hbm4b:s31+s0] =	stream.linear.scatter [tilespmem:s3], [sflag:$0x1], $0x80, $0x38;
	[tilespmem:$0x6800] =	vst v63  }
0x236: {  	s4 =	sadd.s32 $0x10, s31;
	s5 =	simm.s32 $0x2580  }
0x237: {  	[hbm4b:s4+s0] =	stream.linear.scatter [tilespmem:s5], [sflag:$0x1], $0x80, $0x38;
	[tilespmem:$0x6800] =	vst v63  }
0x238: {  	s6 =	sadd.s32 $0x20, s31;
	s7 =	simm.s32 $0x2680  }
0x239: {  	[hbm4b:s6+s0] =	stream.linear.scatter [tilespmem:s7], [sflag:$0x1], $0x80, $0x38;
	[tilespmem:$0x6800] =	vst v63  }
0x23a: {  	s8 =	sadd.s32 $0x30, s31;
	s9 =	simm.s32 $0x2780  }
0x23b: {  	[hbm4b:s8+s0] =	stream.linear.scatter [tilespmem:s9], [sflag:$0x1], $0x80, $0x38;
	[tilespmem:$0x6800] =	vst v63  }
0x23c: {  	s10 =	simm.s32 $0x2800  }
0x23d: {  	[hbm4b:s22+s0] =	stream.linear.scatter [tilespmem:s10], [sflag:$0x1], $0x80, $0x38;
	[tilespmem:$0x6800] =	vst v63  }
0x23e: {  	s28 =	sadd.s32 $0x10, s22;
	s29 =	simm.s32 $0x2C00  }
0x23f: {  	[hbm4b:s28+s0] =	stream.linear.scatter [tilespmem:s29], [sflag:$0x1], $0x80, $0x38;
	[tilespmem:$0x6800] =	vst v63  }
0x240: {  	s30 =	sadd.s32 $0x20, s22;
	s31 =	simm.s32 $0x3000  }
0x241: {  	[hbm4b:s30+s0] =	stream.linear.scatter [tilespmem:s31], [sflag:$0x1], $0x80, $0x38;
	[tilespmem:$0x6800] =	vst v63  }
0x242: {  	s3 =	sadd.s32 $0x30, s22;
	s4 =	simm.s32 $0x3400  }
0x243: {  	[hbm4b:s3+s0] =	stream.linear.scatter [tilespmem:s4], [sflag:$0x1], $0x80, $0x38;
	[tilespmem:$0x6800] =	vst v63  }
0x244: {  	s5 =	rddreg [dreg:$0x18];
	s6 =	simm.s32 $0x2880  }
0x245: {  	[hbm4b:s5+s0] =	stream.linear.scatter [tilespmem:s6], [sflag:$0x1], $0x80, $0x38;
	[tilespmem:$0x6800] =	vst v63  }
0x246: {  	s7 =	sadd.s32 $0x10, s5;
	s8 =	simm.s32 $0x2C80  }
0x247: {  	[hbm4b:s7+s0] =	stream.linear.scatter [tilespmem:s8], [sflag:$0x1], $0x80, $0x38;
	[tilespmem:$0x6800] =	vst v63  }
0x248: {  	s9 =	sadd.s32 $0x20, s5;
	s10 =	simm.s32 $0x3080  }
0x249: {  	[hbm4b:s9+s0] =	stream.linear.scatter [tilespmem:s10], [sflag:$0x1], $0x80, $0x38;
	[tilespmem:$0x6800] =	vst v63  }
0x24a: {  	s28 =	sadd.s32 $0x30, s5;
	s29 =	simm.s32 $0x3480  }
0x24b: {  	[hbm4b:s28+s0] =	stream.linear.scatter [tilespmem:s29], [sflag:$0x1], $0x80, $0x38;
	[tilespmem:$0x6800] =	vst v63  }
0x24c: {  	s30 =	rddreg [dreg:$0x19];
	s31 =	simm.s32 $0x2900  }
0x24d: {  	[hbm4b:s30+s0] =	stream.linear.scatter [tilespmem:s31], [sflag:$0x1], $0x80, $0x38;
	[tilespmem:$0x6800] =	vst v63  }
0x24e: {  	s3 =	sadd.s32 $0x10, s30;
	s4 =	simm.s32 $0x2D00  }
0x24f: {  	[hbm4b:s3+s0] =	stream.linear.scatter [tilespmem:s4], [sflag:$0x1], $0x80, $0x38;
	[tilespmem:$0x6800] =	vst v63  }
0x250: {  	s5 =	sadd.s32 $0x20, s30;
	s6 =	simm.s32 $0x3100  }
0x251: {  	[hbm4b:s5+s0] =	stream.linear.scatter [tilespmem:s6], [sflag:$0x1], $0x80, $0x38;
	[tilespmem:$0x6800] =	vst v63  }
0x252: {  	s7 =	sadd.s32 $0x30, s30;
	s8 =	simm.s32 $0x3500  }
0x253: {  	[hbm4b:s7+s0] =	stream.linear.scatter [tilespmem:s8], [sflag:$0x1], $0x80, $0x38;
	[tilespmem:$0x6800] =	vst v63  }
0x254: {  	s9 =	rddreg [dreg:$0x1a];
	s10 =	simm.s32 $0x2980  }
0x255: {  	[hbm4b:s9+s0] =	stream.linear.scatter [tilespmem:s10], [sflag:$0x1], $0x80, $0x38;
	[tilespmem:$0x6800] =	vst v63  }
0x256: {  	s28 =	sadd.s32 $0x10, s9;
	s29 =	simm.s32 $0x2D80  }
0x257: {  	[hbm4b:s28+s0] =	stream.linear.scatter [tilespmem:s29], [sflag:$0x1], $0x80, $0x38;
	[tilespmem:$0x6800] =	vst v63  }
0x258: {  	s30 =	sadd.s32 $0x20, s9;
	s31 =	simm.s32 $0x3180  }
0x259: {  	[hbm4b:s30+s0] =	stream.linear.scatter [tilespmem:s31], [sflag:$0x1], $0x80, $0x38;
	[tilespmem:$0x6800] =	vst v63  }
0x25a: {  	s3 =	sadd.s32 $0x30, s9;
	s4 =	simm.s32 $0x3580  }
0x25b: {  	[hbm4b:s3+s0] =	stream.linear.scatter [tilespmem:s4], [sflag:$0x1], $0x80, $0x38;
	[tilespmem:$0x6800] =	vst v63  }
0x25c: {  	s5 =	rddreg [dreg:$0x1b];
	s6 =	simm.s32 $0x2A00  }
0x25d: {  	[hbm4b:s5+s0] =	stream.linear.scatter [tilespmem:s6], [sflag:$0x1], $0x80, $0x38;
	[tilespmem:$0x6800] =	vst v63  }
0x25e: {  	s7 =	sadd.s32 $0x10, s5;
	s8 =	simm.s32 $0x2E00  }
0x25f: {  	[hbm4b:s7+s0] =	stream.linear.scatter [tilespmem:s8], [sflag:$0x1], $0x80, $0x38;
	[tilespmem:$0x6800] =	vst v63  }
0x260: {  	s9 =	sadd.s32 $0x20, s5;
	s10 =	simm.s32 $0x3200  }
0x261: {  	[hbm4b:s9+s0] =	stream.linear.scatter [tilespmem:s10], [sflag:$0x1], $0x80, $0x38;
	[tilespmem:$0x6800] =	vst v63  }
0x262: {  	s28 =	sadd.s32 $0x30, s5;
	s29 =	simm.s32 $0x3600  }
0x263: {  	[hbm4b:s28+s0] =	stream.linear.scatter [tilespmem:s29], [sflag:$0x1], $0x80, $0x38;
	[tilespmem:$0x6800] =	vst v63  }
0x264: {  	s30 =	rddreg [dreg:$0x1c];
	s31 =	simm.s32 $0x2A80  }
0x265: {  	[hbm4b:s30+s0] =	stream.linear.scatter [tilespmem:s31], [sflag:$0x1], $0x80, $0x38;
	[tilespmem:$0x6800] =	vst v63  }
0x266: {  	s3 =	sadd.s32 $0x10, s30;
	s4 =	simm.s32 $0x2E80  }
0x267: {  	[hbm4b:s3+s0] =	stream.linear.scatter [tilespmem:s4], [sflag:$0x1], $0x80, $0x38;
	[tilespmem:$0x6800] =	vst v63  }
0x268: {  	s5 =	sadd.s32 $0x20, s30;
	s6 =	simm.s32 $0x3280  }
0x269: {  	[hbm4b:s5+s0] =	stream.linear.scatter [tilespmem:s6], [sflag:$0x1], $0x80, $0x38;
	[tilespmem:$0x6800] =	vst v63  }
0x26a: {  	s7 =	sadd.s32 $0x30, s30;
	s8 =	simm.s32 $0x3680  }
0x26b: {  	[hbm4b:s7+s0] =	stream.linear.scatter [tilespmem:s8], [sflag:$0x1], $0x80, $0x38;
	[tilespmem:$0x6800] =	vst v63  }
0x26c: {  	s9 =	rddreg [dreg:$0x1d];
	s10 =	simm.s32 $0x2B00  }
0x26d: {  	[hbm4b:s9+s0] =	stream.linear.scatter [tilespmem:s10], [sflag:$0x1], $0x80, $0x38;
	[tilespmem:$0x6800] =	vst v63  }
0x26e: {  	s28 =	sadd.s32 $0x10, s9;
	s29 =	simm.s32 $0x2F00  }
0x26f: {  	[hbm4b:s28+s0] =	stream.linear.scatter [tilespmem:s29], [sflag:$0x1], $0x80, $0x38;
	[tilespmem:$0x6800] =	vst v63  }
0x270: {  	s30 =	sadd.s32 $0x20, s9;
	s31 =	simm.s32 $0x3300  }
0x271: {  	[hbm4b:s30+s0] =	stream.linear.scatter [tilespmem:s31], [sflag:$0x1], $0x80, $0x38;
	[tilespmem:$0x6800] =	vst v63  }
0x272: {  	s3 =	sadd.s32 $0x30, s9;
	s4 =	simm.s32 $0x3700  }
0x273: {  	[hbm4b:s3+s0] =	stream.linear.scatter [tilespmem:s4], [sflag:$0x1], $0x80, $0x38;
	[tilespmem:$0x6800] =	vst v63  }
0x274: {  	s5 =	rddreg [dreg:$0x1e];
	s6 =	simm.s32 $0x2B80  }
0x275: {  	[hbm4b:s5+s0] =	stream.linear.scatter [tilespmem:s6], [sflag:$0x1], $0x80, $0x38;
	[tilespmem:$0x6800] =	vst v63  }
0x276: {  	s7 =	sadd.s32 $0x10, s5;
	s8 =	simm.s32 $0x2F80  }
0x277: {  	[hbm4b:s7+s0] =	stream.linear.scatter [tilespmem:s8], [sflag:$0x1], $0x80, $0x38;
	[tilespmem:$0x6800] =	vst v63  }
0x278: {  	s9 =	sadd.s32 $0x20, s5;
	s10 =	simm.s32 $0x3380  }
0x279: {  	[hbm4b:s9+s0] =	stream.linear.scatter [tilespmem:s10], [sflag:$0x1], $0x80, $0x38;
	[tilespmem:$0x6800] =	vst v63  }
0x27a: {  	s28 =	sadd.s32 $0x30, s5;
	s29 =	simm.s32 $0x3780  }
0x27b: {  	[hbm4b:s28+s0] =	stream.linear.scatter [tilespmem:s29], [sflag:$0x1], $0x80, $0x38;
	[tilespmem:$0x6800] =	vst v63  }
0x27c: {  	s30 =	rddreg [dreg:$0x1f];
	s31 =	simm.s32 $0x3800  }
0x27d: {  	[hbm4b:s30+s0] =	stream.linear.scatter [tilespmem:s31], [sflag:$0x1], $0x80, $0x38;
	[tilespmem:$0x6800] =	vst v63  }
0x27e: {  	s3 =	sadd.s32 $0x10, s30;
	s4 =	simm.s32 $0x3C00  }
0x27f: {  	[hbm4b:s3+s0] =	stream.linear.scatter [tilespmem:s4], [sflag:$0x1], $0x80, $0x38;
	[tilespmem:$0x6800] =	vst v63  }
0x280: {  	s5 =	sadd.s32 $0x20, s30;
	s6 =	simm.s32 $0x4000  }
0x281: {  	[hbm4b:s5+s0] =	stream.linear.scatter [tilespmem:s6], [sflag:$0x1], $0x80, $0x38;
	[tilespmem:$0x6800] =	vst v63  }
0x282: {  	s7 =	sadd.s32 $0x30, s30;
	s8 =	simm.s32 $0x4400;
	s9 =	sld [smem:$0x7C3]  }
0x283: {  	[hbm4b:s7+s0] =	stream.linear.scatter [tilespmem:s8], [sflag:$0x1], $0x80, $0x38;
	[tilespmem:$0x6800] =	vst v63  }
0x284: {  	s10 =	simm.s32 $0x3880  }
0x285: {  	[hbm4b:s9+s0] =	stream.linear.scatter [tilespmem:s10], [sflag:$0x1], $0x80, $0x38;
	[tilespmem:$0x6800] =	vst v63  }
0x286: {  	s29 =	simm.s32 $0x3C80;
	s28 =	sadd.s32 $0x10, s9  }
0x287: {  	[hbm4b:s28+s0] =	stream.linear.scatter [tilespmem:s29], [sflag:$0x1], $0x80, $0x38;
	[tilespmem:$0x6800] =	vst v63  }
0x288: {  	s30 =	sadd.s32 $0x20, s9;
	s31 =	simm.s32 $0x4080  }
0x289: {  	[hbm4b:s30+s0] =	stream.linear.scatter [tilespmem:s31], [sflag:$0x1], $0x80, $0x38;
	[tilespmem:$0x6800] =	vst v63  }
0x28a: {  	s3 =	sadd.s32 $0x30, s9;
	s4 =	simm.s32 $0x4480;
	s5 =	sld [smem:$0x7C4]  }
0x28b: {  	[hbm4b:s3+s0] =	stream.linear.scatter [tilespmem:s4], [sflag:$0x1], $0x80, $0x38;
	[tilespmem:$0x6800] =	vst v63  }
0x28c: {  	s6 =	simm.s32 $0x3900  }
0x28d: {  	[hbm4b:s5+s0] =	stream.linear.scatter [tilespmem:s6], [sflag:$0x1], $0x80, $0x38;
	[tilespmem:$0x6800] =	vst v63  }
0x28e: {  	s8 =	simm.s32 $0x3D00;
	s7 =	sadd.s32 $0x10, s5  }
0x28f: {  	[hbm4b:s7+s0] =	stream.linear.scatter [tilespmem:s8], [sflag:$0x1], $0x80, $0x38;
	[tilespmem:$0x6800] =	vst v63  }
0x290: {  	s9 =	sadd.s32 $0x20, s5;
	s10 =	simm.s32 $0x4100  }
0x291: {  	[hbm4b:s9+s0] =	stream.linear.scatter [tilespmem:s10], [sflag:$0x1], $0x80, $0x38;
	[tilespmem:$0x6800] =	vst v63  }
0x292: {  	s28 =	sadd.s32 $0x30, s5;
	s29 =	simm.s32 $0x4500;
	s30 =	sld [smem:$0x7C5]  }
0x293: {  	[hbm4b:s28+s0] =	stream.linear.scatter [tilespmem:s29], [sflag:$0x1], $0x80, $0x38;
	[tilespmem:$0x6800] =	vst v63  }
0x294: {  	s31 =	simm.s32 $0x3980  }
0x295: {  	[hbm4b:s30+s0] =	stream.linear.scatter [tilespmem:s31], [sflag:$0x1], $0x80, $0x38;
	[tilespmem:$0x6800] =	vst v63  }
0x296: {  	s4 =	simm.s32 $0x3D80;
	s3 =	sadd.s32 $0x10, s30  }
0x297: {  	[hbm4b:s3+s0] =	stream.linear.scatter [tilespmem:s4], [sflag:$0x1], $0x80, $0x38;
	[tilespmem:$0x6800] =	vst v63  }
0x298: {  	s5 =	sadd.s32 $0x20, s30;
	s6 =	simm.s32 $0x4180  }
0x299: {  	[hbm4b:s5+s0] =	stream.linear.scatter [tilespmem:s6], [sflag:$0x1], $0x80, $0x38;
	[tilespmem:$0x6800] =	vst v63  }
0x29a: {  	s7 =	sadd.s32 $0x30, s30;
	s8 =	simm.s32 $0x4580;
	s9 =	sld [smem:$0x7C6]  }
0x29b: {  	[hbm4b:s7+s0] =	stream.linear.scatter [tilespmem:s8], [sflag:$0x1], $0x80, $0x38;
	[tilespmem:$0x6800] =	vst v63  }
0x29c: {  	s10 =	simm.s32 $0x3A00  }
0x29d: {  	[hbm4b:s9+s0] =	stream.linear.scatter [tilespmem:s10], [sflag:$0x1], $0x80, $0x38;
	[tilespmem:$0x6800] =	vst v63  }
0x29e: {  	s29 =	simm.s32 $0x3E00;
	s28 =	sadd.s32 $0x10, s9  }
0x29f: {  	[hbm4b:s28+s0] =	stream.linear.scatter [tilespmem:s29], [sflag:$0x1], $0x80, $0x38;
	[tilespmem:$0x6800] =	vst v63  }
0x2a0: {  	s30 =	sadd.s32 $0x20, s9;
	s31 =	simm.s32 $0x4200  }
0x2a1: {  	[hbm4b:s30+s0] =	stream.linear.scatter [tilespmem:s31], [sflag:$0x1], $0x80, $0x38;
	[tilespmem:$0x6800] =	vst v63  }
0x2a2: {  	s3 =	sadd.s32 $0x30, s9;
	s4 =	simm.s32 $0x4600;
	s5 =	sld [smem:$0x7C7]  }
0x2a3: {  	[hbm4b:s3+s0] =	stream.linear.scatter [tilespmem:s4], [sflag:$0x1], $0x80, $0x38;
	[tilespmem:$0x6800] =	vst v63  }
0x2a4: {  	s6 =	simm.s32 $0x3A80  }
0x2a5: {  	[hbm4b:s5+s0] =	stream.linear.scatter [tilespmem:s6], [sflag:$0x1], $0x80, $0x38;
	[tilespmem:$0x6800] =	vst v63  }
0x2a6: {  	s8 =	simm.s32 $0x3E80;
	s7 =	sadd.s32 $0x10, s5  }
0x2a7: {  	[hbm4b:s7+s0] =	stream.linear.scatter [tilespmem:s8], [sflag:$0x1], $0x80, $0x38;
	[tilespmem:$0x6800] =	vst v63  }
0x2a8: {  	s9 =	sadd.s32 $0x20, s5;
	s10 =	simm.s32 $0x4280  }
0x2a9: {  	[hbm4b:s9+s0] =	stream.linear.scatter [tilespmem:s10], [sflag:$0x1], $0x80, $0x38;
	[tilespmem:$0x6800] =	vst v63  }
0x2aa: {  	s28 =	sadd.s32 $0x30, s5;
	s29 =	simm.s32 $0x4680;
	s30 =	sld [smem:$0x7C8]  }
0x2ab: {  	[hbm4b:s28+s0] =	stream.linear.scatter [tilespmem:s29], [sflag:$0x1], $0x80, $0x38;
	[tilespmem:$0x6800] =	vst v63  }
0x2ac: {  	s31 =	simm.s32 $0x3B00  }
0x2ad: {  	[hbm4b:s30+s0] =	stream.linear.scatter [tilespmem:s31], [sflag:$0x1], $0x80, $0x38;
	[tilespmem:$0x6800] =	vst v63  }
0x2ae: {  	s4 =	simm.s32 $0x3F00;
	s3 =	sadd.s32 $0x10, s30  }
0x2af: {  	[hbm4b:s3+s0] =	stream.linear.scatter [tilespmem:s4], [sflag:$0x1], $0x80, $0x38;
	[tilespmem:$0x6800] =	vst v63  }
0x2b0: {  	s5 =	sadd.s32 $0x20, s30;
	s6 =	simm.s32 $0x4300  }
0x2b1: {  	[hbm4b:s5+s0] =	stream.linear.scatter [tilespmem:s6], [sflag:$0x1], $0x80, $0x38;
	[tilespmem:$0x6800] =	vst v63  }
0x2b2: {  	s7 =	sadd.s32 $0x30, s30;
	s8 =	simm.s32 $0x4700;
	s9 =	sld [smem:$0x7C9]  }
0x2b3: {  	[hbm4b:s7+s0] =	stream.linear.scatter [tilespmem:s8], [sflag:$0x1], $0x80, $0x38;
	[tilespmem:$0x6800] =	vst v63  }
0x2b4: {  	s10 =	simm.s32 $0x3B80  }
0x2b5: {  	[hbm4b:s9+s0] =	stream.linear.scatter [tilespmem:s10], [sflag:$0x1], $0x80, $0x38;
	[tilespmem:$0x6800] =	vst v63  }
0x2b6: {  	s29 =	simm.s32 $0x3F80;
	s28 =	sadd.s32 $0x10, s9  }
0x2b7: {  	[hbm4b:s28+s0] =	stream.linear.scatter [tilespmem:s29], [sflag:$0x1], $0x80, $0x38;
	[tilespmem:$0x6800] =	vst v63  }
0x2b8: {  	s30 =	sadd.s32 $0x20, s9;
	s31 =	simm.s32 $0x4380  }
0x2b9: {  	[hbm4b:s30+s0] =	stream.linear.scatter [tilespmem:s31], [sflag:$0x1], $0x80, $0x38;
	[tilespmem:$0x6800] =	vst v63  }
0x2ba: {  	s4 =	sadd.s32 $0x30, s9;
	s5 =	simm.s32 $0x4780;
	s6 =	sld [smem:$0x7CB]  }
0x2bb: {  	[hbm4b:s4+s0] =	stream.linear.scatter [tilespmem:s5], [sflag:$0x1], $0x80, $0x38;
	[tilespmem:$0x6800] =	vst v63  }
0x2bc: {  	s7 =	simm.s32 $0x4800  }
0x2bd: {  	[hbm4b:s6+s0] =	stream.linear.scatter [tilespmem:s7], [sflag:$0x1], $0x80, $0x38;
	[tilespmem:$0x6800] =	vst v63  }
0x2be: {  	s8 =	sadd.s32 $0x10, s6;
	s9 =	simm.s32 $0x4C00  }
0x2bf: {  	[hbm4b:s8+s0] =	stream.linear.scatter [tilespmem:s9], [sflag:$0x1], $0x80, $0x38;
	[tilespmem:$0x6800] =	vst v63  }
0x2c0: {  	s10 =	sadd.s32 $0x20, s6;
	s28 =	simm.s32 $0x5000  }
0x2c1: {  	[hbm4b:s10+s0] =	stream.linear.scatter [tilespmem:s28], [sflag:$0x1], $0x80, $0x38;
	[tilespmem:$0x6800] =	vst v63  }
0x2c2: {  	s29 =	sadd.s32 $0x30, s6;
	s30 =	simm.s32 $0x5400;
	s31 =	sld [smem:$0x7CC]  }
0x2c3: {  	[hbm4b:s29+s0] =	stream.linear.scatter [tilespmem:s30], [sflag:$0x1], $0x80, $0x38;
	[tilespmem:$0x6800] =	vst v63  }
0x2c4: {  	s4 =	simm.s32 $0x4880  }
0x2c5: {  	[hbm4b:s31+s0] =	stream.linear.scatter [tilespmem:s4], [sflag:$0x1], $0x80, $0x38;
	[tilespmem:$0x6800] =	vst v63  }
0x2c6: {  	s5 =	sadd.s32 $0x10, s31;
	s6 =	simm.s32 $0x4C80  }
0x2c7: {  	[hbm4b:s5+s0] =	stream.linear.scatter [tilespmem:s6], [sflag:$0x1], $0x80, $0x38;
	[tilespmem:$0x6800] =	vst v63  }
0x2c8: {  	s7 =	sadd.s32 $0x20, s31;
	s8 =	simm.s32 $0x5080  }
0x2c9: {  	[hbm4b:s7+s0] =	stream.linear.scatter [tilespmem:s8], [sflag:$0x1], $0x80, $0x38;
	[tilespmem:$0x6800] =	vst v63  }
0x2ca: {  	s9 =	sadd.s32 $0x30, s31;
	s10 =	simm.s32 $0x5480;
	s28 =	sld [smem:$0x7CD]  }
0x2cb: {  	[hbm4b:s9+s0] =	stream.linear.scatter [tilespmem:s10], [sflag:$0x1], $0x80, $0x38;
	[tilespmem:$0x6800] =	vst v63  }
0x2cc: {  	s29 =	simm.s32 $0x4900  }
0x2cd: {  	[hbm4b:s28+s0] =	stream.linear.scatter [tilespmem:s29], [sflag:$0x1], $0x80, $0x38;
	[tilespmem:$0x6800] =	vst v63  }
0x2ce: {  	s30 =	sadd.s32 $0x10, s28;
	s31 =	simm.s32 $0x4D00  }
0x2cf: {  	[hbm4b:s30+s0] =	stream.linear.scatter [tilespmem:s31], [sflag:$0x1], $0x80, $0x38;
	[tilespmem:$0x6800] =	vst v63  }
0x2d0: {  	s4 =	sadd.s32 $0x20, s28;
	s5 =	simm.s32 $0x5100  }
0x2d1: {  	[hbm4b:s4+s0] =	stream.linear.scatter [tilespmem:s5], [sflag:$0x1], $0x80, $0x38;
	[tilespmem:$0x6800] =	vst v63  }
0x2d2: {  	s6 =	sadd.s32 $0x30, s28;
	s7 =	simm.s32 $0x5500  }
0x2d3: {  	[hbm4b:s6+s0] =	stream.linear.scatter [tilespmem:s7], [sflag:$0x1], $0x80, $0x38;
	[tilespmem:$0x6800] =	vst v63  }
0x2d4: {  	s8 =	simm.s32 $0x4980  }
0x2d5: {  	[hbm4b:s11+s0] =	stream.linear.scatter [tilespmem:s8], [sflag:$0x1], $0x80, $0x38;
	[tilespmem:$0x6800] =	vst v63  }
0x2d6: {  	s9 =	sadd.s32 $0x10, s11;
	s10 =	simm.s32 $0x4D80  }
0x2d7: {  	[hbm4b:s9+s0] =	stream.linear.scatter [tilespmem:s10], [sflag:$0x1], $0x80, $0x38;
	[tilespmem:$0x6800] =	vst v63  }
0x2d8: {  	s28 =	sadd.s32 $0x20, s11;
	s29 =	simm.s32 $0x5180  }
0x2d9: {  	[hbm4b:s28+s0] =	stream.linear.scatter [tilespmem:s29], [sflag:$0x1], $0x80, $0x38;
	[tilespmem:$0x6800] =	vst v63  }
0x2da: {  	s30 =	sadd.s32 $0x30, s11;
	s31 =	simm.s32 $0x5580  }
0x2db: {  	[hbm4b:s30+s0] =	stream.linear.scatter [tilespmem:s31], [sflag:$0x1], $0x80, $0x38;
	[tilespmem:$0x6800] =	vst v63  }
0x2dc: {  	s3 =	simm.s32 $0x4A00  }
0x2dd: {  	[hbm4b:s12+s0] =	stream.linear.scatter [tilespmem:s3], [sflag:$0x1], $0x80, $0x38;
	[tilespmem:$0x6800] =	vst v63  }
0x2de: {  	s4 =	sadd.s32 $0x10, s12;
	s5 =	simm.s32 $0x4E00  }
0x2df: {  	[hbm4b:s4+s0] =	stream.linear.scatter [tilespmem:s5], [sflag:$0x1], $0x80, $0x38;
	[tilespmem:$0x6800] =	vst v63  }
0x2e0: {  	s6 =	sadd.s32 $0x20, s12;
	s7 =	simm.s32 $0x5200  }
0x2e1: {  	[hbm4b:s6+s0] =	stream.linear.scatter [tilespmem:s7], [sflag:$0x1], $0x80, $0x38;
	[tilespmem:$0x6800] =	vst v63  }
0x2e2: {  	s8 =	sadd.s32 $0x30, s12;
	s9 =	simm.s32 $0x5600  }
0x2e3: {  	[hbm4b:s8+s0] =	stream.linear.scatter [tilespmem:s9], [sflag:$0x1], $0x80, $0x38;
	[tilespmem:$0x6800] =	vst v63  }
0x2e4: {  	s10 =	simm.s32 $0x4A80  }
0x2e5: {  	[hbm4b:s13+s0] =	stream.linear.scatter [tilespmem:s10], [sflag:$0x1], $0x80, $0x38;
	[tilespmem:$0x6800] =	vst v63  }
0x2e6: {  	s28 =	sadd.s32 $0x10, s13;
	s29 =	simm.s32 $0x4E80  }
0x2e7: {  	[hbm4b:s28+s0] =	stream.linear.scatter [tilespmem:s29], [sflag:$0x1], $0x80, $0x38;
	[tilespmem:$0x6800] =	vst v63  }
0x2e8: {  	s30 =	sadd.s32 $0x20, s13;
	s31 =	simm.s32 $0x5280  }
0x2e9: {  	[hbm4b:s30+s0] =	stream.linear.scatter [tilespmem:s31], [sflag:$0x1], $0x80, $0x38;
	[tilespmem:$0x6800] =	vst v63  }
0x2ea: {  	s3 =	sadd.s32 $0x30, s13;
	s4 =	simm.s32 $0x5680  }
0x2eb: {  	[hbm4b:s3+s0] =	stream.linear.scatter [tilespmem:s4], [sflag:$0x1], $0x80, $0x38;
	[tilespmem:$0x6800] =	vst v63  }
0x2ec: {  	s5 =	simm.s32 $0x4B00  }
0x2ed: {  	[hbm4b:s14+s0] =	stream.linear.scatter [tilespmem:s5], [sflag:$0x1], $0x80, $0x38;
	[tilespmem:$0x6800] =	vst v63  }
0x2ee: {  	s6 =	sadd.s32 $0x10, s14;
	s7 =	simm.s32 $0x4F00  }
0x2ef: {  	[hbm4b:s6+s0] =	stream.linear.scatter [tilespmem:s7], [sflag:$0x1], $0x80, $0x38;
	[tilespmem:$0x6800] =	vst v63  }
0x2f0: {  	s8 =	sadd.s32 $0x20, s14;
	s9 =	simm.s32 $0x5300  }
0x2f1: {  	[hbm4b:s8+s0] =	stream.linear.scatter [tilespmem:s9], [sflag:$0x1], $0x80, $0x38;
	[tilespmem:$0x6800] =	vst v63  }
0x2f2: {  	s10 =	sadd.s32 $0x30, s14;
	s28 =	simm.s32 $0x5700  }
0x2f3: {  	[hbm4b:s10+s0] =	stream.linear.scatter [tilespmem:s28], [sflag:$0x1], $0x80, $0x38;
	[tilespmem:$0x6800] =	vst v63  }
0x2f4: {  	s29 =	simm.s32 $0x4B80  }
0x2f5: {  	[hbm4b:s15+s0] =	stream.linear.scatter [tilespmem:s29], [sflag:$0x1], $0x80, $0x38;
	[tilespmem:$0x6800] =	vst v63  }
0x2f6: {  	s30 =	sadd.s32 $0x10, s15;
	s31 =	simm.s32 $0x4F80  }
0x2f7: {  	[hbm4b:s30+s0] =	stream.linear.scatter [tilespmem:s31], [sflag:$0x1], $0x80, $0x38;
	[tilespmem:$0x6800] =	vst v63  }
0x2f8: {  	s3 =	sadd.s32 $0x20, s15;
	s4 =	simm.s32 $0x5380  }
0x2f9: {  	[hbm4b:s3+s0] =	stream.linear.scatter [tilespmem:s4], [sflag:$0x1], $0x80, $0x38;
	[tilespmem:$0x6800] =	vst v63  }
0x2fa: {  	s5 =	sadd.s32 $0x30, s15;
	s6 =	simm.s32 $0x5780  }
0x2fb: {  	[hbm4b:s5+s0] =	stream.linear.scatter [tilespmem:s6], [sflag:$0x1], $0x80, $0x38;
	[tilespmem:$0x6800] =	vst v63  }
0x2fc: {  	s7 =	simm.s32 $0x5800  }
0x2fd: {  	[hbm4b:s16+s0] =	stream.linear.scatter [tilespmem:s7], [sflag:$0x1], $0x80, $0x38;
	[tilespmem:$0x6800] =	vst v63  }
0x2fe: {  	s8 =	sadd.s32 $0x10, s16;
	s9 =	simm.s32 $0x5C00  }
0x2ff: {  	[hbm4b:s8+s0] =	stream.linear.scatter [tilespmem:s9], [sflag:$0x1], $0x80, $0x38;
	[tilespmem:$0x6800] =	vst v63  }
0x300: {  	s10 =	sadd.s32 $0x20, s16;
	s28 =	simm.s32 $0x6000  }
0x301: {  	[hbm4b:s10+s0] =	stream.linear.scatter [tilespmem:s28], [sflag:$0x1], $0x80, $0x38;
	[tilespmem:$0x6800] =	vst v63  }
0x302: {  	s29 =	sadd.s32 $0x30, s16;
	s30 =	simm.s32 $0x6400  }
0x303: {  	[hbm4b:s29+s0] =	stream.linear.scatter [tilespmem:s30], [sflag:$0x1], $0x80, $0x38;
	[tilespmem:$0x6800] =	vst v63  }
0x304: {  	s31 =	simm.s32 $0x5880  }
0x305: {  	[hbm4b:s17+s0] =	stream.linear.scatter [tilespmem:s31], [sflag:$0x1], $0x80, $0x38;
	[tilespmem:$0x6800] =	vst v63  }
0x306: {  	s2 =	sadd.s32 $0x10, s17;
	s3 =	simm.s32 $0x5C80  }
0x307: {  	[hbm4b:s2+s0] =	stream.linear.scatter [tilespmem:s3], [sflag:$0x1], $0x80, $0x38;
	[tilespmem:$0x6800] =	vst v63  }
0x308: {  	s4 =	sadd.s32 $0x20, s17;
	s5 =	simm.s32 $0x6080  }
0x309: {  	[hbm4b:s4+s0] =	stream.linear.scatter [tilespmem:s5], [sflag:$0x1], $0x80, $0x38;
	[tilespmem:$0x6800] =	vst v63  }
0x30a: {  	s6 =	sadd.s32 $0x30, s17;
	s7 =	simm.s32 $0x6480  }
0x30b: {  	[hbm4b:s6+s0] =	stream.linear.scatter [tilespmem:s7], [sflag:$0x1], $0x80, $0x38;
	[tilespmem:$0x6800] =	vst v63  }
0x30c: {  	s8 =	simm.s32 $0x5900  }
0x30d: {  	[hbm4b:s18+s0] =	stream.linear.scatter [tilespmem:s8], [sflag:$0x1], $0x80, $0x38;
	[tilespmem:$0x6800] =	vst v63  }
0x30e: {  	s9 =	sadd.s32 $0x10, s18;
	s10 =	simm.s32 $0x5D00  }
0x30f: {  	[hbm4b:s9+s0] =	stream.linear.scatter [tilespmem:s10], [sflag:$0x1], $0x80, $0x38;
	[tilespmem:$0x6800] =	vst v63  }
0x310: {  	s28 =	sadd.s32 $0x20, s18;
	s29 =	simm.s32 $0x6100  }
0x311: {  	[hbm4b:s28+s0] =	stream.linear.scatter [tilespmem:s29], [sflag:$0x1], $0x80, $0x38;
	[tilespmem:$0x6800] =	vst v63  }
0x312: {  	s30 =	sadd.s32 $0x30, s18;
	s31 =	simm.s32 $0x6500  }
0x313: {  	[hbm4b:s30+s0] =	stream.linear.scatter [tilespmem:s31], [sflag:$0x1], $0x80, $0x38;
	[tilespmem:$0x6800] =	vst v63  }
0x314: {  	s3 =	simm.s32 $0x5980  }
0x315: {  	[hbm4b:s19+s0] =	stream.linear.scatter [tilespmem:s3], [sflag:$0x1], $0x80, $0x38;
	[tilespmem:$0x6800] =	vst v63  }
0x316: {  	s4 =	sadd.s32 $0x10, s19;
	s5 =	simm.s32 $0x5D80  }
0x317: {  	[hbm4b:s4+s0] =	stream.linear.scatter [tilespmem:s5], [sflag:$0x1], $0x80, $0x38;
	[tilespmem:$0x6800] =	vst v63  }
0x318: {  	s6 =	sadd.s32 $0x20, s19;
	s7 =	simm.s32 $0x6180  }
0x319: {  	[hbm4b:s6+s0] =	stream.linear.scatter [tilespmem:s7], [sflag:$0x1], $0x80, $0x38;
	[tilespmem:$0x6800] =	vst v63  }
0x31a: {  	s8 =	sadd.s32 $0x30, s19;
	s9 =	simm.s32 $0x6580  }
0x31b: {  	[hbm4b:s8+s0] =	stream.linear.scatter [tilespmem:s9], [sflag:$0x1], $0x80, $0x38;
	[tilespmem:$0x6800] =	vst v63  }
0x31c: {  	s10 =	simm.s32 $0x5A00  }
0x31d: {  	[hbm4b:s20+s0] =	stream.linear.scatter [tilespmem:s10], [sflag:$0x1], $0x80, $0x38;
	[tilespmem:$0x6800] =	vst v63  }
0x31e: {  	s28 =	sadd.s32 $0x10, s20;
	s29 =	simm.s32 $0x5E00  }
0x31f: {  	[hbm4b:s28+s0] =	stream.linear.scatter [tilespmem:s29], [sflag:$0x1], $0x80, $0x38;
	[tilespmem:$0x6800] =	vst v63  }
0x320: {  	s30 =	sadd.s32 $0x20, s20;
	s31 =	simm.s32 $0x6200  }
0x321: {  	[hbm4b:s30+s0] =	stream.linear.scatter [tilespmem:s31], [sflag:$0x1], $0x80, $0x38;
	[tilespmem:$0x6800] =	vst v63  }
0x322: {  	s3 =	sadd.s32 $0x30, s20;
	s4 =	simm.s32 $0x6600  }
0x323: {  	[hbm4b:s3+s0] =	stream.linear.scatter [tilespmem:s4], [sflag:$0x1], $0x80, $0x38;
	[tilespmem:$0x6800] =	vst v63  }
0x324: {  	s5 =	simm.s32 $0x5A80  }
0x325: {  	[hbm4b:s21+s0] =	stream.linear.scatter [tilespmem:s5], [sflag:$0x1], $0x80, $0x38;
	[tilespmem:$0x6800] =	vst v63  }
0x326: {  	s6 =	sadd.s32 $0x10, s21;
	s7 =	simm.s32 $0x5E80  }
0x327: {  	[hbm4b:s6+s0] =	stream.linear.scatter [tilespmem:s7], [sflag:$0x1], $0x80, $0x38;
	[tilespmem:$0x6800] =	vst v63  }
0x328: {  	s8 =	sadd.s32 $0x20, s21;
	s9 =	simm.s32 $0x6280  }
0x329: {  	[hbm4b:s8+s0] =	stream.linear.scatter [tilespmem:s9], [sflag:$0x1], $0x80, $0x38;
	[tilespmem:$0x6800] =	vst v63  }
0x32a: {  	s10 =	sadd.s32 $0x30, s21;
	s28 =	simm.s32 $0x6680  }
0x32b: {  	[hbm4b:s10+s0] =	stream.linear.scatter [tilespmem:s28], [sflag:$0x1], $0x80, $0x38;
	[tilespmem:$0x6800] =	vst v63  }
0x32c: {  	s29 =	simm.s32 $0x5B00  }
0x32d: {  	[hbm4b:s23+s0] =	stream.linear.scatter [tilespmem:s29], [sflag:$0x1], $0x80, $0x38;
	[tilespmem:$0x6800] =	vst v63  }
0x32e: {  	s30 =	sadd.s32 $0x10, s23;
	s31 =	simm.s32 $0x5F00  }
0x32f: {  	[hbm4b:s30+s0] =	stream.linear.scatter [tilespmem:s31], [sflag:$0x1], $0x80, $0x38;
	[tilespmem:$0x6800] =	vst v63  }
0x330: {  	s3 =	sadd.s32 $0x20, s23;
	s4 =	simm.s32 $0x6300  }
0x331: {  	[hbm4b:s3+s0] =	stream.linear.scatter [tilespmem:s4], [sflag:$0x1], $0x80, $0x38;
	[tilespmem:$0x6800] =	vst v63  }
0x332: {  	s5 =	sadd.s32 $0x30, s23;
	s6 =	simm.s32 $0x6700  }
0x333: {  	[hbm4b:s5+s0] =	stream.linear.scatter [tilespmem:s6], [sflag:$0x1], $0x80, $0x38;
	[tilespmem:$0x6800] =	vst v63  }
0x334: {  	s7 =	simm.s32 $0x5B80  }
0x335: {  	[hbm4b:s24+s0] =	stream.linear.scatter [tilespmem:s7], [sflag:$0x1], $0x80, $0x38;
	[tilespmem:$0x6800] =	vst v63  }
0x336: {  	s8 =	sadd.s32 $0x10, s24;
	s9 =	simm.s32 $0x5F80  }
0x337: {  	[hbm4b:s8+s0] =	stream.linear.scatter [tilespmem:s9], [sflag:$0x1], $0x80, $0x38;
	[tilespmem:$0x6800] =	vst v63  }
0x338: {  	s10 =	sadd.s32 $0x20, s24;
	s28 =	simm.s32 $0x6380  }
0x339: {  	[hbm4b:s10+s0] =	stream.linear.scatter [tilespmem:s28], [sflag:$0x1], $0x80, $0x38;
	[tilespmem:$0x6800] =	vst v63  }
0x33a: {  	s29 =	sadd.s32 $0x30, s24;
	s30 =	simm.s32 $0x6780  }
0x33b: {  	[hbm4b:s29+s0] =	stream.linear.scatter [tilespmem:s30], [sflag:$0x1], $0x80, $0x38;
	[tilespmem:$0x6800] =	vst v63  }
0x33c: {  	_ =	swait.ge [sflag:s25], $0x200  }
0x33d: {  	[sflag:s25] =	ssyncset.done $0x0  }
0x33e: {  	[sflag:s25] =	ssyncadd.s32 $0xFFFFFE00  }
0x33f: {  	_ =	swait.ge [sflag:s25], $0x200  }
0x340: {  	[sflag:s25] =	ssyncset.done $0x0  }
0x341: {  	[sflag:s25] =	ssyncadd.s32 $0xFFFFFE00  }
0x342: {  	_ =	swait.ge [sflag:s25], $0x200  }
0x343: {  	[sflag:s25] =	ssyncset.done $0x0  }
0x344: {  	[sflag:s25] =	ssyncadd.s32 $0xFFFFFE00  }
0x345: {  	_ =	swait.ge [sflag:s25], $0x200  }
0x346: {  	[sflag:s25] =	ssyncset.done $0x0  }
0x347: {  	[sflag:s25] =	ssyncadd.s32 $0xFFFFFE00  }
0x348: {  	_ =	swait.ge [sflag:s25], $0x200  }
0x349: {  	[sflag:s25] =	ssyncset.done $0x0  }
0x34a: {  	[sflag:s25] =	ssyncadd.s32 $0xFFFFFE00  }
0x34b: {  	_ =	swait.ge [sflag:s25], $0x200  }
0x34c: {  	[sflag:s25] =	ssyncset.done $0x0  }
0x34d: {  	[sflag:s25] =	ssyncadd.s32 $0xFFFFFE00  }
0x34e: {  	_ =	swait.ge [sflag:s25], $0x200  }
0x34f: {  	[sflag:s25] =	ssyncset.done $0x0  }
0x350: {  	[sflag:s25] =	ssyncadd.s32 $0xFFFFFE00  }
0x351: {  	_ =	swait.ge [sflag:s25], $0x200  }
0x352: {  	[sflag:s25] =	ssyncset.done $0x0  }
0x353: {  	[sflag:s25] =	ssyncadd.s32 $0xFFFFFE00  }
0x354: {  	_ =	swait.ge [sflag:s25], $0x200  }
0x355: {  	[sflag:s25] =	ssyncset.done $0x0  }
0x356: {  	[sflag:s25] =	ssyncadd.s32 $0xFFFFFE00  }
0x357: {  	_ =	swait.ge [sflag:s25], $0x200  }
0x358: {  	[sflag:s25] =	ssyncset.done $0x0  }
0x359: {  	[sflag:s25] =	ssyncadd.s32 $0xFFFFFE00  }
0x35a: {  	_ =	swait.ge [sflag:s25], $0x200  }
0x35b: {  	[sflag:s25] =	ssyncset.done $0x0  }
0x35c: {  	[sflag:s25] =	ssyncadd.s32 $0xFFFFFE00  }
0x35d: {  	_ =	swait.ge [sflag:s25], $0x200  }
0x35e: {  	[sflag:s25] =	ssyncset.done $0x0  }
0x35f: {  	[sflag:s25] =	ssyncadd.s32 $0xFFFFFE00  }
0x360: {  	_ =	swait.ge [sflag:s25], $0x200  }
0x361: {  	[sflag:s25] =	ssyncset.done $0x0  }
0x362: {  	[sflag:s25] =	ssyncadd.s32 $0xFFFFFE00  }
0x363: {  	_ =	swait.ge [sflag:s25], $0x200  }
0x364: {  	[sflag:s25] =	ssyncset.done $0x0  }
0x365: {  	[sflag:s25] =	ssyncadd.s32 $0xFFFFFE00  }
0x366: {  	_ =	swait.ge [sflag:s25], $0x200  }
0x367: {  	[sflag:s25] =	ssyncset.done $0x0  }
0x368: {  	[sflag:s25] =	ssyncadd.s32 $0xFFFFFE00  }
0x369: {  	_ =	swait.ge [sflag:s25], $0x200  }
0x36a: {  	[sflag:s25] =	ssyncset.done $0x0  }
0x36b: {  	[sflag:s25] =	ssyncadd.s32 $0xFFFFFE00  }
0x36c: {  	_ =	swait.ge [sflag:s25], $0x200  }
0x36d: {  	[sflag:s25] =	ssyncset.done $0x0  }
0x36e: {  	[sflag:s25] =	ssyncadd.s32 $0xFFFFFE00  }
0x36f: {  	_ =	swait.ge [sflag:s25], $0x200  }
0x370: {  	[sflag:s25] =	ssyncset.done $0x0  }
0x371: {  	[sflag:s25] =	ssyncadd.s32 $0xFFFFFE00  }
0x372: {  	_ =	swait.ge [sflag:s25], $0x200  }
0x373: {  	[sflag:s25] =	ssyncset.done $0x0  }
0x374: {  	[sflag:s25] =	ssyncadd.s32 $0xFFFFFE00  }
0x375: {  	_ =	swait.ge [sflag:s25], $0x200  }
0x376: {  	[sflag:s25] =	ssyncset.done $0x0  }
0x377: {  	[sflag:s25] =	ssyncadd.s32 $0xFFFFFE00  }
0x378: {  	_ =	swait.ge [sflag:s25], $0x200  }
0x379: {  	[sflag:s25] =	ssyncset.done $0x0  }
0x37a: {  	[sflag:s25] =	ssyncadd.s32 $0xFFFFFE00  }
0x37b: {  	_ =	swait.ge [sflag:s25], $0x200  }
0x37c: {  	[sflag:s25] =	ssyncset.done $0x0  }
0x37d: {  	[sflag:s25] =	ssyncadd.s32 $0xFFFFFE00  }
0x37e: {  	_ =	swait.ge [sflag:s25], $0x200  }
0x37f: {  	[sflag:s25] =	ssyncset.done $0x0  }
0x380: {  	[sflag:s25] =	ssyncadd.s32 $0xFFFFFE00  }
0x381: {  	_ =	swait.ge [sflag:s25], $0x200  }
0x382: {  	[sflag:s25] =	ssyncset.done $0x0  }
0x383: {  	[sflag:s25] =	ssyncadd.s32 $0xFFFFFE00  }
0x384: {  	_ =	swait.ge [sflag:s25], $0x200  }
0x385: {  	[sflag:s25] =	ssyncset.done $0x0  }
0x386: {  	[sflag:s25] =	ssyncadd.s32 $0xFFFFFE00  }
0x387: {  	_ =	swait.ge [sflag:s25], $0x200  }
0x388: {  	[sflag:s25] =	ssyncset.done $0x0  }
0x389: {  	[sflag:s25] =	ssyncadd.s32 $0xFFFFFE00  }
0x38a: {  	_ =	swait.ge [sflag:s25], $0x200  }
0x38b: {  	[sflag:s25] =	ssyncset.done $0x0  }
0x38c: {  	[sflag:s25] =	ssyncadd.s32 $0xFFFFFE00  }
0x38d: {  	_ =	swait.ge [sflag:s25], $0x200  }
0x38e: {  	[sflag:s25] =	ssyncset.done $0x0  }
0x38f: {  	[sflag:s25] =	ssyncadd.s32 $0xFFFFFE00  }
0x390: {  	_ =	swait.ge [sflag:s25], $0x200  }
0x391: {  	[sflag:s25] =	ssyncset.done $0x0  }
0x392: {  	[sflag:s25] =	ssyncadd.s32 $0xFFFFFE00  }
0x393: {  	_ =	swait.ge [sflag:s25], $0x200  }
0x394: {  	[sflag:s25] =	ssyncset.done $0x0  }
0x395: {  	[sflag:s25] =	ssyncadd.s32 $0xFFFFFE00  }
0x396: {  	_ =	swait.ge [sflag:s25], $0x200  }
0x397: {  	[sflag:s25] =	ssyncset.done $0x0  }
0x398: {  	[sflag:s25] =	ssyncadd.s32 $0xFFFFFE00  }
0x399: {  	_ =	swait.ge [sflag:s25], $0x200  }
0x39a: {  	[sflag:s25] =	ssyncset.done $0x0  }
0x39b: {  	[sflag:s25] =	ssyncadd.s32 $0xFFFFFE00  }
0x39c: {  	_ =	swait.ge [sflag:s25], $0x200  }
0x39d: {  	[sflag:s25] =	ssyncset.done $0x0  }
0x39e: {  	[sflag:s25] =	ssyncadd.s32 $0xFFFFFE00  }
0x39f: {  	_ =	swait.ge [sflag:s25], $0x200  }
0x3a0: {  	[sflag:s25] =	ssyncset.done $0x0  }
0x3a1: {  	[sflag:s25] =	ssyncadd.s32 $0xFFFFFE00  }
0x3a2: {  	_ =	swait.ge [sflag:s25], $0x200  }
0x3a3: {  	[sflag:s25] =	ssyncset.done $0x0  }
0x3a4: {  	[sflag:s25] =	ssyncadd.s32 $0xFFFFFE00  }
0x3a5: {  	_ =	swait.ge [sflag:s25], $0x200  }
0x3a6: {  	s31 =	sld [smem:$0x7CA];
	_ =	sdelay $0x1  }
0x3a7: {  	s26 =	sadd.s32 $0x1, s26  }
0x3a8: {  	p0 =	sne.s32 s26, s31  }
.Ltmp1:
0x3a9: {  	_ = 	snop;
	(pc) =	sbr.rel @p0 .LBB2_1-.Ltmp1, $3  }
0x3aa: {  	_ =	sdelay $0x1  }
0x3ab: {  	[sflag:s25] =	ssyncset.done $0x0  }
0x3ac: {  	[sflag:s25] =	ssyncadd.s32 $0xFFFFFE00  }
0x3ad: {  	_ =	sfence.sel $0x180000  }
0x3ae: {  	[bflag:$0x0] =	sbarrier.arrive $0xFFFF  }
0x3af: {  	_ =	strace $0x90000047  }
0x3b0: {  	s0 =	stileid.u32;
	[bflag:$0x2] =	sbarrier.arrive $0xFFFF  }
0x3b1: {  	p0 =	sne.s32 s0, $0x0;
	s0 =	rddreg [dreg:$0x3]  }
0x3b2: {  	s0 =	sadd.s32 @!p0 $0x100000, s0  }
0x3b3: {  	[sflag:s0] =	ssyncadd.tile.s32 @!p0 $0x1;
	_ =	shalt  }
.Lfunc_end2:
_tile_overlayer_lowered:
.L_overlay_start_2:
0x3b4: {  	(tag) =	ssettag $0x2  }
0x3b5: {  	s0 =	rddreg [dreg:$0x0];
	s2 =	stileid.u32  }
0x3b6: {  	s1 =	rddreg [dreg:$0x1];
	p0 =	sne.s32 s2, $0x0  }
0x3b7: {  	s3 =	rddreg [dreg:$0x2];
	[bflag:$0x3] =	sbarrier.arrive $0xFFFF;
	s2 =	simm.s32 @!p0 $0x1C02  }
0x3b8: {  	[timem:s3], [sflag:s2] =	dma.local @!p0 [hbm:s0], s1  }
0x3b9: {  	s0 =	simm.s32 @!p0 $0x2  }
0x3ba: {  	_ =	swait.ge @!p0 [sflag:s0], s1  }
0x3bb: {  	s1 =	ssub.s32 @!p0 $0x0, s1;
	[sflag:s0] =	ssyncset.done @!p0 $0x0  }
0x3bc: {  	[sflag:s0] =	ssyncadd.s32 @!p0 s1  }
0x3bd: {  	[bflag:$0x3] =	sbarrier.arrive $0xFFFF  }
0x3be: {  	_ =	shalt  }

</sc_bundles>
